<compile_context>
chip_gen: v7x
topology: tpu7x:2x2x1
jax: 0.10.2.dev20260603
libtpu: 0.0.44.dev20260713+nightly
codegen_flags: <defaults>
</compile_context>

<pallas_src>
import jax
import jax.numpy as jnp
from jax import lax
from jax.experimental import pallas as pl
from jax.experimental.pallas import tpu as pltpu
from jax.experimental.pallas import tpu_sc as plsc

NUM_CORES = 2
NUM_SUBCORES = 16
NW = NUM_CORES * NUM_SUBCORES
BATCH = 16384
EMB = 64
BPW = BATCH // NW
CH = 256

_GDN = lax.GatherDimensionNumbers(
    offset_dims=(), collapsed_slice_dims=(0,), start_index_map=(0,))


def _permute(x, idx):
    return lax.gather(x, idx[:, None], _GDN, (1,),
                      mode=lax.GatherScatterMode.PROMISE_IN_BOUNDS)


def _sc_body(user_ids, movie_ids, ut3, mt3, w_hbm, b_hbm,
             out_hbm, ids_v, rows_u, rows_m, w_v, b_v,
             out_v, sem_u, sem_m):
    wid = lax.axis_index("s") * NUM_CORES + lax.axis_index("c")
    base = wid * BPW

    pltpu.sync_copy(user_ids.at[pl.ds(base, BPW)], ids_v.at[0])
    pltpu.sync_copy(movie_ids.at[pl.ds(base, BPW)], ids_v.at[1])
    pltpu.sync_copy(w_hbm, w_v)
    pltpu.sync_copy(b_hbm, b_v)

    w_c = [w_v[pl.ds(c * 16, 16)] for c in range(4)]
    b_vec = b_v[...]
    lane = lax.iota(jnp.int32, 16)
    perms = [lane ^ (1 << k) for k in range(4)]

    def chunk(k, carry):
        coff = k * CH

        def fire(g, c2):
            uvec = ids_v[0, pl.ds(coff + g * 16, 16)]
            mvec = ids_v[1, pl.ds(coff + g * 16, 16)]
            for j in range(16):
                e = g * 16 + j
                uid = lax.index_in_dim(uvec, j, 0, keepdims=False)
                pltpu.async_copy(ut3.at[uid // 8, uid % 8], rows_u.at[e],
                                 sem_u)
                mid = lax.index_in_dim(mvec, j, 0, keepdims=False)
                pltpu.async_copy(mt3.at[mid // 8, mid % 8], rows_m.at[e],
                                 sem_m)
            return c2

        lax.fori_loop(0, CH // 16, fire, 0)

        def drain(e, c2):
            pltpu.make_async_copy(ut3.at[0, 0], rows_u.at[e], sem_u).wait()
            pltpu.make_async_copy(mt3.at[0, 0], rows_m.at[e], sem_m).wait()
            return c2

        lax.fori_loop(0, CH, drain, 0)

        def g_body(g, c2):
            out_vec = jnp.zeros((16,), jnp.float32)
            for j in range(16):
                e = g * 16 + j
                ps = None
                for c in range(4):
                    u = rows_u[e, pl.ds(c * 16, 16)]
                    m = rows_m[e, pl.ds(c * 16, 16)]
                    t = u * m * w_c[c]
                    ps = t if ps is None else ps + t
                for k2 in range(4):
                    ps = ps + _permute(ps, perms[k2])
                out_vec = jnp.where(lane == j, ps, out_vec)
            out_v[pl.ds(coff + g * 16, 16)] = out_vec + b_vec
            return c2

        lax.fori_loop(0, CH // 16, g_body, 0)
        return carry

    lax.fori_loop(0, BPW // CH, chunk, 0)

    pltpu.sync_copy(out_v, out_hbm.at[pl.ds(base, BPW)])


@jax.jit
def _run(user_ids, movie_ids, ut3, mt3, w_flat, b16):
    mesh = plsc.VectorSubcoreMesh(
        core_axis_name="c", subcore_axis_name="s",
        num_cores=NUM_CORES, num_subcores=NUM_SUBCORES)
    return pl.kernel(
        _sc_body,
        out_type=jax.ShapeDtypeStruct((BATCH,), jnp.float32),
        mesh=mesh,
        scratch_types=[
            pltpu.VMEM((2, BPW), jnp.int32),
            pltpu.VMEM((CH, EMB), jnp.float32),
            pltpu.VMEM((CH, EMB), jnp.float32),
            pltpu.VMEM((EMB,), jnp.float32),
            pltpu.VMEM((16,), jnp.float32),
            pltpu.VMEM((BPW,), jnp.float32),
            pltpu.SemaphoreType.DMA,
            pltpu.SemaphoreType.DMA,
        ],
    )(user_ids, movie_ids, ut3, mt3, w_flat, b16)


def kernel(user_ids, movie_ids, user_table, movie_table, W, b):
    w_flat = W.reshape(EMB).astype(jnp.float32)
    b16 = jnp.broadcast_to(b.astype(jnp.float32), (16,))
    ut3 = user_table.reshape(user_table.shape[0] // 8, 8, EMB)
    mt3 = movie_table.reshape(movie_table.shape[0] // 8, 8, EMB)
    return _run(user_ids.astype(jnp.int32), movie_ids.astype(jnp.int32),
                ut3, mt3, w_flat, b16)

# --- scband reference (transcript-rebuilt; emitter-appended) ---
"""Pipeline reference for scband-baseline-model-39874476376528 (READ-ONLY COPY).

The authoritative reference and input builder live on the scoring server;
editing this copy changes nothing except your own understanding.
"""

import jax, jax.numpy as jnp
import numpy as np

NUM_USERS = 1000000
NUM_MOVIES = 100000
EMB_DIM = 64
BATCH = 16384

def setup_inputs(seed: int = 0) -> dict:
    key = jax.random.key(seed)
    k1, k2, k3, k4, k5, k6 = jax.random.split(key, 6)
    user_ids = jax.random.randint(k1, (BATCH,), 0, NUM_USERS, dtype=jnp.int64) if jax.config.jax_enable_x64 else jax.random.randint(k1, (BATCH,), 0, NUM_USERS, dtype=jnp.int32)
    movie_ids = jax.random.randint(k2, (BATCH,), 0, NUM_MOVIES, dtype=jnp.int32)
    user_table = jax.random.normal(k3, (NUM_USERS, EMB_DIM), dtype=jnp.float32)
    movie_table = jax.random.normal(k4, (NUM_MOVIES, EMB_DIM), dtype=jnp.float32)
    W = jax.random.normal(k5, (EMB_DIM, 1), dtype=jnp.float32) * (1.0 / np.sqrt(EMB_DIM))
    b = jax.random.normal(k6, (1,), dtype=jnp.float32) * 0.01
    return {"user_ids": user_ids, "movie_ids": movie_ids, "user_table": user_table, "movie_table": movie_table, "W": W, "b": b}

def reference(user_ids, movie_ids, user_table, movie_table, W, b):
    user_emb = jnp.take(user_table, user_ids, axis=0)
    movie_emb = jnp.take(movie_table, movie_ids, axis=0)
    interaction = user_emb * movie_emb
    output = interaction @ W + b
    return jnp.squeeze(output, axis=-1)

if __name__ == "__main__":
    import jax
    _d = setup_inputs()
    print(jax.jit(kernel)(*tuple(_d.values())))

</pallas_src>

<mosaic_0001>
#map = affine_map<(d0, d1) -> (0)>
#map1 = affine_map<(d0, d1) -> (0, 0, 0)>
module attributes {stable_mosaic.version = 14 : i64} {
  func.func @_sc_body(%arg0: i32, %arg1: i32, %arg2: memref<16384xi32, #tpu.memory_space<hbm>>, %arg3: memref<16384xi32, #tpu.memory_space<hbm>>, %arg4: memref<125000x8x64xf32, #tpu.memory_space<hbm>>, %arg5: memref<12500x8x64xf32, #tpu.memory_space<hbm>>, %arg6: memref<64xf32, #tpu.memory_space<hbm>>, %arg7: memref<16xf32, #tpu.memory_space<hbm>>, %arg8: memref<16384xf32, #tpu.memory_space<hbm>>, %arg9: memref<2x512xi32, #tpu.memory_space<vmem>>, %arg10: memref<256x64xf32, #tpu.memory_space<vmem>>, %arg11: memref<256x64xf32, #tpu.memory_space<vmem>>, %arg12: memref<64xf32, #tpu.memory_space<vmem>>, %arg13: memref<16xf32, #tpu.memory_space<vmem>>, %arg14: memref<512xf32, #tpu.memory_space<vmem>>, %arg15: memref<!tpu.dma_semaphore, #tpu.memory_space<semaphore_mem>>, %arg16: memref<!tpu.dma_semaphore, #tpu.memory_space<semaphore_mem>>) attributes {dimension_semantics = [#tpu.dimension_semantics<core_parallel>, #tpu.dimension_semantics<subcore_parallel>], iteration_bounds = array<i64: 2, 16>, scalar_prefetch = 0 : i64, scratch_operands = 8 : i64, tpu.core_type = #tpu.core_type<sc_vector_subcore>, window_params = [{transform_indices = #map}, {transform_indices = #map}, {transform_indices = #map1}, {transform_indices = #map1}, {transform_indices = #map}, {transform_indices = #map}, {transform_indices = #map}]} {
    %mul3A = arith.constant 2 : i32
    %mul3A_0 = arith.muli %arg1, %mul3A : i32
    %add3A = arith.addi %mul3A_0, %arg0 : i32
    %mul3A_1 = arith.constant 512 : i32
    %mul3A_2 = arith.muli %add3A, %mul3A_1 : i32
    %run_scoped3A = arith.constant 0 : i32
    "tpu.region"() ({
      %run_scoped3A_34 = tpu.sem_alloc : memref<!tpu.dma_semaphore, #tpu.memory_space<semaphore_mem>>
      %dma_start3A = arith.constant 0 : i32
      %dma_start3A_35 = tpu.memref_slice %arg9[%run_scoped3A, %dma_start3A] : memref<2x512xi32, #tpu.memory_space<vmem>> -> memref<1x512xi32, #tpu.memory_space<vmem>>
      %dma_start3A_36 = tpu.memref_squeeze %dma_start3A_35 : memref<1x512xi32, #tpu.memory_space<vmem>> -> memref<512xi32, #tpu.memory_space<vmem>>
      %dma_start3A_37 = tpu.memref_slice %arg2[%mul3A_2] : memref<16384xi32, #tpu.memory_space<hbm>> -> memref<512xi32, #tpu.memory_space<hbm>>
      %dma_start3A_38 = arith.constant 0 : i32
      %dma_start3A_39 = tpu.memref_slice %arg9[%run_scoped3A, %dma_start3A_38] : memref<2x512xi32, #tpu.memory_space<vmem>> -> memref<1x512xi32, #tpu.memory_space<vmem>>
      %dma_start3A_40 = tpu.memref_squeeze %dma_start3A_39 : memref<1x512xi32, #tpu.memory_space<vmem>> -> memref<512xi32, #tpu.memory_space<vmem>>
      %dma_start3A_41 = tpu.memref_slice %arg2[%mul3A_2] : memref<16384xi32, #tpu.memory_space<hbm>> -> memref<512xi32, #tpu.memory_space<hbm>>
      tpu.enqueue_dma source(%dma_start3A_41 : memref<512xi32, #tpu.memory_space<hbm>>) target(%dma_start3A_40 : memref<512xi32, #tpu.memory_space<vmem>>) target_semaphore(%run_scoped3A_34 : memref<!tpu.dma_semaphore, #tpu.memory_space<semaphore_mem>>)
      %dma_wait3A = arith.constant 0 : i32
      %dma_wait3A_42 = tpu.memref_slice %arg9[%run_scoped3A, %dma_wait3A] : memref<2x512xi32, #tpu.memory_space<vmem>> -> memref<1x512xi32, #tpu.memory_space<vmem>>
      %dma_wait3A_43 = tpu.memref_squeeze %dma_wait3A_42 : memref<1x512xi32, #tpu.memory_space<vmem>> -> memref<512xi32, #tpu.memory_space<vmem>>
      %dma_wait3A_44 = tpu.memref_slice %arg2[%mul3A_2] : memref<16384xi32, #tpu.memory_space<hbm>> -> memref<512xi32, #tpu.memory_space<hbm>>
      %dma_wait3A_45 = arith.constant 0 : i32
      %dma_wait3A_46 = tpu.memref_slice %arg9[%run_scoped3A, %dma_wait3A_45] : memref<2x512xi32, #tpu.memory_space<vmem>> -> memref<1x512xi32, #tpu.memory_space<vmem>>
      %dma_wait3A_47 = tpu.memref_squeeze %dma_wait3A_46 : memref<1x512xi32, #tpu.memory_space<vmem>> -> memref<512xi32, #tpu.memory_space<vmem>>
      %dma_wait3A_48 = tpu.memref_slice %arg2[%mul3A_2] : memref<16384xi32, #tpu.memory_space<hbm>> -> memref<512xi32, #tpu.memory_space<hbm>>
      tpu.wait_dma2 semaphore(%run_scoped3A_34 : memref<!tpu.dma_semaphore, #tpu.memory_space<semaphore_mem>>) src(%dma_wait3A_48 : memref<512xi32, #tpu.memory_space<hbm>>) dst(%dma_wait3A_47 : memref<512xi32, #tpu.memory_space<vmem>>)
      tpu.yield
    }) : () -> ()
    %run_scoped3A_3 = arith.constant 1 : i32
    "tpu.region"() ({
      %run_scoped3A_34 = tpu.sem_alloc : memref<!tpu.dma_semaphore, #tpu.memory_space<semaphore_mem>>
      %dma_start3A = arith.constant 0 : i32
      %dma_start3A_35 = tpu.memref_slice %arg9[%run_scoped3A_3, %dma_start3A] : memref<2x512xi32, #tpu.memory_space<vmem>> -> memref<1x512xi32, #tpu.memory_space<vmem>>
      %dma_start3A_36 = tpu.memref_squeeze %dma_start3A_35 : memref<1x512xi32, #tpu.memory_space<vmem>> -> memref<512xi32, #tpu.memory_space<vmem>>
      %dma_start3A_37 = tpu.memref_slice %arg3[%mul3A_2] : memref<16384xi32, #tpu.memory_space<hbm>> -> memref<512xi32, #tpu.memory_space<hbm>>
      %dma_start3A_38 = arith.constant 0 : i32
      %dma_start3A_39 = tpu.memref_slice %arg9[%run_scoped3A_3, %dma_start3A_38] : memref<2x512xi32, #tpu.memory_space<vmem>> -> memref<1x512xi32, #tpu.memory_space<vmem>>
      %dma_start3A_40 = tpu.memref_squeeze %dma_start3A_39 : memref<1x512xi32, #tpu.memory_space<vmem>> -> memref<512xi32, #tpu.memory_space<vmem>>
      %dma_start3A_41 = tpu.memref_slice %arg3[%mul3A_2] : memref<16384xi32, #tpu.memory_space<hbm>> -> memref<512xi32, #tpu.memory_space<hbm>>
      tpu.enqueue_dma source(%dma_start3A_41 : memref<512xi32, #tpu.memory_space<hbm>>) target(%dma_start3A_40 : memref<512xi32, #tpu.memory_space<vmem>>) target_semaphore(%run_scoped3A_34 : memref<!tpu.dma_semaphore, #tpu.memory_space<semaphore_mem>>)
      %dma_wait3A = arith.constant 0 : i32
      %dma_wait3A_42 = tpu.memref_slice %arg9[%run_scoped3A_3, %dma_wait3A] : memref<2x512xi32, #tpu.memory_space<vmem>> -> memref<1x512xi32, #tpu.memory_space<vmem>>
      %dma_wait3A_43 = tpu.memref_squeeze %dma_wait3A_42 : memref<1x512xi32, #tpu.memory_space<vmem>> -> memref<512xi32, #tpu.memory_space<vmem>>
      %dma_wait3A_44 = tpu.memref_slice %arg3[%mul3A_2] : memref<16384xi32, #tpu.memory_space<hbm>> -> memref<512xi32, #tpu.memory_space<hbm>>
      %dma_wait3A_45 = arith.constant 0 : i32
      %dma_wait3A_46 = tpu.memref_slice %arg9[%run_scoped3A_3, %dma_wait3A_45] : memref<2x512xi32, #tpu.memory_space<vmem>> -> memref<1x512xi32, #tpu.memory_space<vmem>>
      %dma_wait3A_47 = tpu.memref_squeeze %dma_wait3A_46 : memref<1x512xi32, #tpu.memory_space<vmem>> -> memref<512xi32, #tpu.memory_space<vmem>>
      %dma_wait3A_48 = tpu.memref_slice %arg3[%mul3A_2] : memref<16384xi32, #tpu.memory_space<hbm>> -> memref<512xi32, #tpu.memory_space<hbm>>
      tpu.wait_dma2 semaphore(%run_scoped3A_34 : memref<!tpu.dma_semaphore, #tpu.memory_space<semaphore_mem>>) src(%dma_wait3A_48 : memref<512xi32, #tpu.memory_space<hbm>>) dst(%dma_wait3A_47 : memref<512xi32, #tpu.memory_space<vmem>>)
      tpu.yield
    }) : () -> ()
    "tpu.region"() ({
      %run_scoped3A_34 = tpu.sem_alloc : memref<!tpu.dma_semaphore, #tpu.memory_space<semaphore_mem>>
      tpu.enqueue_dma source(%arg6 : memref<64xf32, #tpu.memory_space<hbm>>) target(%arg12 : memref<64xf32, #tpu.memory_space<vmem>>) target_semaphore(%run_scoped3A_34 : memref<!tpu.dma_semaphore, #tpu.memory_space<semaphore_mem>>)
      tpu.wait_dma2 semaphore(%run_scoped3A_34 : memref<!tpu.dma_semaphore, #tpu.memory_space<semaphore_mem>>) src(%arg6 : memref<64xf32, #tpu.memory_space<hbm>>) dst(%arg12 : memref<64xf32, #tpu.memory_space<vmem>>)
      tpu.yield
    }) : () -> ()
    "tpu.region"() ({
      %run_scoped3A_34 = tpu.sem_alloc : memref<!tpu.dma_semaphore, #tpu.memory_space<semaphore_mem>>
      tpu.enqueue_dma source(%arg7 : memref<16xf32, #tpu.memory_space<hbm>>) target(%arg13 : memref<16xf32, #tpu.memory_space<vmem>>) target_semaphore(%run_scoped3A_34 : memref<!tpu.dma_semaphore, #tpu.memory_space<semaphore_mem>>)
      tpu.wait_dma2 semaphore(%run_scoped3A_34 : memref<!tpu.dma_semaphore, #tpu.memory_space<semaphore_mem>>) src(%arg7 : memref<16xf32, #tpu.memory_space<hbm>>) dst(%arg13 : memref<16xf32, #tpu.memory_space<vmem>>)
      tpu.yield
    }) : () -> ()
    %get3A = arith.constant 0 : index
    %get3A_4 = tpu.vector_load %arg12[%get3A] {strides = array<i32>} : memref<64xf32, #tpu.memory_space<vmem>>, vector<16xf32>,
    %get3A_5 = vector.shape_cast %get3A_4 : vector<16xf32> to vector<16xf32>
    %get3A_6 = arith.constant 16 : index
    %get3A_7 = tpu.vector_load %arg12[%get3A_6] {strides = array<i32>} : memref<64xf32, #tpu.memory_space<vmem>>, vector<16xf32>,
    %get3A_8 = vector.shape_cast %get3A_7 : vector<16xf32> to vector<16xf32>
    %get3A_9 = arith.constant 32 : index
    %get3A_10 = tpu.vector_load %arg12[%get3A_9] {strides = array<i32>} : memref<64xf32, #tpu.memory_space<vmem>>, vector<16xf32>,
    %get3A_11 = vector.shape_cast %get3A_10 : vector<16xf32> to vector<16xf32>
    %get3A_12 = arith.constant 48 : index
    %get3A_13 = tpu.vector_load %arg12[%get3A_12] {strides = array<i32>} : memref<64xf32, #tpu.memory_space<vmem>>, vector<16xf32>,
    %get3A_14 = vector.shape_cast %get3A_13 : vector<16xf32> to vector<16xf32>
    %get3A_15 = arith.constant 0 : index
    %get3A_16 = tpu.vector_load %arg13[%get3A_15] {strides = array<i32>} : memref<16xf32, #tpu.memory_space<vmem>>, vector<16xf32>,
    %get3A_17 = vector.shape_cast %get3A_16 : vector<16xf32> to vector<16xf32>
    %iota3A = tpu.iota {dimensions = array<i32: 0>} : vector<16xi32>
    %xor3A = arith.constant 1 : i32
    %xor3A_18 = vector.broadcast %xor3A : i32 to vector<16xi32>
    %xor3A_19 = arith.xori %iota3A, %xor3A_18 : vector<16xi32>
    %xor3A_20 = arith.constant 2 : i32
    %xor3A_21 = vector.broadcast %xor3A_20 : i32 to vector<16xi32>
    %xor3A_22 = arith.xori %iota3A, %xor3A_21 : vector<16xi32>
    %xor3A_23 = arith.constant 4 : i32
    %xor3A_24 = vector.broadcast %xor3A_23 : i32 to vector<16xi32>
    %xor3A_25 = arith.xori %iota3A, %xor3A_24 : vector<16xi32>
    %xor3A_26 = arith.constant 8 : i32
    %xor3A_27 = vector.broadcast %xor3A_26 : i32 to vector<16xi32>
    %xor3A_28 = arith.xori %iota3A, %xor3A_27 : vector<16xi32>
    %scan3A = arith.constant 0 : i32
    %scan3A_29 = arith.constant 0 : i32
    %scan3A_30 = arith.constant 2 : i32
    %scan3A_31 = arith.addi %scan3A_29, %scan3A_30 : i32
    %scan3A_32 = arith.constant 1 : i32
    scf.for %scan3A_34 = %scan3A_29 to %scan3A_31 step %scan3A_32  : i32 {
      %mul3A_35 = arith.constant 256 : i32
      %mul3A_36 = arith.muli %scan3A_34, %mul3A_35 : i32
      %scan3A_37 = arith.constant 0 : i32
      %scan3A_38 = arith.constant 0 : i32
      %scan3A_39 = arith.constant 16 : i32
      %scan3A_40 = arith.addi %scan3A_38, %scan3A_39 : i32
      %scan3A_41 = arith.constant 1 : i32
      scf.for %scan3A_55 = %scan3A_38 to %scan3A_40 step %scan3A_41  : i32 {
        %mul3A_56 = arith.constant 16 : i32
        %mul3A_57 = arith.muli %scan3A_55, %mul3A_56 : i32
        %add3A_58 = arith.addi %mul3A_36, %mul3A_57 : i32
        %get3A_59 = arith.constant 0 : i32
        %get3A_60 = arith.index_cast %get3A_59 : i32 to index
        %get3A_61 = arith.index_cast %add3A_58 : i32 to index
        %get3A_62 = tpu.vector_load %arg9[%get3A_60, %get3A_61] {strides = array<i32>} : memref<2x512xi32, #tpu.memory_space<vmem>>, vector<1x16xi32>,
        %get3A_63 = vector.shape_cast %get3A_62 : vector<1x16xi32> to vector<16xi32>
        %mul3A_64 = arith.constant 16 : i32
        %mul3A_65 = arith.muli %scan3A_55, %mul3A_64 : i32
        %add3A_66 = arith.addi %mul3A_36, %mul3A_65 : i32
        %get3A_67 = arith.constant 1 : i32
        %get3A_68 = arith.index_cast %get3A_67 : i32 to index
        %get3A_69 = arith.index_cast %add3A_66 : i32 to index
        %get3A_70 = tpu.vector_load %arg9[%get3A_68, %get3A_69] {strides = array<i32>} : memref<2x512xi32, #tpu.memory_space<vmem>>, vector<1x16xi32>,
        %get3A_71 = vector.shape_cast %get3A_70 : vector<1x16xi32> to vector<16xi32>
        %mul3A_72 = arith.constant 16 : i32
        %mul3A_73 = arith.muli %scan3A_55, %mul3A_72 : i32
        %add3A_74 = arith.constant 0 : i32
        %add3A_75 = arith.addi %mul3A_73, %add3A_74 : i32
        %slice3A = vector.extract_strided_slice %get3A_63 {offsets = [0], sizes = [1], strides = [1]} : vector<16xi32> to vector<1xi32>
        %squeeze3A = vector.extract %slice3A[0] : i32 from vector<1xi32>
        %jit3A = arith.constant 8 : i32
        %div3A = arith.divsi %squeeze3A, %jit3A : i32
        %sign3A = arith.constant 0 : i32
        %sign3A_76 = arith.cmpi sgt, %squeeze3A, %sign3A : i32
        %sign3A_77 = arith.extui %sign3A_76 : i1 to i32
        %sign3A_78 = arith.constant 0 : i32
        %sign3A_79 = arith.cmpi slt, %squeeze3A, %sign3A_78 : i32
        %sign3A_80 = arith.extui %sign3A_79 : i1 to i32
        %sign3A_81 = arith.subi %sign3A_77, %sign3A_80 : i32
        %sign3A_82 = arith.constant 0 : i32
        %sign3A_83 = arith.cmpi sgt, %jit3A, %sign3A_82 : i32
        %sign3A_84 = arith.extui %sign3A_83 : i1 to i32
        %sign3A_85 = arith.constant 0 : i32
        %sign3A_86 = arith.cmpi slt, %jit3A, %sign3A_85 : i32
        %sign3A_87 = arith.extui %sign3A_86 : i1 to i32
        %sign3A_88 = arith.subi %sign3A_84, %sign3A_87 : i32
        %ne3A = arith.cmpi ne, %sign3A_81, %sign3A_88 : i32
        %rem3A = arith.remsi %squeeze3A, %jit3A : i32
        %ne3A_89 = arith.constant 0 : i32
        %ne3A_90 = arith.cmpi ne, %rem3A, %ne3A_89 : i32
        %and3A = arith.andi %ne3A, %ne3A_90 : i1
        %sub3A = arith.constant 1 : i32
        %sub3A_91 = arith.subi %div3A, %sub3A : i32
        %select_n3A = arith.select %and3A, %sub3A_91, %div3A : i32
        %jit3A_92 = arith.constant 8 : i32
        %eq3A = arith.constant 0 : i32
        %eq3A_93 = arith.cmpi eq, %jit3A_92, %eq3A : i32
        %jit3A_94 = arith.constant 1 : i32
        %select_n3A_95 = arith.select %eq3A_93, %jit3A_94, %jit3A_92 : i32
        %rem3A_96 = arith.remsi %squeeze3A, %select_n3A_95 : i32
        %ne3A_97 = arith.constant 0 : i32
        %ne3A_98 = arith.cmpi ne, %rem3A_96, %ne3A_97 : i32
        %lt3A = arith.constant 0 : i32
        %lt3A_99 = arith.cmpi slt, %rem3A_96, %lt3A : i32
        %lt3A_100 = arith.constant 0 : i32
        %lt3A_101 = arith.cmpi slt, %select_n3A_95, %lt3A_100 : i32
        %ne3A_102 = arith.xori %lt3A_99, %lt3A_101 : i1
        %and3A_103 = arith.andi %ne3A_102, %ne3A_98 : i1
        %add3A_104 = arith.addi %rem3A_96, %select_n3A_95 : i32
        %select_n3A_105 = arith.select %and3A_103, %add3A_104, %rem3A_96 : i32
        %dma_start3A = arith.constant 0 : i32
        %dma_start3A_106 = tpu.memref_slice %arg10[%add3A_75, %dma_start3A] : memref<256x64xf32, #tpu.memory_space<vmem>> -> memref<1x64xf32, #tpu.memory_space<vmem>>
        %dma_start3A_107 = tpu.memref_squeeze %dma_start3A_106 : memref<1x64xf32, #tpu.memory_space<vmem>> -> memref<64xf32, #tpu.memory_space<vmem>>
        %dma_start3A_108 = arith.constant 0 : i32
        %dma_start3A_109 = tpu.memref_slice %arg4[%select_n3A, %select_n3A_105, %dma_start3A_108] : memref<125000x8x64xf32, #tpu.memory_space<hbm>> -> memref<1x1x64xf32, #tpu.memory_space<hbm>>
        %dma_start3A_110 = tpu.memref_squeeze %dma_start3A_109 : memref<1x1x64xf32, #tpu.memory_space<hbm>> -> memref<64xf32, #tpu.memory_space<hbm>>
        %dma_start3A_111 = arith.constant 0 : i32
        %dma_start3A_112 = tpu.memref_slice %arg10[%add3A_75, %dma_start3A_111] : memref<256x64xf32, #tpu.memory_space<vmem>> -> memref<1x64xf32, #tpu.memory_space<vmem>>
        %dma_start3A_113 = tpu.memref_squeeze %dma_start3A_112 : memref<1x64xf32, #tpu.memory_space<vmem>> -> memref<64xf32, #tpu.memory_space<vmem>>
        %dma_start3A_114 = arith.constant 0 : i32
        %dma_start3A_115 = tpu.memref_slice %arg4[%select_n3A, %select_n3A_105, %dma_start3A_114] : memref<125000x8x64xf32, #tpu.memory_space<hbm>> -> memref<1x1x64xf32, #tpu.memory_space<hbm>>
        %dma_start3A_116 = tpu.memref_squeeze %dma_start3A_115 : memref<1x1x64xf32, #tpu.memory_space<hbm>> -> memref<64xf32, #tpu.memory_space<hbm>>
        tpu.enqueue_dma source(%dma_start3A_116 : memref<64xf32, #tpu.memory_space<hbm>>) target(%dma_start3A_113 : memref<64xf32, #tpu.memory_space<vmem>>) target_semaphore(%arg15 : memref<!tpu.dma_semaphore, #tpu.memory_space<semaphore_mem>>)
        %slice3A_117 = vector.extract_strided_slice %get3A_71 {offsets = [0], sizes = [1], strides = [1]} : vector<16xi32> to vector<1xi32>
        %squeeze3A_118 = vector.extract %slice3A_117[0] : i32 from vector<1xi32>
        %jit3A_119 = arith.constant 8 : i32
        %div3A_120 = arith.divsi %squeeze3A_118, %jit3A_119 : i32
        %sign3A_121 = arith.constant 0 : i32
        %sign3A_122 = arith.cmpi sgt, %squeeze3A_118, %sign3A_121 : i32
        %sign3A_123 = arith.extui %sign3A_122 : i1 to i32
        %sign3A_124 = arith.constant 0 : i32
        %sign3A_125 = arith.cmpi slt, %squeeze3A_118, %sign3A_124 : i32
        %sign3A_126 = arith.extui %sign3A_125 : i1 to i32
        %sign3A_127 = arith.subi %sign3A_123, %sign3A_126 : i32
        %sign3A_128 = arith.constant 0 : i32
        %sign3A_129 = arith.cmpi sgt, %jit3A_119, %sign3A_128 : i32
        %sign3A_130 = arith.extui %sign3A_129 : i1 to i32
        %sign3A_131 = arith.constant 0 : i32
        %sign3A_132 = arith.cmpi slt, %jit3A_119, %sign3A_131 : i32
        %sign3A_133 = arith.extui %sign3A_132 : i1 to i32
        %sign3A_134 = arith.subi %sign3A_130, %sign3A_133 : i32
        %ne3A_135 = arith.cmpi ne, %sign3A_127, %sign3A_134 : i32
        %rem3A_136 = arith.remsi %squeeze3A_118, %jit3A_119 : i32
        %ne3A_137 = arith.constant 0 : i32
        %ne3A_138 = arith.cmpi ne, %rem3A_136, %ne3A_137 : i32
        %and3A_139 = arith.andi %ne3A_135, %ne3A_138 : i1
        %sub3A_140 = arith.constant 1 : i32
        %sub3A_141 = arith.subi %div3A_120, %sub3A_140 : i32
        %select_n3A_142 = arith.select %and3A_139, %sub3A_141, %div3A_120 : i32
        %jit3A_143 = arith.constant 8 : i32
        %eq3A_144 = arith.constant 0 : i32
        %eq3A_145 = arith.cmpi eq, %jit3A_143, %eq3A_144 : i32
        %jit3A_146 = arith.constant 1 : i32
        %select_n3A_147 = arith.select %eq3A_145, %jit3A_146, %jit3A_143 : i32
        %rem3A_148 = arith.remsi %squeeze3A_118, %select_n3A_147 : i32
        %ne3A_149 = arith.constant 0 : i32
        %ne3A_150 = arith.cmpi ne, %rem3A_148, %ne3A_149 : i32
        %lt3A_151 = arith.constant 0 : i32
        %lt3A_152 = arith.cmpi slt, %rem3A_148, %lt3A_151 : i32
        %lt3A_153 = arith.constant 0 : i32
        %lt3A_154 = arith.cmpi slt, %select_n3A_147, %lt3A_153 : i32
        %ne3A_155 = arith.xori %lt3A_152, %lt3A_154 : i1
        %and3A_156 = arith.andi %ne3A_155, %ne3A_150 : i1
        %add3A_157 = arith.addi %rem3A_148, %select_n3A_147 : i32
        %select_n3A_158 = arith.select %and3A_156, %add3A_157, %rem3A_148 : i32
        %dma_start3A_159 = arith.constant 0 : i32
        %dma_start3A_160 = tpu.memref_slice %arg11[%add3A_75, %dma_start3A_159] : memref<256x64xf32, #tpu.memory_space<vmem>> -> memref<1x64xf32, #tpu.memory_space<vmem>>
        %dma_start3A_161 = tpu.memref_squeeze %dma_start3A_160 : memref<1x64xf32, #tpu.memory_space<vmem>> -> memref<64xf32, #tpu.memory_space<vmem>>
        %dma_start3A_162 = arith.constant 0 : i32
        %dma_start3A_163 = tpu.memref_slice %arg5[%select_n3A_142, %select_n3A_158, %dma_start3A_162] : memref<12500x8x64xf32, #tpu.memory_space<hbm>> -> memref<1x1x64xf32, #tpu.memory_space<hbm>>
        %dma_start3A_164 = tpu.memref_squeeze %dma_start3A_163 : memref<1x1x64xf32, #tpu.memory_space<hbm>> -> memref<64xf32, #tpu.memory_space<hbm>>
        %dma_start3A_165 = arith.constant 0 : i32
        %dma_start3A_166 = tpu.memref_slice %arg11[%add3A_75, %dma_start3A_165] : memref<256x64xf32, #tpu.memory_space<vmem>> -> memref<1x64xf32, #tpu.memory_space<vmem>>
        %dma_start3A_167 = tpu.memref_squeeze %dma_start3A_166 : memref<1x64xf32, #tpu.memory_space<vmem>> -> memref<64xf32, #tpu.memory_space<vmem>>
        %dma_start3A_168 = arith.constant 0 : i32
        %dma_start3A_169 = tpu.memref_slice %arg5[%select_n3A_142, %select_n3A_158, %dma_start3A_168] : memref<12500x8x64xf32, #tpu.memory_space<hbm>> -> memref<1x1x64xf32, #tpu.memory_space<hbm>>
        %dma_start3A_170 = tpu.memref_squeeze %dma_start3A_169 : memref<1x1x64xf32, #tpu.memory_space<hbm>> -> memref<64xf32, #tpu.memory_space<hbm>>
        tpu.enqueue_dma source(%dma_start3A_170 : memref<64xf32, #tpu.memory_space<hbm>>) target(%dma_start3A_167 : memref<64xf32, #tpu.memory_space<vmem>>) target_semaphore(%arg16 : memref<!tpu.dma_semaphore, #tpu.memory_space<semaphore_mem>>)
        %mul3A_171 = arith.constant 16 : i32
        %mul3A_172 = arith.muli %scan3A_55, %mul3A_171 : i32
        %add3A_173 = arith.constant 1 : i32
        %add3A_174 = arith.addi %mul3A_172, %add3A_173 : i32
        %slice3A_175 = vector.extract_strided_slice %get3A_63 {offsets = [1], sizes = [1], strides = [1]} : vector<16xi32> to vector<1xi32>
        %squeeze3A_176 = vector.extract %slice3A_175[0] : i32 from vector<1xi32>
        %jit3A_177 = arith.constant 8 : i32
        %div3A_178 = arith.divsi %squeeze3A_176, %jit3A_177 : i32
        %sign3A_179 = arith.constant 0 : i32
        %sign3A_180 = arith.cmpi sgt, %squeeze3A_176, %sign3A_179 : i32
        %sign3A_181 = arith.extui %sign3A_180 : i1 to i32
        %sign3A_182 = arith.constant 0 : i32
        %sign3A_183 = arith.cmpi slt, %squeeze3A_176, %sign3A_182 : i32
        %sign3A_184 = arith.extui %sign3A_183 : i1 to i32
        %sign3A_185 = arith.subi %sign3A_181, %sign3A_184 : i32
        %sign3A_186 = arith.constant 0 : i32
        %sign3A_187 = arith.cmpi sgt, %jit3A_177, %sign3A_186 : i32
        %sign3A_188 = arith.extui %sign3A_187 : i1 to i32
        %sign3A_189 = arith.constant 0 : i32
        %sign3A_190 = arith.cmpi slt, %jit3A_177, %sign3A_189 : i32
        %sign3A_191 = arith.extui %sign3A_190 : i1 to i32
        %sign3A_192 = arith.subi %sign3A_188, %sign3A_191 : i32
        %ne3A_193 = arith.cmpi ne, %sign3A_185, %sign3A_192 : i32
        %rem3A_194 = arith.remsi %squeeze3A_176, %jit3A_177 : i32
        %ne3A_195 = arith.constant 0 : i32
        %ne3A_196 = arith.cmpi ne, %rem3A_194, %ne3A_195 : i32
        %and3A_197 = arith.andi %ne3A_193, %ne3A_196 : i1
        %sub3A_198 = arith.constant 1 : i32
        %sub3A_199 = arith.subi %div3A_178, %sub3A_198 : i32
        %select_n3A_200 = arith.select %and3A_197, %sub3A_199, %div3A_178 : i32
        %jit3A_201 = arith.constant 8 : i32
        %eq3A_202 = arith.constant 0 : i32
        %eq3A_203 = arith.cmpi eq, %jit3A_201, %eq3A_202 : i32
        %jit3A_204 = arith.constant 1 : i32
        %select_n3A_205 = arith.select %eq3A_203, %jit3A_204, %jit3A_201 : i32
        %rem3A_206 = arith.remsi %squeeze3A_176, %select_n3A_205 : i32
        %ne3A_207 = arith.constant 0 : i32
        %ne3A_208 = arith.cmpi ne, %rem3A_206, %ne3A_207 : i32
        %lt3A_209 = arith.constant 0 : i32
        %lt3A_210 = arith.cmpi slt, %rem3A_206, %lt3A_209 : i32
        %lt3A_211 = arith.constant 0 : i32
        %lt3A_212 = arith.cmpi slt, %select_n3A_205, %lt3A_211 : i32
        %ne3A_213 = arith.xori %lt3A_210, %lt3A_212 : i1
        %and3A_214 = arith.andi %ne3A_213, %ne3A_208 : i1
        %add3A_215 = arith.addi %rem3A_206, %select_n3A_205 : i32
        %select_n3A_216 = arith.select %and3A_214, %add3A_215, %rem3A_206 : i32
        %dma_start3A_217 = arith.constant 0 : i32
        %dma_start3A_218 = tpu.memref_slice %arg10[%add3A_174, %dma_start3A_217] : memref<256x64xf32, #tpu.memory_space<vmem>> -> memref<1x64xf32, #tpu.memory_space<vmem>>
        %dma_start3A_219 = tpu.memref_squeeze %dma_start3A_218 : memref<1x64xf32, #tpu.memory_space<vmem>> -> memref<64xf32, #tpu.memory_space<vmem>>
        %dma_start3A_220 = arith.constant 0 : i32
        %dma_start3A_221 = tpu.memref_slice %arg4[%select_n3A_200, %select_n3A_216, %dma_start3A_220] : memref<125000x8x64xf32, #tpu.memory_space<hbm>> -> memref<1x1x64xf32, #tpu.memory_space<hbm>>
        %dma_start3A_222 = tpu.memref_squeeze %dma_start3A_221 : memref<1x1x64xf32, #tpu.memory_space<hbm>> -> memref<64xf32, #tpu.memory_space<hbm>>
        %dma_start3A_223 = arith.constant 0 : i32
        %dma_start3A_224 = tpu.memref_slice %arg10[%add3A_174, %dma_start3A_223] : memref<256x64xf32, #tpu.memory_space<vmem>> -> memref<1x64xf32, #tpu.memory_space<vmem>>
        %dma_start3A_225 = tpu.memref_squeeze %dma_start3A_224 : memref<1x64xf32, #tpu.memory_space<vmem>> -> memref<64xf32, #tpu.memory_space<vmem>>
        %dma_start3A_226 = arith.constant 0 : i32
        %dma_start3A_227 = tpu.memref_slice %arg4[%select_n3A_200, %select_n3A_216, %dma_start3A_226] : memref<125000x8x64xf32, #tpu.memory_space<hbm>> -> memref<1x1x64xf32, #tpu.memory_space<hbm>>
        %dma_start3A_228 = tpu.memref_squeeze %dma_start3A_227 : memref<1x1x64xf32, #tpu.memory_space<hbm>> -> memref<64xf32, #tpu.memory_space<hbm>>
        tpu.enqueue_dma source(%dma_start3A_228 : memref<64xf32, #tpu.memory_space<hbm>>) target(%dma_start3A_225 : memref<64xf32, #tpu.memory_space<vmem>>) target_semaphore(%arg15 : memref<!tpu.dma_semaphore, #tpu.memory_space<semaphore_mem>>)
        %slice3A_229 = vector.extract_strided_slice %get3A_71 {offsets = [1], sizes = [1], strides = [1]} : vector<16xi32> to vector<1xi32>
        %squeeze3A_230 = vector.extract %slice3A_229[0] : i32 from vector<1xi32>
        %jit3A_231 = arith.constant 8 : i32
        %div3A_232 = arith.divsi %squeeze3A_230, %jit3A_231 : i32
        %sign3A_233 = arith.constant 0 : i32
        %sign3A_234 = arith.cmpi sgt, %squeeze3A_230, %sign3A_233 : i32
        %sign3A_235 = arith.extui %sign3A_234 : i1 to i32
        %sign3A_236 = arith.constant 0 : i32
        %sign3A_237 = arith.cmpi slt, %squeeze3A_230, %sign3A_236 : i32
        %sign3A_238 = arith.extui %sign3A_237 : i1 to i32
        %sign3A_239 = arith.subi %sign3A_235, %sign3A_238 : i32
        %sign3A_240 = arith.constant 0 : i32
        %sign3A_241 = arith.cmpi sgt, %jit3A_231, %sign3A_240 : i32
        %sign3A_242 = arith.extui %sign3A_241 : i1 to i32
        %sign3A_243 = arith.constant 0 : i32
        %sign3A_244 = arith.cmpi slt, %jit3A_231, %sign3A_243 : i32
        %sign3A_245 = arith.extui %sign3A_244 : i1 to i32
        %sign3A_246 = arith.subi %sign3A_242, %sign3A_245 : i32
        %ne3A_247 = arith.cmpi ne, %sign3A_239, %sign3A_246 : i32
        %rem3A_248 = arith.remsi %squeeze3A_230, %jit3A_231 : i32
        %ne3A_249 = arith.constant 0 : i32
        %ne3A_250 = arith.cmpi ne, %rem3A_248, %ne3A_249 : i32
        %and3A_251 = arith.andi %ne3A_247, %ne3A_250 : i1
        %sub3A_252 = arith.constant 1 : i32
        %sub3A_253 = arith.subi %div3A_232, %sub3A_252 : i32
        %select_n3A_254 = arith.select %and3A_251, %sub3A_253, %div3A_232 : i32
        %jit3A_255 = arith.constant 8 : i32
        %eq3A_256 = arith.constant 0 : i32
        %eq3A_257 = arith.cmpi eq, %jit3A_255, %eq3A_256 : i32
        %jit3A_258 = arith.constant 1 : i32
        %select_n3A_259 = arith.select %eq3A_257, %jit3A_258, %jit3A_255 : i32
        %rem3A_260 = arith.remsi %squeeze3A_230, %select_n3A_259 : i32
        %ne3A_261 = arith.constant 0 : i32
        %ne3A_262 = arith.cmpi ne, %rem3A_260, %ne3A_261 : i32
        %lt3A_263 = arith.constant 0 : i32
        %lt3A_264 = arith.cmpi slt, %rem3A_260, %lt3A_263 : i32
        %lt3A_265 = arith.constant 0 : i32
        %lt3A_266 = arith.cmpi slt, %select_n3A_259, %lt3A_265 : i32
        %ne3A_267 = arith.xori %lt3A_264, %lt3A_266 : i1
        %and3A_268 = arith.andi %ne3A_267, %ne3A_262 : i1
        %add3A_269 = arith.addi %rem3A_260, %select_n3A_259 : i32
        %select_n3A_270 = arith.select %and3A_268, %add3A_269, %rem3A_260 : i32
        %dma_start3A_271 = arith.constant 0 : i32
        %dma_start3A_272 = tpu.memref_slice %arg11[%add3A_174, %dma_start3A_271] : memref<256x64xf32, #tpu.memory_space<vmem>> -> memref<1x64xf32, #tpu.memory_space<vmem>>
        %dma_start3A_273 = tpu.memref_squeeze %dma_start3A_272 : memref<1x64xf32, #tpu.memory_space<vmem>> -> memref<64xf32, #tpu.memory_space<vmem>>
        %dma_start3A_274 = arith.constant 0 : i32
        %dma_start3A_275 = tpu.memref_slice %arg5[%select_n3A_254, %select_n3A_270, %dma_start3A_274] : memref<12500x8x64xf32, #tpu.memory_space<hbm>> -> memref<1x1x64xf32, #tpu.memory_space<hbm>>
        %dma_start3A_276 = tpu.memref_squeeze %dma_start3A_275 : memref<1x1x64xf32, #tpu.memory_space<hbm>> -> memref<64xf32, #tpu.memory_space<hbm>>
        %dma_start3A_277 = arith.constant 0 : i32
        %dma_start3A_278 = tpu.memref_slice %arg11[%add3A_174, %dma_start3A_277] : memref<256x64xf32, #tpu.memory_space<vmem>> -> memref<1x64xf32, #tpu.memory_space<vmem>>
        %dma_start3A_279 = tpu.memref_squeeze %dma_start3A_278 : memref<1x64xf32, #tpu.memory_space<vmem>> -> memref<64xf32, #tpu.memory_space<vmem>>
        %dma_start3A_280 = arith.constant 0 : i32
        %dma_start3A_281 = tpu.memref_slice %arg5[%select_n3A_254, %select_n3A_270, %dma_start3A_280] : memref<12500x8x64xf32, #tpu.memory_space<hbm>> -> memref<1x1x64xf32, #tpu.memory_space<hbm>>
        %dma_start3A_282 = tpu.memref_squeeze %dma_start3A_281 : memref<1x1x64xf32, #tpu.memory_space<hbm>> -> memref<64xf32, #tpu.memory_space<hbm>>
        tpu.enqueue_dma source(%dma_start3A_282 : memref<64xf32, #tpu.memory_space<hbm>>) target(%dma_start3A_279 : memref<64xf32, #tpu.memory_space<vmem>>) target_semaphore(%arg16 : memref<!tpu.dma_semaphore, #tpu.memory_space<semaphore_mem>>)
        %mul3A_283 = arith.constant 16 : i32
        %mul3A_284 = arith.muli %scan3A_55, %mul3A_283 : i32
        %add3A_285 = arith.constant 2 : i32
        %add3A_286 = arith.addi %mul3A_284, %add3A_285 : i32
        %slice3A_287 = vector.extract_strided_slice %get3A_63 {offsets = [2], sizes = [1], strides = [1]} : vector<16xi32> to vector<1xi32>
        %squeeze3A_288 = vector.extract %slice3A_287[0] : i32 from vector<1xi32>
        %jit3A_289 = arith.constant 8 : i32
        %div3A_290 = arith.divsi %squeeze3A_288, %jit3A_289 : i32
        %sign3A_291 = arith.constant 0 : i32
        %sign3A_292 = arith.cmpi sgt, %squeeze3A_288, %sign3A_291 : i32
        %sign3A_293 = arith.extui %sign3A_292 : i1 to i32
        %sign3A_294 = arith.constant 0 : i32
        %sign3A_295 = arith.cmpi slt, %squeeze3A_288, %sign3A_294 : i32
        %sign3A_296 = arith.extui %sign3A_295 : i1 to i32
        %sign3A_297 = arith.subi %sign3A_293, %sign3A_296 : i32
        %sign3A_298 = arith.constant 0 : i32
        %sign3A_299 = arith.cmpi sgt, %jit3A_289, %sign3A_298 : i32
        %sign3A_300 = arith.extui %sign3A_299 : i1 to i32
        %sign3A_301 = arith.constant 0 : i32
        %sign3A_302 = arith.cmpi slt, %jit3A_289, %sign3A_301 : i32
        %sign3A_303 = arith.extui %sign3A_302 : i1 to i32
        %sign3A_304 = arith.subi %sign3A_300, %sign3A_303 : i32
        %ne3A_305 = arith.cmpi ne, %sign3A_297, %sign3A_304 : i32
        %rem3A_306 = arith.remsi %squeeze3A_288, %jit3A_289 : i32
        %ne3A_307 = arith.constant 0 : i32
        %ne3A_308 = arith.cmpi ne, %rem3A_306, %ne3A_307 : i32
        %and3A_309 = arith.andi %ne3A_305, %ne3A_308 : i1
        %sub3A_310 = arith.constant 1 : i32
        %sub3A_311 = arith.subi %div3A_290, %sub3A_310 : i32
        %select_n3A_312 = arith.select %and3A_309, %sub3A_311, %div3A_290 : i32
        %jit3A_313 = arith.constant 8 : i32
        %eq3A_314 = arith.constant 0 : i32
        %eq3A_315 = arith.cmpi eq, %jit3A_313, %eq3A_314 : i32
        %jit3A_316 = arith.constant 1 : i32
        %select_n3A_317 = arith.select %eq3A_315, %jit3A_316, %jit3A_313 : i32
        %rem3A_318 = arith.remsi %squeeze3A_288, %select_n3A_317 : i32
        %ne3A_319 = arith.constant 0 : i32
        %ne3A_320 = arith.cmpi ne, %rem3A_318, %ne3A_319 : i32
        %lt3A_321 = arith.constant 0 : i32
        %lt3A_322 = arith.cmpi slt, %rem3A_318, %lt3A_321 : i32
        %lt3A_323 = arith.constant 0 : i32
        %lt3A_324 = arith.cmpi slt, %select_n3A_317, %lt3A_323 : i32
        %ne3A_325 = arith.xori %lt3A_322, %lt3A_324 : i1
        %and3A_326 = arith.andi %ne3A_325, %ne3A_320 : i1
        %add3A_327 = arith.addi %rem3A_318, %select_n3A_317 : i32
        %select_n3A_328 = arith.select %and3A_326, %add3A_327, %rem3A_318 : i32
        %dma_start3A_329 = arith.constant 0 : i32
        %dma_start3A_330 = tpu.memref_slice %arg10[%add3A_286, %dma_start3A_329] : memref<256x64xf32, #tpu.memory_space<vmem>> -> memref<1x64xf32, #tpu.memory_space<vmem>>
        %dma_start3A_331 = tpu.memref_squeeze %dma_start3A_330 : memref<1x64xf32, #tpu.memory_space<vmem>> -> memref<64xf32, #tpu.memory_space<vmem>>
        %dma_start3A_332 = arith.constant 0 : i32
        %dma_start3A_333 = tpu.memref_slice %arg4[%select_n3A_312, %select_n3A_328, %dma_start3A_332] : memref<125000x8x64xf32, #tpu.memory_space<hbm>> -> memref<1x1x64xf32, #tpu.memory_space<hbm>>
        %dma_start3A_334 = tpu.memref_squeeze %dma_start3A_333 : memref<1x1x64xf32, #tpu.memory_space<hbm>> -> memref<64xf32, #tpu.memory_space<hbm>>
        %dma_start3A_335 = arith.constant 0 : i32
        %dma_start3A_336 = tpu.memref_slice %arg10[%add3A_286, %dma_start3A_335] : memref<256x64xf32, #tpu.memory_space<vmem>> -> memref<1x64xf32, #tpu.memory_space<vmem>>
        %dma_start3A_337 = tpu.memref_squeeze %dma_start3A_336 : memref<1x64xf32, #tpu.memory_space<vmem>> -> memref<64xf32, #tpu.memory_space<vmem>>
        %dma_start3A_338 = arith.constant 0 : i32
        %dma_start3A_339 = tpu.memref_slice %arg4[%select_n3A_312, %select_n3A_328, %dma_start3A_338] : memref<125000x8x64xf32, #tpu.memory_space<hbm>> -> memref<1x1x64xf32, #tpu.memory_space<hbm>>
        %dma_start3A_340 = tpu.memref_squeeze %dma_start3A_339 : memref<1x1x64xf32, #tpu.memory_space<hbm>> -> memref<64xf32, #tpu.memory_space<hbm>>
        tpu.enqueue_dma source(%dma_start3A_340 : memref<64xf32, #tpu.memory_space<hbm>>) target(%dma_start3A_337 : memref<64xf32, #tpu.memory_space<vmem>>) target_semaphore(%arg15 : memref<!tpu.dma_semaphore, #tpu.memory_space<semaphore_mem>>)
        %slice3A_341 = vector.extract_strided_slice %get3A_71 {offsets = [2], sizes = [1], strides = [1]} : vector<16xi32> to vector<1xi32>
        %squeeze3A_342 = vector.extract %slice3A_341[0] : i32 from vector<1xi32>
        %jit3A_343 = arith.constant 8 : i32
        %div3A_344 = arith.divsi %squeeze3A_342, %jit3A_343 : i32
        %sign3A_345 = arith.constant 0 : i32
        %sign3A_346 = arith.cmpi sgt, %squeeze3A_342, %sign3A_345 : i32
        %sign3A_347 = arith.extui %sign3A_346 : i1 to i32
        %sign3A_348 = arith.constant 0 : i32
        %sign3A_349 = arith.cmpi slt, %squeeze3A_342, %sign3A_348 : i32
        %sign3A_350 = arith.extui %sign3A_349 : i1 to i32
        %sign3A_351 = arith.subi %sign3A_347, %sign3A_350 : i32
        %sign3A_352 = arith.constant 0 : i32
        %sign3A_353 = arith.cmpi sgt, %jit3A_343, %sign3A_352 : i32
        %sign3A_354 = arith.extui %sign3A_353 : i1 to i32
        %sign3A_355 = arith.constant 0 : i32
        %sign3A_356 = arith.cmpi slt, %jit3A_343, %sign3A_355 : i32
        %sign3A_357 = arith.extui %sign3A_356 : i1 to i32
        %sign3A_358 = arith.subi %sign3A_354, %sign3A_357 : i32
        %ne3A_359 = arith.cmpi ne, %sign3A_351, %sign3A_358 : i32
        %rem3A_360 = arith.remsi %squeeze3A_342, %jit3A_343 : i32
        %ne3A_361 = arith.constant 0 : i32
        %ne3A_362 = arith.cmpi ne, %rem3A_360, %ne3A_361 : i32
        %and3A_363 = arith.andi %ne3A_359, %ne3A_362 : i1
        %sub3A_364 = arith.constant 1 : i32
        %sub3A_365 = arith.subi %div3A_344, %sub3A_364 : i32
        %select_n3A_366 = arith.select %and3A_363, %sub3A_365, %div3A_344 : i32
        %jit3A_367 = arith.constant 8 : i32
        %eq3A_368 = arith.constant 0 : i32
        %eq3A_369 = arith.cmpi eq, %jit3A_367, %eq3A_368 : i32
        %jit3A_370 = arith.constant 1 : i32
        %select_n3A_371 = arith.select %eq3A_369, %jit3A_370, %jit3A_367 : i32
        %rem3A_372 = arith.remsi %squeeze3A_342, %select_n3A_371 : i32
        %ne3A_373 = arith.constant 0 : i32
        %ne3A_374 = arith.cmpi ne, %rem3A_372, %ne3A_373 : i32
        %lt3A_375 = arith.constant 0 : i32
        %lt3A_376 = arith.cmpi slt, %rem3A_372, %lt3A_375 : i32
        %lt3A_377 = arith.constant 0 : i32
        %lt3A_378 = arith.cmpi slt, %select_n3A_371, %lt3A_377 : i32
        %ne3A_379 = arith.xori %lt3A_376, %lt3A_378 : i1
        %and3A_380 = arith.andi %ne3A_379, %ne3A_374 : i1
        %add3A_381 = arith.addi %rem3A_372, %select_n3A_371 : i32
        %select_n3A_382 = arith.select %and3A_380, %add3A_381, %rem3A_372 : i32
        %dma_start3A_383 = arith.constant 0 : i32
        %dma_start3A_384 = tpu.memref_slice %arg11[%add3A_286, %dma_start3A_383] : memref<256x64xf32, #tpu.memory_space<vmem>> -> memref<1x64xf32, #tpu.memory_space<vmem>>
        %dma_start3A_385 = tpu.memref_squeeze %dma_start3A_384 : memref<1x64xf32, #tpu.memory_space<vmem>> -> memref<64xf32, #tpu.memory_space<vmem>>
        %dma_start3A_386 = arith.constant 0 : i32
        %dma_start3A_387 = tpu.memref_slice %arg5[%select_n3A_366, %select_n3A_382, %dma_start3A_386] : memref<12500x8x64xf32, #tpu.memory_space<hbm>> -> memref<1x1x64xf32, #tpu.memory_space<hbm>>
        %dma_start3A_388 = tpu.memref_squeeze %dma_start3A_387 : memref<1x1x64xf32, #tpu.memory_space<hbm>> -> memref<64xf32, #tpu.memory_space<hbm>>
        %dma_start3A_389 = arith.constant 0 : i32
        %dma_start3A_390 = tpu.memref_slice %arg11[%add3A_286, %dma_start3A_389] : memref<256x64xf32, #tpu.memory_space<vmem>> -> memref<1x64xf32, #tpu.memory_space<vmem>>
        %dma_start3A_391 = tpu.memref_squeeze %dma_start3A_390 : memref<1x64xf32, #tpu.memory_space<vmem>> -> memref<64xf32, #tpu.memory_space<vmem>>
        %dma_start3A_392 = arith.constant 0 : i32
        %dma_start3A_393 = tpu.memref_slice %arg5[%select_n3A_366, %select_n3A_382, %dma_start3A_392] : memref<12500x8x64xf32, #tpu.memory_space<hbm>> -> memref<1x1x64xf32, #tpu.memory_space<hbm>>
        %dma_start3A_394 = tpu.memref_squeeze %dma_start3A_393 : memref<1x1x64xf32, #tpu.memory_space<hbm>> -> memref<64xf32, #tpu.memory_space<hbm>>
        tpu.enqueue_dma source(%dma_start3A_394 : memref<64xf32, #tpu.memory_space<hbm>>) target(%dma_start3A_391 : memref<64xf32, #tpu.memory_space<vmem>>) target_semaphore(%arg16 : memref<!tpu.dma_semaphore, #tpu.memory_space<semaphore_mem>>)
        %mul3A_395 = arith.constant 16 : i32
        %mul3A_396 = arith.muli %scan3A_55, %mul3A_395 : i32
        %add3A_397 = arith.constant 3 : i32
        %add3A_398 = arith.addi %mul3A_396, %add3A_397 : i32
        %slice3A_399 = vector.extract_strided_slice %get3A_63 {offsets = [3], sizes = [1], strides = [1]} : vector<16xi32> to vector<1xi32>
        %squeeze3A_400 = vector.extract %slice3A_399[0] : i32 from vector<1xi32>
        %jit3A_401 = arith.constant 8 : i32
        %div3A_402 = arith.divsi %squeeze3A_400, %jit3A_401 : i32
        %sign3A_403 = arith.constant 0 : i32
        %sign3A_404 = arith.cmpi sgt, %squeeze3A_400, %sign3A_403 : i32
        %sign3A_405 = arith.extui %sign3A_404 : i1 to i32
        %sign3A_406 = arith.constant 0 : i32
        %sign3A_407 = arith.cmpi slt, %squeeze3A_400, %sign3A_406 : i32
        %sign3A_408 = arith.extui %sign3A_407 : i1 to i32
        %sign3A_409 = arith.subi %sign3A_405, %sign3A_408 : i32
        %sign3A_410 = arith.constant 0 : i32
        %sign3A_411 = arith.cmpi sgt, %jit3A_401, %sign3A_410 : i32
        %sign3A_412 = arith.extui %sign3A_411 : i1 to i32
        %sign3A_413 = arith.constant 0 : i32
        %sign3A_414 = arith.cmpi slt, %jit3A_401, %sign3A_413 : i32
        %sign3A_415 = arith.extui %sign3A_414 : i1 to i32
        %sign3A_416 = arith.subi %sign3A_412, %sign3A_415 : i32
        %ne3A_417 = arith.cmpi ne, %sign3A_409, %sign3A_416 : i32
        %rem3A_418 = arith.remsi %squeeze3A_400, %jit3A_401 : i32
        %ne3A_419 = arith.constant 0 : i32
        %ne3A_420 = arith.cmpi ne, %rem3A_418, %ne3A_419 : i32
        %and3A_421 = arith.andi %ne3A_417, %ne3A_420 : i1
        %sub3A_422 = arith.constant 1 : i32
        %sub3A_423 = arith.subi %div3A_402, %sub3A_422 : i32
        %select_n3A_424 = arith.select %and3A_421, %sub3A_423, %div3A_402 : i32
        %jit3A_425 = arith.constant 8 : i32
        %eq3A_426 = arith.constant 0 : i32
        %eq3A_427 = arith.cmpi eq, %jit3A_425, %eq3A_426 : i32
        %jit3A_428 = arith.constant 1 : i32
        %select_n3A_429 = arith.select %eq3A_427, %jit3A_428, %jit3A_425 : i32
        %rem3A_430 = arith.remsi %squeeze3A_400, %select_n3A_429 : i32
        %ne3A_431 = arith.constant 0 : i32
        %ne3A_432 = arith.cmpi ne, %rem3A_430, %ne3A_431 : i32
        %lt3A_433 = arith.constant 0 : i32
        %lt3A_434 = arith.cmpi slt, %rem3A_430, %lt3A_433 : i32
        %lt3A_435 = arith.constant 0 : i32
        %lt3A_436 = arith.cmpi slt, %select_n3A_429, %lt3A_435 : i32
        %ne3A_437 = arith.xori %lt3A_434, %lt3A_436 : i1
        %and3A_438 = arith.andi %ne3A_437, %ne3A_432 : i1
        %add3A_439 = arith.addi %rem3A_430, %select_n3A_429 : i32
        %select_n3A_440 = arith.select %and3A_438, %add3A_439, %rem3A_430 : i32
        %dma_start3A_441 = arith.constant 0 : i32
        %dma_start3A_442 = tpu.memref_slice %arg10[%add3A_398, %dma_start3A_441] : memref<256x64xf32, #tpu.memory_space<vmem>> -> memref<1x64xf32, #tpu.memory_space<vmem>>
        %dma_start3A_443 = tpu.memref_squeeze %dma_start3A_442 : memref<1x64xf32, #tpu.memory_space<vmem>> -> memref<64xf32, #tpu.memory_space<vmem>>
        %dma_start3A_444 = arith.constant 0 : i32
        %dma_start3A_445 = tpu.memref_slice %arg4[%select_n3A_424, %select_n3A_440, %dma_start3A_444] : memref<125000x8x64xf32, #tpu.memory_space<hbm>> -> memref<1x1x64xf32, #tpu.memory_space<hbm>>
        %dma_start3A_446 = tpu.memref_squeeze %dma_start3A_445 : memref<1x1x64xf32, #tpu.memory_space<hbm>> -> memref<64xf32, #tpu.memory_space<hbm>>
        %dma_start3A_447 = arith.constant 0 : i32
        %dma_start3A_448 = tpu.memref_slice %arg10[%add3A_398, %dma_start3A_447] : memref<256x64xf32, #tpu.memory_space<vmem>> -> memref<1x64xf32, #tpu.memory_space<vmem>>
        %dma_start3A_449 = tpu.memref_squeeze %dma_start3A_448 : memref<1x64xf32, #tpu.memory_space<vmem>> -> memref<64xf32, #tpu.memory_space<vmem>>
        %dma_start3A_450 = arith.constant 0 : i32
        %dma_start3A_451 = tpu.memref_slice %arg4[%select_n3A_424, %select_n3A_440, %dma_start3A_450] : memref<125000x8x64xf32, #tpu.memory_space<hbm>> -> memref<1x1x64xf32, #tpu.memory_space<hbm>>
        %dma_start3A_452 = tpu.memref_squeeze %dma_start3A_451 : memref<1x1x64xf32, #tpu.memory_space<hbm>> -> memref<64xf32, #tpu.memory_space<hbm>>
        tpu.enqueue_dma source(%dma_start3A_452 : memref<64xf32, #tpu.memory_space<hbm>>) target(%dma_start3A_449 : memref<64xf32, #tpu.memory_space<vmem>>) target_semaphore(%arg15 : memref<!tpu.dma_semaphore, #tpu.memory_space<semaphore_mem>>)
        %slice3A_453 = vector.extract_strided_slice %get3A_71 {offsets = [3], sizes = [1], strides = [1]} : vector<16xi32> to vector<1xi32>
        %squeeze3A_454 = vector.extract %slice3A_453[0] : i32 from vector<1xi32>
        %jit3A_455 = arith.constant 8 : i32
        %div3A_456 = arith.divsi %squeeze3A_454, %jit3A_455 : i32
        %sign3A_457 = arith.constant 0 : i32
        %sign3A_458 = arith.cmpi sgt, %squeeze3A_454, %sign3A_457 : i32
        %sign3A_459 = arith.extui %sign3A_458 : i1 to i32
        %sign3A_460 = arith.constant 0 : i32
        %sign3A_461 = arith.cmpi slt, %squeeze3A_454, %sign3A_460 : i32
        %sign3A_462 = arith.extui %sign3A_461 : i1 to i32
        %sign3A_463 = arith.subi %sign3A_459, %sign3A_462 : i32
        %sign3A_464 = arith.constant 0 : i32
        %sign3A_465 = arith.cmpi sgt, %jit3A_455, %sign3A_464 : i32
        %sign3A_466 = arith.extui %sign3A_465 : i1 to i32
        %sign3A_467 = arith.constant 0 : i32
        %sign3A_468 = arith.cmpi slt, %jit3A_455, %sign3A_467 : i32
        %sign3A_469 = arith.extui %sign3A_468 : i1 to i32
        %sign3A_470 = arith.subi %sign3A_466, %sign3A_469 : i32
        %ne3A_471 = arith.cmpi ne, %sign3A_463, %sign3A_470 : i32
        %rem3A_472 = arith.remsi %squeeze3A_454, %jit3A_455 : i32
        %ne3A_473 = arith.constant 0 : i32
        %ne3A_474 = arith.cmpi ne, %rem3A_472, %ne3A_473 : i32
        %and3A_475 = arith.andi %ne3A_471, %ne3A_474 : i1
        %sub3A_476 = arith.constant 1 : i32
        %sub3A_477 = arith.subi %div3A_456, %sub3A_476 : i32
        %select_n3A_478 = arith.select %and3A_475, %sub3A_477, %div3A_456 : i32
        %jit3A_479 = arith.constant 8 : i32
        %eq3A_480 = arith.constant 0 : i32
        %eq3A_481 = arith.cmpi eq, %jit3A_479, %eq3A_480 : i32
        %jit3A_482 = arith.constant 1 : i32
        %select_n3A_483 = arith.select %eq3A_481, %jit3A_482, %jit3A_479 : i32
        %rem3A_484 = arith.remsi %squeeze3A_454, %select_n3A_483 : i32
        %ne3A_485 = arith.constant 0 : i32
        %ne3A_486 = arith.cmpi ne, %rem3A_484, %ne3A_485 : i32
        %lt3A_487 = arith.constant 0 : i32
        %lt3A_488 = arith.cmpi slt, %rem3A_484, %lt3A_487 : i32
        %lt3A_489 = arith.constant 0 : i32
        %lt3A_490 = arith.cmpi slt, %select_n3A_483, %lt3A_489 : i32
        %ne3A_491 = arith.xori %lt3A_488, %lt3A_490 : i1
        %and3A_492 = arith.andi %ne3A_491, %ne3A_486 : i1
        %add3A_493 = arith.addi %rem3A_484, %select_n3A_483 : i32
        %select_n3A_494 = arith.select %and3A_492, %add3A_493, %rem3A_484 : i32
        %dma_start3A_495 = arith.constant 0 : i32
        %dma_start3A_496 = tpu.memref_slice %arg11[%add3A_398, %dma_start3A_495] : memref<256x64xf32, #tpu.memory_space<vmem>> -> memref<1x64xf32, #tpu.memory_space<vmem>>
        %dma_start3A_497 = tpu.memref_squeeze %dma_start3A_496 : memref<1x64xf32, #tpu.memory_space<vmem>> -> memref<64xf32, #tpu.memory_space<vmem>>
        %dma_start3A_498 = arith.constant 0 : i32
        %dma_start3A_499 = tpu.memref_slice %arg5[%select_n3A_478, %select_n3A_494, %dma_start3A_498] : memref<12500x8x64xf32, #tpu.memory_space<hbm>> -> memref<1x1x64xf32, #tpu.memory_space<hbm>>
        %dma_start3A_500 = tpu.memref_squeeze %dma_start3A_499 : memref<1x1x64xf32, #tpu.memory_space<hbm>> -> memref<64xf32, #tpu.memory_space<hbm>>
        %dma_start3A_501 = arith.constant 0 : i32
        %dma_start3A_502 = tpu.memref_slice %arg11[%add3A_398, %dma_start3A_501] : memref<256x64xf32, #tpu.memory_space<vmem>> -> memref<1x64xf32, #tpu.memory_space<vmem>>
        %dma_start3A_503 = tpu.memref_squeeze %dma_start3A_502 : memref<1x64xf32, #tpu.memory_space<vmem>> -> memref<64xf32, #tpu.memory_space<vmem>>
        %dma_start3A_504 = arith.constant 0 : i32
        %dma_start3A_505 = tpu.memref_slice %arg5[%select_n3A_478, %select_n3A_494, %dma_start3A_504] : memref<12500x8x64xf32, #tpu.memory_space<hbm>> -> memref<1x1x64xf32, #tpu.memory_space<hbm>>
        %dma_start3A_506 = tpu.memref_squeeze %dma_start3A_505 : memref<1x1x64xf32, #tpu.memory_space<hbm>> -> memref<64xf32, #tpu.memory_space<hbm>>
        tpu.enqueue_dma source(%dma_start3A_506 : memref<64xf32, #tpu.memory_space<hbm>>) target(%dma_start3A_503 : memref<64xf32, #tpu.memory_space<vmem>>) target_semaphore(%arg16 : memref<!tpu.dma_semaphore, #tpu.memory_space<semaphore_mem>>)
        %mul3A_507 = arith.constant 16 : i32
        %mul3A_508 = arith.muli %scan3A_55, %mul3A_507 : i32
        %add3A_509 = arith.constant 4 : i32
        %add3A_510 = arith.addi %mul3A_508, %add3A_509 : i32
        %slice3A_511 = vector.extract_strided_slice %get3A_63 {offsets = [4], sizes = [1], strides = [1]} : vector<16xi32> to vector<1xi32>
        %squeeze3A_512 = vector.extract %slice3A_511[0] : i32 from vector<1xi32>
        %jit3A_513 = arith.constant 8 : i32
        %div3A_514 = arith.divsi %squeeze3A_512, %jit3A_513 : i32
        %sign3A_515 = arith.constant 0 : i32
        %sign3A_516 = arith.cmpi sgt, %squeeze3A_512, %sign3A_515 : i32
        %sign3A_517 = arith.extui %sign3A_516 : i1 to i32
        %sign3A_518 = arith.constant 0 : i32
        %sign3A_519 = arith.cmpi slt, %squeeze3A_512, %sign3A_518 : i32
        %sign3A_520 = arith.extui %sign3A_519 : i1 to i32
        %sign3A_521 = arith.subi %sign3A_517, %sign3A_520 : i32
        %sign3A_522 = arith.constant 0 : i32
        %sign3A_523 = arith.cmpi sgt, %jit3A_513, %sign3A_522 : i32
        %sign3A_524 = arith.extui %sign3A_523 : i1 to i32
        %sign3A_525 = arith.constant 0 : i32
        %sign3A_526 = arith.cmpi slt, %jit3A_513, %sign3A_525 : i32
        %sign3A_527 = arith.extui %sign3A_526 : i1 to i32
        %sign3A_528 = arith.subi %sign3A_524, %sign3A_527 : i32
        %ne3A_529 = arith.cmpi ne, %sign3A_521, %sign3A_528 : i32
        %rem3A_530 = arith.remsi %squeeze3A_512, %jit3A_513 : i32
        %ne3A_531 = arith.constant 0 : i32
        %ne3A_532 = arith.cmpi ne, %rem3A_530, %ne3A_531 : i32
        %and3A_533 = arith.andi %ne3A_529, %ne3A_532 : i1
        %sub3A_534 = arith.constant 1 : i32
        %sub3A_535 = arith.subi %div3A_514, %sub3A_534 : i32
        %select_n3A_536 = arith.select %and3A_533, %sub3A_535, %div3A_514 : i32
        %jit3A_537 = arith.constant 8 : i32
        %eq3A_538 = arith.constant 0 : i32
        %eq3A_539 = arith.cmpi eq, %jit3A_537, %eq3A_538 : i32
        %jit3A_540 = arith.constant 1 : i32
        %select_n3A_541 = arith.select %eq3A_539, %jit3A_540, %jit3A_537 : i32
        %rem3A_542 = arith.remsi %squeeze3A_512, %select_n3A_541 : i32
        %ne3A_543 = arith.constant 0 : i32
        %ne3A_544 = arith.cmpi ne, %rem3A_542, %ne3A_543 : i32
        %lt3A_545 = arith.constant 0 : i32
        %lt3A_546 = arith.cmpi slt, %rem3A_542, %lt3A_545 : i32
        %lt3A_547 = arith.constant 0 : i32
        %lt3A_548 = arith.cmpi slt, %select_n3A_541, %lt3A_547 : i32
        %ne3A_549 = arith.xori %lt3A_546, %lt3A_548 : i1
        %and3A_550 = arith.andi %ne3A_549, %ne3A_544 : i1
        %add3A_551 = arith.addi %rem3A_542, %select_n3A_541 : i32
        %select_n3A_552 = arith.select %and3A_550, %add3A_551, %rem3A_542 : i32
        %dma_start3A_553 = arith.constant 0 : i32
        %dma_start3A_554 = tpu.memref_slice %arg10[%add3A_510, %dma_start3A_553] : memref<256x64xf32, #tpu.memory_space<vmem>> -> memref<1x64xf32, #tpu.memory_space<vmem>>
        %dma_start3A_555 = tpu.memref_squeeze %dma_start3A_554 : memref<1x64xf32, #tpu.memory_space<vmem>> -> memref<64xf32, #tpu.memory_space<vmem>>
        %dma_start3A_556 = arith.constant 0 : i32
        %dma_start3A_557 = tpu.memref_slice %arg4[%select_n3A_536, %select_n3A_552, %dma_start3A_556] : memref<125000x8x64xf32, #tpu.memory_space<hbm>> -> memref<1x1x64xf32, #tpu.memory_space<hbm>>
        %dma_start3A_558 = tpu.memref_squeeze %dma_start3A_557 : memref<1x1x64xf32, #tpu.memory_space<hbm>> -> memref<64xf32, #tpu.memory_space<hbm>>
        %dma_start3A_559 = arith.constant 0 : i32
        %dma_start3A_560 = tpu.memref_slice %arg10[%add3A_510, %dma_start3A_559] : memref<256x64xf32, #tpu.memory_space<vmem>> -> memref<1x64xf32, #tpu.memory_space<vmem>>
        %dma_start3A_561 = tpu.memref_squeeze %dma_start3A_560 : memref<1x64xf32, #tpu.memory_space<vmem>> -> memref<64xf32, #tpu.memory_space<vmem>>
        %dma_start3A_562 = arith.constant 0 : i32
        %dma_start3A_563 = tpu.memref_slice %arg4[%select_n3A_536, %select_n3A_552, %dma_start3A_562] : memref<125000x8x64xf32, #tpu.memory_space<hbm>> -> memref<1x1x64xf32, #tpu.memory_space<hbm>>
        %dma_start3A_564 = tpu.memref_squeeze %dma_start3A_563 : memref<1x1x64xf32, #tpu.memory_space<hbm>> -> memref<64xf32, #tpu.memory_space<hbm>>
        tpu.enqueue_dma source(%dma_start3A_564 : memref<64xf32, #tpu.memory_space<hbm>>) target(%dma_start3A_561 : memref<64xf32, #tpu.memory_space<vmem>>) target_semaphore(%arg15 : memref<!tpu.dma_semaphore, #tpu.memory_space<semaphore_mem>>)
        %slice3A_565 = vector.extract_strided_slice %get3A_71 {offsets = [4], sizes = [1], strides = [1]} : vector<16xi32> to vector<1xi32>
        %squeeze3A_566 = vector.extract %slice3A_565[0] : i32 from vector<1xi32>
        %jit3A_567 = arith.constant 8 : i32
        %div3A_568 = arith.divsi %squeeze3A_566, %jit3A_567 : i32
        %sign3A_569 = arith.constant 0 : i32
        %sign3A_570 = arith.cmpi sgt, %squeeze3A_566, %sign3A_569 : i32
        %sign3A_571 = arith.extui %sign3A_570 : i1 to i32
        %sign3A_572 = arith.constant 0 : i32
        %sign3A_573 = arith.cmpi slt, %squeeze3A_566, %sign3A_572 : i32
        %sign3A_574 = arith.extui %sign3A_573 : i1 to i32
        %sign3A_575 = arith.subi %sign3A_571, %sign3A_574 : i32
        %sign3A_576 = arith.constant 0 : i32
        %sign3A_577 = arith.cmpi sgt, %jit3A_567, %sign3A_576 : i32
        %sign3A_578 = arith.extui %sign3A_577 : i1 to i32
        %sign3A_579 = arith.constant 0 : i32
        %sign3A_580 = arith.cmpi slt, %jit3A_567, %sign3A_579 : i32
        %sign3A_581 = arith.extui %sign3A_580 : i1 to i32
        %sign3A_582 = arith.subi %sign3A_578, %sign3A_581 : i32
        %ne3A_583 = arith.cmpi ne, %sign3A_575, %sign3A_582 : i32
        %rem3A_584 = arith.remsi %squeeze3A_566, %jit3A_567 : i32
        %ne3A_585 = arith.constant 0 : i32
        %ne3A_586 = arith.cmpi ne, %rem3A_584, %ne3A_585 : i32
        %and3A_587 = arith.andi %ne3A_583, %ne3A_586 : i1
        %sub3A_588 = arith.constant 1 : i32
        %sub3A_589 = arith.subi %div3A_568, %sub3A_588 : i32
        %select_n3A_590 = arith.select %and3A_587, %sub3A_589, %div3A_568 : i32
        %jit3A_591 = arith.constant 8 : i32
        %eq3A_592 = arith.constant 0 : i32
        %eq3A_593 = arith.cmpi eq, %jit3A_591, %eq3A_592 : i32
        %jit3A_594 = arith.constant 1 : i32
        %select_n3A_595 = arith.select %eq3A_593, %jit3A_594, %jit3A_591 : i32
        %rem3A_596 = arith.remsi %squeeze3A_566, %select_n3A_595 : i32
        %ne3A_597 = arith.constant 0 : i32
        %ne3A_598 = arith.cmpi ne, %rem3A_596, %ne3A_597 : i32
        %lt3A_599 = arith.constant 0 : i32
        %lt3A_600 = arith.cmpi slt, %rem3A_596, %lt3A_599 : i32
        %lt3A_601 = arith.constant 0 : i32
        %lt3A_602 = arith.cmpi slt, %select_n3A_595, %lt3A_601 : i32
        %ne3A_603 = arith.xori %lt3A_600, %lt3A_602 : i1
        %and3A_604 = arith.andi %ne3A_603, %ne3A_598 : i1
        %add3A_605 = arith.addi %rem3A_596, %select_n3A_595 : i32
        %select_n3A_606 = arith.select %and3A_604, %add3A_605, %rem3A_596 : i32
        %dma_start3A_607 = arith.constant 0 : i32
        %dma_start3A_608 = tpu.memref_slice %arg11[%add3A_510, %dma_start3A_607] : memref<256x64xf32, #tpu.memory_space<vmem>> -> memref<1x64xf32, #tpu.memory_space<vmem>>
        %dma_start3A_609 = tpu.memref_squeeze %dma_start3A_608 : memref<1x64xf32, #tpu.memory_space<vmem>> -> memref<64xf32, #tpu.memory_space<vmem>>
        %dma_start3A_610 = arith.constant 0 : i32
        %dma_start3A_611 = tpu.memref_slice %arg5[%select_n3A_590, %select_n3A_606, %dma_start3A_610] : memref<12500x8x64xf32, #tpu.memory_space<hbm>> -> memref<1x1x64xf32, #tpu.memory_space<hbm>>
        %dma_start3A_612 = tpu.memref_squeeze %dma_start3A_611 : memref<1x1x64xf32, #tpu.memory_space<hbm>> -> memref<64xf32, #tpu.memory_space<hbm>>
        %dma_start3A_613 = arith.constant 0 : i32
        %dma_start3A_614 = tpu.memref_slice %arg11[%add3A_510, %dma_start3A_613] : memref<256x64xf32, #tpu.memory_space<vmem>> -> memref<1x64xf32, #tpu.memory_space<vmem>>
        %dma_start3A_615 = tpu.memref_squeeze %dma_start3A_614 : memref<1x64xf32, #tpu.memory_space<vmem>> -> memref<64xf32, #tpu.memory_space<vmem>>
        %dma_start3A_616 = arith.constant 0 : i32
        %dma_start3A_617 = tpu.memref_slice %arg5[%select_n3A_590, %select_n3A_606, %dma_start3A_616] : memref<12500x8x64xf32, #tpu.memory_space<hbm>> -> memref<1x1x64xf32, #tpu.memory_space<hbm>>
        %dma_start3A_618 = tpu.memref_squeeze %dma_start3A_617 : memref<1x1x64xf32, #tpu.memory_space<hbm>> -> memref<64xf32, #tpu.memory_space<hbm>>
        tpu.enqueue_dma source(%dma_start3A_618 : memref<64xf32, #tpu.memory_space<hbm>>) target(%dma_start3A_615 : memref<64xf32, #tpu.memory_space<vmem>>) target_semaphore(%arg16 : memref<!tpu.dma_semaphore, #tpu.memory_space<semaphore_mem>>)
        %mul3A_619 = arith.constant 16 : i32
        %mul3A_620 = arith.muli %scan3A_55, %mul3A_619 : i32
        %add3A_621 = arith.constant 5 : i32
        %add3A_622 = arith.addi %mul3A_620, %add3A_621 : i32
        %slice3A_623 = vector.extract_strided_slice %get3A_63 {offsets = [5], sizes = [1], strides = [1]} : vector<16xi32> to vector<1xi32>
        %squeeze3A_624 = vector.extract %slice3A_623[0] : i32 from vector<1xi32>
        %jit3A_625 = arith.constant 8 : i32
        %div3A_626 = arith.divsi %squeeze3A_624, %jit3A_625 : i32
        %sign3A_627 = arith.constant 0 : i32
        %sign3A_628 = arith.cmpi sgt, %squeeze3A_624, %sign3A_627 : i32
        %sign3A_629 = arith.extui %sign3A_628 : i1 to i32
        %sign3A_630 = arith.constant 0 : i32
        %sign3A_631 = arith.cmpi slt, %squeeze3A_624, %sign3A_630 : i32
        %sign3A_632 = arith.extui %sign3A_631 : i1 to i32
        %sign3A_633 = arith.subi %sign3A_629, %sign3A_632 : i32
        %sign3A_634 = arith.constant 0 : i32
        %sign3A_635 = arith.cmpi sgt, %jit3A_625, %sign3A_634 : i32
        %sign3A_636 = arith.extui %sign3A_635 : i1 to i32
        %sign3A_637 = arith.constant 0 : i32
        %sign3A_638 = arith.cmpi slt, %jit3A_625, %sign3A_637 : i32
        %sign3A_639 = arith.extui %sign3A_638 : i1 to i32
        %sign3A_640 = arith.subi %sign3A_636, %sign3A_639 : i32
        %ne3A_641 = arith.cmpi ne, %sign3A_633, %sign3A_640 : i32
        %rem3A_642 = arith.remsi %squeeze3A_624, %jit3A_625 : i32
        %ne3A_643 = arith.constant 0 : i32
        %ne3A_644 = arith.cmpi ne, %rem3A_642, %ne3A_643 : i32
        %and3A_645 = arith.andi %ne3A_641, %ne3A_644 : i1
        %sub3A_646 = arith.constant 1 : i32
        %sub3A_647 = arith.subi %div3A_626, %sub3A_646 : i32
        %select_n3A_648 = arith.select %and3A_645, %sub3A_647, %div3A_626 : i32
        %jit3A_649 = arith.constant 8 : i32
        %eq3A_650 = arith.constant 0 : i32
        %eq3A_651 = arith.cmpi eq, %jit3A_649, %eq3A_650 : i32
        %jit3A_652 = arith.constant 1 : i32
        %select_n3A_653 = arith.select %eq3A_651, %jit3A_652, %jit3A_649 : i32
        %rem3A_654 = arith.remsi %squeeze3A_624, %select_n3A_653 : i32
        %ne3A_655 = arith.constant 0 : i32
        %ne3A_656 = arith.cmpi ne, %rem3A_654, %ne3A_655 : i32
        %lt3A_657 = arith.constant 0 : i32
        %lt3A_658 = arith.cmpi slt, %rem3A_654, %lt3A_657 : i32
        %lt3A_659 = arith.constant 0 : i32
        %lt3A_660 = arith.cmpi slt, %select_n3A_653, %lt3A_659 : i32
        %ne3A_661 = arith.xori %lt3A_658, %lt3A_660 : i1
        %and3A_662 = arith.andi %ne3A_661, %ne3A_656 : i1
        %add3A_663 = arith.addi %rem3A_654, %select_n3A_653 : i32
        %select_n3A_664 = arith.select %and3A_662, %add3A_663, %rem3A_654 : i32
        %dma_start3A_665 = arith.constant 0 : i32
        %dma_start3A_666 = tpu.memref_slice %arg10[%add3A_622, %dma_start3A_665] : memref<256x64xf32, #tpu.memory_space<vmem>> -> memref<1x64xf32, #tpu.memory_space<vmem>>
        %dma_start3A_667 = tpu.memref_squeeze %dma_start3A_666 : memref<1x64xf32, #tpu.memory_space<vmem>> -> memref<64xf32, #tpu.memory_space<vmem>>
        %dma_start3A_668 = arith.constant 0 : i32
        %dma_start3A_669 = tpu.memref_slice %arg4[%select_n3A_648, %select_n3A_664, %dma_start3A_668] : memref<125000x8x64xf32, #tpu.memory_space<hbm>> -> memref<1x1x64xf32, #tpu.memory_space<hbm>>
        %dma_start3A_670 = tpu.memref_squeeze %dma_start3A_669 : memref<1x1x64xf32, #tpu.memory_space<hbm>> -> memref<64xf32, #tpu.memory_space<hbm>>
        %dma_start3A_671 = arith.constant 0 : i32
        %dma_start3A_672 = tpu.memref_slice %arg10[%add3A_622, %dma_start3A_671] : memref<256x64xf32, #tpu.memory_space<vmem>> -> memref<1x64xf32, #tpu.memory_space<vmem>>
        %dma_start3A_673 = tpu.memref_squeeze %dma_start3A_672 : memref<1x64xf32, #tpu.memory_space<vmem>> -> memref<64xf32, #tpu.memory_space<vmem>>
        %dma_start3A_674 = arith.constant 0 : i32
        %dma_start3A_675 = tpu.memref_slice %arg4[%select_n3A_648, %select_n3A_664, %dma_start3A_674] : memref<125000x8x64xf32, #tpu.memory_space<hbm>> -> memref<1x1x64xf32, #tpu.memory_space<hbm>>
        %dma_start3A_676 = tpu.memref_squeeze %dma_start3A_675 : memref<1x1x64xf32, #tpu.memory_space<hbm>> -> memref<64xf32, #tpu.memory_space<hbm>>
        tpu.enqueue_dma source(%dma_start3A_676 : memref<64xf32, #tpu.memory_space<hbm>>) target(%dma_start3A_673 : memref<64xf32, #tpu.memory_space<vmem>>) target_semaphore(%arg15 : memref<!tpu.dma_semaphore, #tpu.memory_space<semaphore_mem>>)
        %slice3A_677 = vector.extract_strided_slice %get3A_71 {offsets = [5], sizes = [1], strides = [1]} : vector<16xi32> to vector<1xi32>
        %squeeze3A_678 = vector.extract %slice3A_677[0] : i32 from vector<1xi32>
        %jit3A_679 = arith.constant 8 : i32
        %div3A_680 = arith.divsi %squeeze3A_678, %jit3A_679 : i32
        %sign3A_681 = arith.constant 0 : i32
        %sign3A_682 = arith.cmpi sgt, %squeeze3A_678, %sign3A_681 : i32
        %sign3A_683 = arith.extui %sign3A_682 : i1 to i32
        %sign3A_684 = arith.constant 0 : i32
        %sign3A_685 = arith.cmpi slt, %squeeze3A_678, %sign3A_684 : i32
        %sign3A_686 = arith.extui %sign3A_685 : i1 to i32
        %sign3A_687 = arith.subi %sign3A_683, %sign3A_686 : i32
        %sign3A_688 = arith.constant 0 : i32
        %sign3A_689 = arith.cmpi sgt, %jit3A_679, %sign3A_688 : i32
        %sign3A_690 = arith.extui %sign3A_689 : i1 to i32
        %sign3A_691 = arith.constant 0 : i32
        %sign3A_692 = arith.cmpi slt, %jit3A_679, %sign3A_691 : i32
        %sign3A_693 = arith.extui %sign3A_692 : i1 to i32
        %sign3A_694 = arith.subi %sign3A_690, %sign3A_693 : i32
        %ne3A_695 = arith.cmpi ne, %sign3A_687, %sign3A_694 : i32
        %rem3A_696 = arith.remsi %squeeze3A_678, %jit3A_679 : i32
        %ne3A_697 = arith.constant 0 : i32
        %ne3A_698 = arith.cmpi ne, %rem3A_696, %ne3A_697 : i32
        %and3A_699 = arith.andi %ne3A_695, %ne3A_698 : i1
        %sub3A_700 = arith.constant 1 : i32
        %sub3A_701 = arith.subi %div3A_680, %sub3A_700 : i32
        %select_n3A_702 = arith.select %and3A_699, %sub3A_701, %div3A_680 : i32
        %jit3A_703 = arith.constant 8 : i32
        %eq3A_704 = arith.constant 0 : i32
        %eq3A_705 = arith.cmpi eq, %jit3A_703, %eq3A_704 : i32
        %jit3A_706 = arith.constant 1 : i32
        %select_n3A_707 = arith.select %eq3A_705, %jit3A_706, %jit3A_703 : i32
        %rem3A_708 = arith.remsi %squeeze3A_678, %select_n3A_707 : i32
        %ne3A_709 = arith.constant 0 : i32
        %ne3A_710 = arith.cmpi ne, %rem3A_708, %ne3A_709 : i32
        %lt3A_711 = arith.constant 0 : i32
        %lt3A_712 = arith.cmpi slt, %rem3A_708, %lt3A_711 : i32
        %lt3A_713 = arith.constant 0 : i32
        %lt3A_714 = arith.cmpi slt, %select_n3A_707, %lt3A_713 : i32
        %ne3A_715 = arith.xori %lt3A_712, %lt3A_714 : i1
        %and3A_716 = arith.andi %ne3A_715, %ne3A_710 : i1
        %add3A_717 = arith.addi %rem3A_708, %select_n3A_707 : i32
        %select_n3A_718 = arith.select %and3A_716, %add3A_717, %rem3A_708 : i32
        %dma_start3A_719 = arith.constant 0 : i32
        %dma_start3A_720 = tpu.memref_slice %arg11[%add3A_622, %dma_start3A_719] : memref<256x64xf32, #tpu.memory_space<vmem>> -> memref<1x64xf32, #tpu.memory_space<vmem>>
        %dma_start3A_721 = tpu.memref_squeeze %dma_start3A_720 : memref<1x64xf32, #tpu.memory_space<vmem>> -> memref<64xf32, #tpu.memory_space<vmem>>
        %dma_start3A_722 = arith.constant 0 : i32
        %dma_start3A_723 = tpu.memref_slice %arg5[%select_n3A_702, %select_n3A_718, %dma_start3A_722] : memref<12500x8x64xf32, #tpu.memory_space<hbm>> -> memref<1x1x64xf32, #tpu.memory_space<hbm>>
        %dma_start3A_724 = tpu.memref_squeeze %dma_start3A_723 : memref<1x1x64xf32, #tpu.memory_space<hbm>> -> memref<64xf32, #tpu.memory_space<hbm>>
        %dma_start3A_725 = arith.constant 0 : i32
        %dma_start3A_726 = tpu.memref_slice %arg11[%add3A_622, %dma_start3A_725] : memref<256x64xf32, #tpu.memory_space<vmem>> -> memref<1x64xf32, #tpu.memory_space<vmem>>
        %dma_start3A_727 = tpu.memref_squeeze %dma_start3A_726 : memref<1x64xf32, #tpu.memory_space<vmem>> -> memref<64xf32, #tpu.memory_space<vmem>>
        %dma_start3A_728 = arith.constant 0 : i32
        %dma_start3A_729 = tpu.memref_slice %arg5[%select_n3A_702, %select_n3A_718, %dma_start3A_728] : memref<12500x8x64xf32, #tpu.memory_space<hbm>> -> memref<1x1x64xf32, #tpu.memory_space<hbm>>
        %dma_start3A_730 = tpu.memref_squeeze %dma_start3A_729 : memref<1x1x64xf32, #tpu.memory_space<hbm>> -> memref<64xf32, #tpu.memory_space<hbm>>
        tpu.enqueue_dma source(%dma_start3A_730 : memref<64xf32, #tpu.memory_space<hbm>>) target(%dma_start3A_727 : memref<64xf32, #tpu.memory_space<vmem>>) target_semaphore(%arg16 : memref<!tpu.dma_semaphore, #tpu.memory_space<semaphore_mem>>)
        %mul3A_731 = arith.constant 16 : i32
        %mul3A_732 = arith.muli %scan3A_55, %mul3A_731 : i32
        %add3A_733 = arith.constant 6 : i32
        %add3A_734 = arith.addi %mul3A_732, %add3A_733 : i32
        %slice3A_735 = vector.extract_strided_slice %get3A_63 {offsets = [6], sizes = [1], strides = [1]} : vector<16xi32> to vector<1xi32>
        %squeeze3A_736 = vector.extract %slice3A_735[0] : i32 from vector<1xi32>
        %jit3A_737 = arith.constant 8 : i32
        %div3A_738 = arith.divsi %squeeze3A_736, %jit3A_737 : i32
        %sign3A_739 = arith.constant 0 : i32
        %sign3A_740 = arith.cmpi sgt, %squeeze3A_736, %sign3A_739 : i32
        %sign3A_741 = arith.extui %sign3A_740 : i1 to i32
        %sign3A_742 = arith.constant 0 : i32
        %sign3A_743 = arith.cmpi slt, %squeeze3A_736, %sign3A_742 : i32
        %sign3A_744 = arith.extui %sign3A_743 : i1 to i32
        %sign3A_745 = arith.subi %sign3A_741, %sign3A_744 : i32
        %sign3A_746 = arith.constant 0 : i32
        %sign3A_747 = arith.cmpi sgt, %jit3A_737, %sign3A_746 : i32
        %sign3A_748 = arith.extui %sign3A_747 : i1 to i32
        %sign3A_749 = arith.constant 0 : i32
        %sign3A_750 = arith.cmpi slt, %jit3A_737, %sign3A_749 : i32
        %sign3A_751 = arith.extui %sign3A_750 : i1 to i32
        %sign3A_752 = arith.subi %sign3A_748, %sign3A_751 : i32
        %ne3A_753 = arith.cmpi ne, %sign3A_745, %sign3A_752 : i32
        %rem3A_754 = arith.remsi %squeeze3A_736, %jit3A_737 : i32
        %ne3A_755 = arith.constant 0 : i32
        %ne3A_756 = arith.cmpi ne, %rem3A_754, %ne3A_755 : i32
        %and3A_757 = arith.andi %ne3A_753, %ne3A_756 : i1
        %sub3A_758 = arith.constant 1 : i32
        %sub3A_759 = arith.subi %div3A_738, %sub3A_758 : i32
        %select_n3A_760 = arith.select %and3A_757, %sub3A_759, %div3A_738 : i32
        %jit3A_761 = arith.constant 8 : i32
        %eq3A_762 = arith.constant 0 : i32
        %eq3A_763 = arith.cmpi eq, %jit3A_761, %eq3A_762 : i32
        %jit3A_764 = arith.constant 1 : i32
        %select_n3A_765 = arith.select %eq3A_763, %jit3A_764, %jit3A_761 : i32
        %rem3A_766 = arith.remsi %squeeze3A_736, %select_n3A_765 : i32
        %ne3A_767 = arith.constant 0 : i32
        %ne3A_768 = arith.cmpi ne, %rem3A_766, %ne3A_767 : i32
        %lt3A_769 = arith.constant 0 : i32
        %lt3A_770 = arith.cmpi slt, %rem3A_766, %lt3A_769 : i32
        %lt3A_771 = arith.constant 0 : i32
        %lt3A_772 = arith.cmpi slt, %select_n3A_765, %lt3A_771 : i32
        %ne3A_773 = arith.xori %lt3A_770, %lt3A_772 : i1
        %and3A_774 = arith.andi %ne3A_773, %ne3A_768 : i1
        %add3A_775 = arith.addi %rem3A_766, %select_n3A_765 : i32
        %select_n3A_776 = arith.select %and3A_774, %add3A_775, %rem3A_766 : i32
        %dma_start3A_777 = arith.constant 0 : i32
        %dma_start3A_778 = tpu.memref_slice %arg10[%add3A_734, %dma_start3A_777] : memref<256x64xf32, #tpu.memory_space<vmem>> -> memref<1x64xf32, #tpu.memory_space<vmem>>
        %dma_start3A_779 = tpu.memref_squeeze %dma_start3A_778 : memref<1x64xf32, #tpu.memory_space<vmem>> -> memref<64xf32, #tpu.memory_space<vmem>>
        %dma_start3A_780 = arith.constant 0 : i32
        %dma_start3A_781 = tpu.memref_slice %arg4[%select_n3A_760, %select_n3A_776, %dma_start3A_780] : memref<125000x8x64xf32, #tpu.memory_space<hbm>> -> memref<1x1x64xf32, #tpu.memory_space<hbm>>
        %dma_start3A_782 = tpu.memref_squeeze %dma_start3A_781 : memref<1x1x64xf32, #tpu.memory_space<hbm>> -> memref<64xf32, #tpu.memory_space<hbm>>
        %dma_start3A_783 = arith.constant 0 : i32
        %dma_start3A_784 = tpu.memref_slice %arg10[%add3A_734, %dma_start3A_783] : memref<256x64xf32, #tpu.memory_space<vmem>> -> memref<1x64xf32, #tpu.memory_space<vmem>>
        %dma_start3A_785 = tpu.memref_squeeze %dma_start3A_784 : memref<1x64xf32, #tpu.memory_space<vmem>> -> memref<64xf32, #tpu.memory_space<vmem>>
        %dma_start3A_786 = arith.constant 0 : i32
        %dma_start3A_787 = tpu.memref_slice %arg4[%select_n3A_760, %select_n3A_776, %dma_start3A_786] : memref<125000x8x64xf32, #tpu.memory_space<hbm>> -> memref<1x1x64xf32, #tpu.memory_space<hbm>>
        %dma_start3A_788 = tpu.memref_squeeze %dma_start3A_787 : memref<1x1x64xf32, #tpu.memory_space<hbm>> -> memref<64xf32, #tpu.memory_space<hbm>>
        tpu.enqueue_dma source(%dma_start3A_788 : memref<64xf32, #tpu.memory_space<hbm>>) target(%dma_start3A_785 : memref<64xf32, #tpu.memory_space<vmem>>) target_semaphore(%arg15 : memref<!tpu.dma_semaphore, #tpu.memory_space<semaphore_mem>>)
        %slice3A_789 = vector.extract_strided_slice %get3A_71 {offsets = [6], sizes = [1], strides = [1]} : vector<16xi32> to vector<1xi32>
        %squeeze3A_790 = vector.extract %slice3A_789[0] : i32 from vector<1xi32>
        %jit3A_791 = arith.constant 8 : i32
        %div3A_792 = arith.divsi %squeeze3A_790, %jit3A_791 : i32
        %sign3A_793 = arith.constant 0 : i32
        %sign3A_794 = arith.cmpi sgt, %squeeze3A_790, %sign3A_793 : i32
        %sign3A_795 = arith.extui %sign3A_794 : i1 to i32
        %sign3A_796 = arith.constant 0 : i32
        %sign3A_797 = arith.cmpi slt, %squeeze3A_790, %sign3A_796 : i32
        %sign3A_798 = arith.extui %sign3A_797 : i1 to i32
        %sign3A_799 = arith.subi %sign3A_795, %sign3A_798 : i32
        %sign3A_800 = arith.constant 0 : i32
        %sign3A_801 = arith.cmpi sgt, %jit3A_791, %sign3A_800 : i32
        %sign3A_802 = arith.extui %sign3A_801 : i1 to i32
        %sign3A_803 = arith.constant 0 : i32
        %sign3A_804 = arith.cmpi slt, %jit3A_791, %sign3A_803 : i32
        %sign3A_805 = arith.extui %sign3A_804 : i1 to i32
        %sign3A_806 = arith.subi %sign3A_802, %sign3A_805 : i32
        %ne3A_807 = arith.cmpi ne, %sign3A_799, %sign3A_806 : i32
        %rem3A_808 = arith.remsi %squeeze3A_790, %jit3A_791 : i32
        %ne3A_809 = arith.constant 0 : i32
        %ne3A_810 = arith.cmpi ne, %rem3A_808, %ne3A_809 : i32
        %and3A_811 = arith.andi %ne3A_807, %ne3A_810 : i1
        %sub3A_812 = arith.constant 1 : i32
        %sub3A_813 = arith.subi %div3A_792, %sub3A_812 : i32
        %select_n3A_814 = arith.select %and3A_811, %sub3A_813, %div3A_792 : i32
        %jit3A_815 = arith.constant 8 : i32
        %eq3A_816 = arith.constant 0 : i32
        %eq3A_817 = arith.cmpi eq, %jit3A_815, %eq3A_816 : i32
        %jit3A_818 = arith.constant 1 : i32
        %select_n3A_819 = arith.select %eq3A_817, %jit3A_818, %jit3A_815 : i32
        %rem3A_820 = arith.remsi %squeeze3A_790, %select_n3A_819 : i32
        %ne3A_821 = arith.constant 0 : i32
        %ne3A_822 = arith.cmpi ne, %rem3A_820, %ne3A_821 : i32
        %lt3A_823 = arith.constant 0 : i32
        %lt3A_824 = arith.cmpi slt, %rem3A_820, %lt3A_823 : i32
        %lt3A_825 = arith.constant 0 : i32
        %lt3A_826 = arith.cmpi slt, %select_n3A_819, %lt3A_825 : i32
        %ne3A_827 = arith.xori %lt3A_824, %lt3A_826 : i1
        %and3A_828 = arith.andi %ne3A_827, %ne3A_822 : i1
        %add3A_829 = arith.addi %rem3A_820, %select_n3A_819 : i32
        %select_n3A_830 = arith.select %and3A_828, %add3A_829, %rem3A_820 : i32
        %dma_start3A_831 = arith.constant 0 : i32
        %dma_start3A_832 = tpu.memref_slice %arg11[%add3A_734, %dma_start3A_831] : memref<256x64xf32, #tpu.memory_space<vmem>> -> memref<1x64xf32, #tpu.memory_space<vmem>>
        %dma_start3A_833 = tpu.memref_squeeze %dma_start3A_832 : memref<1x64xf32, #tpu.memory_space<vmem>> -> memref<64xf32, #tpu.memory_space<vmem>>
        %dma_start3A_834 = arith.constant 0 : i32
        %dma_start3A_835 = tpu.memref_slice %arg5[%select_n3A_814, %select_n3A_830, %dma_start3A_834] : memref<12500x8x64xf32, #tpu.memory_space<hbm>> -> memref<1x1x64xf32, #tpu.memory_space<hbm>>
        %dma_start3A_836 = tpu.memref_squeeze %dma_start3A_835 : memref<1x1x64xf32, #tpu.memory_space<hbm>> -> memref<64xf32, #tpu.memory_space<hbm>>
        %dma_start3A_837 = arith.constant 0 : i32
        %dma_start3A_838 = tpu.memref_slice %arg11[%add3A_734, %dma_start3A_837] : memref<256x64xf32, #tpu.memory_space<vmem>> -> memref<1x64xf32, #tpu.memory_space<vmem>>
        %dma_start3A_839 = tpu.memref_squeeze %dma_start3A_838 : memref<1x64xf32, #tpu.memory_space<vmem>> -> memref<64xf32, #tpu.memory_space<vmem>>
        %dma_start3A_840 = arith.constant 0 : i32
        %dma_start3A_841 = tpu.memref_slice %arg5[%select_n3A_814, %select_n3A_830, %dma_start3A_840] : memref<12500x8x64xf32, #tpu.memory_space<hbm>> -> memref<1x1x64xf32, #tpu.memory_space<hbm>>
        %dma_start3A_842 = tpu.memref_squeeze %dma_start3A_841 : memref<1x1x64xf32, #tpu.memory_space<hbm>> -> memref<64xf32, #tpu.memory_space<hbm>>
        tpu.enqueue_dma source(%dma_start3A_842 : memref<64xf32, #tpu.memory_space<hbm>>) target(%dma_start3A_839 : memref<64xf32, #tpu.memory_space<vmem>>) target_semaphore(%arg16 : memref<!tpu.dma_semaphore, #tpu.memory_space<semaphore_mem>>)
        %mul3A_843 = arith.constant 16 : i32
        %mul3A_844 = arith.muli %scan3A_55, %mul3A_843 : i32
        %add3A_845 = arith.constant 7 : i32
        %add3A_846 = arith.addi %mul3A_844, %add3A_845 : i32
        %slice3A_847 = vector.extract_strided_slice %get3A_63 {offsets = [7], sizes = [1], strides = [1]} : vector<16xi32> to vector<1xi32>
        %squeeze3A_848 = vector.extract %slice3A_847[0] : i32 from vector<1xi32>
        %jit3A_849 = arith.constant 8 : i32
        %div3A_850 = arith.divsi %squeeze3A_848, %jit3A_849 : i32
        %sign3A_851 = arith.constant 0 : i32
        %sign3A_852 = arith.cmpi sgt, %squeeze3A_848, %sign3A_851 : i32
        %sign3A_853 = arith.extui %sign3A_852 : i1 to i32
        %sign3A_854 = arith.constant 0 : i32
        %sign3A_855 = arith.cmpi slt, %squeeze3A_848, %sign3A_854 : i32
        %sign3A_856 = arith.extui %sign3A_855 : i1 to i32
        %sign3A_857 = arith.subi %sign3A_853, %sign3A_856 : i32
        %sign3A_858 = arith.constant 0 : i32
        %sign3A_859 = arith.cmpi sgt, %jit3A_849, %sign3A_858 : i32
        %sign3A_860 = arith.extui %sign3A_859 : i1 to i32
        %sign3A_861 = arith.constant 0 : i32
        %sign3A_862 = arith.cmpi slt, %jit3A_849, %sign3A_861 : i32
        %sign3A_863 = arith.extui %sign3A_862 : i1 to i32
        %sign3A_864 = arith.subi %sign3A_860, %sign3A_863 : i32
        %ne3A_865 = arith.cmpi ne, %sign3A_857, %sign3A_864 : i32
        %rem3A_866 = arith.remsi %squeeze3A_848, %jit3A_849 : i32
        %ne3A_867 = arith.constant 0 : i32
        %ne3A_868 = arith.cmpi ne, %rem3A_866, %ne3A_867 : i32
        %and3A_869 = arith.andi %ne3A_865, %ne3A_868 : i1
        %sub3A_870 = arith.constant 1 : i32
        %sub3A_871 = arith.subi %div3A_850, %sub3A_870 : i32
        %select_n3A_872 = arith.select %and3A_869, %sub3A_871, %div3A_850 : i32
        %jit3A_873 = arith.constant 8 : i32
        %eq3A_874 = arith.constant 0 : i32
        %eq3A_875 = arith.cmpi eq, %jit3A_873, %eq3A_874 : i32
        %jit3A_876 = arith.constant 1 : i32
        %select_n3A_877 = arith.select %eq3A_875, %jit3A_876, %jit3A_873 : i32
        %rem3A_878 = arith.remsi %squeeze3A_848, %select_n3A_877 : i32
        %ne3A_879 = arith.constant 0 : i32
        %ne3A_880 = arith.cmpi ne, %rem3A_878, %ne3A_879 : i32
        %lt3A_881 = arith.constant 0 : i32
        %lt3A_882 = arith.cmpi slt, %rem3A_878, %lt3A_881 : i32
        %lt3A_883 = arith.constant 0 : i32
        %lt3A_884 = arith.cmpi slt, %select_n3A_877, %lt3A_883 : i32
        %ne3A_885 = arith.xori %lt3A_882, %lt3A_884 : i1
        %and3A_886 = arith.andi %ne3A_885, %ne3A_880 : i1
        %add3A_887 = arith.addi %rem3A_878, %select_n3A_877 : i32
        %select_n3A_888 = arith.select %and3A_886, %add3A_887, %rem3A_878 : i32
        %dma_start3A_889 = arith.constant 0 : i32
        %dma_start3A_890 = tpu.memref_slice %arg10[%add3A_846, %dma_start3A_889] : memref<256x64xf32, #tpu.memory_space<vmem>> -> memref<1x64xf32, #tpu.memory_space<vmem>>
        %dma_start3A_891 = tpu.memref_squeeze %dma_start3A_890 : memref<1x64xf32, #tpu.memory_space<vmem>> -> memref<64xf32, #tpu.memory_space<vmem>>
        %dma_start3A_892 = arith.constant 0 : i32
        %dma_start3A_893 = tpu.memref_slice %arg4[%select_n3A_872, %select_n3A_888, %dma_start3A_892] : memref<125000x8x64xf32, #tpu.memory_space<hbm>> -> memref<1x1x64xf32, #tpu.memory_space<hbm>>
        %dma_start3A_894 = tpu.memref_squeeze %dma_start3A_893 : memref<1x1x64xf32, #tpu.memory_space<hbm>> -> memref<64xf32, #tpu.memory_space<hbm>>
        %dma_start3A_895 = arith.constant 0 : i32
        %dma_start3A_896 = tpu.memref_slice %arg10[%add3A_846, %dma_start3A_895] : memref<256x64xf32, #tpu.memory_space<vmem>> -> memref<1x64xf32, #tpu.memory_space<vmem>>
        %dma_start3A_897 = tpu.memref_squeeze %dma_start3A_896 : memref<1x64xf32, #tpu.memory_space<vmem>> -> memref<64xf32, #tpu.memory_space<vmem>>
        %dma_start3A_898 = arith.constant 0 : i32
        %dma_start3A_899 = tpu.memref_slice %arg4[%select_n3A_872, %select_n3A_888, %dma_start3A_898] : memref<125000x8x64xf32, #tpu.memory_space<hbm>> -> memref<1x1x64xf32, #tpu.memory_space<hbm>>
        %dma_start3A_900 = tpu.memref_squeeze %dma_start3A_899 : memref<1x1x64xf32, #tpu.memory_space<hbm>> -> memref<64xf32, #tpu.memory_space<hbm>>
        tpu.enqueue_dma source(%dma_start3A_900 : memref<64xf32, #tpu.memory_space<hbm>>) target(%dma_start3A_897 : memref<64xf32, #tpu.memory_space<vmem>>) target_semaphore(%arg15 : memref<!tpu.dma_semaphore, #tpu.memory_space<semaphore_mem>>)
        %slice3A_901 = vector.extract_strided_slice %get3A_71 {offsets = [7], sizes = [1], strides = [1]} : vector<16xi32> to vector<1xi32>
        %squeeze3A_902 = vector.extract %slice3A_901[0] : i32 from vector<1xi32>
        %jit3A_903 = arith.constant 8 : i32
        %div3A_904 = arith.divsi %squeeze3A_902, %jit3A_903 : i32
        %sign3A_905 = arith.constant 0 : i32
        %sign3A_906 = arith.cmpi sgt, %squeeze3A_902, %sign3A_905 : i32
        %sign3A_907 = arith.extui %sign3A_906 : i1 to i32
        %sign3A_908 = arith.constant 0 : i32
        %sign3A_909 = arith.cmpi slt, %squeeze3A_902, %sign3A_908 : i32
        %sign3A_910 = arith.extui %sign3A_909 : i1 to i32
        %sign3A_911 = arith.subi %sign3A_907, %sign3A_910 : i32
        %sign3A_912 = arith.constant 0 : i32
        %sign3A_913 = arith.cmpi sgt, %jit3A_903, %sign3A_912 : i32
        %sign3A_914 = arith.extui %sign3A_913 : i1 to i32
        %sign3A_915 = arith.constant 0 : i32
        %sign3A_916 = arith.cmpi slt, %jit3A_903, %sign3A_915 : i32
        %sign3A_917 = arith.extui %sign3A_916 : i1 to i32
        %sign3A_918 = arith.subi %sign3A_914, %sign3A_917 : i32
        %ne3A_919 = arith.cmpi ne, %sign3A_911, %sign3A_918 : i32
        %rem3A_920 = arith.remsi %squeeze3A_902, %jit3A_903 : i32
        %ne3A_921 = arith.constant 0 : i32
        %ne3A_922 = arith.cmpi ne, %rem3A_920, %ne3A_921 : i32
        %and3A_923 = arith.andi %ne3A_919, %ne3A_922 : i1
        %sub3A_924 = arith.constant 1 : i32
        %sub3A_925 = arith.subi %div3A_904, %sub3A_924 : i32
        %select_n3A_926 = arith.select %and3A_923, %sub3A_925, %div3A_904 : i32
        %jit3A_927 = arith.constant 8 : i32
        %eq3A_928 = arith.constant 0 : i32
        %eq3A_929 = arith.cmpi eq, %jit3A_927, %eq3A_928 : i32
        %jit3A_930 = arith.constant 1 : i32
        %select_n3A_931 = arith.select %eq3A_929, %jit3A_930, %jit3A_927 : i32
        %rem3A_932 = arith.remsi %squeeze3A_902, %select_n3A_931 : i32
        %ne3A_933 = arith.constant 0 : i32
        %ne3A_934 = arith.cmpi ne, %rem3A_932, %ne3A_933 : i32
        %lt3A_935 = arith.constant 0 : i32
        %lt3A_936 = arith.cmpi slt, %rem3A_932, %lt3A_935 : i32
        %lt3A_937 = arith.constant 0 : i32
        %lt3A_938 = arith.cmpi slt, %select_n3A_931, %lt3A_937 : i32
        %ne3A_939 = arith.xori %lt3A_936, %lt3A_938 : i1
        %and3A_940 = arith.andi %ne3A_939, %ne3A_934 : i1
        %add3A_941 = arith.addi %rem3A_932, %select_n3A_931 : i32
        %select_n3A_942 = arith.select %and3A_940, %add3A_941, %rem3A_932 : i32
        %dma_start3A_943 = arith.constant 0 : i32
        %dma_start3A_944 = tpu.memref_slice %arg11[%add3A_846, %dma_start3A_943] : memref<256x64xf32, #tpu.memory_space<vmem>> -> memref<1x64xf32, #tpu.memory_space<vmem>>
        %dma_start3A_945 = tpu.memref_squeeze %dma_start3A_944 : memref<1x64xf32, #tpu.memory_space<vmem>> -> memref<64xf32, #tpu.memory_space<vmem>>
        %dma_start3A_946 = arith.constant 0 : i32
        %dma_start3A_947 = tpu.memref_slice %arg5[%select_n3A_926, %select_n3A_942, %dma_start3A_946] : memref<12500x8x64xf32, #tpu.memory_space<hbm>> -> memref<1x1x64xf32, #tpu.memory_space<hbm>>
        %dma_start3A_948 = tpu.memref_squeeze %dma_start3A_947 : memref<1x1x64xf32, #tpu.memory_space<hbm>> -> memref<64xf32, #tpu.memory_space<hbm>>
        %dma_start3A_949 = arith.constant 0 : i32
        %dma_start3A_950 = tpu.memref_slice %arg11[%add3A_846, %dma_start3A_949] : memref<256x64xf32, #tpu.memory_space<vmem>> -> memref<1x64xf32, #tpu.memory_space<vmem>>
        %dma_start3A_951 = tpu.memref_squeeze %dma_start3A_950 : memref<1x64xf32, #tpu.memory_space<vmem>> -> memref<64xf32, #tpu.memory_space<vmem>>
        %dma_start3A_952 = arith.constant 0 : i32
        %dma_start3A_953 = tpu.memref_slice %arg5[%select_n3A_926, %select_n3A_942, %dma_start3A_952] : memref<12500x8x64xf32, #tpu.memory_space<hbm>> -> memref<1x1x64xf32, #tpu.memory_space<hbm>>
        %dma_start3A_954 = tpu.memref_squeeze %dma_start3A_953 : memref<1x1x64xf32, #tpu.memory_space<hbm>> -> memref<64xf32, #tpu.memory_space<hbm>>
        tpu.enqueue_dma source(%dma_start3A_954 : memref<64xf32, #tpu.memory_space<hbm>>) target(%dma_start3A_951 : memref<64xf32, #tpu.memory_space<vmem>>) target_semaphore(%arg16 : memref<!tpu.dma_semaphore, #tpu.memory_space<semaphore_mem>>)
        %mul3A_955 = arith.constant 16 : i32
        %mul3A_956 = arith.muli %scan3A_55, %mul3A_955 : i32
        %add3A_957 = arith.constant 8 : i32
        %add3A_958 = arith.addi %mul3A_956, %add3A_957 : i32
        %slice3A_959 = vector.extract_strided_slice %get3A_63 {offsets = [8], sizes = [1], strides = [1]} : vector<16xi32> to vector<1xi32>
        %squeeze3A_960 = vector.extract %slice3A_959[0] : i32 from vector<1xi32>
        %jit3A_961 = arith.constant 8 : i32
        %div3A_962 = arith.divsi %squeeze3A_960, %jit3A_961 : i32
        %sign3A_963 = arith.constant 0 : i32
        %sign3A_964 = arith.cmpi sgt, %squeeze3A_960, %sign3A_963 : i32
        %sign3A_965 = arith.extui %sign3A_964 : i1 to i32
        %sign3A_966 = arith.constant 0 : i32
        %sign3A_967 = arith.cmpi slt, %squeeze3A_960, %sign3A_966 : i32
        %sign3A_968 = arith.extui %sign3A_967 : i1 to i32
        %sign3A_969 = arith.subi %sign3A_965, %sign3A_968 : i32
        %sign3A_970 = arith.constant 0 : i32
        %sign3A_971 = arith.cmpi sgt, %jit3A_961, %sign3A_970 : i32
        %sign3A_972 = arith.extui %sign3A_971 : i1 to i32
        %sign3A_973 = arith.constant 0 : i32
        %sign3A_974 = arith.cmpi slt, %jit3A_961, %sign3A_973 : i32
        %sign3A_975 = arith.extui %sign3A_974 : i1 to i32
        %sign3A_976 = arith.subi %sign3A_972, %sign3A_975 : i32
        %ne3A_977 = arith.cmpi ne, %sign3A_969, %sign3A_976 : i32
        %rem3A_978 = arith.remsi %squeeze3A_960, %jit3A_961 : i32
        %ne3A_979 = arith.constant 0 : i32
        %ne3A_980 = arith.cmpi ne, %rem3A_978, %ne3A_979 : i32
        %and3A_981 = arith.andi %ne3A_977, %ne3A_980 : i1
        %sub3A_982 = arith.constant 1 : i32
        %sub3A_983 = arith.subi %div3A_962, %sub3A_982 : i32
        %select_n3A_984 = arith.select %and3A_981, %sub3A_983, %div3A_962 : i32
        %jit3A_985 = arith.constant 8 : i32
        %eq3A_986 = arith.constant 0 : i32
        %eq3A_987 = arith.cmpi eq, %jit3A_985, %eq3A_986 : i32
        %jit3A_988 = arith.constant 1 : i32
        %select_n3A_989 = arith.select %eq3A_987, %jit3A_988, %jit3A_985 : i32
        %rem3A_990 = arith.remsi %squeeze3A_960, %select_n3A_989 : i32
        %ne3A_991 = arith.constant 0 : i32
        %ne3A_992 = arith.cmpi ne, %rem3A_990, %ne3A_991 : i32
        %lt3A_993 = arith.constant 0 : i32
        %lt3A_994 = arith.cmpi slt, %rem3A_990, %lt3A_993 : i32
        %lt3A_995 = arith.constant 0 : i32
        %lt3A_996 = arith.cmpi slt, %select_n3A_989, %lt3A_995 : i32
        %ne3A_997 = arith.xori %lt3A_994, %lt3A_996 : i1
        %and3A_998 = arith.andi %ne3A_997, %ne3A_992 : i1
        %add3A_999 = arith.addi %rem3A_990, %select_n3A_989 : i32
        %select_n3A_1000 = arith.select %and3A_998, %add3A_999, %rem3A_990 : i32
        %dma_start3A_1001 = arith.constant 0 : i32
        %dma_start3A_1002 = tpu.memref_slice %arg10[%add3A_958, %dma_start3A_1001] : memref<256x64xf32, #tpu.memory_space<vmem>> -> memref<1x64xf32, #tpu.memory_space<vmem>>
        %dma_start3A_1003 = tpu.memref_squeeze %dma_start3A_1002 : memref<1x64xf32, #tpu.memory_space<vmem>> -> memref<64xf32, #tpu.memory_space<vmem>>
        %dma_start3A_1004 = arith.constant 0 : i32
        %dma_start3A_1005 = tpu.memref_slice %arg4[%select_n3A_984, %select_n3A_1000, %dma_start3A_1004] : memref<125000x8x64xf32, #tpu.memory_space<hbm>> -> memref<1x1x64xf32, #tpu.memory_space<hbm>>
        %dma_start3A_1006 = tpu.memref_squeeze %dma_start3A_1005 : memref<1x1x64xf32, #tpu.memory_space<hbm>> -> memref<64xf32, #tpu.memory_space<hbm>>
        %dma_start3A_1007 = arith.constant 0 : i32
        %dma_start3A_1008 = tpu.memref_slice %arg10[%add3A_958, %dma_start3A_1007] : memref<256x64xf32, #tpu.memory_space<vmem>> -> memref<1x64xf32, #tpu.memory_space<vmem>>
        %dma_start3A_1009 = tpu.memref_squeeze %dma_start3A_1008 : memref<1x64xf32, #tpu.memory_space<vmem>> -> memref<64xf32, #tpu.memory_space<vmem>>
        %dma_start3A_1010 = arith.constant 0 : i32
        %dma_start3A_1011 = tpu.memref_slice %arg4[%select_n3A_984, %select_n3A_1000, %dma_start3A_1010] : memref<125000x8x64xf32, #tpu.memory_space<hbm>> -> memref<1x1x64xf32, #tpu.memory_space<hbm>>
        %dma_start3A_1012 = tpu.memref_squeeze %dma_start3A_1011 : memref<1x1x64xf32, #tpu.memory_space<hbm>> -> memref<64xf32, #tpu.memory_space<hbm>>
        tpu.enqueue_dma source(%dma_start3A_1012 : memref<64xf32, #tpu.memory_space<hbm>>) target(%dma_start3A_1009 : memref<64xf32, #tpu.memory_space<vmem>>) target_semaphore(%arg15 : memref<!tpu.dma_semaphore, #tpu.memory_space<semaphore_mem>>)
        %slice3A_1013 = vector.extract_strided_slice %get3A_71 {offsets = [8], sizes = [1], strides = [1]} : vector<16xi32> to vector<1xi32>
        %squeeze3A_1014 = vector.extract %slice3A_1013[0] : i32 from vector<1xi32>
        %jit3A_1015 = arith.constant 8 : i32
        %div3A_1016 = arith.divsi %squeeze3A_1014, %jit3A_1015 : i32
        %sign3A_1017 = arith.constant 0 : i32
        %sign3A_1018 = arith.cmpi sgt, %squeeze3A_1014, %sign3A_1017 : i32
        %sign3A_1019 = arith.extui %sign3A_1018 : i1 to i32
        %sign3A_1020 = arith.constant 0 : i32
        %sign3A_1021 = arith.cmpi slt, %squeeze3A_1014, %sign3A_1020 : i32
        %sign3A_1022 = arith.extui %sign3A_1021 : i1 to i32
        %sign3A_1023 = arith.subi %sign3A_1019, %sign3A_1022 : i32
        %sign3A_1024 = arith.constant 0 : i32
        %sign3A_1025 = arith.cmpi sgt, %jit3A_1015, %sign3A_1024 : i32
        %sign3A_1026 = arith.extui %sign3A_1025 : i1 to i32
        %sign3A_1027 = arith.constant 0 : i32
        %sign3A_1028 = arith.cmpi slt, %jit3A_1015, %sign3A_1027 : i32
        %sign3A_1029 = arith.extui %sign3A_1028 : i1 to i32
        %sign3A_1030 = arith.subi %sign3A_1026, %sign3A_1029 : i32
        %ne3A_1031 = arith.cmpi ne, %sign3A_1023, %sign3A_1030 : i32
        %rem3A_1032 = arith.remsi %squeeze3A_1014, %jit3A_1015 : i32
        %ne3A_1033 = arith.constant 0 : i32
        %ne3A_1034 = arith.cmpi ne, %rem3A_1032, %ne3A_1033 : i32
        %and3A_1035 = arith.andi %ne3A_1031, %ne3A_1034 : i1
        %sub3A_1036 = arith.constant 1 : i32
        %sub3A_1037 = arith.subi %div3A_1016, %sub3A_1036 : i32
        %select_n3A_1038 = arith.select %and3A_1035, %sub3A_1037, %div3A_1016 : i32
        %jit3A_1039 = arith.constant 8 : i32
        %eq3A_1040 = arith.constant 0 : i32
        %eq3A_1041 = arith.cmpi eq, %jit3A_1039, %eq3A_1040 : i32
        %jit3A_1042 = arith.constant 1 : i32
        %select_n3A_1043 = arith.select %eq3A_1041, %jit3A_1042, %jit3A_1039 : i32
        %rem3A_1044 = arith.remsi %squeeze3A_1014, %select_n3A_1043 : i32
        %ne3A_1045 = arith.constant 0 : i32
        %ne3A_1046 = arith.cmpi ne, %rem3A_1044, %ne3A_1045 : i32
        %lt3A_1047 = arith.constant 0 : i32
        %lt3A_1048 = arith.cmpi slt, %rem3A_1044, %lt3A_1047 : i32
        %lt3A_1049 = arith.constant 0 : i32
        %lt3A_1050 = arith.cmpi slt, %select_n3A_1043, %lt3A_1049 : i32
        %ne3A_1051 = arith.xori %lt3A_1048, %lt3A_1050 : i1
        %and3A_1052 = arith.andi %ne3A_1051, %ne3A_1046 : i1
        %add3A_1053 = arith.addi %rem3A_1044, %select_n3A_1043 : i32
        %select_n3A_1054 = arith.select %and3A_1052, %add3A_1053, %rem3A_1044 : i32
        %dma_start3A_1055 = arith.constant 0 : i32
        %dma_start3A_1056 = tpu.memref_slice %arg11[%add3A_958, %dma_start3A_1055] : memref<256x64xf32, #tpu.memory_space<vmem>> -> memref<1x64xf32, #tpu.memory_space<vmem>>
        %dma_start3A_1057 = tpu.memref_squeeze %dma_start3A_1056 : memref<1x64xf32, #tpu.memory_space<vmem>> -> memref<64xf32, #tpu.memory_space<vmem>>
        %dma_start3A_1058 = arith.constant 0 : i32
        %dma_start3A_1059 = tpu.memref_slice %arg5[%select_n3A_1038, %select_n3A_1054, %dma_start3A_1058] : memref<12500x8x64xf32, #tpu.memory_space<hbm>> -> memref<1x1x64xf32, #tpu.memory_space<hbm>>
        %dma_start3A_1060 = tpu.memref_squeeze %dma_start3A_1059 : memref<1x1x64xf32, #tpu.memory_space<hbm>> -> memref<64xf32, #tpu.memory_space<hbm>>
        %dma_start3A_1061 = arith.constant 0 : i32
        %dma_start3A_1062 = tpu.memref_slice %arg11[%add3A_958, %dma_start3A_1061] : memref<256x64xf32, #tpu.memory_space<vmem>> -> memref<1x64xf32, #tpu.memory_space<vmem>>
        %dma_start3A_1063 = tpu.memref_squeeze %dma_start3A_1062 : memref<1x64xf32, #tpu.memory_space<vmem>> -> memref<64xf32, #tpu.memory_space<vmem>>
        %dma_start3A_1064 = arith.constant 0 : i32
        %dma_start3A_1065 = tpu.memref_slice %arg5[%select_n3A_1038, %select_n3A_1054, %dma_start3A_1064] : memref<12500x8x64xf32, #tpu.memory_space<hbm>> -> memref<1x1x64xf32, #tpu.memory_space<hbm>>
        %dma_start3A_1066 = tpu.memref_squeeze %dma_start3A_1065 : memref<1x1x64xf32, #tpu.memory_space<hbm>> -> memref<64xf32, #tpu.memory_space<hbm>>
        tpu.enqueue_dma source(%dma_start3A_1066 : memref<64xf32, #tpu.memory_space<hbm>>) target(%dma_start3A_1063 : memref<64xf32, #tpu.memory_space<vmem>>) target_semaphore(%arg16 : memref<!tpu.dma_semaphore, #tpu.memory_space<semaphore_mem>>)
        %mul3A_1067 = arith.constant 16 : i32
        %mul3A_1068 = arith.muli %scan3A_55, %mul3A_1067 : i32
        %add3A_1069 = arith.constant 9 : i32
        %add3A_1070 = arith.addi %mul3A_1068, %add3A_1069 : i32
        %slice3A_1071 = vector.extract_strided_slice %get3A_63 {offsets = [9], sizes = [1], strides = [1]} : vector<16xi32> to vector<1xi32>
        %squeeze3A_1072 = vector.extract %slice3A_1071[0] : i32 from vector<1xi32>
        %jit3A_1073 = arith.constant 8 : i32
        %div3A_1074 = arith.divsi %squeeze3A_1072, %jit3A_1073 : i32
        %sign3A_1075 = arith.constant 0 : i32
        %sign3A_1076 = arith.cmpi sgt, %squeeze3A_1072, %sign3A_1075 : i32
        %sign3A_1077 = arith.extui %sign3A_1076 : i1 to i32
        %sign3A_1078 = arith.constant 0 : i32
        %sign3A_1079 = arith.cmpi slt, %squeeze3A_1072, %sign3A_1078 : i32
        %sign3A_1080 = arith.extui %sign3A_1079 : i1 to i32
        %sign3A_1081 = arith.subi %sign3A_1077, %sign3A_1080 : i32
        %sign3A_1082 = arith.constant 0 : i32
        %sign3A_1083 = arith.cmpi sgt, %jit3A_1073, %sign3A_1082 : i32
        %sign3A_1084 = arith.extui %sign3A_1083 : i1 to i32
        %sign3A_1085 = arith.constant 0 : i32
        %sign3A_1086 = arith.cmpi slt, %jit3A_1073, %sign3A_1085 : i32
        %sign3A_1087 = arith.extui %sign3A_1086 : i1 to i32
        %sign3A_1088 = arith.subi %sign3A_1084, %sign3A_1087 : i32
        %ne3A_1089 = arith.cmpi ne, %sign3A_1081, %sign3A_1088 : i32
        %rem3A_1090 = arith.remsi %squeeze3A_1072, %jit3A_1073 : i32
        %ne3A_1091 = arith.constant 0 : i32
        %ne3A_1092 = arith.cmpi ne, %rem3A_1090, %ne3A_1091 : i32
        %and3A_1093 = arith.andi %ne3A_1089, %ne3A_1092 : i1
        %sub3A_1094 = arith.constant 1 : i32
        %sub3A_1095 = arith.subi %div3A_1074, %sub3A_1094 : i32
        %select_n3A_1096 = arith.select %and3A_1093, %sub3A_1095, %div3A_1074 : i32
        %jit3A_1097 = arith.constant 8 : i32
        %eq3A_1098 = arith.constant 0 : i32
        %eq3A_1099 = arith.cmpi eq, %jit3A_1097, %eq3A_1098 : i32
        %jit3A_1100 = arith.constant 1 : i32
        %select_n3A_1101 = arith.select %eq3A_1099, %jit3A_1100, %jit3A_1097 : i32
        %rem3A_1102 = arith.remsi %squeeze3A_1072, %select_n3A_1101 : i32
        %ne3A_1103 = arith.constant 0 : i32
        %ne3A_1104 = arith.cmpi ne, %rem3A_1102, %ne3A_1103 : i32
        %lt3A_1105 = arith.constant 0 : i32
        %lt3A_1106 = arith.cmpi slt, %rem3A_1102, %lt3A_1105 : i32
        %lt3A_1107 = arith.constant 0 : i32
        %lt3A_1108 = arith.cmpi slt, %select_n3A_1101, %lt3A_1107 : i32
        %ne3A_1109 = arith.xori %lt3A_1106, %lt3A_1108 : i1
        %and3A_1110 = arith.andi %ne3A_1109, %ne3A_1104 : i1
        %add3A_1111 = arith.addi %rem3A_1102, %select_n3A_1101 : i32
        %select_n3A_1112 = arith.select %and3A_1110, %add3A_1111, %rem3A_1102 : i32
        %dma_start3A_1113 = arith.constant 0 : i32
        %dma_start3A_1114 = tpu.memref_slice %arg10[%add3A_1070, %dma_start3A_1113] : memref<256x64xf32, #tpu.memory_space<vmem>> -> memref<1x64xf32, #tpu.memory_space<vmem>>
        %dma_start3A_1115 = tpu.memref_squeeze %dma_start3A_1114 : memref<1x64xf32, #tpu.memory_space<vmem>> -> memref<64xf32, #tpu.memory_space<vmem>>
        %dma_start3A_1116 = arith.constant 0 : i32
        %dma_start3A_1117 = tpu.memref_slice %arg4[%select_n3A_1096, %select_n3A_1112, %dma_start3A_1116] : memref<125000x8x64xf32, #tpu.memory_space<hbm>> -> memref<1x1x64xf32, #tpu.memory_space<hbm>>
        %dma_start3A_1118 = tpu.memref_squeeze %dma_start3A_1117 : memref<1x1x64xf32, #tpu.memory_space<hbm>> -> memref<64xf32, #tpu.memory_space<hbm>>
        %dma_start3A_1119 = arith.constant 0 : i32
        %dma_start3A_1120 = tpu.memref_slice %arg10[%add3A_1070, %dma_start3A_1119] : memref<256x64xf32, #tpu.memory_space<vmem>> -> memref<1x64xf32, #tpu.memory_space<vmem>>
        %dma_start3A_1121 = tpu.memref_squeeze %dma_start3A_1120 : memref<1x64xf32, #tpu.memory_space<vmem>> -> memref<64xf32, #tpu.memory_space<vmem>>
        %dma_start3A_1122 = arith.constant 0 : i32
        %dma_start3A_1123 = tpu.memref_slice %arg4[%select_n3A_1096, %select_n3A_1112, %dma_start3A_1122] : memref<125000x8x64xf32, #tpu.memory_space<hbm>> -> memref<1x1x64xf32, #tpu.memory_space<hbm>>
        %dma_start3A_1124 = tpu.memref_squeeze %dma_start3A_1123 : memref<1x1x64xf32, #tpu.memory_space<hbm>> -> memref<64xf32, #tpu.memory_space<hbm>>
        tpu.enqueue_dma source(%dma_start3A_1124 : memref<64xf32, #tpu.memory_space<hbm>>) target(%dma_start3A_1121 : memref<64xf32, #tpu.memory_space<vmem>>) target_semaphore(%arg15 : memref<!tpu.dma_semaphore, #tpu.memory_space<semaphore_mem>>)
        %slice3A_1125 = vector.extract_strided_slice %get3A_71 {offsets = [9], sizes = [1], strides = [1]} : vector<16xi32> to vector<1xi32>
        %squeeze3A_1126 = vector.extract %slice3A_1125[0] : i32 from vector<1xi32>
        %jit3A_1127 = arith.constant 8 : i32
        %div3A_1128 = arith.divsi %squeeze3A_1126, %jit3A_1127 : i32
        %sign3A_1129 = arith.constant 0 : i32
        %sign3A_1130 = arith.cmpi sgt, %squeeze3A_1126, %sign3A_1129 : i32
        %sign3A_1131 = arith.extui %sign3A_1130 : i1 to i32
        %sign3A_1132 = arith.constant 0 : i32
        %sign3A_1133 = arith.cmpi slt, %squeeze3A_1126, %sign3A_1132 : i32
        %sign3A_1134 = arith.extui %sign3A_1133 : i1 to i32
        %sign3A_1135 = arith.subi %sign3A_1131, %sign3A_1134 : i32
        %sign3A_1136 = arith.constant 0 : i32
        %sign3A_1137 = arith.cmpi sgt, %jit3A_1127, %sign3A_1136 : i32
        %sign3A_1138 = arith.extui %sign3A_1137 : i1 to i32
        %sign3A_1139 = arith.constant 0 : i32
        %sign3A_1140 = arith.cmpi slt, %jit3A_1127, %sign3A_1139 : i32
        %sign3A_1141 = arith.extui %sign3A_1140 : i1 to i32
        %sign3A_1142 = arith.subi %sign3A_1138, %sign3A_1141 : i32
        %ne3A_1143 = arith.cmpi ne, %sign3A_1135, %sign3A_1142 : i32
        %rem3A_1144 = arith.remsi %squeeze3A_1126, %jit3A_1127 : i32
        %ne3A_1145 = arith.constant 0 : i32
        %ne3A_1146 = arith.cmpi ne, %rem3A_1144, %ne3A_1145 : i32
        %and3A_1147 = arith.andi %ne3A_1143, %ne3A_1146 : i1
        %sub3A_1148 = arith.constant 1 : i32
        %sub3A_1149 = arith.subi %div3A_1128, %sub3A_1148 : i32
        %select_n3A_1150 = arith.select %and3A_1147, %sub3A_1149, %div3A_1128 : i32
        %jit3A_1151 = arith.constant 8 : i32
        %eq3A_1152 = arith.constant 0 : i32
        %eq3A_1153 = arith.cmpi eq, %jit3A_1151, %eq3A_1152 : i32
        %jit3A_1154 = arith.constant 1 : i32
        %select_n3A_1155 = arith.select %eq3A_1153, %jit3A_1154, %jit3A_1151 : i32
        %rem3A_1156 = arith.remsi %squeeze3A_1126, %select_n3A_1155 : i32
        %ne3A_1157 = arith.constant 0 : i32
        %ne3A_1158 = arith.cmpi ne, %rem3A_1156, %ne3A_1157 : i32
        %lt3A_1159 = arith.constant 0 : i32
        %lt3A_1160 = arith.cmpi slt, %rem3A_1156, %lt3A_1159 : i32
        %lt3A_1161 = arith.constant 0 : i32
        %lt3A_1162 = arith.cmpi slt, %select_n3A_1155, %lt3A_1161 : i32
        %ne3A_1163 = arith.xori %lt3A_1160, %lt3A_1162 : i1
        %and3A_1164 = arith.andi %ne3A_1163, %ne3A_1158 : i1
        %add3A_1165 = arith.addi %rem3A_1156, %select_n3A_1155 : i32
        %select_n3A_1166 = arith.select %and3A_1164, %add3A_1165, %rem3A_1156 : i32
        %dma_start3A_1167 = arith.constant 0 : i32
        %dma_start3A_1168 = tpu.memref_slice %arg11[%add3A_1070, %dma_start3A_1167] : memref<256x64xf32, #tpu.memory_space<vmem>> -> memref<1x64xf32, #tpu.memory_space<vmem>>
        %dma_start3A_1169 = tpu.memref_squeeze %dma_start3A_1168 : memref<1x64xf32, #tpu.memory_space<vmem>> -> memref<64xf32, #tpu.memory_space<vmem>>
        %dma_start3A_1170 = arith.constant 0 : i32
        %dma_start3A_1171 = tpu.memref_slice %arg5[%select_n3A_1150, %select_n3A_1166, %dma_start3A_1170] : memref<12500x8x64xf32, #tpu.memory_space<hbm>> -> memref<1x1x64xf32, #tpu.memory_space<hbm>>
        %dma_start3A_1172 = tpu.memref_squeeze %dma_start3A_1171 : memref<1x1x64xf32, #tpu.memory_space<hbm>> -> memref<64xf32, #tpu.memory_space<hbm>>
        %dma_start3A_1173 = arith.constant 0 : i32
        %dma_start3A_1174 = tpu.memref_slice %arg11[%add3A_1070, %dma_start3A_1173] : memref<256x64xf32, #tpu.memory_space<vmem>> -> memref<1x64xf32, #tpu.memory_space<vmem>>
        %dma_start3A_1175 = tpu.memref_squeeze %dma_start3A_1174 : memref<1x64xf32, #tpu.memory_space<vmem>> -> memref<64xf32, #tpu.memory_space<vmem>>
        %dma_start3A_1176 = arith.constant 0 : i32
        %dma_start3A_1177 = tpu.memref_slice %arg5[%select_n3A_1150, %select_n3A_1166, %dma_start3A_1176] : memref<12500x8x64xf32, #tpu.memory_space<hbm>> -> memref<1x1x64xf32, #tpu.memory_space<hbm>>
        %dma_start3A_1178 = tpu.memref_squeeze %dma_start3A_1177 : memref<1x1x64xf32, #tpu.memory_space<hbm>> -> memref<64xf32, #tpu.memory_space<hbm>>
        tpu.enqueue_dma source(%dma_start3A_1178 : memref<64xf32, #tpu.memory_space<hbm>>) target(%dma_start3A_1175 : memref<64xf32, #tpu.memory_space<vmem>>) target_semaphore(%arg16 : memref<!tpu.dma_semaphore, #tpu.memory_space<semaphore_mem>>)
        %mul3A_1179 = arith.constant 16 : i32
        %mul3A_1180 = arith.muli %scan3A_55, %mul3A_1179 : i32
        %add3A_1181 = arith.constant 10 : i32
        %add3A_1182 = arith.addi %mul3A_1180, %add3A_1181 : i32
        %slice3A_1183 = vector.extract_strided_slice %get3A_63 {offsets = [10], sizes = [1], strides = [1]} : vector<16xi32> to vector<1xi32>
        %squeeze3A_1184 = vector.extract %slice3A_1183[0] : i32 from vector<1xi32>
        %jit3A_1185 = arith.constant 8 : i32
        %div3A_1186 = arith.divsi %squeeze3A_1184, %jit3A_1185 : i32
        %sign3A_1187 = arith.constant 0 : i32
        %sign3A_1188 = arith.cmpi sgt, %squeeze3A_1184, %sign3A_1187 : i32
        %sign3A_1189 = arith.extui %sign3A_1188 : i1 to i32
        %sign3A_1190 = arith.constant 0 : i32
        %sign3A_1191 = arith.cmpi slt, %squeeze3A_1184, %sign3A_1190 : i32
        %sign3A_1192 = arith.extui %sign3A_1191 : i1 to i32
        %sign3A_1193 = arith.subi %sign3A_1189, %sign3A_1192 : i32
        %sign3A_1194 = arith.constant 0 : i32
        %sign3A_1195 = arith.cmpi sgt, %jit3A_1185, %sign3A_1194 : i32
        %sign3A_1196 = arith.extui %sign3A_1195 : i1 to i32
        %sign3A_1197 = arith.constant 0 : i32
        %sign3A_1198 = arith.cmpi slt, %jit3A_1185, %sign3A_1197 : i32
        %sign3A_1199 = arith.extui %sign3A_1198 : i1 to i32
        %sign3A_1200 = arith.subi %sign3A_1196, %sign3A_1199 : i32
        %ne3A_1201 = arith.cmpi ne, %sign3A_1193, %sign3A_1200 : i32
        %rem3A_1202 = arith.remsi %squeeze3A_1184, %jit3A_1185 : i32
        %ne3A_1203 = arith.constant 0 : i32
        %ne3A_1204 = arith.cmpi ne, %rem3A_1202, %ne3A_1203 : i32
        %and3A_1205 = arith.andi %ne3A_1201, %ne3A_1204 : i1
        %sub3A_1206 = arith.constant 1 : i32
        %sub3A_1207 = arith.subi %div3A_1186, %sub3A_1206 : i32
        %select_n3A_1208 = arith.select %and3A_1205, %sub3A_1207, %div3A_1186 : i32
        %jit3A_1209 = arith.constant 8 : i32
        %eq3A_1210 = arith.constant 0 : i32
        %eq3A_1211 = arith.cmpi eq, %jit3A_1209, %eq3A_1210 : i32
        %jit3A_1212 = arith.constant 1 : i32
        %select_n3A_1213 = arith.select %eq3A_1211, %jit3A_1212, %jit3A_1209 : i32
        %rem3A_1214 = arith.remsi %squeeze3A_1184, %select_n3A_1213 : i32
        %ne3A_1215 = arith.constant 0 : i32
        %ne3A_1216 = arith.cmpi ne, %rem3A_1214, %ne3A_1215 : i32
        %lt3A_1217 = arith.constant 0 : i32
        %lt3A_1218 = arith.cmpi slt, %rem3A_1214, %lt3A_1217 : i32
        %lt3A_1219 = arith.constant 0 : i32
        %lt3A_1220 = arith.cmpi slt, %select_n3A_1213, %lt3A_1219 : i32
        %ne3A_1221 = arith.xori %lt3A_1218, %lt3A_1220 : i1
        %and3A_1222 = arith.andi %ne3A_1221, %ne3A_1216 : i1
        %add3A_1223 = arith.addi %rem3A_1214, %select_n3A_1213 : i32
        %select_n3A_1224 = arith.select %and3A_1222, %add3A_1223, %rem3A_1214 : i32
        %dma_start3A_1225 = arith.constant 0 : i32
        %dma_start3A_1226 = tpu.memref_slice %arg10[%add3A_1182, %dma_start3A_1225] : memref<256x64xf32, #tpu.memory_space<vmem>> -> memref<1x64xf32, #tpu.memory_space<vmem>>
        %dma_start3A_1227 = tpu.memref_squeeze %dma_start3A_1226 : memref<1x64xf32, #tpu.memory_space<vmem>> -> memref<64xf32, #tpu.memory_space<vmem>>
        %dma_start3A_1228 = arith.constant 0 : i32
        %dma_start3A_1229 = tpu.memref_slice %arg4[%select_n3A_1208, %select_n3A_1224, %dma_start3A_1228] : memref<125000x8x64xf32, #tpu.memory_space<hbm>> -> memref<1x1x64xf32, #tpu.memory_space<hbm>>
        %dma_start3A_1230 = tpu.memref_squeeze %dma_start3A_1229 : memref<1x1x64xf32, #tpu.memory_space<hbm>> -> memref<64xf32, #tpu.memory_space<hbm>>
        %dma_start3A_1231 = arith.constant 0 : i32
        %dma_start3A_1232 = tpu.memref_slice %arg10[%add3A_1182, %dma_start3A_1231] : memref<256x64xf32, #tpu.memory_space<vmem>> -> memref<1x64xf32, #tpu.memory_space<vmem>>
        %dma_start3A_1233 = tpu.memref_squeeze %dma_start3A_1232 : memref<1x64xf32, #tpu.memory_space<vmem>> -> memref<64xf32, #tpu.memory_space<vmem>>
        %dma_start3A_1234 = arith.constant 0 : i32
        %dma_start3A_1235 = tpu.memref_slice %arg4[%select_n3A_1208, %select_n3A_1224, %dma_start3A_1234] : memref<125000x8x64xf32, #tpu.memory_space<hbm>> -> memref<1x1x64xf32, #tpu.memory_space<hbm>>
        %dma_start3A_1236 = tpu.memref_squeeze %dma_start3A_1235 : memref<1x1x64xf32, #tpu.memory_space<hbm>> -> memref<64xf32, #tpu.memory_space<hbm>>
        tpu.enqueue_dma source(%dma_start3A_1236 : memref<64xf32, #tpu.memory_space<hbm>>) target(%dma_start3A_1233 : memref<64xf32, #tpu.memory_space<vmem>>) target_semaphore(%arg15 : memref<!tpu.dma_semaphore, #tpu.memory_space<semaphore_mem>>)
        %slice3A_1237 = vector.extract_strided_slice %get3A_71 {offsets = [10], sizes = [1], strides = [1]} : vector<16xi32> to vector<1xi32>
        %squeeze3A_1238 = vector.extract %slice3A_1237[0] : i32 from vector<1xi32>
        %jit3A_1239 = arith.constant 8 : i32
        %div3A_1240 = arith.divsi %squeeze3A_1238, %jit3A_1239 : i32
        %sign3A_1241 = arith.constant 0 : i32
        %sign3A_1242 = arith.cmpi sgt, %squeeze3A_1238, %sign3A_1241 : i32
        %sign3A_1243 = arith.extui %sign3A_1242 : i1 to i32
        %sign3A_1244 = arith.constant 0 : i32
        %sign3A_1245 = arith.cmpi slt, %squeeze3A_1238, %sign3A_1244 : i32
        %sign3A_1246 = arith.extui %sign3A_1245 : i1 to i32
        %sign3A_1247 = arith.subi %sign3A_1243, %sign3A_1246 : i32
        %sign3A_1248 = arith.constant 0 : i32
        %sign3A_1249 = arith.cmpi sgt, %jit3A_1239, %sign3A_1248 : i32
        %sign3A_1250 = arith.extui %sign3A_1249 : i1 to i32
        %sign3A_1251 = arith.constant 0 : i32
        %sign3A_1252 = arith.cmpi slt, %jit3A_1239, %sign3A_1251 : i32
        %sign3A_1253 = arith.extui %sign3A_1252 : i1 to i32
        %sign3A_1254 = arith.subi %sign3A_1250, %sign3A_1253 : i32
        %ne3A_1255 = arith.cmpi ne, %sign3A_1247, %sign3A_1254 : i32
        %rem3A_1256 = arith.remsi %squeeze3A_1238, %jit3A_1239 : i32
        %ne3A_1257 = arith.constant 0 : i32
        %ne3A_1258 = arith.cmpi ne, %rem3A_1256, %ne3A_1257 : i32
        %and3A_1259 = arith.andi %ne3A_1255, %ne3A_1258 : i1
        %sub3A_1260 = arith.constant 1 : i32
        %sub3A_1261 = arith.subi %div3A_1240, %sub3A_1260 : i32
        %select_n3A_1262 = arith.select %and3A_1259, %sub3A_1261, %div3A_1240 : i32
        %jit3A_1263 = arith.constant 8 : i32
        %eq3A_1264 = arith.constant 0 : i32
        %eq3A_1265 = arith.cmpi eq, %jit3A_1263, %eq3A_1264 : i32
        %jit3A_1266 = arith.constant 1 : i32
        %select_n3A_1267 = arith.select %eq3A_1265, %jit3A_1266, %jit3A_1263 : i32
        %rem3A_1268 = arith.remsi %squeeze3A_1238, %select_n3A_1267 : i32
        %ne3A_1269 = arith.constant 0 : i32
        %ne3A_1270 = arith.cmpi ne, %rem3A_1268, %ne3A_1269 : i32
        %lt3A_1271 = arith.constant 0 : i32
        %lt3A_1272 = arith.cmpi slt, %rem3A_1268, %lt3A_1271 : i32
        %lt3A_1273 = arith.constant 0 : i32
        %lt3A_1274 = arith.cmpi slt, %select_n3A_1267, %lt3A_1273 : i32
        %ne3A_1275 = arith.xori %lt3A_1272, %lt3A_1274 : i1
        %and3A_1276 = arith.andi %ne3A_1275, %ne3A_1270 : i1
        %add3A_1277 = arith.addi %rem3A_1268, %select_n3A_1267 : i32
        %select_n3A_1278 = arith.select %and3A_1276, %add3A_1277, %rem3A_1268 : i32
        %dma_start3A_1279 = arith.constant 0 : i32
        %dma_start3A_1280 = tpu.memref_slice %arg11[%add3A_1182, %dma_start3A_1279] : memref<256x64xf32, #tpu.memory_space<vmem>> -> memref<1x64xf32, #tpu.memory_space<vmem>>
        %dma_start3A_1281 = tpu.memref_squeeze %dma_start3A_1280 : memref<1x64xf32, #tpu.memory_space<vmem>> -> memref<64xf32, #tpu.memory_space<vmem>>
        %dma_start3A_1282 = arith.constant 0 : i32
        %dma_start3A_1283 = tpu.memref_slice %arg5[%select_n3A_1262, %select_n3A_1278, %dma_start3A_1282] : memref<12500x8x64xf32, #tpu.memory_space<hbm>> -> memref<1x1x64xf32, #tpu.memory_space<hbm>>
        %dma_start3A_1284 = tpu.memref_squeeze %dma_start3A_1283 : memref<1x1x64xf32, #tpu.memory_space<hbm>> -> memref<64xf32, #tpu.memory_space<hbm>>
        %dma_start3A_1285 = arith.constant 0 : i32
        %dma_start3A_1286 = tpu.memref_slice %arg11[%add3A_1182, %dma_start3A_1285] : memref<256x64xf32, #tpu.memory_space<vmem>> -> memref<1x64xf32, #tpu.memory_space<vmem>>
        %dma_start3A_1287 = tpu.memref_squeeze %dma_start3A_1286 : memref<1x64xf32, #tpu.memory_space<vmem>> -> memref<64xf32, #tpu.memory_space<vmem>>
        %dma_start3A_1288 = arith.constant 0 : i32
        %dma_start3A_1289 = tpu.memref_slice %arg5[%select_n3A_1262, %select_n3A_1278, %dma_start3A_1288] : memref<12500x8x64xf32, #tpu.memory_space<hbm>> -> memref<1x1x64xf32, #tpu.memory_space<hbm>>
        %dma_start3A_1290 = tpu.memref_squeeze %dma_start3A_1289 : memref<1x1x64xf32, #tpu.memory_space<hbm>> -> memref<64xf32, #tpu.memory_space<hbm>>
        tpu.enqueue_dma source(%dma_start3A_1290 : memref<64xf32, #tpu.memory_space<hbm>>) target(%dma_start3A_1287 : memref<64xf32, #tpu.memory_space<vmem>>) target_semaphore(%arg16 : memref<!tpu.dma_semaphore, #tpu.memory_space<semaphore_mem>>)
        %mul3A_1291 = arith.constant 16 : i32
        %mul3A_1292 = arith.muli %scan3A_55, %mul3A_1291 : i32
        %add3A_1293 = arith.constant 11 : i32
        %add3A_1294 = arith.addi %mul3A_1292, %add3A_1293 : i32
        %slice3A_1295 = vector.extract_strided_slice %get3A_63 {offsets = [11], sizes = [1], strides = [1]} : vector<16xi32> to vector<1xi32>
        %squeeze3A_1296 = vector.extract %slice3A_1295[0] : i32 from vector<1xi32>
        %jit3A_1297 = arith.constant 8 : i32
        %div3A_1298 = arith.divsi %squeeze3A_1296, %jit3A_1297 : i32
        %sign3A_1299 = arith.constant 0 : i32
        %sign3A_1300 = arith.cmpi sgt, %squeeze3A_1296, %sign3A_1299 : i32
        %sign3A_1301 = arith.extui %sign3A_1300 : i1 to i32
        %sign3A_1302 = arith.constant 0 : i32
        %sign3A_1303 = arith.cmpi slt, %squeeze3A_1296, %sign3A_1302 : i32
        %sign3A_1304 = arith.extui %sign3A_1303 : i1 to i32
        %sign3A_1305 = arith.subi %sign3A_1301, %sign3A_1304 : i32
        %sign3A_1306 = arith.constant 0 : i32
        %sign3A_1307 = arith.cmpi sgt, %jit3A_1297, %sign3A_1306 : i32
        %sign3A_1308 = arith.extui %sign3A_1307 : i1 to i32
        %sign3A_1309 = arith.constant 0 : i32
        %sign3A_1310 = arith.cmpi slt, %jit3A_1297, %sign3A_1309 : i32
        %sign3A_1311 = arith.extui %sign3A_1310 : i1 to i32
        %sign3A_1312 = arith.subi %sign3A_1308, %sign3A_1311 : i32
        %ne3A_1313 = arith.cmpi ne, %sign3A_1305, %sign3A_1312 : i32
        %rem3A_1314 = arith.remsi %squeeze3A_1296, %jit3A_1297 : i32
        %ne3A_1315 = arith.constant 0 : i32
        %ne3A_1316 = arith.cmpi ne, %rem3A_1314, %ne3A_1315 : i32
        %and3A_1317 = arith.andi %ne3A_1313, %ne3A_1316 : i1
        %sub3A_1318 = arith.constant 1 : i32
        %sub3A_1319 = arith.subi %div3A_1298, %sub3A_1318 : i32
        %select_n3A_1320 = arith.select %and3A_1317, %sub3A_1319, %div3A_1298 : i32
        %jit3A_1321 = arith.constant 8 : i32
        %eq3A_1322 = arith.constant 0 : i32
        %eq3A_1323 = arith.cmpi eq, %jit3A_1321, %eq3A_1322 : i32
        %jit3A_1324 = arith.constant 1 : i32
        %select_n3A_1325 = arith.select %eq3A_1323, %jit3A_1324, %jit3A_1321 : i32
        %rem3A_1326 = arith.remsi %squeeze3A_1296, %select_n3A_1325 : i32
        %ne3A_1327 = arith.constant 0 : i32
        %ne3A_1328 = arith.cmpi ne, %rem3A_1326, %ne3A_1327 : i32
        %lt3A_1329 = arith.constant 0 : i32
        %lt3A_1330 = arith.cmpi slt, %rem3A_1326, %lt3A_1329 : i32
        %lt3A_1331 = arith.constant 0 : i32
        %lt3A_1332 = arith.cmpi slt, %select_n3A_1325, %lt3A_1331 : i32
        %ne3A_1333 = arith.xori %lt3A_1330, %lt3A_1332 : i1
        %and3A_1334 = arith.andi %ne3A_1333, %ne3A_1328 : i1
        %add3A_1335 = arith.addi %rem3A_1326, %select_n3A_1325 : i32
        %select_n3A_1336 = arith.select %and3A_1334, %add3A_1335, %rem3A_1326 : i32
        %dma_start3A_1337 = arith.constant 0 : i32
        %dma_start3A_1338 = tpu.memref_slice %arg10[%add3A_1294, %dma_start3A_1337] : memref<256x64xf32, #tpu.memory_space<vmem>> -> memref<1x64xf32, #tpu.memory_space<vmem>>
        %dma_start3A_1339 = tpu.memref_squeeze %dma_start3A_1338 : memref<1x64xf32, #tpu.memory_space<vmem>> -> memref<64xf32, #tpu.memory_space<vmem>>
        %dma_start3A_1340 = arith.constant 0 : i32
        %dma_start3A_1341 = tpu.memref_slice %arg4[%select_n3A_1320, %select_n3A_1336, %dma_start3A_1340] : memref<125000x8x64xf32, #tpu.memory_space<hbm>> -> memref<1x1x64xf32, #tpu.memory_space<hbm>>
        %dma_start3A_1342 = tpu.memref_squeeze %dma_start3A_1341 : memref<1x1x64xf32, #tpu.memory_space<hbm>> -> memref<64xf32, #tpu.memory_space<hbm>>
        %dma_start3A_1343 = arith.constant 0 : i32
        %dma_start3A_1344 = tpu.memref_slice %arg10[%add3A_1294, %dma_start3A_1343] : memref<256x64xf32, #tpu.memory_space<vmem>> -> memref<1x64xf32, #tpu.memory_space<vmem>>
        %dma_start3A_1345 = tpu.memref_squeeze %dma_start3A_1344 : memref<1x64xf32, #tpu.memory_space<vmem>> -> memref<64xf32, #tpu.memory_space<vmem>>
        %dma_start3A_1346 = arith.constant 0 : i32
        %dma_start3A_1347 = tpu.memref_slice %arg4[%select_n3A_1320, %select_n3A_1336, %dma_start3A_1346] : memref<125000x8x64xf32, #tpu.memory_space<hbm>> -> memref<1x1x64xf32, #tpu.memory_space<hbm>>
        %dma_start3A_1348 = tpu.memref_squeeze %dma_start3A_1347 : memref<1x1x64xf32, #tpu.memory_space<hbm>> -> memref<64xf32, #tpu.memory_space<hbm>>
        tpu.enqueue_dma source(%dma_start3A_1348 : memref<64xf32, #tpu.memory_space<hbm>>) target(%dma_start3A_1345 : memref<64xf32, #tpu.memory_space<vmem>>) target_semaphore(%arg15 : memref<!tpu.dma_semaphore, #tpu.memory_space<semaphore_mem>>)
        %slice3A_1349 = vector.extract_strided_slice %get3A_71 {offsets = [11], sizes = [1], strides = [1]} : vector<16xi32> to vector<1xi32>
        %squeeze3A_1350 = vector.extract %slice3A_1349[0] : i32 from vector<1xi32>
        %jit3A_1351 = arith.constant 8 : i32
        %div3A_1352 = arith.divsi %squeeze3A_1350, %jit3A_1351 : i32
        %sign3A_1353 = arith.constant 0 : i32
        %sign3A_1354 = arith.cmpi sgt, %squeeze3A_1350, %sign3A_1353 : i32
        %sign3A_1355 = arith.extui %sign3A_1354 : i1 to i32
        %sign3A_1356 = arith.constant 0 : i32
        %sign3A_1357 = arith.cmpi slt, %squeeze3A_1350, %sign3A_1356 : i32
        %sign3A_1358 = arith.extui %sign3A_1357 : i1 to i32
        %sign3A_1359 = arith.subi %sign3A_1355, %sign3A_1358 : i32
        %sign3A_1360 = arith.constant 0 : i32
        %sign3A_1361 = arith.cmpi sgt, %jit3A_1351, %sign3A_1360 : i32
        %sign3A_1362 = arith.extui %sign3A_1361 : i1 to i32
        %sign3A_1363 = arith.constant 0 : i32
        %sign3A_1364 = arith.cmpi slt, %jit3A_1351, %sign3A_1363 : i32
        %sign3A_1365 = arith.extui %sign3A_1364 : i1 to i32
        %sign3A_1366 = arith.subi %sign3A_1362, %sign3A_1365 : i32
        %ne3A_1367 = arith.cmpi ne, %sign3A_1359, %sign3A_1366 : i32
        %rem3A_1368 = arith.remsi %squeeze3A_1350, %jit3A_1351 : i32
        %ne3A_1369 = arith.constant 0 : i32
        %ne3A_1370 = arith.cmpi ne, %rem3A_1368, %ne3A_1369 : i32
        %and3A_1371 = arith.andi %ne3A_1367, %ne3A_1370 : i1
        %sub3A_1372 = arith.constant 1 : i32
        %sub3A_1373 = arith.subi %div3A_1352, %sub3A_1372 : i32
        %select_n3A_1374 = arith.select %and3A_1371, %sub3A_1373, %div3A_1352 : i32
        %jit3A_1375 = arith.constant 8 : i32
        %eq3A_1376 = arith.constant 0 : i32
        %eq3A_1377 = arith.cmpi eq, %jit3A_1375, %eq3A_1376 : i32
        %jit3A_1378 = arith.constant 1 : i32
        %select_n3A_1379 = arith.select %eq3A_1377, %jit3A_1378, %jit3A_1375 : i32
        %rem3A_1380 = arith.remsi %squeeze3A_1350, %select_n3A_1379 : i32
        %ne3A_1381 = arith.constant 0 : i32
        %ne3A_1382 = arith.cmpi ne, %rem3A_1380, %ne3A_1381 : i32
        %lt3A_1383 = arith.constant 0 : i32
        %lt3A_1384 = arith.cmpi slt, %rem3A_1380, %lt3A_1383 : i32
        %lt3A_1385 = arith.constant 0 : i32
        %lt3A_1386 = arith.cmpi slt, %select_n3A_1379, %lt3A_1385 : i32
        %ne3A_1387 = arith.xori %lt3A_1384, %lt3A_1386 : i1
        %and3A_1388 = arith.andi %ne3A_1387, %ne3A_1382 : i1
        %add3A_1389 = arith.addi %rem3A_1380, %select_n3A_1379 : i32
        %select_n3A_1390 = arith.select %and3A_1388, %add3A_1389, %rem3A_1380 : i32
        %dma_start3A_1391 = arith.constant 0 : i32
        %dma_start3A_1392 = tpu.memref_slice %arg11[%add3A_1294, %dma_start3A_1391] : memref<256x64xf32, #tpu.memory_space<vmem>> -> memref<1x64xf32, #tpu.memory_space<vmem>>
        %dma_start3A_1393 = tpu.memref_squeeze %dma_start3A_1392 : memref<1x64xf32, #tpu.memory_space<vmem>> -> memref<64xf32, #tpu.memory_space<vmem>>
        %dma_start3A_1394 = arith.constant 0 : i32
        %dma_start3A_1395 = tpu.memref_slice %arg5[%select_n3A_1374, %select_n3A_1390, %dma_start3A_1394] : memref<12500x8x64xf32, #tpu.memory_space<hbm>> -> memref<1x1x64xf32, #tpu.memory_space<hbm>>
        %dma_start3A_1396 = tpu.memref_squeeze %dma_start3A_1395 : memref<1x1x64xf32, #tpu.memory_space<hbm>> -> memref<64xf32, #tpu.memory_space<hbm>>
        %dma_start3A_1397 = arith.constant 0 : i32
        %dma_start3A_1398 = tpu.memref_slice %arg11[%add3A_1294, %dma_start3A_1397] : memref<256x64xf32, #tpu.memory_space<vmem>> -> memref<1x64xf32, #tpu.memory_space<vmem>>
        %dma_start3A_1399 = tpu.memref_squeeze %dma_start3A_1398 : memref<1x64xf32, #tpu.memory_space<vmem>> -> memref<64xf32, #tpu.memory_space<vmem>>
        %dma_start3A_1400 = arith.constant 0 : i32
        %dma_start3A_1401 = tpu.memref_slice %arg5[%select_n3A_1374, %select_n3A_1390, %dma_start3A_1400] : memref<12500x8x64xf32, #tpu.memory_space<hbm>> -> memref<1x1x64xf32, #tpu.memory_space<hbm>>
        %dma_start3A_1402 = tpu.memref_squeeze %dma_start3A_1401 : memref<1x1x64xf32, #tpu.memory_space<hbm>> -> memref<64xf32, #tpu.memory_space<hbm>>
        tpu.enqueue_dma source(%dma_start3A_1402 : memref<64xf32, #tpu.memory_space<hbm>>) target(%dma_start3A_1399 : memref<64xf32, #tpu.memory_space<vmem>>) target_semaphore(%arg16 : memref<!tpu.dma_semaphore, #tpu.memory_space<semaphore_mem>>)
        %mul3A_1403 = arith.constant 16 : i32
        %mul3A_1404 = arith.muli %scan3A_55, %mul3A_1403 : i32
        %add3A_1405 = arith.constant 12 : i32
        %add3A_1406 = arith.addi %mul3A_1404, %add3A_1405 : i32
        %slice3A_1407 = vector.extract_strided_slice %get3A_63 {offsets = [12], sizes = [1], strides = [1]} : vector<16xi32> to vector<1xi32>
        %squeeze3A_1408 = vector.extract %slice3A_1407[0] : i32 from vector<1xi32>
        %jit3A_1409 = arith.constant 8 : i32
        %div3A_1410 = arith.divsi %squeeze3A_1408, %jit3A_1409 : i32
        %sign3A_1411 = arith.constant 0 : i32
        %sign3A_1412 = arith.cmpi sgt, %squeeze3A_1408, %sign3A_1411 : i32
        %sign3A_1413 = arith.extui %sign3A_1412 : i1 to i32
        %sign3A_1414 = arith.constant 0 : i32
        %sign3A_1415 = arith.cmpi slt, %squeeze3A_1408, %sign3A_1414 : i32
        %sign3A_1416 = arith.extui %sign3A_1415 : i1 to i32
        %sign3A_1417 = arith.subi %sign3A_1413, %sign3A_1416 : i32
        %sign3A_1418 = arith.constant 0 : i32
        %sign3A_1419 = arith.cmpi sgt, %jit3A_1409, %sign3A_1418 : i32
        %sign3A_1420 = arith.extui %sign3A_1419 : i1 to i32
        %sign3A_1421 = arith.constant 0 : i32
        %sign3A_1422 = arith.cmpi slt, %jit3A_1409, %sign3A_1421 : i32
        %sign3A_1423 = arith.extui %sign3A_1422 : i1 to i32
        %sign3A_1424 = arith.subi %sign3A_1420, %sign3A_1423 : i32
        %ne3A_1425 = arith.cmpi ne, %sign3A_1417, %sign3A_1424 : i32
        %rem3A_1426 = arith.remsi %squeeze3A_1408, %jit3A_1409 : i32
        %ne3A_1427 = arith.constant 0 : i32
        %ne3A_1428 = arith.cmpi ne, %rem3A_1426, %ne3A_1427 : i32
        %and3A_1429 = arith.andi %ne3A_1425, %ne3A_1428 : i1
        %sub3A_1430 = arith.constant 1 : i32
        %sub3A_1431 = arith.subi %div3A_1410, %sub3A_1430 : i32
        %select_n3A_1432 = arith.select %and3A_1429, %sub3A_1431, %div3A_1410 : i32
        %jit3A_1433 = arith.constant 8 : i32
        %eq3A_1434 = arith.constant 0 : i32
        %eq3A_1435 = arith.cmpi eq, %jit3A_1433, %eq3A_1434 : i32
        %jit3A_1436 = arith.constant 1 : i32
        %select_n3A_1437 = arith.select %eq3A_1435, %jit3A_1436, %jit3A_1433 : i32
        %rem3A_1438 = arith.remsi %squeeze3A_1408, %select_n3A_1437 : i32
        %ne3A_1439 = arith.constant 0 : i32
        %ne3A_1440 = arith.cmpi ne, %rem3A_1438, %ne3A_1439 : i32
        %lt3A_1441 = arith.constant 0 : i32
        %lt3A_1442 = arith.cmpi slt, %rem3A_1438, %lt3A_1441 : i32
        %lt3A_1443 = arith.constant 0 : i32
        %lt3A_1444 = arith.cmpi slt, %select_n3A_1437, %lt3A_1443 : i32
        %ne3A_1445 = arith.xori %lt3A_1442, %lt3A_1444 : i1
        %and3A_1446 = arith.andi %ne3A_1445, %ne3A_1440 : i1
        %add3A_1447 = arith.addi %rem3A_1438, %select_n3A_1437 : i32
        %select_n3A_1448 = arith.select %and3A_1446, %add3A_1447, %rem3A_1438 : i32
        %dma_start3A_1449 = arith.constant 0 : i32
        %dma_start3A_1450 = tpu.memref_slice %arg10[%add3A_1406, %dma_start3A_1449] : memref<256x64xf32, #tpu.memory_space<vmem>> -> memref<1x64xf32, #tpu.memory_space<vmem>>
        %dma_start3A_1451 = tpu.memref_squeeze %dma_start3A_1450 : memref<1x64xf32, #tpu.memory_space<vmem>> -> memref<64xf32, #tpu.memory_space<vmem>>
        %dma_start3A_1452 = arith.constant 0 : i32
        %dma_start3A_1453 = tpu.memref_slice %arg4[%select_n3A_1432, %select_n3A_1448, %dma_start3A_1452] : memref<125000x8x64xf32, #tpu.memory_space<hbm>> -> memref<1x1x64xf32, #tpu.memory_space<hbm>>
        %dma_start3A_1454 = tpu.memref_squeeze %dma_start3A_1453 : memref<1x1x64xf32, #tpu.memory_space<hbm>> -> memref<64xf32, #tpu.memory_space<hbm>>
        %dma_start3A_1455 = arith.constant 0 : i32
        %dma_start3A_1456 = tpu.memref_slice %arg10[%add3A_1406, %dma_start3A_1455] : memref<256x64xf32, #tpu.memory_space<vmem>> -> memref<1x64xf32, #tpu.memory_space<vmem>>
        %dma_start3A_1457 = tpu.memref_squeeze %dma_start3A_1456 : memref<1x64xf32, #tpu.memory_space<vmem>> -> memref<64xf32, #tpu.memory_space<vmem>>
        %dma_start3A_1458 = arith.constant 0 : i32
        %dma_start3A_1459 = tpu.memref_slice %arg4[%select_n3A_1432, %select_n3A_1448, %dma_start3A_1458] : memref<125000x8x64xf32, #tpu.memory_space<hbm>> -> memref<1x1x64xf32, #tpu.memory_space<hbm>>
        %dma_start3A_1460 = tpu.memref_squeeze %dma_start3A_1459 : memref<1x1x64xf32, #tpu.memory_space<hbm>> -> memref<64xf32, #tpu.memory_space<hbm>>
        tpu.enqueue_dma source(%dma_start3A_1460 : memref<64xf32, #tpu.memory_space<hbm>>) target(%dma_start3A_1457 : memref<64xf32, #tpu.memory_space<vmem>>) target_semaphore(%arg15 : memref<!tpu.dma_semaphore, #tpu.memory_space<semaphore_mem>>)
        %slice3A_1461 = vector.extract_strided_slice %get3A_71 {offsets = [12], sizes = [1], strides = [1]} : vector<16xi32> to vector<1xi32>
        %squeeze3A_1462 = vector.extract %slice3A_1461[0] : i32 from vector<1xi32>
        %jit3A_1463 = arith.constant 8 : i32
        %div3A_1464 = arith.divsi %squeeze3A_1462, %jit3A_1463 : i32
        %sign3A_1465 = arith.constant 0 : i32
        %sign3A_1466 = arith.cmpi sgt, %squeeze3A_1462, %sign3A_1465 : i32
        %sign3A_1467 = arith.extui %sign3A_1466 : i1 to i32
        %sign3A_1468 = arith.constant 0 : i32
        %sign3A_1469 = arith.cmpi slt, %squeeze3A_1462, %sign3A_1468 : i32
        %sign3A_1470 = arith.extui %sign3A_1469 : i1 to i32
        %sign3A_1471 = arith.subi %sign3A_1467, %sign3A_1470 : i32
        %sign3A_1472 = arith.constant 0 : i32
        %sign3A_1473 = arith.cmpi sgt, %jit3A_1463, %sign3A_1472 : i32
        %sign3A_1474 = arith.extui %sign3A_1473 : i1 to i32
        %sign3A_1475 = arith.constant 0 : i32
        %sign3A_1476 = arith.cmpi slt, %jit3A_1463, %sign3A_1475 : i32
        %sign3A_1477 = arith.extui %sign3A_1476 : i1 to i32
        %sign3A_1478 = arith.subi %sign3A_1474, %sign3A_1477 : i32
        %ne3A_1479 = arith.cmpi ne, %sign3A_1471, %sign3A_1478 : i32
        %rem3A_1480 = arith.remsi %squeeze3A_1462, %jit3A_1463 : i32
        %ne3A_1481 = arith.constant 0 : i32
        %ne3A_1482 = arith.cmpi ne, %rem3A_1480, %ne3A_1481 : i32
        %and3A_1483 = arith.andi %ne3A_1479, %ne3A_1482 : i1
        %sub3A_1484 = arith.constant 1 : i32
        %sub3A_1485 = arith.subi %div3A_1464, %sub3A_1484 : i32
        %select_n3A_1486 = arith.select %and3A_1483, %sub3A_1485, %div3A_1464 : i32
        %jit3A_1487 = arith.constant 8 : i32
        %eq3A_1488 = arith.constant 0 : i32
        %eq3A_1489 = arith.cmpi eq, %jit3A_1487, %eq3A_1488 : i32
        %jit3A_1490 = arith.constant 1 : i32
        %select_n3A_1491 = arith.select %eq3A_1489, %jit3A_1490, %jit3A_1487 : i32
        %rem3A_1492 = arith.remsi %squeeze3A_1462, %select_n3A_1491 : i32
        %ne3A_1493 = arith.constant 0 : i32
        %ne3A_1494 = arith.cmpi ne, %rem3A_1492, %ne3A_1493 : i32
        %lt3A_1495 = arith.constant 0 : i32
        %lt3A_1496 = arith.cmpi slt, %rem3A_1492, %lt3A_1495 : i32
        %lt3A_1497 = arith.constant 0 : i32
        %lt3A_1498 = arith.cmpi slt, %select_n3A_1491, %lt3A_1497 : i32
        %ne3A_1499 = arith.xori %lt3A_1496, %lt3A_1498 : i1
        %and3A_1500 = arith.andi %ne3A_1499, %ne3A_1494 : i1
        %add3A_1501 = arith.addi %rem3A_1492, %select_n3A_1491 : i32
        %select_n3A_1502 = arith.select %and3A_1500, %add3A_1501, %rem3A_1492 : i32
        %dma_start3A_1503 = arith.constant 0 : i32
        %dma_start3A_1504 = tpu.memref_slice %arg11[%add3A_1406, %dma_start3A_1503] : memref<256x64xf32, #tpu.memory_space<vmem>> -> memref<1x64xf32, #tpu.memory_space<vmem>>
        %dma_start3A_1505 = tpu.memref_squeeze %dma_start3A_1504 : memref<1x64xf32, #tpu.memory_space<vmem>> -> memref<64xf32, #tpu.memory_space<vmem>>
        %dma_start3A_1506 = arith.constant 0 : i32
        %dma_start3A_1507 = tpu.memref_slice %arg5[%select_n3A_1486, %select_n3A_1502, %dma_start3A_1506] : memref<12500x8x64xf32, #tpu.memory_space<hbm>> -> memref<1x1x64xf32, #tpu.memory_space<hbm>>
        %dma_start3A_1508 = tpu.memref_squeeze %dma_start3A_1507 : memref<1x1x64xf32, #tpu.memory_space<hbm>> -> memref<64xf32, #tpu.memory_space<hbm>>
        %dma_start3A_1509 = arith.constant 0 : i32
        %dma_start3A_1510 = tpu.memref_slice %arg11[%add3A_1406, %dma_start3A_1509] : memref<256x64xf32, #tpu.memory_space<vmem>> -> memref<1x64xf32, #tpu.memory_space<vmem>>
        %dma_start3A_1511 = tpu.memref_squeeze %dma_start3A_1510 : memref<1x64xf32, #tpu.memory_space<vmem>> -> memref<64xf32, #tpu.memory_space<vmem>>
        %dma_start3A_1512 = arith.constant 0 : i32
        %dma_start3A_1513 = tpu.memref_slice %arg5[%select_n3A_1486, %select_n3A_1502, %dma_start3A_1512] : memref<12500x8x64xf32, #tpu.memory_space<hbm>> -> memref<1x1x64xf32, #tpu.memory_space<hbm>>
        %dma_start3A_1514 = tpu.memref_squeeze %dma_start3A_1513 : memref<1x1x64xf32, #tpu.memory_space<hbm>> -> memref<64xf32, #tpu.memory_space<hbm>>
        tpu.enqueue_dma source(%dma_start3A_1514 : memref<64xf32, #tpu.memory_space<hbm>>) target(%dma_start3A_1511 : memref<64xf32, #tpu.memory_space<vmem>>) target_semaphore(%arg16 : memref<!tpu.dma_semaphore, #tpu.memory_space<semaphore_mem>>)
        %mul3A_1515 = arith.constant 16 : i32
        %mul3A_1516 = arith.muli %scan3A_55, %mul3A_1515 : i32
        %add3A_1517 = arith.constant 13 : i32
        %add3A_1518 = arith.addi %mul3A_1516, %add3A_1517 : i32
        %slice3A_1519 = vector.extract_strided_slice %get3A_63 {offsets = [13], sizes = [1], strides = [1]} : vector<16xi32> to vector<1xi32>
        %squeeze3A_1520 = vector.extract %slice3A_1519[0] : i32 from vector<1xi32>
        %jit3A_1521 = arith.constant 8 : i32
        %div3A_1522 = arith.divsi %squeeze3A_1520, %jit3A_1521 : i32
        %sign3A_1523 = arith.constant 0 : i32
        %sign3A_1524 = arith.cmpi sgt, %squeeze3A_1520, %sign3A_1523 : i32
        %sign3A_1525 = arith.extui %sign3A_1524 : i1 to i32
        %sign3A_1526 = arith.constant 0 : i32
        %sign3A_1527 = arith.cmpi slt, %squeeze3A_1520, %sign3A_1526 : i32
        %sign3A_1528 = arith.extui %sign3A_1527 : i1 to i32
        %sign3A_1529 = arith.subi %sign3A_1525, %sign3A_1528 : i32
        %sign3A_1530 = arith.constant 0 : i32
        %sign3A_1531 = arith.cmpi sgt, %jit3A_1521, %sign3A_1530 : i32
        %sign3A_1532 = arith.extui %sign3A_1531 : i1 to i32
        %sign3A_1533 = arith.constant 0 : i32
        %sign3A_1534 = arith.cmpi slt, %jit3A_1521, %sign3A_1533 : i32
        %sign3A_1535 = arith.extui %sign3A_1534 : i1 to i32
        %sign3A_1536 = arith.subi %sign3A_1532, %sign3A_1535 : i32
        %ne3A_1537 = arith.cmpi ne, %sign3A_1529, %sign3A_1536 : i32
        %rem3A_1538 = arith.remsi %squeeze3A_1520, %jit3A_1521 : i32
        %ne3A_1539 = arith.constant 0 : i32
        %ne3A_1540 = arith.cmpi ne, %rem3A_1538, %ne3A_1539 : i32
        %and3A_1541 = arith.andi %ne3A_1537, %ne3A_1540 : i1
        %sub3A_1542 = arith.constant 1 : i32
        %sub3A_1543 = arith.subi %div3A_1522, %sub3A_1542 : i32
        %select_n3A_1544 = arith.select %and3A_1541, %sub3A_1543, %div3A_1522 : i32
        %jit3A_1545 = arith.constant 8 : i32
        %eq3A_1546 = arith.constant 0 : i32
        %eq3A_1547 = arith.cmpi eq, %jit3A_1545, %eq3A_1546 : i32
        %jit3A_1548 = arith.constant 1 : i32
        %select_n3A_1549 = arith.select %eq3A_1547, %jit3A_1548, %jit3A_1545 : i32
        %rem3A_1550 = arith.remsi %squeeze3A_1520, %select_n3A_1549 : i32
        %ne3A_1551 = arith.constant 0 : i32
        %ne3A_1552 = arith.cmpi ne, %rem3A_1550, %ne3A_1551 : i32
        %lt3A_1553 = arith.constant 0 : i32
        %lt3A_1554 = arith.cmpi slt, %rem3A_1550, %lt3A_1553 : i32
        %lt3A_1555 = arith.constant 0 : i32
        %lt3A_1556 = arith.cmpi slt, %select_n3A_1549, %lt3A_1555 : i32
        %ne3A_1557 = arith.xori %lt3A_1554, %lt3A_1556 : i1
        %and3A_1558 = arith.andi %ne3A_1557, %ne3A_1552 : i1
        %add3A_1559 = arith.addi %rem3A_1550, %select_n3A_1549 : i32
        %select_n3A_1560 = arith.select %and3A_1558, %add3A_1559, %rem3A_1550 : i32
        %dma_start3A_1561 = arith.constant 0 : i32
        %dma_start3A_1562 = tpu.memref_slice %arg10[%add3A_1518, %dma_start3A_1561] : memref<256x64xf32, #tpu.memory_space<vmem>> -> memref<1x64xf32, #tpu.memory_space<vmem>>
        %dma_start3A_1563 = tpu.memref_squeeze %dma_start3A_1562 : memref<1x64xf32, #tpu.memory_space<vmem>> -> memref<64xf32, #tpu.memory_space<vmem>>
        %dma_start3A_1564 = arith.constant 0 : i32
        %dma_start3A_1565 = tpu.memref_slice %arg4[%select_n3A_1544, %select_n3A_1560, %dma_start3A_1564] : memref<125000x8x64xf32, #tpu.memory_space<hbm>> -> memref<1x1x64xf32, #tpu.memory_space<hbm>>
        %dma_start3A_1566 = tpu.memref_squeeze %dma_start3A_1565 : memref<1x1x64xf32, #tpu.memory_space<hbm>> -> memref<64xf32, #tpu.memory_space<hbm>>
        %dma_start3A_1567 = arith.constant 0 : i32
        %dma_start3A_1568 = tpu.memref_slice %arg10[%add3A_1518, %dma_start3A_1567] : memref<256x64xf32, #tpu.memory_space<vmem>> -> memref<1x64xf32, #tpu.memory_space<vmem>>
        %dma_start3A_1569 = tpu.memref_squeeze %dma_start3A_1568 : memref<1x64xf32, #tpu.memory_space<vmem>> -> memref<64xf32, #tpu.memory_space<vmem>>
        %dma_start3A_1570 = arith.constant 0 : i32
        %dma_start3A_1571 = tpu.memref_slice %arg4[%select_n3A_1544, %select_n3A_1560, %dma_start3A_1570] : memref<125000x8x64xf32, #tpu.memory_space<hbm>> -> memref<1x1x64xf32, #tpu.memory_space<hbm>>
        %dma_start3A_1572 = tpu.memref_squeeze %dma_start3A_1571 : memref<1x1x64xf32, #tpu.memory_space<hbm>> -> memref<64xf32, #tpu.memory_space<hbm>>
        tpu.enqueue_dma source(%dma_start3A_1572 : memref<64xf32, #tpu.memory_space<hbm>>) target(%dma_start3A_1569 : memref<64xf32, #tpu.memory_space<vmem>>) target_semaphore(%arg15 : memref<!tpu.dma_semaphore, #tpu.memory_space<semaphore_mem>>)
        %slice3A_1573 = vector.extract_strided_slice %get3A_71 {offsets = [13], sizes = [1], strides = [1]} : vector<16xi32> to vector<1xi32>
        %squeeze3A_1574 = vector.extract %slice3A_1573[0] : i32 from vector<1xi32>
        %jit3A_1575 = arith.constant 8 : i32
        %div3A_1576 = arith.divsi %squeeze3A_1574, %jit3A_1575 : i32
        %sign3A_1577 = arith.constant 0 : i32
        %sign3A_1578 = arith.cmpi sgt, %squeeze3A_1574, %sign3A_1577 : i32
        %sign3A_1579 = arith.extui %sign3A_1578 : i1 to i32
        %sign3A_1580 = arith.constant 0 : i32
        %sign3A_1581 = arith.cmpi slt, %squeeze3A_1574, %sign3A_1580 : i32
        %sign3A_1582 = arith.extui %sign3A_1581 : i1 to i32
        %sign3A_1583 = arith.subi %sign3A_1579, %sign3A_1582 : i32
        %sign3A_1584 = arith.constant 0 : i32
        %sign3A_1585 = arith.cmpi sgt, %jit3A_1575, %sign3A_1584 : i32
        %sign3A_1586 = arith.extui %sign3A_1585 : i1 to i32
        %sign3A_1587 = arith.constant 0 : i32
        %sign3A_1588 = arith.cmpi slt, %jit3A_1575, %sign3A_1587 : i32
        %sign3A_1589 = arith.extui %sign3A_1588 : i1 to i32
        %sign3A_1590 = arith.subi %sign3A_1586, %sign3A_1589 : i32
        %ne3A_1591 = arith.cmpi ne, %sign3A_1583, %sign3A_1590 : i32
        %rem3A_1592 = arith.remsi %squeeze3A_1574, %jit3A_1575 : i32
        %ne3A_1593 = arith.constant 0 : i32
        %ne3A_1594 = arith.cmpi ne, %rem3A_1592, %ne3A_1593 : i32
        %and3A_1595 = arith.andi %ne3A_1591, %ne3A_1594 : i1
        %sub3A_1596 = arith.constant 1 : i32
        %sub3A_1597 = arith.subi %div3A_1576, %sub3A_1596 : i32
        %select_n3A_1598 = arith.select %and3A_1595, %sub3A_1597, %div3A_1576 : i32
        %jit3A_1599 = arith.constant 8 : i32
        %eq3A_1600 = arith.constant 0 : i32
        %eq3A_1601 = arith.cmpi eq, %jit3A_1599, %eq3A_1600 : i32
        %jit3A_1602 = arith.constant 1 : i32
        %select_n3A_1603 = arith.select %eq3A_1601, %jit3A_1602, %jit3A_1599 : i32
        %rem3A_1604 = arith.remsi %squeeze3A_1574, %select_n3A_1603 : i32
        %ne3A_1605 = arith.constant 0 : i32
        %ne3A_1606 = arith.cmpi ne, %rem3A_1604, %ne3A_1605 : i32
        %lt3A_1607 = arith.constant 0 : i32
        %lt3A_1608 = arith.cmpi slt, %rem3A_1604, %lt3A_1607 : i32
        %lt3A_1609 = arith.constant 0 : i32
        %lt3A_1610 = arith.cmpi slt, %select_n3A_1603, %lt3A_1609 : i32
        %ne3A_1611 = arith.xori %lt3A_1608, %lt3A_1610 : i1
        %and3A_1612 = arith.andi %ne3A_1611, %ne3A_1606 : i1
        %add3A_1613 = arith.addi %rem3A_1604, %select_n3A_1603 : i32
        %select_n3A_1614 = arith.select %and3A_1612, %add3A_1613, %rem3A_1604 : i32
        %dma_start3A_1615 = arith.constant 0 : i32
        %dma_start3A_1616 = tpu.memref_slice %arg11[%add3A_1518, %dma_start3A_1615] : memref<256x64xf32, #tpu.memory_space<vmem>> -> memref<1x64xf32, #tpu.memory_space<vmem>>
        %dma_start3A_1617 = tpu.memref_squeeze %dma_start3A_1616 : memref<1x64xf32, #tpu.memory_space<vmem>> -> memref<64xf32, #tpu.memory_space<vmem>>
        %dma_start3A_1618 = arith.constant 0 : i32
        %dma_start3A_1619 = tpu.memref_slice %arg5[%select_n3A_1598, %select_n3A_1614, %dma_start3A_1618] : memref<12500x8x64xf32, #tpu.memory_space<hbm>> -> memref<1x1x64xf32, #tpu.memory_space<hbm>>
        %dma_start3A_1620 = tpu.memref_squeeze %dma_start3A_1619 : memref<1x1x64xf32, #tpu.memory_space<hbm>> -> memref<64xf32, #tpu.memory_space<hbm>>
        %dma_start3A_1621 = arith.constant 0 : i32
        %dma_start3A_1622 = tpu.memref_slice %arg11[%add3A_1518, %dma_start3A_1621] : memref<256x64xf32, #tpu.memory_space<vmem>> -> memref<1x64xf32, #tpu.memory_space<vmem>>
        %dma_start3A_1623 = tpu.memref_squeeze %dma_start3A_1622 : memref<1x64xf32, #tpu.memory_space<vmem>> -> memref<64xf32, #tpu.memory_space<vmem>>
        %dma_start3A_1624 = arith.constant 0 : i32
        %dma_start3A_1625 = tpu.memref_slice %arg5[%select_n3A_1598, %select_n3A_1614, %dma_start3A_1624] : memref<12500x8x64xf32, #tpu.memory_space<hbm>> -> memref<1x1x64xf32, #tpu.memory_space<hbm>>
        %dma_start3A_1626 = tpu.memref_squeeze %dma_start3A_1625 : memref<1x1x64xf32, #tpu.memory_space<hbm>> -> memref<64xf32, #tpu.memory_space<hbm>>
        tpu.enqueue_dma source(%dma_start3A_1626 : memref<64xf32, #tpu.memory_space<hbm>>) target(%dma_start3A_1623 : memref<64xf32, #tpu.memory_space<vmem>>) target_semaphore(%arg16 : memref<!tpu.dma_semaphore, #tpu.memory_space<semaphore_mem>>)
        %mul3A_1627 = arith.constant 16 : i32
        %mul3A_1628 = arith.muli %scan3A_55, %mul3A_1627 : i32
        %add3A_1629 = arith.constant 14 : i32
        %add3A_1630 = arith.addi %mul3A_1628, %add3A_1629 : i32
        %slice3A_1631 = vector.extract_strided_slice %get3A_63 {offsets = [14], sizes = [1], strides = [1]} : vector<16xi32> to vector<1xi32>
        %squeeze3A_1632 = vector.extract %slice3A_1631[0] : i32 from vector<1xi32>
        %jit3A_1633 = arith.constant 8 : i32
        %div3A_1634 = arith.divsi %squeeze3A_1632, %jit3A_1633 : i32
        %sign3A_1635 = arith.constant 0 : i32
        %sign3A_1636 = arith.cmpi sgt, %squeeze3A_1632, %sign3A_1635 : i32
        %sign3A_1637 = arith.extui %sign3A_1636 : i1 to i32
        %sign3A_1638 = arith.constant 0 : i32
        %sign3A_1639 = arith.cmpi slt, %squeeze3A_1632, %sign3A_1638 : i32
        %sign3A_1640 = arith.extui %sign3A_1639 : i1 to i32
        %sign3A_1641 = arith.subi %sign3A_1637, %sign3A_1640 : i32
        %sign3A_1642 = arith.constant 0 : i32
        %sign3A_1643 = arith.cmpi sgt, %jit3A_1633, %sign3A_1642 : i32
        %sign3A_1644 = arith.extui %sign3A_1643 : i1 to i32
        %sign3A_1645 = arith.constant 0 : i32
        %sign3A_1646 = arith.cmpi slt, %jit3A_1633, %sign3A_1645 : i32
        %sign3A_1647 = arith.extui %sign3A_1646 : i1 to i32
        %sign3A_1648 = arith.subi %sign3A_1644, %sign3A_1647 : i32
        %ne3A_1649 = arith.cmpi ne, %sign3A_1641, %sign3A_1648 : i32
        %rem3A_1650 = arith.remsi %squeeze3A_1632, %jit3A_1633 : i32
        %ne3A_1651 = arith.constant 0 : i32
        %ne3A_1652 = arith.cmpi ne, %rem3A_1650, %ne3A_1651 : i32
        %and3A_1653 = arith.andi %ne3A_1649, %ne3A_1652 : i1
        %sub3A_1654 = arith.constant 1 : i32
        %sub3A_1655 = arith.subi %div3A_1634, %sub3A_1654 : i32
        %select_n3A_1656 = arith.select %and3A_1653, %sub3A_1655, %div3A_1634 : i32
        %jit3A_1657 = arith.constant 8 : i32
        %eq3A_1658 = arith.constant 0 : i32
        %eq3A_1659 = arith.cmpi eq, %jit3A_1657, %eq3A_1658 : i32
        %jit3A_1660 = arith.constant 1 : i32
        %select_n3A_1661 = arith.select %eq3A_1659, %jit3A_1660, %jit3A_1657 : i32
        %rem3A_1662 = arith.remsi %squeeze3A_1632, %select_n3A_1661 : i32
        %ne3A_1663 = arith.constant 0 : i32
        %ne3A_1664 = arith.cmpi ne, %rem3A_1662, %ne3A_1663 : i32
        %lt3A_1665 = arith.constant 0 : i32
        %lt3A_1666 = arith.cmpi slt, %rem3A_1662, %lt3A_1665 : i32
        %lt3A_1667 = arith.constant 0 : i32
        %lt3A_1668 = arith.cmpi slt, %select_n3A_1661, %lt3A_1667 : i32
        %ne3A_1669 = arith.xori %lt3A_1666, %lt3A_1668 : i1
        %and3A_1670 = arith.andi %ne3A_1669, %ne3A_1664 : i1
        %add3A_1671 = arith.addi %rem3A_1662, %select_n3A_1661 : i32
        %select_n3A_1672 = arith.select %and3A_1670, %add3A_1671, %rem3A_1662 : i32
        %dma_start3A_1673 = arith.constant 0 : i32
        %dma_start3A_1674 = tpu.memref_slice %arg10[%add3A_1630, %dma_start3A_1673] : memref<256x64xf32, #tpu.memory_space<vmem>> -> memref<1x64xf32, #tpu.memory_space<vmem>>
        %dma_start3A_1675 = tpu.memref_squeeze %dma_start3A_1674 : memref<1x64xf32, #tpu.memory_space<vmem>> -> memref<64xf32, #tpu.memory_space<vmem>>
        %dma_start3A_1676 = arith.constant 0 : i32
        %dma_start3A_1677 = tpu.memref_slice %arg4[%select_n3A_1656, %select_n3A_1672, %dma_start3A_1676] : memref<125000x8x64xf32, #tpu.memory_space<hbm>> -> memref<1x1x64xf32, #tpu.memory_space<hbm>>
        %dma_start3A_1678 = tpu.memref_squeeze %dma_start3A_1677 : memref<1x1x64xf32, #tpu.memory_space<hbm>> -> memref<64xf32, #tpu.memory_space<hbm>>
        %dma_start3A_1679 = arith.constant 0 : i32
        %dma_start3A_1680 = tpu.memref_slice %arg10[%add3A_1630, %dma_start3A_1679] : memref<256x64xf32, #tpu.memory_space<vmem>> -> memref<1x64xf32, #tpu.memory_space<vmem>>
        %dma_start3A_1681 = tpu.memref_squeeze %dma_start3A_1680 : memref<1x64xf32, #tpu.memory_space<vmem>> -> memref<64xf32, #tpu.memory_space<vmem>>
        %dma_start3A_1682 = arith.constant 0 : i32
        %dma_start3A_1683 = tpu.memref_slice %arg4[%select_n3A_1656, %select_n3A_1672, %dma_start3A_1682] : memref<125000x8x64xf32, #tpu.memory_space<hbm>> -> memref<1x1x64xf32, #tpu.memory_space<hbm>>
        %dma_start3A_1684 = tpu.memref_squeeze %dma_start3A_1683 : memref<1x1x64xf32, #tpu.memory_space<hbm>> -> memref<64xf32, #tpu.memory_space<hbm>>
        tpu.enqueue_dma source(%dma_start3A_1684 : memref<64xf32, #tpu.memory_space<hbm>>) target(%dma_start3A_1681 : memref<64xf32, #tpu.memory_space<vmem>>) target_semaphore(%arg15 : memref<!tpu.dma_semaphore, #tpu.memory_space<semaphore_mem>>)
        %slice3A_1685 = vector.extract_strided_slice %get3A_71 {offsets = [14], sizes = [1], strides = [1]} : vector<16xi32> to vector<1xi32>
        %squeeze3A_1686 = vector.extract %slice3A_1685[0] : i32 from vector<1xi32>
        %jit3A_1687 = arith.constant 8 : i32
        %div3A_1688 = arith.divsi %squeeze3A_1686, %jit3A_1687 : i32
        %sign3A_1689 = arith.constant 0 : i32
        %sign3A_1690 = arith.cmpi sgt, %squeeze3A_1686, %sign3A_1689 : i32
        %sign3A_1691 = arith.extui %sign3A_1690 : i1 to i32
        %sign3A_1692 = arith.constant 0 : i32
        %sign3A_1693 = arith.cmpi slt, %squeeze3A_1686, %sign3A_1692 : i32
        %sign3A_1694 = arith.extui %sign3A_1693 : i1 to i32
        %sign3A_1695 = arith.subi %sign3A_1691, %sign3A_1694 : i32
        %sign3A_1696 = arith.constant 0 : i32
        %sign3A_1697 = arith.cmpi sgt, %jit3A_1687, %sign3A_1696 : i32
        %sign3A_1698 = arith.extui %sign3A_1697 : i1 to i32
        %sign3A_1699 = arith.constant 0 : i32
        %sign3A_1700 = arith.cmpi slt, %jit3A_1687, %sign3A_1699 : i32
        %sign3A_1701 = arith.extui %sign3A_1700 : i1 to i32
        %sign3A_1702 = arith.subi %sign3A_1698, %sign3A_1701 : i32
        %ne3A_1703 = arith.cmpi ne, %sign3A_1695, %sign3A_1702 : i32
        %rem3A_1704 = arith.remsi %squeeze3A_1686, %jit3A_1687 : i32
        %ne3A_1705 = arith.constant 0 : i32
        %ne3A_1706 = arith.cmpi ne, %rem3A_1704, %ne3A_1705 : i32
        %and3A_1707 = arith.andi %ne3A_1703, %ne3A_1706 : i1
        %sub3A_1708 = arith.constant 1 : i32
        %sub3A_1709 = arith.subi %div3A_1688, %sub3A_1708 : i32
        %select_n3A_1710 = arith.select %and3A_1707, %sub3A_1709, %div3A_1688 : i32
        %jit3A_1711 = arith.constant 8 : i32
        %eq3A_1712 = arith.constant 0 : i32
        %eq3A_1713 = arith.cmpi eq, %jit3A_1711, %eq3A_1712 : i32
        %jit3A_1714 = arith.constant 1 : i32
        %select_n3A_1715 = arith.select %eq3A_1713, %jit3A_1714, %jit3A_1711 : i32
        %rem3A_1716 = arith.remsi %squeeze3A_1686, %select_n3A_1715 : i32
        %ne3A_1717 = arith.constant 0 : i32
        %ne3A_1718 = arith.cmpi ne, %rem3A_1716, %ne3A_1717 : i32
        %lt3A_1719 = arith.constant 0 : i32
        %lt3A_1720 = arith.cmpi slt, %rem3A_1716, %lt3A_1719 : i32
        %lt3A_1721 = arith.constant 0 : i32
        %lt3A_1722 = arith.cmpi slt, %select_n3A_1715, %lt3A_1721 : i32
        %ne3A_1723 = arith.xori %lt3A_1720, %lt3A_1722 : i1
        %and3A_1724 = arith.andi %ne3A_1723, %ne3A_1718 : i1
        %add3A_1725 = arith.addi %rem3A_1716, %select_n3A_1715 : i32
        %select_n3A_1726 = arith.select %and3A_1724, %add3A_1725, %rem3A_1716 : i32
        %dma_start3A_1727 = arith.constant 0 : i32
        %dma_start3A_1728 = tpu.memref_slice %arg11[%add3A_1630, %dma_start3A_1727] : memref<256x64xf32, #tpu.memory_space<vmem>> -> memref<1x64xf32, #tpu.memory_space<vmem>>
        %dma_start3A_1729 = tpu.memref_squeeze %dma_start3A_1728 : memref<1x64xf32, #tpu.memory_space<vmem>> -> memref<64xf32, #tpu.memory_space<vmem>>
        %dma_start3A_1730 = arith.constant 0 : i32
        %dma_start3A_1731 = tpu.memref_slice %arg5[%select_n3A_1710, %select_n3A_1726, %dma_start3A_1730] : memref<12500x8x64xf32, #tpu.memory_space<hbm>> -> memref<1x1x64xf32, #tpu.memory_space<hbm>>
        %dma_start3A_1732 = tpu.memref_squeeze %dma_start3A_1731 : memref<1x1x64xf32, #tpu.memory_space<hbm>> -> memref<64xf32, #tpu.memory_space<hbm>>
        %dma_start3A_1733 = arith.constant 0 : i32
        %dma_start3A_1734 = tpu.memref_slice %arg11[%add3A_1630, %dma_start3A_1733] : memref<256x64xf32, #tpu.memory_space<vmem>> -> memref<1x64xf32, #tpu.memory_space<vmem>>
        %dma_start3A_1735 = tpu.memref_squeeze %dma_start3A_1734 : memref<1x64xf32, #tpu.memory_space<vmem>> -> memref<64xf32, #tpu.memory_space<vmem>>
        %dma_start3A_1736 = arith.constant 0 : i32
        %dma_start3A_1737 = tpu.memref_slice %arg5[%select_n3A_1710, %select_n3A_1726, %dma_start3A_1736] : memref<12500x8x64xf32, #tpu.memory_space<hbm>> -> memref<1x1x64xf32, #tpu.memory_space<hbm>>
        %dma_start3A_1738 = tpu.memref_squeeze %dma_start3A_1737 : memref<1x1x64xf32, #tpu.memory_space<hbm>> -> memref<64xf32, #tpu.memory_space<hbm>>
        tpu.enqueue_dma source(%dma_start3A_1738 : memref<64xf32, #tpu.memory_space<hbm>>) target(%dma_start3A_1735 : memref<64xf32, #tpu.memory_space<vmem>>) target_semaphore(%arg16 : memref<!tpu.dma_semaphore, #tpu.memory_space<semaphore_mem>>)
        %mul3A_1739 = arith.constant 16 : i32
        %mul3A_1740 = arith.muli %scan3A_55, %mul3A_1739 : i32
        %add3A_1741 = arith.constant 15 : i32
        %add3A_1742 = arith.addi %mul3A_1740, %add3A_1741 : i32
        %slice3A_1743 = vector.extract_strided_slice %get3A_63 {offsets = [15], sizes = [1], strides = [1]} : vector<16xi32> to vector<1xi32>
        %squeeze3A_1744 = vector.extract %slice3A_1743[0] : i32 from vector<1xi32>
        %jit3A_1745 = arith.constant 8 : i32
        %div3A_1746 = arith.divsi %squeeze3A_1744, %jit3A_1745 : i32
        %sign3A_1747 = arith.constant 0 : i32
        %sign3A_1748 = arith.cmpi sgt, %squeeze3A_1744, %sign3A_1747 : i32
        %sign3A_1749 = arith.extui %sign3A_1748 : i1 to i32
        %sign3A_1750 = arith.constant 0 : i32
        %sign3A_1751 = arith.cmpi slt, %squeeze3A_1744, %sign3A_1750 : i32
        %sign3A_1752 = arith.extui %sign3A_1751 : i1 to i32
        %sign3A_1753 = arith.subi %sign3A_1749, %sign3A_1752 : i32
        %sign3A_1754 = arith.constant 0 : i32
        %sign3A_1755 = arith.cmpi sgt, %jit3A_1745, %sign3A_1754 : i32
        %sign3A_1756 = arith.extui %sign3A_1755 : i1 to i32
        %sign3A_1757 = arith.constant 0 : i32
        %sign3A_1758 = arith.cmpi slt, %jit3A_1745, %sign3A_1757 : i32
        %sign3A_1759 = arith.extui %sign3A_1758 : i1 to i32
        %sign3A_1760 = arith.subi %sign3A_1756, %sign3A_1759 : i32
        %ne3A_1761 = arith.cmpi ne, %sign3A_1753, %sign3A_1760 : i32
        %rem3A_1762 = arith.remsi %squeeze3A_1744, %jit3A_1745 : i32
        %ne3A_1763 = arith.constant 0 : i32
        %ne3A_1764 = arith.cmpi ne, %rem3A_1762, %ne3A_1763 : i32
        %and3A_1765 = arith.andi %ne3A_1761, %ne3A_1764 : i1
        %sub3A_1766 = arith.constant 1 : i32
        %sub3A_1767 = arith.subi %div3A_1746, %sub3A_1766 : i32
        %select_n3A_1768 = arith.select %and3A_1765, %sub3A_1767, %div3A_1746 : i32
        %jit3A_1769 = arith.constant 8 : i32
        %eq3A_1770 = arith.constant 0 : i32
        %eq3A_1771 = arith.cmpi eq, %jit3A_1769, %eq3A_1770 : i32
        %jit3A_1772 = arith.constant 1 : i32
        %select_n3A_1773 = arith.select %eq3A_1771, %jit3A_1772, %jit3A_1769 : i32
        %rem3A_1774 = arith.remsi %squeeze3A_1744, %select_n3A_1773 : i32
        %ne3A_1775 = arith.constant 0 : i32
        %ne3A_1776 = arith.cmpi ne, %rem3A_1774, %ne3A_1775 : i32
        %lt3A_1777 = arith.constant 0 : i32
        %lt3A_1778 = arith.cmpi slt, %rem3A_1774, %lt3A_1777 : i32
        %lt3A_1779 = arith.constant 0 : i32
        %lt3A_1780 = arith.cmpi slt, %select_n3A_1773, %lt3A_1779 : i32
        %ne3A_1781 = arith.xori %lt3A_1778, %lt3A_1780 : i1
        %and3A_1782 = arith.andi %ne3A_1781, %ne3A_1776 : i1
        %add3A_1783 = arith.addi %rem3A_1774, %select_n3A_1773 : i32
        %select_n3A_1784 = arith.select %and3A_1782, %add3A_1783, %rem3A_1774 : i32
        %dma_start3A_1785 = arith.constant 0 : i32
        %dma_start3A_1786 = tpu.memref_slice %arg10[%add3A_1742, %dma_start3A_1785] : memref<256x64xf32, #tpu.memory_space<vmem>> -> memref<1x64xf32, #tpu.memory_space<vmem>>
        %dma_start3A_1787 = tpu.memref_squeeze %dma_start3A_1786 : memref<1x64xf32, #tpu.memory_space<vmem>> -> memref<64xf32, #tpu.memory_space<vmem>>
        %dma_start3A_1788 = arith.constant 0 : i32
        %dma_start3A_1789 = tpu.memref_slice %arg4[%select_n3A_1768, %select_n3A_1784, %dma_start3A_1788] : memref<125000x8x64xf32, #tpu.memory_space<hbm>> -> memref<1x1x64xf32, #tpu.memory_space<hbm>>
        %dma_start3A_1790 = tpu.memref_squeeze %dma_start3A_1789 : memref<1x1x64xf32, #tpu.memory_space<hbm>> -> memref<64xf32, #tpu.memory_space<hbm>>
        %dma_start3A_1791 = arith.constant 0 : i32
        %dma_start3A_1792 = tpu.memref_slice %arg10[%add3A_1742, %dma_start3A_1791] : memref<256x64xf32, #tpu.memory_space<vmem>> -> memref<1x64xf32, #tpu.memory_space<vmem>>
        %dma_start3A_1793 = tpu.memref_squeeze %dma_start3A_1792 : memref<1x64xf32, #tpu.memory_space<vmem>> -> memref<64xf32, #tpu.memory_space<vmem>>
        %dma_start3A_1794 = arith.constant 0 : i32
        %dma_start3A_1795 = tpu.memref_slice %arg4[%select_n3A_1768, %select_n3A_1784, %dma_start3A_1794] : memref<125000x8x64xf32, #tpu.memory_space<hbm>> -> memref<1x1x64xf32, #tpu.memory_space<hbm>>
        %dma_start3A_1796 = tpu.memref_squeeze %dma_start3A_1795 : memref<1x1x64xf32, #tpu.memory_space<hbm>> -> memref<64xf32, #tpu.memory_space<hbm>>
        tpu.enqueue_dma source(%dma_start3A_1796 : memref<64xf32, #tpu.memory_space<hbm>>) target(%dma_start3A_1793 : memref<64xf32, #tpu.memory_space<vmem>>) target_semaphore(%arg15 : memref<!tpu.dma_semaphore, #tpu.memory_space<semaphore_mem>>)
        %slice3A_1797 = vector.extract_strided_slice %get3A_71 {offsets = [15], sizes = [1], strides = [1]} : vector<16xi32> to vector<1xi32>
        %squeeze3A_1798 = vector.extract %slice3A_1797[0] : i32 from vector<1xi32>
        %jit3A_1799 = arith.constant 8 : i32
        %div3A_1800 = arith.divsi %squeeze3A_1798, %jit3A_1799 : i32
        %sign3A_1801 = arith.constant 0 : i32
        %sign3A_1802 = arith.cmpi sgt, %squeeze3A_1798, %sign3A_1801 : i32
        %sign3A_1803 = arith.extui %sign3A_1802 : i1 to i32
        %sign3A_1804 = arith.constant 0 : i32
        %sign3A_1805 = arith.cmpi slt, %squeeze3A_1798, %sign3A_1804 : i32
        %sign3A_1806 = arith.extui %sign3A_1805 : i1 to i32
        %sign3A_1807 = arith.subi %sign3A_1803, %sign3A_1806 : i32
        %sign3A_1808 = arith.constant 0 : i32
        %sign3A_1809 = arith.cmpi sgt, %jit3A_1799, %sign3A_1808 : i32
        %sign3A_1810 = arith.extui %sign3A_1809 : i1 to i32
        %sign3A_1811 = arith.constant 0 : i32
        %sign3A_1812 = arith.cmpi slt, %jit3A_1799, %sign3A_1811 : i32
        %sign3A_1813 = arith.extui %sign3A_1812 : i1 to i32
        %sign3A_1814 = arith.subi %sign3A_1810, %sign3A_1813 : i32
        %ne3A_1815 = arith.cmpi ne, %sign3A_1807, %sign3A_1814 : i32
        %rem3A_1816 = arith.remsi %squeeze3A_1798, %jit3A_1799 : i32
        %ne3A_1817 = arith.constant 0 : i32
        %ne3A_1818 = arith.cmpi ne, %rem3A_1816, %ne3A_1817 : i32
        %and3A_1819 = arith.andi %ne3A_1815, %ne3A_1818 : i1
        %sub3A_1820 = arith.constant 1 : i32
        %sub3A_1821 = arith.subi %div3A_1800, %sub3A_1820 : i32
        %select_n3A_1822 = arith.select %and3A_1819, %sub3A_1821, %div3A_1800 : i32
        %jit3A_1823 = arith.constant 8 : i32
        %eq3A_1824 = arith.constant 0 : i32
        %eq3A_1825 = arith.cmpi eq, %jit3A_1823, %eq3A_1824 : i32
        %jit3A_1826 = arith.constant 1 : i32
        %select_n3A_1827 = arith.select %eq3A_1825, %jit3A_1826, %jit3A_1823 : i32
        %rem3A_1828 = arith.remsi %squeeze3A_1798, %select_n3A_1827 : i32
        %ne3A_1829 = arith.constant 0 : i32
        %ne3A_1830 = arith.cmpi ne, %rem3A_1828, %ne3A_1829 : i32
        %lt3A_1831 = arith.constant 0 : i32
        %lt3A_1832 = arith.cmpi slt, %rem3A_1828, %lt3A_1831 : i32
        %lt3A_1833 = arith.constant 0 : i32
        %lt3A_1834 = arith.cmpi slt, %select_n3A_1827, %lt3A_1833 : i32
        %ne3A_1835 = arith.xori %lt3A_1832, %lt3A_1834 : i1
        %and3A_1836 = arith.andi %ne3A_1835, %ne3A_1830 : i1
        %add3A_1837 = arith.addi %rem3A_1828, %select_n3A_1827 : i32
        %select_n3A_1838 = arith.select %and3A_1836, %add3A_1837, %rem3A_1828 : i32
        %dma_start3A_1839 = arith.constant 0 : i32
        %dma_start3A_1840 = tpu.memref_slice %arg11[%add3A_1742, %dma_start3A_1839] : memref<256x64xf32, #tpu.memory_space<vmem>> -> memref<1x64xf32, #tpu.memory_space<vmem>>
        %dma_start3A_1841 = tpu.memref_squeeze %dma_start3A_1840 : memref<1x64xf32, #tpu.memory_space<vmem>> -> memref<64xf32, #tpu.memory_space<vmem>>
        %dma_start3A_1842 = arith.constant 0 : i32
        %dma_start3A_1843 = tpu.memref_slice %arg5[%select_n3A_1822, %select_n3A_1838, %dma_start3A_1842] : memref<12500x8x64xf32, #tpu.memory_space<hbm>> -> memref<1x1x64xf32, #tpu.memory_space<hbm>>
        %dma_start3A_1844 = tpu.memref_squeeze %dma_start3A_1843 : memref<1x1x64xf32, #tpu.memory_space<hbm>> -> memref<64xf32, #tpu.memory_space<hbm>>
        %dma_start3A_1845 = arith.constant 0 : i32
        %dma_start3A_1846 = tpu.memref_slice %arg11[%add3A_1742, %dma_start3A_1845] : memref<256x64xf32, #tpu.memory_space<vmem>> -> memref<1x64xf32, #tpu.memory_space<vmem>>
        %dma_start3A_1847 = tpu.memref_squeeze %dma_start3A_1846 : memref<1x64xf32, #tpu.memory_space<vmem>> -> memref<64xf32, #tpu.memory_space<vmem>>
        %dma_start3A_1848 = arith.constant 0 : i32
        %dma_start3A_1849 = tpu.memref_slice %arg5[%select_n3A_1822, %select_n3A_1838, %dma_start3A_1848] : memref<12500x8x64xf32, #tpu.memory_space<hbm>> -> memref<1x1x64xf32, #tpu.memory_space<hbm>>
        %dma_start3A_1850 = tpu.memref_squeeze %dma_start3A_1849 : memref<1x1x64xf32, #tpu.memory_space<hbm>> -> memref<64xf32, #tpu.memory_space<hbm>>
        tpu.enqueue_dma source(%dma_start3A_1850 : memref<64xf32, #tpu.memory_space<hbm>>) target(%dma_start3A_1847 : memref<64xf32, #tpu.memory_space<vmem>>) target_semaphore(%arg16 : memref<!tpu.dma_semaphore, #tpu.memory_space<semaphore_mem>>)
      }
      %scan3A_42 = arith.constant 16 : i32
      %scan3A_43 = arith.constant 0 : i32
      %scan3A_44 = arith.constant 0 : i32
      %scan3A_45 = arith.constant 256 : i32
      %scan3A_46 = arith.addi %scan3A_44, %scan3A_45 : i32
      %scan3A_47 = arith.constant 1 : i32
      scf.for %scan3A_55 = %scan3A_44 to %scan3A_46 step %scan3A_47  : i32 {
        %dma_wait3A = arith.constant 0 : i32
        %dma_wait3A_56 = arith.constant 0 : i32
        %dma_wait3A_57 = arith.constant 0 : i32
        %dma_wait3A_58 = tpu.memref_slice %arg10[%scan3A_55, %dma_wait3A_57] : memref<256x64xf32, #tpu.memory_space<vmem>> -> memref<1x64xf32, #tpu.memory_space<vmem>>
        %dma_wait3A_59 = tpu.memref_squeeze %dma_wait3A_58 : memref<1x64xf32, #tpu.memory_space<vmem>> -> memref<64xf32, #tpu.memory_space<vmem>>
        %dma_wait3A_60 = arith.constant 0 : i32
        %dma_wait3A_61 = tpu.memref_slice %arg4[%dma_wait3A, %dma_wait3A_56, %dma_wait3A_60] : memref<125000x8x64xf32, #tpu.memory_space<hbm>> -> memref<1x1x64xf32, #tpu.memory_space<hbm>>
        %dma_wait3A_62 = tpu.memref_squeeze %dma_wait3A_61 : memref<1x1x64xf32, #tpu.memory_space<hbm>> -> memref<64xf32, #tpu.memory_space<hbm>>
        %dma_wait3A_63 = arith.constant 0 : i32
        %dma_wait3A_64 = tpu.memref_slice %arg10[%scan3A_55, %dma_wait3A_63] : memref<256x64xf32, #tpu.memory_space<vmem>> -> memref<1x64xf32, #tpu.memory_space<vmem>>
        %dma_wait3A_65 = tpu.memref_squeeze %dma_wait3A_64 : memref<1x64xf32, #tpu.memory_space<vmem>> -> memref<64xf32, #tpu.memory_space<vmem>>
        %dma_wait3A_66 = arith.constant 0 : i32
        %dma_wait3A_67 = tpu.memref_slice %arg4[%dma_wait3A, %dma_wait3A_56, %dma_wait3A_66] : memref<125000x8x64xf32, #tpu.memory_space<hbm>> -> memref<1x1x64xf32, #tpu.memory_space<hbm>>
        %dma_wait3A_68 = tpu.memref_squeeze %dma_wait3A_67 : memref<1x1x64xf32, #tpu.memory_space<hbm>> -> memref<64xf32, #tpu.memory_space<hbm>>
        tpu.wait_dma2 semaphore(%arg15 : memref<!tpu.dma_semaphore, #tpu.memory_space<semaphore_mem>>) src(%dma_wait3A_68 : memref<64xf32, #tpu.memory_space<hbm>>) dst(%dma_wait3A_65 : memref<64xf32, #tpu.memory_space<vmem>>)
        %dma_wait3A_69 = arith.constant 0 : i32
        %dma_wait3A_70 = arith.constant 0 : i32
        %dma_wait3A_71 = arith.constant 0 : i32
        %dma_wait3A_72 = tpu.memref_slice %arg11[%scan3A_55, %dma_wait3A_71] : memref<256x64xf32, #tpu.memory_space<vmem>> -> memref<1x64xf32, #tpu.memory_space<vmem>>
        %dma_wait3A_73 = tpu.memref_squeeze %dma_wait3A_72 : memref<1x64xf32, #tpu.memory_space<vmem>> -> memref<64xf32, #tpu.memory_space<vmem>>
        %dma_wait3A_74 = arith.constant 0 : i32
        %dma_wait3A_75 = tpu.memref_slice %arg5[%dma_wait3A_69, %dma_wait3A_70, %dma_wait3A_74] : memref<12500x8x64xf32, #tpu.memory_space<hbm>> -> memref<1x1x64xf32, #tpu.memory_space<hbm>>
        %dma_wait3A_76 = tpu.memref_squeeze %dma_wait3A_75 : memref<1x1x64xf32, #tpu.memory_space<hbm>> -> memref<64xf32, #tpu.memory_space<hbm>>
        %dma_wait3A_77 = arith.constant 0 : i32
        %dma_wait3A_78 = tpu.memref_slice %arg11[%scan3A_55, %dma_wait3A_77] : memref<256x64xf32, #tpu.memory_space<vmem>> -> memref<1x64xf32, #tpu.memory_space<vmem>>
        %dma_wait3A_79 = tpu.memref_squeeze %dma_wait3A_78 : memref<1x64xf32, #tpu.memory_space<vmem>> -> memref<64xf32, #tpu.memory_space<vmem>>
        %dma_wait3A_80 = arith.constant 0 : i32
        %dma_wait3A_81 = tpu.memref_slice %arg5[%dma_wait3A_69, %dma_wait3A_70, %dma_wait3A_80] : memref<12500x8x64xf32, #tpu.memory_space<hbm>> -> memref<1x1x64xf32, #tpu.memory_space<hbm>>
        %dma_wait3A_82 = tpu.memref_squeeze %dma_wait3A_81 : memref<1x1x64xf32, #tpu.memory_space<hbm>> -> memref<64xf32, #tpu.memory_space<hbm>>
        tpu.wait_dma2 semaphore(%arg16 : memref<!tpu.dma_semaphore, #tpu.memory_space<semaphore_mem>>) src(%dma_wait3A_82 : memref<64xf32, #tpu.memory_space<hbm>>) dst(%dma_wait3A_79 : memref<64xf32, #tpu.memory_space<vmem>>)
      }
      %scan3A_48 = arith.constant 256 : i32
      %scan3A_49 = arith.constant 0 : i32
      %scan3A_50 = arith.constant 0 : i32
      %scan3A_51 = arith.constant 16 : i32
      %scan3A_52 = arith.addi %scan3A_50, %scan3A_51 : i32
      %scan3A_53 = arith.constant 1 : i32
      scf.for %scan3A_55 = %scan3A_50 to %scan3A_52 step %scan3A_53  : i32 {
        %broadcast_in_dim3A = arith.constant 0.000000e+00 : f32
        %broadcast_in_dim3A_56 = vector.broadcast %broadcast_in_dim3A : f32 to vector<16xf32>
        %mul3A_57 = arith.constant 16 : i32
        %mul3A_58 = arith.muli %scan3A_55, %mul3A_57 : i32
        %add3A_59 = arith.constant 0 : i32
        %add3A_60 = arith.addi %mul3A_58, %add3A_59 : i32
        %get3A_61 = arith.index_cast %add3A_60 : i32 to index
        %get3A_62 = arith.constant 0 : index
        %get3A_63 = tpu.vector_load %arg10[%get3A_61, %get3A_62] {strides = array<i32>} : memref<256x64xf32, #tpu.memory_space<vmem>>, vector<1x16xf32>,
        %get3A_64 = vector.shape_cast %get3A_63 : vector<1x16xf32> to vector<16xf32>
        %get3A_65 = arith.index_cast %add3A_60 : i32 to index
        %get3A_66 = arith.constant 0 : index
        %get3A_67 = tpu.vector_load %arg11[%get3A_65, %get3A_66] {strides = array<i32>} : memref<256x64xf32, #tpu.memory_space<vmem>>, vector<1x16xf32>,
        %get3A_68 = vector.shape_cast %get3A_67 : vector<1x16xf32> to vector<16xf32>
        %mul3A_69 = arith.mulf %get3A_64, %get3A_68 : vector<16xf32>
        %mul3A_70 = arith.mulf %mul3A_69, %get3A_5 : vector<16xf32>
        %get3A_71 = arith.index_cast %add3A_60 : i32 to index
        %get3A_72 = arith.constant 16 : index
        %get3A_73 = tpu.vector_load %arg10[%get3A_71, %get3A_72] {strides = array<i32>} : memref<256x64xf32, #tpu.memory_space<vmem>>, vector<1x16xf32>,
        %get3A_74 = vector.shape_cast %get3A_73 : vector<1x16xf32> to vector<16xf32>
        %get3A_75 = arith.index_cast %add3A_60 : i32 to index
        %get3A_76 = arith.constant 16 : index
        %get3A_77 = tpu.vector_load %arg11[%get3A_75, %get3A_76] {strides = array<i32>} : memref<256x64xf32, #tpu.memory_space<vmem>>, vector<1x16xf32>,
        %get3A_78 = vector.shape_cast %get3A_77 : vector<1x16xf32> to vector<16xf32>
        %mul3A_79 = arith.mulf %get3A_74, %get3A_78 : vector<16xf32>
        %mul3A_80 = arith.mulf %mul3A_79, %get3A_8 : vector<16xf32>
        %add3A_81 = arith.addf %mul3A_70, %mul3A_80 : vector<16xf32>
        %get3A_82 = arith.index_cast %add3A_60 : i32 to index
        %get3A_83 = arith.constant 32 : index
        %get3A_84 = tpu.vector_load %arg10[%get3A_82, %get3A_83] {strides = array<i32>} : memref<256x64xf32, #tpu.memory_space<vmem>>, vector<1x16xf32>,
        %get3A_85 = vector.shape_cast %get3A_84 : vector<1x16xf32> to vector<16xf32>
        %get3A_86 = arith.index_cast %add3A_60 : i32 to index
        %get3A_87 = arith.constant 32 : index
        %get3A_88 = tpu.vector_load %arg11[%get3A_86, %get3A_87] {strides = array<i32>} : memref<256x64xf32, #tpu.memory_space<vmem>>, vector<1x16xf32>,
        %get3A_89 = vector.shape_cast %get3A_88 : vector<1x16xf32> to vector<16xf32>
        %mul3A_90 = arith.mulf %get3A_85, %get3A_89 : vector<16xf32>
        %mul3A_91 = arith.mulf %mul3A_90, %get3A_11 : vector<16xf32>
        %add3A_92 = arith.addf %add3A_81, %mul3A_91 : vector<16xf32>
        %get3A_93 = arith.index_cast %add3A_60 : i32 to index
        %get3A_94 = arith.constant 48 : index
        %get3A_95 = tpu.vector_load %arg10[%get3A_93, %get3A_94] {strides = array<i32>} : memref<256x64xf32, #tpu.memory_space<vmem>>, vector<1x16xf32>,
        %get3A_96 = vector.shape_cast %get3A_95 : vector<1x16xf32> to vector<16xf32>
        %get3A_97 = arith.index_cast %add3A_60 : i32 to index
        %get3A_98 = arith.constant 48 : index
        %get3A_99 = tpu.vector_load %arg11[%get3A_97, %get3A_98] {strides = array<i32>} : memref<256x64xf32, #tpu.memory_space<vmem>>, vector<1x16xf32>,
        %get3A_100 = vector.shape_cast %get3A_99 : vector<1x16xf32> to vector<16xf32>
        %mul3A_101 = arith.mulf %get3A_96, %get3A_100 : vector<16xf32>
        %mul3A_102 = arith.mulf %mul3A_101, %get3A_14 : vector<16xf32>
        %add3A_103 = arith.addf %add3A_92, %mul3A_102 : vector<16xf32>
        %broadcast_in_dim3A_104 = vector.shape_cast %xor3A_19 : vector<16xi32> to vector<16x1xi32>
        %gather3A = vector.shape_cast %broadcast_in_dim3A_104 : vector<16x1xi32> to vector<16xi32>
        %gather3A_105 = tpu.dynamic_gather %add3A_103[%gather3A] in [0] : vector<16xf32>, vector<16xi32> -> vector<16xf32>
        %add3A_106 = arith.addf %add3A_103, %gather3A_105 : vector<16xf32>
        %broadcast_in_dim3A_107 = vector.shape_cast %xor3A_22 : vector<16xi32> to vector<16x1xi32>
        %gather3A_108 = vector.shape_cast %broadcast_in_dim3A_107 : vector<16x1xi32> to vector<16xi32>
        %gather3A_109 = tpu.dynamic_gather %add3A_106[%gather3A_108] in [0] : vector<16xf32>, vector<16xi32> -> vector<16xf32>
        %add3A_110 = arith.addf %add3A_106, %gather3A_109 : vector<16xf32>
        %broadcast_in_dim3A_111 = vector.shape_cast %xor3A_25 : vector<16xi32> to vector<16x1xi32>
        %gather3A_112 = vector.shape_cast %broadcast_in_dim3A_111 : vector<16x1xi32> to vector<16xi32>
        %gather3A_113 = tpu.dynamic_gather %add3A_110[%gather3A_112] in [0] : vector<16xf32>, vector<16xi32> -> vector<16xf32>
        %add3A_114 = arith.addf %add3A_110, %gather3A_113 : vector<16xf32>
        %broadcast_in_dim3A_115 = vector.shape_cast %xor3A_28 : vector<16xi32> to vector<16x1xi32>
        %gather3A_116 = vector.shape_cast %broadcast_in_dim3A_115 : vector<16x1xi32> to vector<16xi32>
        %gather3A_117 = tpu.dynamic_gather %add3A_114[%gather3A_116] in [0] : vector<16xf32>, vector<16xi32> -> vector<16xf32>
        %add3A_118 = arith.addf %add3A_114, %gather3A_117 : vector<16xf32>
        %eq3A = arith.constant 0 : i32
        %eq3A_119 = vector.broadcast %eq3A : i32 to vector<16xi32>
        %eq3A_120 = arith.cmpi eq, %iota3A, %eq3A_119 : vector<16xi32>
        %select_n3A = arith.select %eq3A_120, %add3A_118, %broadcast_in_dim3A_56 : vector<16xi1>, vector<16xf32>
        %mul3A_121 = arith.constant 16 : i32
        %mul3A_122 = arith.muli %scan3A_55, %mul3A_121 : i32
        %add3A_123 = arith.constant 1 : i32
        %add3A_124 = arith.addi %mul3A_122, %add3A_123 : i32
        %get3A_125 = arith.index_cast %add3A_124 : i32 to index
        %get3A_126 = arith.constant 0 : index
        %get3A_127 = tpu.vector_load %arg10[%get3A_125, %get3A_126] {strides = array<i32>} : memref<256x64xf32, #tpu.memory_space<vmem>>, vector<1x16xf32>,
        %get3A_128 = vector.shape_cast %get3A_127 : vector<1x16xf32> to vector<16xf32>
        %get3A_129 = arith.index_cast %add3A_124 : i32 to index
        %get3A_130 = arith.constant 0 : index
        %get3A_131 = tpu.vector_load %arg11[%get3A_129, %get3A_130] {strides = array<i32>} : memref<256x64xf32, #tpu.memory_space<vmem>>, vector<1x16xf32>,
        %get3A_132 = vector.shape_cast %get3A_131 : vector<1x16xf32> to vector<16xf32>
        %mul3A_133 = arith.mulf %get3A_128, %get3A_132 : vector<16xf32>
        %mul3A_134 = arith.mulf %mul3A_133, %get3A_5 : vector<16xf32>
        %get3A_135 = arith.index_cast %add3A_124 : i32 to index
        %get3A_136 = arith.constant 16 : index
        %get3A_137 = tpu.vector_load %arg10[%get3A_135, %get3A_136] {strides = array<i32>} : memref<256x64xf32, #tpu.memory_space<vmem>>, vector<1x16xf32>,
        %get3A_138 = vector.shape_cast %get3A_137 : vector<1x16xf32> to vector<16xf32>
        %get3A_139 = arith.index_cast %add3A_124 : i32 to index
        %get3A_140 = arith.constant 16 : index
        %get3A_141 = tpu.vector_load %arg11[%get3A_139, %get3A_140] {strides = array<i32>} : memref<256x64xf32, #tpu.memory_space<vmem>>, vector<1x16xf32>,
        %get3A_142 = vector.shape_cast %get3A_141 : vector<1x16xf32> to vector<16xf32>
        %mul3A_143 = arith.mulf %get3A_138, %get3A_142 : vector<16xf32>
        %mul3A_144 = arith.mulf %mul3A_143, %get3A_8 : vector<16xf32>
        %add3A_145 = arith.addf %mul3A_134, %mul3A_144 : vector<16xf32>
        %get3A_146 = arith.index_cast %add3A_124 : i32 to index
        %get3A_147 = arith.constant 32 : index
        %get3A_148 = tpu.vector_load %arg10[%get3A_146, %get3A_147] {strides = array<i32>} : memref<256x64xf32, #tpu.memory_space<vmem>>, vector<1x16xf32>,
        %get3A_149 = vector.shape_cast %get3A_148 : vector<1x16xf32> to vector<16xf32>
        %get3A_150 = arith.index_cast %add3A_124 : i32 to index
        %get3A_151 = arith.constant 32 : index
        %get3A_152 = tpu.vector_load %arg11[%get3A_150, %get3A_151] {strides = array<i32>} : memref<256x64xf32, #tpu.memory_space<vmem>>, vector<1x16xf32>,
        %get3A_153 = vector.shape_cast %get3A_152 : vector<1x16xf32> to vector<16xf32>
        %mul3A_154 = arith.mulf %get3A_149, %get3A_153 : vector<16xf32>
        %mul3A_155 = arith.mulf %mul3A_154, %get3A_11 : vector<16xf32>
        %add3A_156 = arith.addf %add3A_145, %mul3A_155 : vector<16xf32>
        %get3A_157 = arith.index_cast %add3A_124 : i32 to index
        %get3A_158 = arith.constant 48 : index
        %get3A_159 = tpu.vector_load %arg10[%get3A_157, %get3A_158] {strides = array<i32>} : memref<256x64xf32, #tpu.memory_space<vmem>>, vector<1x16xf32>,
        %get3A_160 = vector.shape_cast %get3A_159 : vector<1x16xf32> to vector<16xf32>
        %get3A_161 = arith.index_cast %add3A_124 : i32 to index
        %get3A_162 = arith.constant 48 : index
        %get3A_163 = tpu.vector_load %arg11[%get3A_161, %get3A_162] {strides = array<i32>} : memref<256x64xf32, #tpu.memory_space<vmem>>, vector<1x16xf32>,
        %get3A_164 = vector.shape_cast %get3A_163 : vector<1x16xf32> to vector<16xf32>
        %mul3A_165 = arith.mulf %get3A_160, %get3A_164 : vector<16xf32>
        %mul3A_166 = arith.mulf %mul3A_165, %get3A_14 : vector<16xf32>
        %add3A_167 = arith.addf %add3A_156, %mul3A_166 : vector<16xf32>
        %broadcast_in_dim3A_168 = vector.shape_cast %xor3A_19 : vector<16xi32> to vector<16x1xi32>
        %gather3A_169 = vector.shape_cast %broadcast_in_dim3A_168 : vector<16x1xi32> to vector<16xi32>
        %gather3A_170 = tpu.dynamic_gather %add3A_167[%gather3A_169] in [0] : vector<16xf32>, vector<16xi32> -> vector<16xf32>
        %add3A_171 = arith.addf %add3A_167, %gather3A_170 : vector<16xf32>
        %broadcast_in_dim3A_172 = vector.shape_cast %xor3A_22 : vector<16xi32> to vector<16x1xi32>
        %gather3A_173 = vector.shape_cast %broadcast_in_dim3A_172 : vector<16x1xi32> to vector<16xi32>
        %gather3A_174 = tpu.dynamic_gather %add3A_171[%gather3A_173] in [0] : vector<16xf32>, vector<16xi32> -> vector<16xf32>
        %add3A_175 = arith.addf %add3A_171, %gather3A_174 : vector<16xf32>
        %broadcast_in_dim3A_176 = vector.shape_cast %xor3A_25 : vector<16xi32> to vector<16x1xi32>
        %gather3A_177 = vector.shape_cast %broadcast_in_dim3A_176 : vector<16x1xi32> to vector<16xi32>
        %gather3A_178 = tpu.dynamic_gather %add3A_175[%gather3A_177] in [0] : vector<16xf32>, vector<16xi32> -> vector<16xf32>
        %add3A_179 = arith.addf %add3A_175, %gather3A_178 : vector<16xf32>
        %broadcast_in_dim3A_180 = vector.shape_cast %xor3A_28 : vector<16xi32> to vector<16x1xi32>
        %gather3A_181 = vector.shape_cast %broadcast_in_dim3A_180 : vector<16x1xi32> to vector<16xi32>
        %gather3A_182 = tpu.dynamic_gather %add3A_179[%gather3A_181] in [0] : vector<16xf32>, vector<16xi32> -> vector<16xf32>
        %add3A_183 = arith.addf %add3A_179, %gather3A_182 : vector<16xf32>
        %eq3A_184 = arith.constant 1 : i32
        %eq3A_185 = vector.broadcast %eq3A_184 : i32 to vector<16xi32>
        %eq3A_186 = arith.cmpi eq, %iota3A, %eq3A_185 : vector<16xi32>
        %select_n3A_187 = arith.select %eq3A_186, %add3A_183, %select_n3A : vector<16xi1>, vector<16xf32>
        %mul3A_188 = arith.constant 16 : i32
        %mul3A_189 = arith.muli %scan3A_55, %mul3A_188 : i32
        %add3A_190 = arith.constant 2 : i32
        %add3A_191 = arith.addi %mul3A_189, %add3A_190 : i32
        %get3A_192 = arith.index_cast %add3A_191 : i32 to index
        %get3A_193 = arith.constant 0 : index
        %get3A_194 = tpu.vector_load %arg10[%get3A_192, %get3A_193] {strides = array<i32>} : memref<256x64xf32, #tpu.memory_space<vmem>>, vector<1x16xf32>,
        %get3A_195 = vector.shape_cast %get3A_194 : vector<1x16xf32> to vector<16xf32>
        %get3A_196 = arith.index_cast %add3A_191 : i32 to index
        %get3A_197 = arith.constant 0 : index
        %get3A_198 = tpu.vector_load %arg11[%get3A_196, %get3A_197] {strides = array<i32>} : memref<256x64xf32, #tpu.memory_space<vmem>>, vector<1x16xf32>,
        %get3A_199 = vector.shape_cast %get3A_198 : vector<1x16xf32> to vector<16xf32>
        %mul3A_200 = arith.mulf %get3A_195, %get3A_199 : vector<16xf32>
        %mul3A_201 = arith.mulf %mul3A_200, %get3A_5 : vector<16xf32>
        %get3A_202 = arith.index_cast %add3A_191 : i32 to index
        %get3A_203 = arith.constant 16 : index
        %get3A_204 = tpu.vector_load %arg10[%get3A_202, %get3A_203] {strides = array<i32>} : memref<256x64xf32, #tpu.memory_space<vmem>>, vector<1x16xf32>,
        %get3A_205 = vector.shape_cast %get3A_204 : vector<1x16xf32> to vector<16xf32>
        %get3A_206 = arith.index_cast %add3A_191 : i32 to index
        %get3A_207 = arith.constant 16 : index
        %get3A_208 = tpu.vector_load %arg11[%get3A_206, %get3A_207] {strides = array<i32>} : memref<256x64xf32, #tpu.memory_space<vmem>>, vector<1x16xf32>,
        %get3A_209 = vector.shape_cast %get3A_208 : vector<1x16xf32> to vector<16xf32>
        %mul3A_210 = arith.mulf %get3A_205, %get3A_209 : vector<16xf32>
        %mul3A_211 = arith.mulf %mul3A_210, %get3A_8 : vector<16xf32>
        %add3A_212 = arith.addf %mul3A_201, %mul3A_211 : vector<16xf32>
        %get3A_213 = arith.index_cast %add3A_191 : i32 to index
        %get3A_214 = arith.constant 32 : index
        %get3A_215 = tpu.vector_load %arg10[%get3A_213, %get3A_214] {strides = array<i32>} : memref<256x64xf32, #tpu.memory_space<vmem>>, vector<1x16xf32>,
        %get3A_216 = vector.shape_cast %get3A_215 : vector<1x16xf32> to vector<16xf32>
        %get3A_217 = arith.index_cast %add3A_191 : i32 to index
        %get3A_218 = arith.constant 32 : index
        %get3A_219 = tpu.vector_load %arg11[%get3A_217, %get3A_218] {strides = array<i32>} : memref<256x64xf32, #tpu.memory_space<vmem>>, vector<1x16xf32>,
        %get3A_220 = vector.shape_cast %get3A_219 : vector<1x16xf32> to vector<16xf32>
        %mul3A_221 = arith.mulf %get3A_216, %get3A_220 : vector<16xf32>
        %mul3A_222 = arith.mulf %mul3A_221, %get3A_11 : vector<16xf32>
        %add3A_223 = arith.addf %add3A_212, %mul3A_222 : vector<16xf32>
        %get3A_224 = arith.index_cast %add3A_191 : i32 to index
        %get3A_225 = arith.constant 48 : index
        %get3A_226 = tpu.vector_load %arg10[%get3A_224, %get3A_225] {strides = array<i32>} : memref<256x64xf32, #tpu.memory_space<vmem>>, vector<1x16xf32>,
        %get3A_227 = vector.shape_cast %get3A_226 : vector<1x16xf32> to vector<16xf32>
        %get3A_228 = arith.index_cast %add3A_191 : i32 to index
        %get3A_229 = arith.constant 48 : index
        %get3A_230 = tpu.vector_load %arg11[%get3A_228, %get3A_229] {strides = array<i32>} : memref<256x64xf32, #tpu.memory_space<vmem>>, vector<1x16xf32>,
        %get3A_231 = vector.shape_cast %get3A_230 : vector<1x16xf32> to vector<16xf32>
        %mul3A_232 = arith.mulf %get3A_227, %get3A_231 : vector<16xf32>
        %mul3A_233 = arith.mulf %mul3A_232, %get3A_14 : vector<16xf32>
        %add3A_234 = arith.addf %add3A_223, %mul3A_233 : vector<16xf32>
        %broadcast_in_dim3A_235 = vector.shape_cast %xor3A_19 : vector<16xi32> to vector<16x1xi32>
        %gather3A_236 = vector.shape_cast %broadcast_in_dim3A_235 : vector<16x1xi32> to vector<16xi32>
        %gather3A_237 = tpu.dynamic_gather %add3A_234[%gather3A_236] in [0] : vector<16xf32>, vector<16xi32> -> vector<16xf32>
        %add3A_238 = arith.addf %add3A_234, %gather3A_237 : vector<16xf32>
        %broadcast_in_dim3A_239 = vector.shape_cast %xor3A_22 : vector<16xi32> to vector<16x1xi32>
        %gather3A_240 = vector.shape_cast %broadcast_in_dim3A_239 : vector<16x1xi32> to vector<16xi32>
        %gather3A_241 = tpu.dynamic_gather %add3A_238[%gather3A_240] in [0] : vector<16xf32>, vector<16xi32> -> vector<16xf32>
        %add3A_242 = arith.addf %add3A_238, %gather3A_241 : vector<16xf32>
        %broadcast_in_dim3A_243 = vector.shape_cast %xor3A_25 : vector<16xi32> to vector<16x1xi32>
        %gather3A_244 = vector.shape_cast %broadcast_in_dim3A_243 : vector<16x1xi32> to vector<16xi32>
        %gather3A_245 = tpu.dynamic_gather %add3A_242[%gather3A_244] in [0] : vector<16xf32>, vector<16xi32> -> vector<16xf32>
        %add3A_246 = arith.addf %add3A_242, %gather3A_245 : vector<16xf32>
        %broadcast_in_dim3A_247 = vector.shape_cast %xor3A_28 : vector<16xi32> to vector<16x1xi32>
        %gather3A_248 = vector.shape_cast %broadcast_in_dim3A_247 : vector<16x1xi32> to vector<16xi32>
        %gather3A_249 = tpu.dynamic_gather %add3A_246[%gather3A_248] in [0] : vector<16xf32>, vector<16xi32> -> vector<16xf32>
        %add3A_250 = arith.addf %add3A_246, %gather3A_249 : vector<16xf32>
        %eq3A_251 = arith.constant 2 : i32
        %eq3A_252 = vector.broadcast %eq3A_251 : i32 to vector<16xi32>
        %eq3A_253 = arith.cmpi eq, %iota3A, %eq3A_252 : vector<16xi32>
        %select_n3A_254 = arith.select %eq3A_253, %add3A_250, %select_n3A_187 : vector<16xi1>, vector<16xf32>
        %mul3A_255 = arith.constant 16 : i32
        %mul3A_256 = arith.muli %scan3A_55, %mul3A_255 : i32
        %add3A_257 = arith.constant 3 : i32
        %add3A_258 = arith.addi %mul3A_256, %add3A_257 : i32
        %get3A_259 = arith.index_cast %add3A_258 : i32 to index
        %get3A_260 = arith.constant 0 : index
        %get3A_261 = tpu.vector_load %arg10[%get3A_259, %get3A_260] {strides = array<i32>} : memref<256x64xf32, #tpu.memory_space<vmem>>, vector<1x16xf32>,
        %get3A_262 = vector.shape_cast %get3A_261 : vector<1x16xf32> to vector<16xf32>
        %get3A_263 = arith.index_cast %add3A_258 : i32 to index
        %get3A_264 = arith.constant 0 : index
        %get3A_265 = tpu.vector_load %arg11[%get3A_263, %get3A_264] {strides = array<i32>} : memref<256x64xf32, #tpu.memory_space<vmem>>, vector<1x16xf32>,
        %get3A_266 = vector.shape_cast %get3A_265 : vector<1x16xf32> to vector<16xf32>
        %mul3A_267 = arith.mulf %get3A_262, %get3A_266 : vector<16xf32>
        %mul3A_268 = arith.mulf %mul3A_267, %get3A_5 : vector<16xf32>
        %get3A_269 = arith.index_cast %add3A_258 : i32 to index
        %get3A_270 = arith.constant 16 : index
        %get3A_271 = tpu.vector_load %arg10[%get3A_269, %get3A_270] {strides = array<i32>} : memref<256x64xf32, #tpu.memory_space<vmem>>, vector<1x16xf32>,
        %get3A_272 = vector.shape_cast %get3A_271 : vector<1x16xf32> to vector<16xf32>
        %get3A_273 = arith.index_cast %add3A_258 : i32 to index
        %get3A_274 = arith.constant 16 : index
        %get3A_275 = tpu.vector_load %arg11[%get3A_273, %get3A_274] {strides = array<i32>} : memref<256x64xf32, #tpu.memory_space<vmem>>, vector<1x16xf32>,
        %get3A_276 = vector.shape_cast %get3A_275 : vector<1x16xf32> to vector<16xf32>
        %mul3A_277 = arith.mulf %get3A_272, %get3A_276 : vector<16xf32>
        %mul3A_278 = arith.mulf %mul3A_277, %get3A_8 : vector<16xf32>
        %add3A_279 = arith.addf %mul3A_268, %mul3A_278 : vector<16xf32>
        %get3A_280 = arith.index_cast %add3A_258 : i32 to index
        %get3A_281 = arith.constant 32 : index
        %get3A_282 = tpu.vector_load %arg10[%get3A_280, %get3A_281] {strides = array<i32>} : memref<256x64xf32, #tpu.memory_space<vmem>>, vector<1x16xf32>,
        %get3A_283 = vector.shape_cast %get3A_282 : vector<1x16xf32> to vector<16xf32>
        %get3A_284 = arith.index_cast %add3A_258 : i32 to index
        %get3A_285 = arith.constant 32 : index
        %get3A_286 = tpu.vector_load %arg11[%get3A_284, %get3A_285] {strides = array<i32>} : memref<256x64xf32, #tpu.memory_space<vmem>>, vector<1x16xf32>,
        %get3A_287 = vector.shape_cast %get3A_286 : vector<1x16xf32> to vector<16xf32>
        %mul3A_288 = arith.mulf %get3A_283, %get3A_287 : vector<16xf32>
        %mul3A_289 = arith.mulf %mul3A_288, %get3A_11 : vector<16xf32>
        %add3A_290 = arith.addf %add3A_279, %mul3A_289 : vector<16xf32>
        %get3A_291 = arith.index_cast %add3A_258 : i32 to index
        %get3A_292 = arith.constant 48 : index
        %get3A_293 = tpu.vector_load %arg10[%get3A_291, %get3A_292] {strides = array<i32>} : memref<256x64xf32, #tpu.memory_space<vmem>>, vector<1x16xf32>,
        %get3A_294 = vector.shape_cast %get3A_293 : vector<1x16xf32> to vector<16xf32>
        %get3A_295 = arith.index_cast %add3A_258 : i32 to index
        %get3A_296 = arith.constant 48 : index
        %get3A_297 = tpu.vector_load %arg11[%get3A_295, %get3A_296] {strides = array<i32>} : memref<256x64xf32, #tpu.memory_space<vmem>>, vector<1x16xf32>,
        %get3A_298 = vector.shape_cast %get3A_297 : vector<1x16xf32> to vector<16xf32>
        %mul3A_299 = arith.mulf %get3A_294, %get3A_298 : vector<16xf32>
        %mul3A_300 = arith.mulf %mul3A_299, %get3A_14 : vector<16xf32>
        %add3A_301 = arith.addf %add3A_290, %mul3A_300 : vector<16xf32>
        %broadcast_in_dim3A_302 = vector.shape_cast %xor3A_19 : vector<16xi32> to vector<16x1xi32>
        %gather3A_303 = vector.shape_cast %broadcast_in_dim3A_302 : vector<16x1xi32> to vector<16xi32>
        %gather3A_304 = tpu.dynamic_gather %add3A_301[%gather3A_303] in [0] : vector<16xf32>, vector<16xi32> -> vector<16xf32>
        %add3A_305 = arith.addf %add3A_301, %gather3A_304 : vector<16xf32>
        %broadcast_in_dim3A_306 = vector.shape_cast %xor3A_22 : vector<16xi32> to vector<16x1xi32>
        %gather3A_307 = vector.shape_cast %broadcast_in_dim3A_306 : vector<16x1xi32> to vector<16xi32>
        %gather3A_308 = tpu.dynamic_gather %add3A_305[%gather3A_307] in [0] : vector<16xf32>, vector<16xi32> -> vector<16xf32>
        %add3A_309 = arith.addf %add3A_305, %gather3A_308 : vector<16xf32>
        %broadcast_in_dim3A_310 = vector.shape_cast %xor3A_25 : vector<16xi32> to vector<16x1xi32>
        %gather3A_311 = vector.shape_cast %broadcast_in_dim3A_310 : vector<16x1xi32> to vector<16xi32>
        %gather3A_312 = tpu.dynamic_gather %add3A_309[%gather3A_311] in [0] : vector<16xf32>, vector<16xi32> -> vector<16xf32>
        %add3A_313 = arith.addf %add3A_309, %gather3A_312 : vector<16xf32>
        %broadcast_in_dim3A_314 = vector.shape_cast %xor3A_28 : vector<16xi32> to vector<16x1xi32>
        %gather3A_315 = vector.shape_cast %broadcast_in_dim3A_314 : vector<16x1xi32> to vector<16xi32>
        %gather3A_316 = tpu.dynamic_gather %add3A_313[%gather3A_315] in [0] : vector<16xf32>, vector<16xi32> -> vector<16xf32>
        %add3A_317 = arith.addf %add3A_313, %gather3A_316 : vector<16xf32>
        %eq3A_318 = arith.constant 3 : i32
        %eq3A_319 = vector.broadcast %eq3A_318 : i32 to vector<16xi32>
        %eq3A_320 = arith.cmpi eq, %iota3A, %eq3A_319 : vector<16xi32>
        %select_n3A_321 = arith.select %eq3A_320, %add3A_317, %select_n3A_254 : vector<16xi1>, vector<16xf32>
        %mul3A_322 = arith.constant 16 : i32
        %mul3A_323 = arith.muli %scan3A_55, %mul3A_322 : i32
        %add3A_324 = arith.constant 4 : i32
        %add3A_325 = arith.addi %mul3A_323, %add3A_324 : i32
        %get3A_326 = arith.index_cast %add3A_325 : i32 to index
        %get3A_327 = arith.constant 0 : index
        %get3A_328 = tpu.vector_load %arg10[%get3A_326, %get3A_327] {strides = array<i32>} : memref<256x64xf32, #tpu.memory_space<vmem>>, vector<1x16xf32>,
        %get3A_329 = vector.shape_cast %get3A_328 : vector<1x16xf32> to vector<16xf32>
        %get3A_330 = arith.index_cast %add3A_325 : i32 to index
        %get3A_331 = arith.constant 0 : index
        %get3A_332 = tpu.vector_load %arg11[%get3A_330, %get3A_331] {strides = array<i32>} : memref<256x64xf32, #tpu.memory_space<vmem>>, vector<1x16xf32>,
        %get3A_333 = vector.shape_cast %get3A_332 : vector<1x16xf32> to vector<16xf32>
        %mul3A_334 = arith.mulf %get3A_329, %get3A_333 : vector<16xf32>
        %mul3A_335 = arith.mulf %mul3A_334, %get3A_5 : vector<16xf32>
        %get3A_336 = arith.index_cast %add3A_325 : i32 to index
        %get3A_337 = arith.constant 16 : index
        %get3A_338 = tpu.vector_load %arg10[%get3A_336, %get3A_337] {strides = array<i32>} : memref<256x64xf32, #tpu.memory_space<vmem>>, vector<1x16xf32>,
        %get3A_339 = vector.shape_cast %get3A_338 : vector<1x16xf32> to vector<16xf32>
        %get3A_340 = arith.index_cast %add3A_325 : i32 to index
        %get3A_341 = arith.constant 16 : index
        %get3A_342 = tpu.vector_load %arg11[%get3A_340, %get3A_341] {strides = array<i32>} : memref<256x64xf32, #tpu.memory_space<vmem>>, vector<1x16xf32>,
        %get3A_343 = vector.shape_cast %get3A_342 : vector<1x16xf32> to vector<16xf32>
        %mul3A_344 = arith.mulf %get3A_339, %get3A_343 : vector<16xf32>
        %mul3A_345 = arith.mulf %mul3A_344, %get3A_8 : vector<16xf32>
        %add3A_346 = arith.addf %mul3A_335, %mul3A_345 : vector<16xf32>
        %get3A_347 = arith.index_cast %add3A_325 : i32 to index
        %get3A_348 = arith.constant 32 : index
        %get3A_349 = tpu.vector_load %arg10[%get3A_347, %get3A_348] {strides = array<i32>} : memref<256x64xf32, #tpu.memory_space<vmem>>, vector<1x16xf32>,
        %get3A_350 = vector.shape_cast %get3A_349 : vector<1x16xf32> to vector<16xf32>
        %get3A_351 = arith.index_cast %add3A_325 : i32 to index
        %get3A_352 = arith.constant 32 : index
        %get3A_353 = tpu.vector_load %arg11[%get3A_351, %get3A_352] {strides = array<i32>} : memref<256x64xf32, #tpu.memory_space<vmem>>, vector<1x16xf32>,
        %get3A_354 = vector.shape_cast %get3A_353 : vector<1x16xf32> to vector<16xf32>
        %mul3A_355 = arith.mulf %get3A_350, %get3A_354 : vector<16xf32>
        %mul3A_356 = arith.mulf %mul3A_355, %get3A_11 : vector<16xf32>
        %add3A_357 = arith.addf %add3A_346, %mul3A_356 : vector<16xf32>
        %get3A_358 = arith.index_cast %add3A_325 : i32 to index
        %get3A_359 = arith.constant 48 : index
        %get3A_360 = tpu.vector_load %arg10[%get3A_358, %get3A_359] {strides = array<i32>} : memref<256x64xf32, #tpu.memory_space<vmem>>, vector<1x16xf32>,
        %get3A_361 = vector.shape_cast %get3A_360 : vector<1x16xf32> to vector<16xf32>
        %get3A_362 = arith.index_cast %add3A_325 : i32 to index
        %get3A_363 = arith.constant 48 : index
        %get3A_364 = tpu.vector_load %arg11[%get3A_362, %get3A_363] {strides = array<i32>} : memref<256x64xf32, #tpu.memory_space<vmem>>, vector<1x16xf32>,
        %get3A_365 = vector.shape_cast %get3A_364 : vector<1x16xf32> to vector<16xf32>
        %mul3A_366 = arith.mulf %get3A_361, %get3A_365 : vector<16xf32>
        %mul3A_367 = arith.mulf %mul3A_366, %get3A_14 : vector<16xf32>
        %add3A_368 = arith.addf %add3A_357, %mul3A_367 : vector<16xf32>
        %broadcast_in_dim3A_369 = vector.shape_cast %xor3A_19 : vector<16xi32> to vector<16x1xi32>
        %gather3A_370 = vector.shape_cast %broadcast_in_dim3A_369 : vector<16x1xi32> to vector<16xi32>
        %gather3A_371 = tpu.dynamic_gather %add3A_368[%gather3A_370] in [0] : vector<16xf32>, vector<16xi32> -> vector<16xf32>
        %add3A_372 = arith.addf %add3A_368, %gather3A_371 : vector<16xf32>
        %broadcast_in_dim3A_373 = vector.shape_cast %xor3A_22 : vector<16xi32> to vector<16x1xi32>
        %gather3A_374 = vector.shape_cast %broadcast_in_dim3A_373 : vector<16x1xi32> to vector<16xi32>
        %gather3A_375 = tpu.dynamic_gather %add3A_372[%gather3A_374] in [0] : vector<16xf32>, vector<16xi32> -> vector<16xf32>
        %add3A_376 = arith.addf %add3A_372, %gather3A_375 : vector<16xf32>
        %broadcast_in_dim3A_377 = vector.shape_cast %xor3A_25 : vector<16xi32> to vector<16x1xi32>
        %gather3A_378 = vector.shape_cast %broadcast_in_dim3A_377 : vector<16x1xi32> to vector<16xi32>
        %gather3A_379 = tpu.dynamic_gather %add3A_376[%gather3A_378] in [0] : vector<16xf32>, vector<16xi32> -> vector<16xf32>
        %add3A_380 = arith.addf %add3A_376, %gather3A_379 : vector<16xf32>
        %broadcast_in_dim3A_381 = vector.shape_cast %xor3A_28 : vector<16xi32> to vector<16x1xi32>
        %gather3A_382 = vector.shape_cast %broadcast_in_dim3A_381 : vector<16x1xi32> to vector<16xi32>
        %gather3A_383 = tpu.dynamic_gather %add3A_380[%gather3A_382] in [0] : vector<16xf32>, vector<16xi32> -> vector<16xf32>
        %add3A_384 = arith.addf %add3A_380, %gather3A_383 : vector<16xf32>
        %eq3A_385 = arith.constant 4 : i32
        %eq3A_386 = vector.broadcast %eq3A_385 : i32 to vector<16xi32>
        %eq3A_387 = arith.cmpi eq, %iota3A, %eq3A_386 : vector<16xi32>
        %select_n3A_388 = arith.select %eq3A_387, %add3A_384, %select_n3A_321 : vector<16xi1>, vector<16xf32>
        %mul3A_389 = arith.constant 16 : i32
        %mul3A_390 = arith.muli %scan3A_55, %mul3A_389 : i32
        %add3A_391 = arith.constant 5 : i32
        %add3A_392 = arith.addi %mul3A_390, %add3A_391 : i32
        %get3A_393 = arith.index_cast %add3A_392 : i32 to index
        %get3A_394 = arith.constant 0 : index
        %get3A_395 = tpu.vector_load %arg10[%get3A_393, %get3A_394] {strides = array<i32>} : memref<256x64xf32, #tpu.memory_space<vmem>>, vector<1x16xf32>,
        %get3A_396 = vector.shape_cast %get3A_395 : vector<1x16xf32> to vector<16xf32>
        %get3A_397 = arith.index_cast %add3A_392 : i32 to index
        %get3A_398 = arith.constant 0 : index
        %get3A_399 = tpu.vector_load %arg11[%get3A_397, %get3A_398] {strides = array<i32>} : memref<256x64xf32, #tpu.memory_space<vmem>>, vector<1x16xf32>,
        %get3A_400 = vector.shape_cast %get3A_399 : vector<1x16xf32> to vector<16xf32>
        %mul3A_401 = arith.mulf %get3A_396, %get3A_400 : vector<16xf32>
        %mul3A_402 = arith.mulf %mul3A_401, %get3A_5 : vector<16xf32>
        %get3A_403 = arith.index_cast %add3A_392 : i32 to index
        %get3A_404 = arith.constant 16 : index
        %get3A_405 = tpu.vector_load %arg10[%get3A_403, %get3A_404] {strides = array<i32>} : memref<256x64xf32, #tpu.memory_space<vmem>>, vector<1x16xf32>,
        %get3A_406 = vector.shape_cast %get3A_405 : vector<1x16xf32> to vector<16xf32>
        %get3A_407 = arith.index_cast %add3A_392 : i32 to index
        %get3A_408 = arith.constant 16 : index
        %get3A_409 = tpu.vector_load %arg11[%get3A_407, %get3A_408] {strides = array<i32>} : memref<256x64xf32, #tpu.memory_space<vmem>>, vector<1x16xf32>,
        %get3A_410 = vector.shape_cast %get3A_409 : vector<1x16xf32> to vector<16xf32>
        %mul3A_411 = arith.mulf %get3A_406, %get3A_410 : vector<16xf32>
        %mul3A_412 = arith.mulf %mul3A_411, %get3A_8 : vector<16xf32>
        %add3A_413 = arith.addf %mul3A_402, %mul3A_412 : vector<16xf32>
        %get3A_414 = arith.index_cast %add3A_392 : i32 to index
        %get3A_415 = arith.constant 32 : index
        %get3A_416 = tpu.vector_load %arg10[%get3A_414, %get3A_415] {strides = array<i32>} : memref<256x64xf32, #tpu.memory_space<vmem>>, vector<1x16xf32>,
        %get3A_417 = vector.shape_cast %get3A_416 : vector<1x16xf32> to vector<16xf32>
        %get3A_418 = arith.index_cast %add3A_392 : i32 to index
        %get3A_419 = arith.constant 32 : index
        %get3A_420 = tpu.vector_load %arg11[%get3A_418, %get3A_419] {strides = array<i32>} : memref<256x64xf32, #tpu.memory_space<vmem>>, vector<1x16xf32>,
        %get3A_421 = vector.shape_cast %get3A_420 : vector<1x16xf32> to vector<16xf32>
        %mul3A_422 = arith.mulf %get3A_417, %get3A_421 : vector<16xf32>
        %mul3A_423 = arith.mulf %mul3A_422, %get3A_11 : vector<16xf32>
        %add3A_424 = arith.addf %add3A_413, %mul3A_423 : vector<16xf32>
        %get3A_425 = arith.index_cast %add3A_392 : i32 to index
        %get3A_426 = arith.constant 48 : index
        %get3A_427 = tpu.vector_load %arg10[%get3A_425, %get3A_426] {strides = array<i32>} : memref<256x64xf32, #tpu.memory_space<vmem>>, vector<1x16xf32>,
        %get3A_428 = vector.shape_cast %get3A_427 : vector<1x16xf32> to vector<16xf32>
        %get3A_429 = arith.index_cast %add3A_392 : i32 to index
        %get3A_430 = arith.constant 48 : index
        %get3A_431 = tpu.vector_load %arg11[%get3A_429, %get3A_430] {strides = array<i32>} : memref<256x64xf32, #tpu.memory_space<vmem>>, vector<1x16xf32>,
        %get3A_432 = vector.shape_cast %get3A_431 : vector<1x16xf32> to vector<16xf32>
        %mul3A_433 = arith.mulf %get3A_428, %get3A_432 : vector<16xf32>
        %mul3A_434 = arith.mulf %mul3A_433, %get3A_14 : vector<16xf32>
        %add3A_435 = arith.addf %add3A_424, %mul3A_434 : vector<16xf32>
        %broadcast_in_dim3A_436 = vector.shape_cast %xor3A_19 : vector<16xi32> to vector<16x1xi32>
        %gather3A_437 = vector.shape_cast %broadcast_in_dim3A_436 : vector<16x1xi32> to vector<16xi32>
        %gather3A_438 = tpu.dynamic_gather %add3A_435[%gather3A_437] in [0] : vector<16xf32>, vector<16xi32> -> vector<16xf32>
        %add3A_439 = arith.addf %add3A_435, %gather3A_438 : vector<16xf32>
        %broadcast_in_dim3A_440 = vector.shape_cast %xor3A_22 : vector<16xi32> to vector<16x1xi32>
        %gather3A_441 = vector.shape_cast %broadcast_in_dim3A_440 : vector<16x1xi32> to vector<16xi32>
        %gather3A_442 = tpu.dynamic_gather %add3A_439[%gather3A_441] in [0] : vector<16xf32>, vector<16xi32> -> vector<16xf32>
        %add3A_443 = arith.addf %add3A_439, %gather3A_442 : vector<16xf32>
        %broadcast_in_dim3A_444 = vector.shape_cast %xor3A_25 : vector<16xi32> to vector<16x1xi32>
        %gather3A_445 = vector.shape_cast %broadcast_in_dim3A_444 : vector<16x1xi32> to vector<16xi32>
        %gather3A_446 = tpu.dynamic_gather %add3A_443[%gather3A_445] in [0] : vector<16xf32>, vector<16xi32> -> vector<16xf32>
        %add3A_447 = arith.addf %add3A_443, %gather3A_446 : vector<16xf32>
        %broadcast_in_dim3A_448 = vector.shape_cast %xor3A_28 : vector<16xi32> to vector<16x1xi32>
        %gather3A_449 = vector.shape_cast %broadcast_in_dim3A_448 : vector<16x1xi32> to vector<16xi32>
        %gather3A_450 = tpu.dynamic_gather %add3A_447[%gather3A_449] in [0] : vector<16xf32>, vector<16xi32> -> vector<16xf32>
        %add3A_451 = arith.addf %add3A_447, %gather3A_450 : vector<16xf32>
        %eq3A_452 = arith.constant 5 : i32
        %eq3A_453 = vector.broadcast %eq3A_452 : i32 to vector<16xi32>
        %eq3A_454 = arith.cmpi eq, %iota3A, %eq3A_453 : vector<16xi32>
        %select_n3A_455 = arith.select %eq3A_454, %add3A_451, %select_n3A_388 : vector<16xi1>, vector<16xf32>
        %mul3A_456 = arith.constant 16 : i32
        %mul3A_457 = arith.muli %scan3A_55, %mul3A_456 : i32
        %add3A_458 = arith.constant 6 : i32
        %add3A_459 = arith.addi %mul3A_457, %add3A_458 : i32
        %get3A_460 = arith.index_cast %add3A_459 : i32 to index
        %get3A_461 = arith.constant 0 : index
        %get3A_462 = tpu.vector_load %arg10[%get3A_460, %get3A_461] {strides = array<i32>} : memref<256x64xf32, #tpu.memory_space<vmem>>, vector<1x16xf32>,
        %get3A_463 = vector.shape_cast %get3A_462 : vector<1x16xf32> to vector<16xf32>
        %get3A_464 = arith.index_cast %add3A_459 : i32 to index
        %get3A_465 = arith.constant 0 : index
        %get3A_466 = tpu.vector_load %arg11[%get3A_464, %get3A_465] {strides = array<i32>} : memref<256x64xf32, #tpu.memory_space<vmem>>, vector<1x16xf32>,
        %get3A_467 = vector.shape_cast %get3A_466 : vector<1x16xf32> to vector<16xf32>
        %mul3A_468 = arith.mulf %get3A_463, %get3A_467 : vector<16xf32>
        %mul3A_469 = arith.mulf %mul3A_468, %get3A_5 : vector<16xf32>
        %get3A_470 = arith.index_cast %add3A_459 : i32 to index
        %get3A_471 = arith.constant 16 : index
        %get3A_472 = tpu.vector_load %arg10[%get3A_470, %get3A_471] {strides = array<i32>} : memref<256x64xf32, #tpu.memory_space<vmem>>, vector<1x16xf32>,
        %get3A_473 = vector.shape_cast %get3A_472 : vector<1x16xf32> to vector<16xf32>
        %get3A_474 = arith.index_cast %add3A_459 : i32 to index
        %get3A_475 = arith.constant 16 : index
        %get3A_476 = tpu.vector_load %arg11[%get3A_474, %get3A_475] {strides = array<i32>} : memref<256x64xf32, #tpu.memory_space<vmem>>, vector<1x16xf32>,
        %get3A_477 = vector.shape_cast %get3A_476 : vector<1x16xf32> to vector<16xf32>
        %mul3A_478 = arith.mulf %get3A_473, %get3A_477 : vector<16xf32>
        %mul3A_479 = arith.mulf %mul3A_478, %get3A_8 : vector<16xf32>
        %add3A_480 = arith.addf %mul3A_469, %mul3A_479 : vector<16xf32>
        %get3A_481 = arith.index_cast %add3A_459 : i32 to index
        %get3A_482 = arith.constant 32 : index
        %get3A_483 = tpu.vector_load %arg10[%get3A_481, %get3A_482] {strides = array<i32>} : memref<256x64xf32, #tpu.memory_space<vmem>>, vector<1x16xf32>,
        %get3A_484 = vector.shape_cast %get3A_483 : vector<1x16xf32> to vector<16xf32>
        %get3A_485 = arith.index_cast %add3A_459 : i32 to index
        %get3A_486 = arith.constant 32 : index
        %get3A_487 = tpu.vector_load %arg11[%get3A_485, %get3A_486] {strides = array<i32>} : memref<256x64xf32, #tpu.memory_space<vmem>>, vector<1x16xf32>,
        %get3A_488 = vector.shape_cast %get3A_487 : vector<1x16xf32> to vector<16xf32>
        %mul3A_489 = arith.mulf %get3A_484, %get3A_488 : vector<16xf32>
        %mul3A_490 = arith.mulf %mul3A_489, %get3A_11 : vector<16xf32>
        %add3A_491 = arith.addf %add3A_480, %mul3A_490 : vector<16xf32>
        %get3A_492 = arith.index_cast %add3A_459 : i32 to index
        %get3A_493 = arith.constant 48 : index
        %get3A_494 = tpu.vector_load %arg10[%get3A_492, %get3A_493] {strides = array<i32>} : memref<256x64xf32, #tpu.memory_space<vmem>>, vector<1x16xf32>,
        %get3A_495 = vector.shape_cast %get3A_494 : vector<1x16xf32> to vector<16xf32>
        %get3A_496 = arith.index_cast %add3A_459 : i32 to index
        %get3A_497 = arith.constant 48 : index
        %get3A_498 = tpu.vector_load %arg11[%get3A_496, %get3A_497] {strides = array<i32>} : memref<256x64xf32, #tpu.memory_space<vmem>>, vector<1x16xf32>,
        %get3A_499 = vector.shape_cast %get3A_498 : vector<1x16xf32> to vector<16xf32>
        %mul3A_500 = arith.mulf %get3A_495, %get3A_499 : vector<16xf32>
        %mul3A_501 = arith.mulf %mul3A_500, %get3A_14 : vector<16xf32>
        %add3A_502 = arith.addf %add3A_491, %mul3A_501 : vector<16xf32>
        %broadcast_in_dim3A_503 = vector.shape_cast %xor3A_19 : vector<16xi32> to vector<16x1xi32>
        %gather3A_504 = vector.shape_cast %broadcast_in_dim3A_503 : vector<16x1xi32> to vector<16xi32>
        %gather3A_505 = tpu.dynamic_gather %add3A_502[%gather3A_504] in [0] : vector<16xf32>, vector<16xi32> -> vector<16xf32>
        %add3A_506 = arith.addf %add3A_502, %gather3A_505 : vector<16xf32>
        %broadcast_in_dim3A_507 = vector.shape_cast %xor3A_22 : vector<16xi32> to vector<16x1xi32>
        %gather3A_508 = vector.shape_cast %broadcast_in_dim3A_507 : vector<16x1xi32> to vector<16xi32>
        %gather3A_509 = tpu.dynamic_gather %add3A_506[%gather3A_508] in [0] : vector<16xf32>, vector<16xi32> -> vector<16xf32>
        %add3A_510 = arith.addf %add3A_506, %gather3A_509 : vector<16xf32>
        %broadcast_in_dim3A_511 = vector.shape_cast %xor3A_25 : vector<16xi32> to vector<16x1xi32>
        %gather3A_512 = vector.shape_cast %broadcast_in_dim3A_511 : vector<16x1xi32> to vector<16xi32>
        %gather3A_513 = tpu.dynamic_gather %add3A_510[%gather3A_512] in [0] : vector<16xf32>, vector<16xi32> -> vector<16xf32>
        %add3A_514 = arith.addf %add3A_510, %gather3A_513 : vector<16xf32>
        %broadcast_in_dim3A_515 = vector.shape_cast %xor3A_28 : vector<16xi32> to vector<16x1xi32>
        %gather3A_516 = vector.shape_cast %broadcast_in_dim3A_515 : vector<16x1xi32> to vector<16xi32>
        %gather3A_517 = tpu.dynamic_gather %add3A_514[%gather3A_516] in [0] : vector<16xf32>, vector<16xi32> -> vector<16xf32>
        %add3A_518 = arith.addf %add3A_514, %gather3A_517 : vector<16xf32>
        %eq3A_519 = arith.constant 6 : i32
        %eq3A_520 = vector.broadcast %eq3A_519 : i32 to vector<16xi32>
        %eq3A_521 = arith.cmpi eq, %iota3A, %eq3A_520 : vector<16xi32>
        %select_n3A_522 = arith.select %eq3A_521, %add3A_518, %select_n3A_455 : vector<16xi1>, vector<16xf32>
        %mul3A_523 = arith.constant 16 : i32
        %mul3A_524 = arith.muli %scan3A_55, %mul3A_523 : i32
        %add3A_525 = arith.constant 7 : i32
        %add3A_526 = arith.addi %mul3A_524, %add3A_525 : i32
        %get3A_527 = arith.index_cast %add3A_526 : i32 to index
        %get3A_528 = arith.constant 0 : index
        %get3A_529 = tpu.vector_load %arg10[%get3A_527, %get3A_528] {strides = array<i32>} : memref<256x64xf32, #tpu.memory_space<vmem>>, vector<1x16xf32>,
        %get3A_530 = vector.shape_cast %get3A_529 : vector<1x16xf32> to vector<16xf32>
        %get3A_531 = arith.index_cast %add3A_526 : i32 to index
        %get3A_532 = arith.constant 0 : index
        %get3A_533 = tpu.vector_load %arg11[%get3A_531, %get3A_532] {strides = array<i32>} : memref<256x64xf32, #tpu.memory_space<vmem>>, vector<1x16xf32>,
        %get3A_534 = vector.shape_cast %get3A_533 : vector<1x16xf32> to vector<16xf32>
        %mul3A_535 = arith.mulf %get3A_530, %get3A_534 : vector<16xf32>
        %mul3A_536 = arith.mulf %mul3A_535, %get3A_5 : vector<16xf32>
        %get3A_537 = arith.index_cast %add3A_526 : i32 to index
        %get3A_538 = arith.constant 16 : index
        %get3A_539 = tpu.vector_load %arg10[%get3A_537, %get3A_538] {strides = array<i32>} : memref<256x64xf32, #tpu.memory_space<vmem>>, vector<1x16xf32>,
        %get3A_540 = vector.shape_cast %get3A_539 : vector<1x16xf32> to vector<16xf32>
        %get3A_541 = arith.index_cast %add3A_526 : i32 to index
        %get3A_542 = arith.constant 16 : index
        %get3A_543 = tpu.vector_load %arg11[%get3A_541, %get3A_542] {strides = array<i32>} : memref<256x64xf32, #tpu.memory_space<vmem>>, vector<1x16xf32>,
        %get3A_544 = vector.shape_cast %get3A_543 : vector<1x16xf32> to vector<16xf32>
        %mul3A_545 = arith.mulf %get3A_540, %get3A_544 : vector<16xf32>
        %mul3A_546 = arith.mulf %mul3A_545, %get3A_8 : vector<16xf32>
        %add3A_547 = arith.addf %mul3A_536, %mul3A_546 : vector<16xf32>
        %get3A_548 = arith.index_cast %add3A_526 : i32 to index
        %get3A_549 = arith.constant 32 : index
        %get3A_550 = tpu.vector_load %arg10[%get3A_548, %get3A_549] {strides = array<i32>} : memref<256x64xf32, #tpu.memory_space<vmem>>, vector<1x16xf32>,
        %get3A_551 = vector.shape_cast %get3A_550 : vector<1x16xf32> to vector<16xf32>
        %get3A_552 = arith.index_cast %add3A_526 : i32 to index
        %get3A_553 = arith.constant 32 : index
        %get3A_554 = tpu.vector_load %arg11[%get3A_552, %get3A_553] {strides = array<i32>} : memref<256x64xf32, #tpu.memory_space<vmem>>, vector<1x16xf32>,
        %get3A_555 = vector.shape_cast %get3A_554 : vector<1x16xf32> to vector<16xf32>
        %mul3A_556 = arith.mulf %get3A_551, %get3A_555 : vector<16xf32>
        %mul3A_557 = arith.mulf %mul3A_556, %get3A_11 : vector<16xf32>
        %add3A_558 = arith.addf %add3A_547, %mul3A_557 : vector<16xf32>
        %get3A_559 = arith.index_cast %add3A_526 : i32 to index
        %get3A_560 = arith.constant 48 : index
        %get3A_561 = tpu.vector_load %arg10[%get3A_559, %get3A_560] {strides = array<i32>} : memref<256x64xf32, #tpu.memory_space<vmem>>, vector<1x16xf32>,
        %get3A_562 = vector.shape_cast %get3A_561 : vector<1x16xf32> to vector<16xf32>
        %get3A_563 = arith.index_cast %add3A_526 : i32 to index
        %get3A_564 = arith.constant 48 : index
        %get3A_565 = tpu.vector_load %arg11[%get3A_563, %get3A_564] {strides = array<i32>} : memref<256x64xf32, #tpu.memory_space<vmem>>, vector<1x16xf32>,
        %get3A_566 = vector.shape_cast %get3A_565 : vector<1x16xf32> to vector<16xf32>
        %mul3A_567 = arith.mulf %get3A_562, %get3A_566 : vector<16xf32>
        %mul3A_568 = arith.mulf %mul3A_567, %get3A_14 : vector<16xf32>
        %add3A_569 = arith.addf %add3A_558, %mul3A_568 : vector<16xf32>
        %broadcast_in_dim3A_570 = vector.shape_cast %xor3A_19 : vector<16xi32> to vector<16x1xi32>
        %gather3A_571 = vector.shape_cast %broadcast_in_dim3A_570 : vector<16x1xi32> to vector<16xi32>
        %gather3A_572 = tpu.dynamic_gather %add3A_569[%gather3A_571] in [0] : vector<16xf32>, vector<16xi32> -> vector<16xf32>
        %add3A_573 = arith.addf %add3A_569, %gather3A_572 : vector<16xf32>
        %broadcast_in_dim3A_574 = vector.shape_cast %xor3A_22 : vector<16xi32> to vector<16x1xi32>
        %gather3A_575 = vector.shape_cast %broadcast_in_dim3A_574 : vector<16x1xi32> to vector<16xi32>
        %gather3A_576 = tpu.dynamic_gather %add3A_573[%gather3A_575] in [0] : vector<16xf32>, vector<16xi32> -> vector<16xf32>
        %add3A_577 = arith.addf %add3A_573, %gather3A_576 : vector<16xf32>
        %broadcast_in_dim3A_578 = vector.shape_cast %xor3A_25 : vector<16xi32> to vector<16x1xi32>
        %gather3A_579 = vector.shape_cast %broadcast_in_dim3A_578 : vector<16x1xi32> to vector<16xi32>
        %gather3A_580 = tpu.dynamic_gather %add3A_577[%gather3A_579] in [0] : vector<16xf32>, vector<16xi32> -> vector<16xf32>
        %add3A_581 = arith.addf %add3A_577, %gather3A_580 : vector<16xf32>
        %broadcast_in_dim3A_582 = vector.shape_cast %xor3A_28 : vector<16xi32> to vector<16x1xi32>
        %gather3A_583 = vector.shape_cast %broadcast_in_dim3A_582 : vector<16x1xi32> to vector<16xi32>
        %gather3A_584 = tpu.dynamic_gather %add3A_581[%gather3A_583] in [0] : vector<16xf32>, vector<16xi32> -> vector<16xf32>
        %add3A_585 = arith.addf %add3A_581, %gather3A_584 : vector<16xf32>
        %eq3A_586 = arith.constant 7 : i32
        %eq3A_587 = vector.broadcast %eq3A_586 : i32 to vector<16xi32>
        %eq3A_588 = arith.cmpi eq, %iota3A, %eq3A_587 : vector<16xi32>
        %select_n3A_589 = arith.select %eq3A_588, %add3A_585, %select_n3A_522 : vector<16xi1>, vector<16xf32>
        %mul3A_590 = arith.constant 16 : i32
        %mul3A_591 = arith.muli %scan3A_55, %mul3A_590 : i32
        %add3A_592 = arith.constant 8 : i32
        %add3A_593 = arith.addi %mul3A_591, %add3A_592 : i32
        %get3A_594 = arith.index_cast %add3A_593 : i32 to index
        %get3A_595 = arith.constant 0 : index
        %get3A_596 = tpu.vector_load %arg10[%get3A_594, %get3A_595] {strides = array<i32>} : memref<256x64xf32, #tpu.memory_space<vmem>>, vector<1x16xf32>,
        %get3A_597 = vector.shape_cast %get3A_596 : vector<1x16xf32> to vector<16xf32>
        %get3A_598 = arith.index_cast %add3A_593 : i32 to index
        %get3A_599 = arith.constant 0 : index
        %get3A_600 = tpu.vector_load %arg11[%get3A_598, %get3A_599] {strides = array<i32>} : memref<256x64xf32, #tpu.memory_space<vmem>>, vector<1x16xf32>,
        %get3A_601 = vector.shape_cast %get3A_600 : vector<1x16xf32> to vector<16xf32>
        %mul3A_602 = arith.mulf %get3A_597, %get3A_601 : vector<16xf32>
        %mul3A_603 = arith.mulf %mul3A_602, %get3A_5 : vector<16xf32>
        %get3A_604 = arith.index_cast %add3A_593 : i32 to index
        %get3A_605 = arith.constant 16 : index
        %get3A_606 = tpu.vector_load %arg10[%get3A_604, %get3A_605] {strides = array<i32>} : memref<256x64xf32, #tpu.memory_space<vmem>>, vector<1x16xf32>,
        %get3A_607 = vector.shape_cast %get3A_606 : vector<1x16xf32> to vector<16xf32>
        %get3A_608 = arith.index_cast %add3A_593 : i32 to index
        %get3A_609 = arith.constant 16 : index
        %get3A_610 = tpu.vector_load %arg11[%get3A_608, %get3A_609] {strides = array<i32>} : memref<256x64xf32, #tpu.memory_space<vmem>>, vector<1x16xf32>,
        %get3A_611 = vector.shape_cast %get3A_610 : vector<1x16xf32> to vector<16xf32>
        %mul3A_612 = arith.mulf %get3A_607, %get3A_611 : vector<16xf32>
        %mul3A_613 = arith.mulf %mul3A_612, %get3A_8 : vector<16xf32>
        %add3A_614 = arith.addf %mul3A_603, %mul3A_613 : vector<16xf32>
        %get3A_615 = arith.index_cast %add3A_593 : i32 to index
        %get3A_616 = arith.constant 32 : index
        %get3A_617 = tpu.vector_load %arg10[%get3A_615, %get3A_616] {strides = array<i32>} : memref<256x64xf32, #tpu.memory_space<vmem>>, vector<1x16xf32>,
        %get3A_618 = vector.shape_cast %get3A_617 : vector<1x16xf32> to vector<16xf32>
        %get3A_619 = arith.index_cast %add3A_593 : i32 to index
        %get3A_620 = arith.constant 32 : index
        %get3A_621 = tpu.vector_load %arg11[%get3A_619, %get3A_620] {strides = array<i32>} : memref<256x64xf32, #tpu.memory_space<vmem>>, vector<1x16xf32>,
        %get3A_622 = vector.shape_cast %get3A_621 : vector<1x16xf32> to vector<16xf32>
        %mul3A_623 = arith.mulf %get3A_618, %get3A_622 : vector<16xf32>
        %mul3A_624 = arith.mulf %mul3A_623, %get3A_11 : vector<16xf32>
        %add3A_625 = arith.addf %add3A_614, %mul3A_624 : vector<16xf32>
        %get3A_626 = arith.index_cast %add3A_593 : i32 to index
        %get3A_627 = arith.constant 48 : index
        %get3A_628 = tpu.vector_load %arg10[%get3A_626, %get3A_627] {strides = array<i32>} : memref<256x64xf32, #tpu.memory_space<vmem>>, vector<1x16xf32>,
        %get3A_629 = vector.shape_cast %get3A_628 : vector<1x16xf32> to vector<16xf32>
        %get3A_630 = arith.index_cast %add3A_593 : i32 to index
        %get3A_631 = arith.constant 48 : index
        %get3A_632 = tpu.vector_load %arg11[%get3A_630, %get3A_631] {strides = array<i32>} : memref<256x64xf32, #tpu.memory_space<vmem>>, vector<1x16xf32>,
        %get3A_633 = vector.shape_cast %get3A_632 : vector<1x16xf32> to vector<16xf32>
        %mul3A_634 = arith.mulf %get3A_629, %get3A_633 : vector<16xf32>
        %mul3A_635 = arith.mulf %mul3A_634, %get3A_14 : vector<16xf32>
        %add3A_636 = arith.addf %add3A_625, %mul3A_635 : vector<16xf32>
        %broadcast_in_dim3A_637 = vector.shape_cast %xor3A_19 : vector<16xi32> to vector<16x1xi32>
        %gather3A_638 = vector.shape_cast %broadcast_in_dim3A_637 : vector<16x1xi32> to vector<16xi32>
        %gather3A_639 = tpu.dynamic_gather %add3A_636[%gather3A_638] in [0] : vector<16xf32>, vector<16xi32> -> vector<16xf32>
        %add3A_640 = arith.addf %add3A_636, %gather3A_639 : vector<16xf32>
        %broadcast_in_dim3A_641 = vector.shape_cast %xor3A_22 : vector<16xi32> to vector<16x1xi32>
        %gather3A_642 = vector.shape_cast %broadcast_in_dim3A_641 : vector<16x1xi32> to vector<16xi32>
        %gather3A_643 = tpu.dynamic_gather %add3A_640[%gather3A_642] in [0] : vector<16xf32>, vector<16xi32> -> vector<16xf32>
        %add3A_644 = arith.addf %add3A_640, %gather3A_643 : vector<16xf32>
        %broadcast_in_dim3A_645 = vector.shape_cast %xor3A_25 : vector<16xi32> to vector<16x1xi32>
        %gather3A_646 = vector.shape_cast %broadcast_in_dim3A_645 : vector<16x1xi32> to vector<16xi32>
        %gather3A_647 = tpu.dynamic_gather %add3A_644[%gather3A_646] in [0] : vector<16xf32>, vector<16xi32> -> vector<16xf32>
        %add3A_648 = arith.addf %add3A_644, %gather3A_647 : vector<16xf32>
        %broadcast_in_dim3A_649 = vector.shape_cast %xor3A_28 : vector<16xi32> to vector<16x1xi32>
        %gather3A_650 = vector.shape_cast %broadcast_in_dim3A_649 : vector<16x1xi32> to vector<16xi32>
        %gather3A_651 = tpu.dynamic_gather %add3A_648[%gather3A_650] in [0] : vector<16xf32>, vector<16xi32> -> vector<16xf32>
        %add3A_652 = arith.addf %add3A_648, %gather3A_651 : vector<16xf32>
        %eq3A_653 = arith.constant 8 : i32
        %eq3A_654 = vector.broadcast %eq3A_653 : i32 to vector<16xi32>
        %eq3A_655 = arith.cmpi eq, %iota3A, %eq3A_654 : vector<16xi32>
        %select_n3A_656 = arith.select %eq3A_655, %add3A_652, %select_n3A_589 : vector<16xi1>, vector<16xf32>
        %mul3A_657 = arith.constant 16 : i32
        %mul3A_658 = arith.muli %scan3A_55, %mul3A_657 : i32
        %add3A_659 = arith.constant 9 : i32
        %add3A_660 = arith.addi %mul3A_658, %add3A_659 : i32
        %get3A_661 = arith.index_cast %add3A_660 : i32 to index
        %get3A_662 = arith.constant 0 : index
        %get3A_663 = tpu.vector_load %arg10[%get3A_661, %get3A_662] {strides = array<i32>} : memref<256x64xf32, #tpu.memory_space<vmem>>, vector<1x16xf32>,
        %get3A_664 = vector.shape_cast %get3A_663 : vector<1x16xf32> to vector<16xf32>
        %get3A_665 = arith.index_cast %add3A_660 : i32 to index
        %get3A_666 = arith.constant 0 : index
        %get3A_667 = tpu.vector_load %arg11[%get3A_665, %get3A_666] {strides = array<i32>} : memref<256x64xf32, #tpu.memory_space<vmem>>, vector<1x16xf32>,
        %get3A_668 = vector.shape_cast %get3A_667 : vector<1x16xf32> to vector<16xf32>
        %mul3A_669 = arith.mulf %get3A_664, %get3A_668 : vector<16xf32>
        %mul3A_670 = arith.mulf %mul3A_669, %get3A_5 : vector<16xf32>
        %get3A_671 = arith.index_cast %add3A_660 : i32 to index
        %get3A_672 = arith.constant 16 : index
        %get3A_673 = tpu.vector_load %arg10[%get3A_671, %get3A_672] {strides = array<i32>} : memref<256x64xf32, #tpu.memory_space<vmem>>, vector<1x16xf32>,
        %get3A_674 = vector.shape_cast %get3A_673 : vector<1x16xf32> to vector<16xf32>
        %get3A_675 = arith.index_cast %add3A_660 : i32 to index
        %get3A_676 = arith.constant 16 : index
        %get3A_677 = tpu.vector_load %arg11[%get3A_675, %get3A_676] {strides = array<i32>} : memref<256x64xf32, #tpu.memory_space<vmem>>, vector<1x16xf32>,
        %get3A_678 = vector.shape_cast %get3A_677 : vector<1x16xf32> to vector<16xf32>
        %mul3A_679 = arith.mulf %get3A_674, %get3A_678 : vector<16xf32>
        %mul3A_680 = arith.mulf %mul3A_679, %get3A_8 : vector<16xf32>
        %add3A_681 = arith.addf %mul3A_670, %mul3A_680 : vector<16xf32>
        %get3A_682 = arith.index_cast %add3A_660 : i32 to index
        %get3A_683 = arith.constant 32 : index
        %get3A_684 = tpu.vector_load %arg10[%get3A_682, %get3A_683] {strides = array<i32>} : memref<256x64xf32, #tpu.memory_space<vmem>>, vector<1x16xf32>,
        %get3A_685 = vector.shape_cast %get3A_684 : vector<1x16xf32> to vector<16xf32>
        %get3A_686 = arith.index_cast %add3A_660 : i32 to index
        %get3A_687 = arith.constant 32 : index
        %get3A_688 = tpu.vector_load %arg11[%get3A_686, %get3A_687] {strides = array<i32>} : memref<256x64xf32, #tpu.memory_space<vmem>>, vector<1x16xf32>,
        %get3A_689 = vector.shape_cast %get3A_688 : vector<1x16xf32> to vector<16xf32>
        %mul3A_690 = arith.mulf %get3A_685, %get3A_689 : vector<16xf32>
        %mul3A_691 = arith.mulf %mul3A_690, %get3A_11 : vector<16xf32>
        %add3A_692 = arith.addf %add3A_681, %mul3A_691 : vector<16xf32>
        %get3A_693 = arith.index_cast %add3A_660 : i32 to index
        %get3A_694 = arith.constant 48 : index
        %get3A_695 = tpu.vector_load %arg10[%get3A_693, %get3A_694] {strides = array<i32>} : memref<256x64xf32, #tpu.memory_space<vmem>>, vector<1x16xf32>,
        %get3A_696 = vector.shape_cast %get3A_695 : vector<1x16xf32> to vector<16xf32>
        %get3A_697 = arith.index_cast %add3A_660 : i32 to index
        %get3A_698 = arith.constant 48 : index
        %get3A_699 = tpu.vector_load %arg11[%get3A_697, %get3A_698] {strides = array<i32>} : memref<256x64xf32, #tpu.memory_space<vmem>>, vector<1x16xf32>,
        %get3A_700 = vector.shape_cast %get3A_699 : vector<1x16xf32> to vector<16xf32>
        %mul3A_701 = arith.mulf %get3A_696, %get3A_700 : vector<16xf32>
        %mul3A_702 = arith.mulf %mul3A_701, %get3A_14 : vector<16xf32>
        %add3A_703 = arith.addf %add3A_692, %mul3A_702 : vector<16xf32>
        %broadcast_in_dim3A_704 = vector.shape_cast %xor3A_19 : vector<16xi32> to vector<16x1xi32>
        %gather3A_705 = vector.shape_cast %broadcast_in_dim3A_704 : vector<16x1xi32> to vector<16xi32>
        %gather3A_706 = tpu.dynamic_gather %add3A_703[%gather3A_705] in [0] : vector<16xf32>, vector<16xi32> -> vector<16xf32>
        %add3A_707 = arith.addf %add3A_703, %gather3A_706 : vector<16xf32>
        %broadcast_in_dim3A_708 = vector.shape_cast %xor3A_22 : vector<16xi32> to vector<16x1xi32>
        %gather3A_709 = vector.shape_cast %broadcast_in_dim3A_708 : vector<16x1xi32> to vector<16xi32>
        %gather3A_710 = tpu.dynamic_gather %add3A_707[%gather3A_709] in [0] : vector<16xf32>, vector<16xi32> -> vector<16xf32>
        %add3A_711 = arith.addf %add3A_707, %gather3A_710 : vector<16xf32>
        %broadcast_in_dim3A_712 = vector.shape_cast %xor3A_25 : vector<16xi32> to vector<16x1xi32>
        %gather3A_713 = vector.shape_cast %broadcast_in_dim3A_712 : vector<16x1xi32> to vector<16xi32>
        %gather3A_714 = tpu.dynamic_gather %add3A_711[%gather3A_713] in [0] : vector<16xf32>, vector<16xi32> -> vector<16xf32>
        %add3A_715 = arith.addf %add3A_711, %gather3A_714 : vector<16xf32>
        %broadcast_in_dim3A_716 = vector.shape_cast %xor3A_28 : vector<16xi32> to vector<16x1xi32>
        %gather3A_717 = vector.shape_cast %broadcast_in_dim3A_716 : vector<16x1xi32> to vector<16xi32>
        %gather3A_718 = tpu.dynamic_gather %add3A_715[%gather3A_717] in [0] : vector<16xf32>, vector<16xi32> -> vector<16xf32>
        %add3A_719 = arith.addf %add3A_715, %gather3A_718 : vector<16xf32>
        %eq3A_720 = arith.constant 9 : i32
        %eq3A_721 = vector.broadcast %eq3A_720 : i32 to vector<16xi32>
        %eq3A_722 = arith.cmpi eq, %iota3A, %eq3A_721 : vector<16xi32>
        %select_n3A_723 = arith.select %eq3A_722, %add3A_719, %select_n3A_656 : vector<16xi1>, vector<16xf32>
        %mul3A_724 = arith.constant 16 : i32
        %mul3A_725 = arith.muli %scan3A_55, %mul3A_724 : i32
        %add3A_726 = arith.constant 10 : i32
        %add3A_727 = arith.addi %mul3A_725, %add3A_726 : i32
        %get3A_728 = arith.index_cast %add3A_727 : i32 to index
        %get3A_729 = arith.constant 0 : index
        %get3A_730 = tpu.vector_load %arg10[%get3A_728, %get3A_729] {strides = array<i32>} : memref<256x64xf32, #tpu.memory_space<vmem>>, vector<1x16xf32>,
        %get3A_731 = vector.shape_cast %get3A_730 : vector<1x16xf32> to vector<16xf32>
        %get3A_732 = arith.index_cast %add3A_727 : i32 to index
        %get3A_733 = arith.constant 0 : index
        %get3A_734 = tpu.vector_load %arg11[%get3A_732, %get3A_733] {strides = array<i32>} : memref<256x64xf32, #tpu.memory_space<vmem>>, vector<1x16xf32>,
        %get3A_735 = vector.shape_cast %get3A_734 : vector<1x16xf32> to vector<16xf32>
        %mul3A_736 = arith.mulf %get3A_731, %get3A_735 : vector<16xf32>
        %mul3A_737 = arith.mulf %mul3A_736, %get3A_5 : vector<16xf32>
        %get3A_738 = arith.index_cast %add3A_727 : i32 to index
        %get3A_739 = arith.constant 16 : index
        %get3A_740 = tpu.vector_load %arg10[%get3A_738, %get3A_739] {strides = array<i32>} : memref<256x64xf32, #tpu.memory_space<vmem>>, vector<1x16xf32>,
        %get3A_741 = vector.shape_cast %get3A_740 : vector<1x16xf32> to vector<16xf32>
        %get3A_742 = arith.index_cast %add3A_727 : i32 to index
        %get3A_743 = arith.constant 16 : index
        %get3A_744 = tpu.vector_load %arg11[%get3A_742, %get3A_743] {strides = array<i32>} : memref<256x64xf32, #tpu.memory_space<vmem>>, vector<1x16xf32>,
        %get3A_745 = vector.shape_cast %get3A_744 : vector<1x16xf32> to vector<16xf32>
        %mul3A_746 = arith.mulf %get3A_741, %get3A_745 : vector<16xf32>
        %mul3A_747 = arith.mulf %mul3A_746, %get3A_8 : vector<16xf32>
        %add3A_748 = arith.addf %mul3A_737, %mul3A_747 : vector<16xf32>
        %get3A_749 = arith.index_cast %add3A_727 : i32 to index
        %get3A_750 = arith.constant 32 : index
        %get3A_751 = tpu.vector_load %arg10[%get3A_749, %get3A_750] {strides = array<i32>} : memref<256x64xf32, #tpu.memory_space<vmem>>, vector<1x16xf32>,
        %get3A_752 = vector.shape_cast %get3A_751 : vector<1x16xf32> to vector<16xf32>
        %get3A_753 = arith.index_cast %add3A_727 : i32 to index
        %get3A_754 = arith.constant 32 : index
        %get3A_755 = tpu.vector_load %arg11[%get3A_753, %get3A_754] {strides = array<i32>} : memref<256x64xf32, #tpu.memory_space<vmem>>, vector<1x16xf32>,
        %get3A_756 = vector.shape_cast %get3A_755 : vector<1x16xf32> to vector<16xf32>
        %mul3A_757 = arith.mulf %get3A_752, %get3A_756 : vector<16xf32>
        %mul3A_758 = arith.mulf %mul3A_757, %get3A_11 : vector<16xf32>
        %add3A_759 = arith.addf %add3A_748, %mul3A_758 : vector<16xf32>
        %get3A_760 = arith.index_cast %add3A_727 : i32 to index
        %get3A_761 = arith.constant 48 : index
        %get3A_762 = tpu.vector_load %arg10[%get3A_760, %get3A_761] {strides = array<i32>} : memref<256x64xf32, #tpu.memory_space<vmem>>, vector<1x16xf32>,
        %get3A_763 = vector.shape_cast %get3A_762 : vector<1x16xf32> to vector<16xf32>
        %get3A_764 = arith.index_cast %add3A_727 : i32 to index
        %get3A_765 = arith.constant 48 : index
        %get3A_766 = tpu.vector_load %arg11[%get3A_764, %get3A_765] {strides = array<i32>} : memref<256x64xf32, #tpu.memory_space<vmem>>, vector<1x16xf32>,
        %get3A_767 = vector.shape_cast %get3A_766 : vector<1x16xf32> to vector<16xf32>
        %mul3A_768 = arith.mulf %get3A_763, %get3A_767 : vector<16xf32>
        %mul3A_769 = arith.mulf %mul3A_768, %get3A_14 : vector<16xf32>
        %add3A_770 = arith.addf %add3A_759, %mul3A_769 : vector<16xf32>
        %broadcast_in_dim3A_771 = vector.shape_cast %xor3A_19 : vector<16xi32> to vector<16x1xi32>
        %gather3A_772 = vector.shape_cast %broadcast_in_dim3A_771 : vector<16x1xi32> to vector<16xi32>
        %gather3A_773 = tpu.dynamic_gather %add3A_770[%gather3A_772] in [0] : vector<16xf32>, vector<16xi32> -> vector<16xf32>
        %add3A_774 = arith.addf %add3A_770, %gather3A_773 : vector<16xf32>
        %broadcast_in_dim3A_775 = vector.shape_cast %xor3A_22 : vector<16xi32> to vector<16x1xi32>
        %gather3A_776 = vector.shape_cast %broadcast_in_dim3A_775 : vector<16x1xi32> to vector<16xi32>
        %gather3A_777 = tpu.dynamic_gather %add3A_774[%gather3A_776] in [0] : vector<16xf32>, vector<16xi32> -> vector<16xf32>
        %add3A_778 = arith.addf %add3A_774, %gather3A_777 : vector<16xf32>
        %broadcast_in_dim3A_779 = vector.shape_cast %xor3A_25 : vector<16xi32> to vector<16x1xi32>
        %gather3A_780 = vector.shape_cast %broadcast_in_dim3A_779 : vector<16x1xi32> to vector<16xi32>
        %gather3A_781 = tpu.dynamic_gather %add3A_778[%gather3A_780] in [0] : vector<16xf32>, vector<16xi32> -> vector<16xf32>
        %add3A_782 = arith.addf %add3A_778, %gather3A_781 : vector<16xf32>
        %broadcast_in_dim3A_783 = vector.shape_cast %xor3A_28 : vector<16xi32> to vector<16x1xi32>
        %gather3A_784 = vector.shape_cast %broadcast_in_dim3A_783 : vector<16x1xi32> to vector<16xi32>
        %gather3A_785 = tpu.dynamic_gather %add3A_782[%gather3A_784] in [0] : vector<16xf32>, vector<16xi32> -> vector<16xf32>
        %add3A_786 = arith.addf %add3A_782, %gather3A_785 : vector<16xf32>
        %eq3A_787 = arith.constant 10 : i32
        %eq3A_788 = vector.broadcast %eq3A_787 : i32 to vector<16xi32>
        %eq3A_789 = arith.cmpi eq, %iota3A, %eq3A_788 : vector<16xi32>
        %select_n3A_790 = arith.select %eq3A_789, %add3A_786, %select_n3A_723 : vector<16xi1>, vector<16xf32>
        %mul3A_791 = arith.constant 16 : i32
        %mul3A_792 = arith.muli %scan3A_55, %mul3A_791 : i32
        %add3A_793 = arith.constant 11 : i32
        %add3A_794 = arith.addi %mul3A_792, %add3A_793 : i32
        %get3A_795 = arith.index_cast %add3A_794 : i32 to index
        %get3A_796 = arith.constant 0 : index
        %get3A_797 = tpu.vector_load %arg10[%get3A_795, %get3A_796] {strides = array<i32>} : memref<256x64xf32, #tpu.memory_space<vmem>>, vector<1x16xf32>,
        %get3A_798 = vector.shape_cast %get3A_797 : vector<1x16xf32> to vector<16xf32>
        %get3A_799 = arith.index_cast %add3A_794 : i32 to index
        %get3A_800 = arith.constant 0 : index
        %get3A_801 = tpu.vector_load %arg11[%get3A_799, %get3A_800] {strides = array<i32>} : memref<256x64xf32, #tpu.memory_space<vmem>>, vector<1x16xf32>,
        %get3A_802 = vector.shape_cast %get3A_801 : vector<1x16xf32> to vector<16xf32>
        %mul3A_803 = arith.mulf %get3A_798, %get3A_802 : vector<16xf32>
        %mul3A_804 = arith.mulf %mul3A_803, %get3A_5 : vector<16xf32>
        %get3A_805 = arith.index_cast %add3A_794 : i32 to index
        %get3A_806 = arith.constant 16 : index
        %get3A_807 = tpu.vector_load %arg10[%get3A_805, %get3A_806] {strides = array<i32>} : memref<256x64xf32, #tpu.memory_space<vmem>>, vector<1x16xf32>,
        %get3A_808 = vector.shape_cast %get3A_807 : vector<1x16xf32> to vector<16xf32>
        %get3A_809 = arith.index_cast %add3A_794 : i32 to index
        %get3A_810 = arith.constant 16 : index
        %get3A_811 = tpu.vector_load %arg11[%get3A_809, %get3A_810] {strides = array<i32>} : memref<256x64xf32, #tpu.memory_space<vmem>>, vector<1x16xf32>,
        %get3A_812 = vector.shape_cast %get3A_811 : vector<1x16xf32> to vector<16xf32>
        %mul3A_813 = arith.mulf %get3A_808, %get3A_812 : vector<16xf32>
        %mul3A_814 = arith.mulf %mul3A_813, %get3A_8 : vector<16xf32>
        %add3A_815 = arith.addf %mul3A_804, %mul3A_814 : vector<16xf32>
        %get3A_816 = arith.index_cast %add3A_794 : i32 to index
        %get3A_817 = arith.constant 32 : index
        %get3A_818 = tpu.vector_load %arg10[%get3A_816, %get3A_817] {strides = array<i32>} : memref<256x64xf32, #tpu.memory_space<vmem>>, vector<1x16xf32>,
        %get3A_819 = vector.shape_cast %get3A_818 : vector<1x16xf32> to vector<16xf32>
        %get3A_820 = arith.index_cast %add3A_794 : i32 to index
        %get3A_821 = arith.constant 32 : index
        %get3A_822 = tpu.vector_load %arg11[%get3A_820, %get3A_821] {strides = array<i32>} : memref<256x64xf32, #tpu.memory_space<vmem>>, vector<1x16xf32>,
        %get3A_823 = vector.shape_cast %get3A_822 : vector<1x16xf32> to vector<16xf32>
        %mul3A_824 = arith.mulf %get3A_819, %get3A_823 : vector<16xf32>
        %mul3A_825 = arith.mulf %mul3A_824, %get3A_11 : vector<16xf32>
        %add3A_826 = arith.addf %add3A_815, %mul3A_825 : vector<16xf32>
        %get3A_827 = arith.index_cast %add3A_794 : i32 to index
        %get3A_828 = arith.constant 48 : index
        %get3A_829 = tpu.vector_load %arg10[%get3A_827, %get3A_828] {strides = array<i32>} : memref<256x64xf32, #tpu.memory_space<vmem>>, vector<1x16xf32>,
        %get3A_830 = vector.shape_cast %get3A_829 : vector<1x16xf32> to vector<16xf32>
        %get3A_831 = arith.index_cast %add3A_794 : i32 to index
        %get3A_832 = arith.constant 48 : index
        %get3A_833 = tpu.vector_load %arg11[%get3A_831, %get3A_832] {strides = array<i32>} : memref<256x64xf32, #tpu.memory_space<vmem>>, vector<1x16xf32>,
        %get3A_834 = vector.shape_cast %get3A_833 : vector<1x16xf32> to vector<16xf32>
        %mul3A_835 = arith.mulf %get3A_830, %get3A_834 : vector<16xf32>
        %mul3A_836 = arith.mulf %mul3A_835, %get3A_14 : vector<16xf32>
        %add3A_837 = arith.addf %add3A_826, %mul3A_836 : vector<16xf32>
        %broadcast_in_dim3A_838 = vector.shape_cast %xor3A_19 : vector<16xi32> to vector<16x1xi32>
        %gather3A_839 = vector.shape_cast %broadcast_in_dim3A_838 : vector<16x1xi32> to vector<16xi32>
        %gather3A_840 = tpu.dynamic_gather %add3A_837[%gather3A_839] in [0] : vector<16xf32>, vector<16xi32> -> vector<16xf32>
        %add3A_841 = arith.addf %add3A_837, %gather3A_840 : vector<16xf32>
        %broadcast_in_dim3A_842 = vector.shape_cast %xor3A_22 : vector<16xi32> to vector<16x1xi32>
        %gather3A_843 = vector.shape_cast %broadcast_in_dim3A_842 : vector<16x1xi32> to vector<16xi32>
        %gather3A_844 = tpu.dynamic_gather %add3A_841[%gather3A_843] in [0] : vector<16xf32>, vector<16xi32> -> vector<16xf32>
        %add3A_845 = arith.addf %add3A_841, %gather3A_844 : vector<16xf32>
        %broadcast_in_dim3A_846 = vector.shape_cast %xor3A_25 : vector<16xi32> to vector<16x1xi32>
        %gather3A_847 = vector.shape_cast %broadcast_in_dim3A_846 : vector<16x1xi32> to vector<16xi32>
        %gather3A_848 = tpu.dynamic_gather %add3A_845[%gather3A_847] in [0] : vector<16xf32>, vector<16xi32> -> vector<16xf32>
        %add3A_849 = arith.addf %add3A_845, %gather3A_848 : vector<16xf32>
        %broadcast_in_dim3A_850 = vector.shape_cast %xor3A_28 : vector<16xi32> to vector<16x1xi32>
        %gather3A_851 = vector.shape_cast %broadcast_in_dim3A_850 : vector<16x1xi32> to vector<16xi32>
        %gather3A_852 = tpu.dynamic_gather %add3A_849[%gather3A_851] in [0] : vector<16xf32>, vector<16xi32> -> vector<16xf32>
        %add3A_853 = arith.addf %add3A_849, %gather3A_852 : vector<16xf32>
        %eq3A_854 = arith.constant 11 : i32
        %eq3A_855 = vector.broadcast %eq3A_854 : i32 to vector<16xi32>
        %eq3A_856 = arith.cmpi eq, %iota3A, %eq3A_855 : vector<16xi32>
        %select_n3A_857 = arith.select %eq3A_856, %add3A_853, %select_n3A_790 : vector<16xi1>, vector<16xf32>
        %mul3A_858 = arith.constant 16 : i32
        %mul3A_859 = arith.muli %scan3A_55, %mul3A_858 : i32
        %add3A_860 = arith.constant 12 : i32
        %add3A_861 = arith.addi %mul3A_859, %add3A_860 : i32
        %get3A_862 = arith.index_cast %add3A_861 : i32 to index
        %get3A_863 = arith.constant 0 : index
        %get3A_864 = tpu.vector_load %arg10[%get3A_862, %get3A_863] {strides = array<i32>} : memref<256x64xf32, #tpu.memory_space<vmem>>, vector<1x16xf32>,
        %get3A_865 = vector.shape_cast %get3A_864 : vector<1x16xf32> to vector<16xf32>
        %get3A_866 = arith.index_cast %add3A_861 : i32 to index
        %get3A_867 = arith.constant 0 : index
        %get3A_868 = tpu.vector_load %arg11[%get3A_866, %get3A_867] {strides = array<i32>} : memref<256x64xf32, #tpu.memory_space<vmem>>, vector<1x16xf32>,
        %get3A_869 = vector.shape_cast %get3A_868 : vector<1x16xf32> to vector<16xf32>
        %mul3A_870 = arith.mulf %get3A_865, %get3A_869 : vector<16xf32>
        %mul3A_871 = arith.mulf %mul3A_870, %get3A_5 : vector<16xf32>
        %get3A_872 = arith.index_cast %add3A_861 : i32 to index
        %get3A_873 = arith.constant 16 : index
        %get3A_874 = tpu.vector_load %arg10[%get3A_872, %get3A_873] {strides = array<i32>} : memref<256x64xf32, #tpu.memory_space<vmem>>, vector<1x16xf32>,
        %get3A_875 = vector.shape_cast %get3A_874 : vector<1x16xf32> to vector<16xf32>
        %get3A_876 = arith.index_cast %add3A_861 : i32 to index
        %get3A_877 = arith.constant 16 : index
        %get3A_878 = tpu.vector_load %arg11[%get3A_876, %get3A_877] {strides = array<i32>} : memref<256x64xf32, #tpu.memory_space<vmem>>, vector<1x16xf32>,
        %get3A_879 = vector.shape_cast %get3A_878 : vector<1x16xf32> to vector<16xf32>
        %mul3A_880 = arith.mulf %get3A_875, %get3A_879 : vector<16xf32>
        %mul3A_881 = arith.mulf %mul3A_880, %get3A_8 : vector<16xf32>
        %add3A_882 = arith.addf %mul3A_871, %mul3A_881 : vector<16xf32>
        %get3A_883 = arith.index_cast %add3A_861 : i32 to index
        %get3A_884 = arith.constant 32 : index
        %get3A_885 = tpu.vector_load %arg10[%get3A_883, %get3A_884] {strides = array<i32>} : memref<256x64xf32, #tpu.memory_space<vmem>>, vector<1x16xf32>,
        %get3A_886 = vector.shape_cast %get3A_885 : vector<1x16xf32> to vector<16xf32>
        %get3A_887 = arith.index_cast %add3A_861 : i32 to index
        %get3A_888 = arith.constant 32 : index
        %get3A_889 = tpu.vector_load %arg11[%get3A_887, %get3A_888] {strides = array<i32>} : memref<256x64xf32, #tpu.memory_space<vmem>>, vector<1x16xf32>,
        %get3A_890 = vector.shape_cast %get3A_889 : vector<1x16xf32> to vector<16xf32>
        %mul3A_891 = arith.mulf %get3A_886, %get3A_890 : vector<16xf32>
        %mul3A_892 = arith.mulf %mul3A_891, %get3A_11 : vector<16xf32>
        %add3A_893 = arith.addf %add3A_882, %mul3A_892 : vector<16xf32>
        %get3A_894 = arith.index_cast %add3A_861 : i32 to index
        %get3A_895 = arith.constant 48 : index
        %get3A_896 = tpu.vector_load %arg10[%get3A_894, %get3A_895] {strides = array<i32>} : memref<256x64xf32, #tpu.memory_space<vmem>>, vector<1x16xf32>,
        %get3A_897 = vector.shape_cast %get3A_896 : vector<1x16xf32> to vector<16xf32>
        %get3A_898 = arith.index_cast %add3A_861 : i32 to index
        %get3A_899 = arith.constant 48 : index
        %get3A_900 = tpu.vector_load %arg11[%get3A_898, %get3A_899] {strides = array<i32>} : memref<256x64xf32, #tpu.memory_space<vmem>>, vector<1x16xf32>,
        %get3A_901 = vector.shape_cast %get3A_900 : vector<1x16xf32> to vector<16xf32>
        %mul3A_902 = arith.mulf %get3A_897, %get3A_901 : vector<16xf32>
        %mul3A_903 = arith.mulf %mul3A_902, %get3A_14 : vector<16xf32>
        %add3A_904 = arith.addf %add3A_893, %mul3A_903 : vector<16xf32>
        %broadcast_in_dim3A_905 = vector.shape_cast %xor3A_19 : vector<16xi32> to vector<16x1xi32>
        %gather3A_906 = vector.shape_cast %broadcast_in_dim3A_905 : vector<16x1xi32> to vector<16xi32>
        %gather3A_907 = tpu.dynamic_gather %add3A_904[%gather3A_906] in [0] : vector<16xf32>, vector<16xi32> -> vector<16xf32>
        %add3A_908 = arith.addf %add3A_904, %gather3A_907 : vector<16xf32>
        %broadcast_in_dim3A_909 = vector.shape_cast %xor3A_22 : vector<16xi32> to vector<16x1xi32>
        %gather3A_910 = vector.shape_cast %broadcast_in_dim3A_909 : vector<16x1xi32> to vector<16xi32>
        %gather3A_911 = tpu.dynamic_gather %add3A_908[%gather3A_910] in [0] : vector<16xf32>, vector<16xi32> -> vector<16xf32>
        %add3A_912 = arith.addf %add3A_908, %gather3A_911 : vector<16xf32>
        %broadcast_in_dim3A_913 = vector.shape_cast %xor3A_25 : vector<16xi32> to vector<16x1xi32>
        %gather3A_914 = vector.shape_cast %broadcast_in_dim3A_913 : vector<16x1xi32> to vector<16xi32>
        %gather3A_915 = tpu.dynamic_gather %add3A_912[%gather3A_914] in [0] : vector<16xf32>, vector<16xi32> -> vector<16xf32>
        %add3A_916 = arith.addf %add3A_912, %gather3A_915 : vector<16xf32>
        %broadcast_in_dim3A_917 = vector.shape_cast %xor3A_28 : vector<16xi32> to vector<16x1xi32>
        %gather3A_918 = vector.shape_cast %broadcast_in_dim3A_917 : vector<16x1xi32> to vector<16xi32>
        %gather3A_919 = tpu.dynamic_gather %add3A_916[%gather3A_918] in [0] : vector<16xf32>, vector<16xi32> -> vector<16xf32>
        %add3A_920 = arith.addf %add3A_916, %gather3A_919 : vector<16xf32>
        %eq3A_921 = arith.constant 12 : i32
        %eq3A_922 = vector.broadcast %eq3A_921 : i32 to vector<16xi32>
        %eq3A_923 = arith.cmpi eq, %iota3A, %eq3A_922 : vector<16xi32>
        %select_n3A_924 = arith.select %eq3A_923, %add3A_920, %select_n3A_857 : vector<16xi1>, vector<16xf32>
        %mul3A_925 = arith.constant 16 : i32
        %mul3A_926 = arith.muli %scan3A_55, %mul3A_925 : i32
        %add3A_927 = arith.constant 13 : i32
        %add3A_928 = arith.addi %mul3A_926, %add3A_927 : i32
        %get3A_929 = arith.index_cast %add3A_928 : i32 to index
        %get3A_930 = arith.constant 0 : index
        %get3A_931 = tpu.vector_load %arg10[%get3A_929, %get3A_930] {strides = array<i32>} : memref<256x64xf32, #tpu.memory_space<vmem>>, vector<1x16xf32>,
        %get3A_932 = vector.shape_cast %get3A_931 : vector<1x16xf32> to vector<16xf32>
        %get3A_933 = arith.index_cast %add3A_928 : i32 to index
        %get3A_934 = arith.constant 0 : index
        %get3A_935 = tpu.vector_load %arg11[%get3A_933, %get3A_934] {strides = array<i32>} : memref<256x64xf32, #tpu.memory_space<vmem>>, vector<1x16xf32>,
        %get3A_936 = vector.shape_cast %get3A_935 : vector<1x16xf32> to vector<16xf32>
        %mul3A_937 = arith.mulf %get3A_932, %get3A_936 : vector<16xf32>
        %mul3A_938 = arith.mulf %mul3A_937, %get3A_5 : vector<16xf32>
        %get3A_939 = arith.index_cast %add3A_928 : i32 to index
        %get3A_940 = arith.constant 16 : index
        %get3A_941 = tpu.vector_load %arg10[%get3A_939, %get3A_940] {strides = array<i32>} : memref<256x64xf32, #tpu.memory_space<vmem>>, vector<1x16xf32>,
        %get3A_942 = vector.shape_cast %get3A_941 : vector<1x16xf32> to vector<16xf32>
        %get3A_943 = arith.index_cast %add3A_928 : i32 to index
        %get3A_944 = arith.constant 16 : index
        %get3A_945 = tpu.vector_load %arg11[%get3A_943, %get3A_944] {strides = array<i32>} : memref<256x64xf32, #tpu.memory_space<vmem>>, vector<1x16xf32>,
        %get3A_946 = vector.shape_cast %get3A_945 : vector<1x16xf32> to vector<16xf32>
        %mul3A_947 = arith.mulf %get3A_942, %get3A_946 : vector<16xf32>
        %mul3A_948 = arith.mulf %mul3A_947, %get3A_8 : vector<16xf32>
        %add3A_949 = arith.addf %mul3A_938, %mul3A_948 : vector<16xf32>
        %get3A_950 = arith.index_cast %add3A_928 : i32 to index
        %get3A_951 = arith.constant 32 : index
        %get3A_952 = tpu.vector_load %arg10[%get3A_950, %get3A_951] {strides = array<i32>} : memref<256x64xf32, #tpu.memory_space<vmem>>, vector<1x16xf32>,
        %get3A_953 = vector.shape_cast %get3A_952 : vector<1x16xf32> to vector<16xf32>
        %get3A_954 = arith.index_cast %add3A_928 : i32 to index
        %get3A_955 = arith.constant 32 : index
        %get3A_956 = tpu.vector_load %arg11[%get3A_954, %get3A_955] {strides = array<i32>} : memref<256x64xf32, #tpu.memory_space<vmem>>, vector<1x16xf32>,
        %get3A_957 = vector.shape_cast %get3A_956 : vector<1x16xf32> to vector<16xf32>
        %mul3A_958 = arith.mulf %get3A_953, %get3A_957 : vector<16xf32>
        %mul3A_959 = arith.mulf %mul3A_958, %get3A_11 : vector<16xf32>
        %add3A_960 = arith.addf %add3A_949, %mul3A_959 : vector<16xf32>
        %get3A_961 = arith.index_cast %add3A_928 : i32 to index
        %get3A_962 = arith.constant 48 : index
        %get3A_963 = tpu.vector_load %arg10[%get3A_961, %get3A_962] {strides = array<i32>} : memref<256x64xf32, #tpu.memory_space<vmem>>, vector<1x16xf32>,
        %get3A_964 = vector.shape_cast %get3A_963 : vector<1x16xf32> to vector<16xf32>
        %get3A_965 = arith.index_cast %add3A_928 : i32 to index
        %get3A_966 = arith.constant 48 : index
        %get3A_967 = tpu.vector_load %arg11[%get3A_965, %get3A_966] {strides = array<i32>} : memref<256x64xf32, #tpu.memory_space<vmem>>, vector<1x16xf32>,
        %get3A_968 = vector.shape_cast %get3A_967 : vector<1x16xf32> to vector<16xf32>
        %mul3A_969 = arith.mulf %get3A_964, %get3A_968 : vector<16xf32>
        %mul3A_970 = arith.mulf %mul3A_969, %get3A_14 : vector<16xf32>
        %add3A_971 = arith.addf %add3A_960, %mul3A_970 : vector<16xf32>
        %broadcast_in_dim3A_972 = vector.shape_cast %xor3A_19 : vector<16xi32> to vector<16x1xi32>
        %gather3A_973 = vector.shape_cast %broadcast_in_dim3A_972 : vector<16x1xi32> to vector<16xi32>
        %gather3A_974 = tpu.dynamic_gather %add3A_971[%gather3A_973] in [0] : vector<16xf32>, vector<16xi32> -> vector<16xf32>
        %add3A_975 = arith.addf %add3A_971, %gather3A_974 : vector<16xf32>
        %broadcast_in_dim3A_976 = vector.shape_cast %xor3A_22 : vector<16xi32> to vector<16x1xi32>
        %gather3A_977 = vector.shape_cast %broadcast_in_dim3A_976 : vector<16x1xi32> to vector<16xi32>
        %gather3A_978 = tpu.dynamic_gather %add3A_975[%gather3A_977] in [0] : vector<16xf32>, vector<16xi32> -> vector<16xf32>
        %add3A_979 = arith.addf %add3A_975, %gather3A_978 : vector<16xf32>
        %broadcast_in_dim3A_980 = vector.shape_cast %xor3A_25 : vector<16xi32> to vector<16x1xi32>
        %gather3A_981 = vector.shape_cast %broadcast_in_dim3A_980 : vector<16x1xi32> to vector<16xi32>
        %gather3A_982 = tpu.dynamic_gather %add3A_979[%gather3A_981] in [0] : vector<16xf32>, vector<16xi32> -> vector<16xf32>
        %add3A_983 = arith.addf %add3A_979, %gather3A_982 : vector<16xf32>
        %broadcast_in_dim3A_984 = vector.shape_cast %xor3A_28 : vector<16xi32> to vector<16x1xi32>
        %gather3A_985 = vector.shape_cast %broadcast_in_dim3A_984 : vector<16x1xi32> to vector<16xi32>
        %gather3A_986 = tpu.dynamic_gather %add3A_983[%gather3A_985] in [0] : vector<16xf32>, vector<16xi32> -> vector<16xf32>
        %add3A_987 = arith.addf %add3A_983, %gather3A_986 : vector<16xf32>
        %eq3A_988 = arith.constant 13 : i32
        %eq3A_989 = vector.broadcast %eq3A_988 : i32 to vector<16xi32>
        %eq3A_990 = arith.cmpi eq, %iota3A, %eq3A_989 : vector<16xi32>
        %select_n3A_991 = arith.select %eq3A_990, %add3A_987, %select_n3A_924 : vector<16xi1>, vector<16xf32>
        %mul3A_992 = arith.constant 16 : i32
        %mul3A_993 = arith.muli %scan3A_55, %mul3A_992 : i32
        %add3A_994 = arith.constant 14 : i32
        %add3A_995 = arith.addi %mul3A_993, %add3A_994 : i32
        %get3A_996 = arith.index_cast %add3A_995 : i32 to index
        %get3A_997 = arith.constant 0 : index
        %get3A_998 = tpu.vector_load %arg10[%get3A_996, %get3A_997] {strides = array<i32>} : memref<256x64xf32, #tpu.memory_space<vmem>>, vector<1x16xf32>,
        %get3A_999 = vector.shape_cast %get3A_998 : vector<1x16xf32> to vector<16xf32>
        %get3A_1000 = arith.index_cast %add3A_995 : i32 to index
        %get3A_1001 = arith.constant 0 : index
        %get3A_1002 = tpu.vector_load %arg11[%get3A_1000, %get3A_1001] {strides = array<i32>} : memref<256x64xf32, #tpu.memory_space<vmem>>, vector<1x16xf32>,
        %get3A_1003 = vector.shape_cast %get3A_1002 : vector<1x16xf32> to vector<16xf32>
        %mul3A_1004 = arith.mulf %get3A_999, %get3A_1003 : vector<16xf32>
        %mul3A_1005 = arith.mulf %mul3A_1004, %get3A_5 : vector<16xf32>
        %get3A_1006 = arith.index_cast %add3A_995 : i32 to index
        %get3A_1007 = arith.constant 16 : index
        %get3A_1008 = tpu.vector_load %arg10[%get3A_1006, %get3A_1007] {strides = array<i32>} : memref<256x64xf32, #tpu.memory_space<vmem>>, vector<1x16xf32>,
        %get3A_1009 = vector.shape_cast %get3A_1008 : vector<1x16xf32> to vector<16xf32>
        %get3A_1010 = arith.index_cast %add3A_995 : i32 to index
        %get3A_1011 = arith.constant 16 : index
        %get3A_1012 = tpu.vector_load %arg11[%get3A_1010, %get3A_1011] {strides = array<i32>} : memref<256x64xf32, #tpu.memory_space<vmem>>, vector<1x16xf32>,
        %get3A_1013 = vector.shape_cast %get3A_1012 : vector<1x16xf32> to vector<16xf32>
        %mul3A_1014 = arith.mulf %get3A_1009, %get3A_1013 : vector<16xf32>
        %mul3A_1015 = arith.mulf %mul3A_1014, %get3A_8 : vector<16xf32>
        %add3A_1016 = arith.addf %mul3A_1005, %mul3A_1015 : vector<16xf32>
        %get3A_1017 = arith.index_cast %add3A_995 : i32 to index
        %get3A_1018 = arith.constant 32 : index
        %get3A_1019 = tpu.vector_load %arg10[%get3A_1017, %get3A_1018] {strides = array<i32>} : memref<256x64xf32, #tpu.memory_space<vmem>>, vector<1x16xf32>,
        %get3A_1020 = vector.shape_cast %get3A_1019 : vector<1x16xf32> to vector<16xf32>
        %get3A_1021 = arith.index_cast %add3A_995 : i32 to index
        %get3A_1022 = arith.constant 32 : index
        %get3A_1023 = tpu.vector_load %arg11[%get3A_1021, %get3A_1022] {strides = array<i32>} : memref<256x64xf32, #tpu.memory_space<vmem>>, vector<1x16xf32>,
        %get3A_1024 = vector.shape_cast %get3A_1023 : vector<1x16xf32> to vector<16xf32>
        %mul3A_1025 = arith.mulf %get3A_1020, %get3A_1024 : vector<16xf32>
        %mul3A_1026 = arith.mulf %mul3A_1025, %get3A_11 : vector<16xf32>
        %add3A_1027 = arith.addf %add3A_1016, %mul3A_1026 : vector<16xf32>
        %get3A_1028 = arith.index_cast %add3A_995 : i32 to index
        %get3A_1029 = arith.constant 48 : index
        %get3A_1030 = tpu.vector_load %arg10[%get3A_1028, %get3A_1029] {strides = array<i32>} : memref<256x64xf32, #tpu.memory_space<vmem>>, vector<1x16xf32>,
        %get3A_1031 = vector.shape_cast %get3A_1030 : vector<1x16xf32> to vector<16xf32>
        %get3A_1032 = arith.index_cast %add3A_995 : i32 to index
        %get3A_1033 = arith.constant 48 : index
        %get3A_1034 = tpu.vector_load %arg11[%get3A_1032, %get3A_1033] {strides = array<i32>} : memref<256x64xf32, #tpu.memory_space<vmem>>, vector<1x16xf32>,
        %get3A_1035 = vector.shape_cast %get3A_1034 : vector<1x16xf32> to vector<16xf32>
        %mul3A_1036 = arith.mulf %get3A_1031, %get3A_1035 : vector<16xf32>
        %mul3A_1037 = arith.mulf %mul3A_1036, %get3A_14 : vector<16xf32>
        %add3A_1038 = arith.addf %add3A_1027, %mul3A_1037 : vector<16xf32>
        %broadcast_in_dim3A_1039 = vector.shape_cast %xor3A_19 : vector<16xi32> to vector<16x1xi32>
        %gather3A_1040 = vector.shape_cast %broadcast_in_dim3A_1039 : vector<16x1xi32> to vector<16xi32>
        %gather3A_1041 = tpu.dynamic_gather %add3A_1038[%gather3A_1040] in [0] : vector<16xf32>, vector<16xi32> -> vector<16xf32>
        %add3A_1042 = arith.addf %add3A_1038, %gather3A_1041 : vector<16xf32>
        %broadcast_in_dim3A_1043 = vector.shape_cast %xor3A_22 : vector<16xi32> to vector<16x1xi32>
        %gather3A_1044 = vector.shape_cast %broadcast_in_dim3A_1043 : vector<16x1xi32> to vector<16xi32>
        %gather3A_1045 = tpu.dynamic_gather %add3A_1042[%gather3A_1044] in [0] : vector<16xf32>, vector<16xi32> -> vector<16xf32>
        %add3A_1046 = arith.addf %add3A_1042, %gather3A_1045 : vector<16xf32>
        %broadcast_in_dim3A_1047 = vector.shape_cast %xor3A_25 : vector<16xi32> to vector<16x1xi32>
        %gather3A_1048 = vector.shape_cast %broadcast_in_dim3A_1047 : vector<16x1xi32> to vector<16xi32>
        %gather3A_1049 = tpu.dynamic_gather %add3A_1046[%gather3A_1048] in [0] : vector<16xf32>, vector<16xi32> -> vector<16xf32>
        %add3A_1050 = arith.addf %add3A_1046, %gather3A_1049 : vector<16xf32>
        %broadcast_in_dim3A_1051 = vector.shape_cast %xor3A_28 : vector<16xi32> to vector<16x1xi32>
        %gather3A_1052 = vector.shape_cast %broadcast_in_dim3A_1051 : vector<16x1xi32> to vector<16xi32>
        %gather3A_1053 = tpu.dynamic_gather %add3A_1050[%gather3A_1052] in [0] : vector<16xf32>, vector<16xi32> -> vector<16xf32>
        %add3A_1054 = arith.addf %add3A_1050, %gather3A_1053 : vector<16xf32>
        %eq3A_1055 = arith.constant 14 : i32
        %eq3A_1056 = vector.broadcast %eq3A_1055 : i32 to vector<16xi32>
        %eq3A_1057 = arith.cmpi eq, %iota3A, %eq3A_1056 : vector<16xi32>
        %select_n3A_1058 = arith.select %eq3A_1057, %add3A_1054, %select_n3A_991 : vector<16xi1>, vector<16xf32>
        %mul3A_1059 = arith.constant 16 : i32
        %mul3A_1060 = arith.muli %scan3A_55, %mul3A_1059 : i32
        %add3A_1061 = arith.constant 15 : i32
        %add3A_1062 = arith.addi %mul3A_1060, %add3A_1061 : i32
        %get3A_1063 = arith.index_cast %add3A_1062 : i32 to index
        %get3A_1064 = arith.constant 0 : index
        %get3A_1065 = tpu.vector_load %arg10[%get3A_1063, %get3A_1064] {strides = array<i32>} : memref<256x64xf32, #tpu.memory_space<vmem>>, vector<1x16xf32>,
        %get3A_1066 = vector.shape_cast %get3A_1065 : vector<1x16xf32> to vector<16xf32>
        %get3A_1067 = arith.index_cast %add3A_1062 : i32 to index
        %get3A_1068 = arith.constant 0 : index
        %get3A_1069 = tpu.vector_load %arg11[%get3A_1067, %get3A_1068] {strides = array<i32>} : memref<256x64xf32, #tpu.memory_space<vmem>>, vector<1x16xf32>,
        %get3A_1070 = vector.shape_cast %get3A_1069 : vector<1x16xf32> to vector<16xf32>
        %mul3A_1071 = arith.mulf %get3A_1066, %get3A_1070 : vector<16xf32>
        %mul3A_1072 = arith.mulf %mul3A_1071, %get3A_5 : vector<16xf32>
        %get3A_1073 = arith.index_cast %add3A_1062 : i32 to index
        %get3A_1074 = arith.constant 16 : index
        %get3A_1075 = tpu.vector_load %arg10[%get3A_1073, %get3A_1074] {strides = array<i32>} : memref<256x64xf32, #tpu.memory_space<vmem>>, vector<1x16xf32>,
        %get3A_1076 = vector.shape_cast %get3A_1075 : vector<1x16xf32> to vector<16xf32>
        %get3A_1077 = arith.index_cast %add3A_1062 : i32 to index
        %get3A_1078 = arith.constant 16 : index
        %get3A_1079 = tpu.vector_load %arg11[%get3A_1077, %get3A_1078] {strides = array<i32>} : memref<256x64xf32, #tpu.memory_space<vmem>>, vector<1x16xf32>,
        %get3A_1080 = vector.shape_cast %get3A_1079 : vector<1x16xf32> to vector<16xf32>
        %mul3A_1081 = arith.mulf %get3A_1076, %get3A_1080 : vector<16xf32>
        %mul3A_1082 = arith.mulf %mul3A_1081, %get3A_8 : vector<16xf32>
        %add3A_1083 = arith.addf %mul3A_1072, %mul3A_1082 : vector<16xf32>
        %get3A_1084 = arith.index_cast %add3A_1062 : i32 to index
        %get3A_1085 = arith.constant 32 : index
        %get3A_1086 = tpu.vector_load %arg10[%get3A_1084, %get3A_1085] {strides = array<i32>} : memref<256x64xf32, #tpu.memory_space<vmem>>, vector<1x16xf32>,
        %get3A_1087 = vector.shape_cast %get3A_1086 : vector<1x16xf32> to vector<16xf32>
        %get3A_1088 = arith.index_cast %add3A_1062 : i32 to index
        %get3A_1089 = arith.constant 32 : index
        %get3A_1090 = tpu.vector_load %arg11[%get3A_1088, %get3A_1089] {strides = array<i32>} : memref<256x64xf32, #tpu.memory_space<vmem>>, vector<1x16xf32>,
        %get3A_1091 = vector.shape_cast %get3A_1090 : vector<1x16xf32> to vector<16xf32>
        %mul3A_1092 = arith.mulf %get3A_1087, %get3A_1091 : vector<16xf32>
        %mul3A_1093 = arith.mulf %mul3A_1092, %get3A_11 : vector<16xf32>
        %add3A_1094 = arith.addf %add3A_1083, %mul3A_1093 : vector<16xf32>
        %get3A_1095 = arith.index_cast %add3A_1062 : i32 to index
        %get3A_1096 = arith.constant 48 : index
        %get3A_1097 = tpu.vector_load %arg10[%get3A_1095, %get3A_1096] {strides = array<i32>} : memref<256x64xf32, #tpu.memory_space<vmem>>, vector<1x16xf32>,
        %get3A_1098 = vector.shape_cast %get3A_1097 : vector<1x16xf32> to vector<16xf32>
        %get3A_1099 = arith.index_cast %add3A_1062 : i32 to index
        %get3A_1100 = arith.constant 48 : index
        %get3A_1101 = tpu.vector_load %arg11[%get3A_1099, %get3A_1100] {strides = array<i32>} : memref<256x64xf32, #tpu.memory_space<vmem>>, vector<1x16xf32>,
        %get3A_1102 = vector.shape_cast %get3A_1101 : vector<1x16xf32> to vector<16xf32>
        %mul3A_1103 = arith.mulf %get3A_1098, %get3A_1102 : vector<16xf32>
        %mul3A_1104 = arith.mulf %mul3A_1103, %get3A_14 : vector<16xf32>
        %add3A_1105 = arith.addf %add3A_1094, %mul3A_1104 : vector<16xf32>
        %broadcast_in_dim3A_1106 = vector.shape_cast %xor3A_19 : vector<16xi32> to vector<16x1xi32>
        %gather3A_1107 = vector.shape_cast %broadcast_in_dim3A_1106 : vector<16x1xi32> to vector<16xi32>
        %gather3A_1108 = tpu.dynamic_gather %add3A_1105[%gather3A_1107] in [0] : vector<16xf32>, vector<16xi32> -> vector<16xf32>
        %add3A_1109 = arith.addf %add3A_1105, %gather3A_1108 : vector<16xf32>
        %broadcast_in_dim3A_1110 = vector.shape_cast %xor3A_22 : vector<16xi32> to vector<16x1xi32>
        %gather3A_1111 = vector.shape_cast %broadcast_in_dim3A_1110 : vector<16x1xi32> to vector<16xi32>
        %gather3A_1112 = tpu.dynamic_gather %add3A_1109[%gather3A_1111] in [0] : vector<16xf32>, vector<16xi32> -> vector<16xf32>
        %add3A_1113 = arith.addf %add3A_1109, %gather3A_1112 : vector<16xf32>
        %broadcast_in_dim3A_1114 = vector.shape_cast %xor3A_25 : vector<16xi32> to vector<16x1xi32>
        %gather3A_1115 = vector.shape_cast %broadcast_in_dim3A_1114 : vector<16x1xi32> to vector<16xi32>
        %gather3A_1116 = tpu.dynamic_gather %add3A_1113[%gather3A_1115] in [0] : vector<16xf32>, vector<16xi32> -> vector<16xf32>
        %add3A_1117 = arith.addf %add3A_1113, %gather3A_1116 : vector<16xf32>
        %broadcast_in_dim3A_1118 = vector.shape_cast %xor3A_28 : vector<16xi32> to vector<16x1xi32>
        %gather3A_1119 = vector.shape_cast %broadcast_in_dim3A_1118 : vector<16x1xi32> to vector<16xi32>
        %gather3A_1120 = tpu.dynamic_gather %add3A_1117[%gather3A_1119] in [0] : vector<16xf32>, vector<16xi32> -> vector<16xf32>
        %add3A_1121 = arith.addf %add3A_1117, %gather3A_1120 : vector<16xf32>
        %eq3A_1122 = arith.constant 15 : i32
        %eq3A_1123 = vector.broadcast %eq3A_1122 : i32 to vector<16xi32>
        %eq3A_1124 = arith.cmpi eq, %iota3A, %eq3A_1123 : vector<16xi32>
        %select_n3A_1125 = arith.select %eq3A_1124, %add3A_1121, %select_n3A_1058 : vector<16xi1>, vector<16xf32>
        %add3A_1126 = arith.addf %select_n3A_1125, %get3A_17 : vector<16xf32>
        %mul3A_1127 = arith.constant 16 : i32
        %mul3A_1128 = arith.muli %scan3A_55, %mul3A_1127 : i32
        %add3A_1129 = arith.addi %mul3A_36, %mul3A_1128 : i32
        %swap3A = arith.index_cast %add3A_1129 : i32 to index
        %swap3A_1130 = tpu.vector_load %arg14[%swap3A] {strides = array<i32>} : memref<512xf32, #tpu.memory_space<vmem>>, vector<16xf32>,
        %swap3A_1131 = vector.shape_cast %swap3A_1130 : vector<16xf32> to vector<16xf32>
        %swap3A_1132 = vector.shape_cast %add3A_1126 : vector<16xf32> to vector<16xf32>
        tpu.vector_store %arg14[%swap3A], %swap3A_1132 {strides = array<i32>} : memref<512xf32, #tpu.memory_space<vmem>>, vector<16xf32>,
      }
      %scan3A_54 = arith.constant 16 : i32
    }
    %scan3A_33 = arith.constant 2 : i32
    "tpu.region"() ({
      %run_scoped3A_34 = tpu.sem_alloc : memref<!tpu.dma_semaphore, #tpu.memory_space<semaphore_mem>>
      %dma_start3A = tpu.memref_slice %arg8[%mul3A_2] : memref<16384xf32, #tpu.memory_space<hbm>> -> memref<512xf32, #tpu.memory_space<hbm>>
      %dma_start3A_35 = tpu.memref_slice %arg8[%mul3A_2] : memref<16384xf32, #tpu.memory_space<hbm>> -> memref<512xf32, #tpu.memory_space<hbm>>
      tpu.enqueue_dma source(%arg14 : memref<512xf32, #tpu.memory_space<vmem>>) target(%dma_start3A_35 : memref<512xf32, #tpu.memory_space<hbm>>) target_semaphore(%run_scoped3A_34 : memref<!tpu.dma_semaphore, #tpu.memory_space<semaphore_mem>>)
      %dma_wait3A = tpu.memref_slice %arg8[%mul3A_2] : memref<16384xf32, #tpu.memory_space<hbm>> -> memref<512xf32, #tpu.memory_space<hbm>>
      %dma_wait3A_36 = tpu.memref_slice %arg8[%mul3A_2] : memref<16384xf32, #tpu.memory_space<hbm>> -> memref<512xf32, #tpu.memory_space<hbm>>
      tpu.wait_dma2 semaphore(%run_scoped3A_34 : memref<!tpu.dma_semaphore, #tpu.memory_space<semaphore_mem>>) src(%arg14 : memref<512xf32, #tpu.memory_space<vmem>>) dst(%dma_wait3A_36 : memref<512xf32, #tpu.memory_space<hbm>>)
      tpu.yield
    }) : () -> ()
    return
  }
}

</mosaic_0001>

<sc_bundles>
// kernel: _run.3.cloned.1.call-start
scs
__scs_entry_jumppad:
0x0: {  	(pc) =	sbr.rel $0x88, $3  }
0x1: {  	(tag) =	ssettag $0x0;
	lr =	simm.s32 $0x1  }
0x2: {  	[smem:$0x3F9B] =	sst lr;
	_ =	strace $0xD0000000  }
0x3: {  	_ = 	snop  }
0x4: {  	_ = 	snop  }
0x5: {  	_ = 	snop  }
0x6: {  	_ = 	snop  }
0x7: {  	_ = 	snop  }
__scs_overlays_trampoline_lowered:
0x8: {  	[smem:$0x3FAA] =	sst s0  }
0x9: {  	[smem:$0x3FAB] =	sst s1  }
0xa: {  	[smem:$0x3FAC] =	sst s2  }
0xb: {  	[smem:$0x3FAD] =	sst s3  }
0xc: {  	[smem:$0x3FAE] =	sst s4  }
0xd: {  	[smem:$0x3FAF] =	sst s5  }
0xe: {  	[smem:$0x3FB0] =	sst s6  }
0xf: {  	[smem:$0x3FB1] =	sst s7  }
0x10: {  	[smem:$0x3FB2] =	sst s8  }
0x11: {  	[smem:$0x3FB3] =	sst s9;
	s0 =	simm.s32 @!p0 $0x0  }
0x12: {  	s1 =	sld [smem:$0x3F99];
	s0 =	simm.s32 @p0 $0x1  }
0x13: {  	[smem:$0x3FB4] =	sst s0;
	s0 =	simm.s32 @!p1 $0x0  }
0x14: {  	s2 =	sld [smem:$0x3F98];
	s0 =	simm.s32 @p1 $0x1  }
0x15: {  	[smem:$0x3FB5] =	sst s0;
	s0 =	simm.s32 @!p2 $0x0  }
0x16: {  	s3 =	sld [smem:$0x3FDB];
	s0 =	simm.s32 @p2 $0x1  }
0x17: {  	s4 =	simm.s32 $0x1BF5;
	[smem:$0x3FB7] =	sst s0  }
0x18: {  	s0 =	sld [smem:$0x3F9A];
	_ =	swait.ge [sflag:s4], $0x0  }
0x19: {  	s7 =	sld [smem:$0x3F9B]  }
0x1a: {  	s8 =	sadd.s32 $0xFFFFE003, lr  }
0x1b: {  	s9 =	sadd.s32 $0xFFFFFEF7, lr;
	s5 =	simm.s32 $0xFFFFFFFF;
	p2 =	slt.u32 s8, $0xFFFFF086  }
0x1c: {  	p1 =	slt.u32 s9, $0xF7A;
	s5 =	simm.s32 @!p2 $0x0  }
0x1d: {  	s5 =	simm.s32 @p1 $0x1;
	p0 =	seq.s32 s7, s2  }
0x1e: {  	s7 =	smul.u32 @!p0 $0xF7A, s2;
	p2 =	seq.s32 @!p0 s5, $0x0  }
0x1f: {  	s9 =	smul.u32 $0xF7A, s1;
	s8 =	simm.s32 @!p0 $0x1BF5;
	p2 =	por !p2, p0  }
0x20: {  	[sflag:s8] =	ssyncset.s32 @!p0 $0xFFFFF086;
	s6 =	sadd.s32 @!p0 s3, s7;
	s7 =	simm.s32 @!p0 $0x108  }
0x21: {  	s3 =	sadd.s32 s3, s9;
	s6 =	sadd.s32 @!p0 $0x88, s6;
	s7 =	simm.s32 @p2 $0x1082  }
0x22: {  	[simem:s7], [sflag:s8] =	dma.local @!p0 [hbm:s6], $0xF7A  }
0x23: {  	s9 =	sor.u32 $0xD0000000, s2;
	s6 =	simm.s32 $0x108;
	_ =	swait.ge @!p0 [sflag:s8], $0x0  }
0x24: {  	s3 =	sadd.s32 $0x88, s3;
	s6 =	simm.s32 @!p1 $0x1082;
	[sflag:s4] =	ssyncset.s32 $0xFFFFF086  }
0x25: {  	[simem:s6], [sflag:s4] =	dma.local [hbm:s3], $0xF7A  }
0x26: {  	[smem:$0x3F9B] =	sst s1;
	(tag) =	ssettag s2;
	_ =	strace s9  }
0x27: {  	s1 =	sld [smem:$0x3FAB]  }
0x28: {  	s2 =	sld [smem:$0x3FAC]  }
0x29: {  	s4 =	sld [smem:$0x3FAE]  }
0x2a: {  	p0 =	seq.s32 s5, $0x0;
	s5 =	sld [smem:$0x3FAF]  }
0x2b: {  	s6 =	sld [smem:$0x3FB0]  }
0x2c: {  	s7 =	sld [smem:$0x3FB1]  }
0x2d: {  	s3 =	simm.s32 $0x108;
	s8 =	sld [smem:$0x3FB2]  }
0x2e: {  	s3 =	simm.s32 @!p0 $0x1082;
	s9 =	sld [smem:$0x3FB3]  }
0x2f: {  	lr =	sadd.s32 s0, s3;
	s0 =	sld [smem:$0x3FAA]  }
0x30: {  	s3 =	sld [smem:$0x3FAD]  }
0x31: {  	[smem:$0x3FB6] =	sst s10  }
0x32: {  	s10 =	sld [smem:$0x3FB4];
	_ =	sdelay $0x3  }
0x33: {  	p0 =	seq.s32 s10, $0x1;
	s10 =	sld [smem:$0x3FB6];
	_ =	sdelay $0x3  }
0x34: {  	[smem:$0x3FB6] =	sst s10  }
0x35: {  	s10 =	sld [smem:$0x3FB5];
	_ =	sdelay $0x3  }
0x36: {  	p1 =	seq.s32 s10, $0x1;
	s10 =	sld [smem:$0x3FB6];
	_ =	sdelay $0x3  }
0x37: {  	[smem:$0x3FB6] =	sst s10  }
0x38: {  	s10 =	sld [smem:$0x3FB7]  }
0x39: {  	_ = 	snop;
	(pc) =	sbr.ind lr, $3  }
0x3a: {  	_ = 	snop  }
0x3b: {  	_ = 	snop  }
0x3c: {  	p2 =	seq.s32 s10, $0x1;
	s10 =	sld [smem:$0x3FB6]  }
0x3d: {  	_ =	shalt  }
0x3e: {  	_ =	shalt  }
0x3f: {  	_ =	shalt  }
0x40: {  	_ =	shalt  }
0x41: {  	_ =	shalt  }
0x42: {  	_ =	shalt  }
0x43: {  	_ =	shalt  }
0x44: {  	_ =	shalt  }
0x45: {  	_ =	shalt  }
0x46: {  	_ =	shalt  }
0x47: {  	_ =	shalt  }
0x48: {  	_ =	shalt  }
0x49: {  	_ =	shalt  }
0x4a: {  	_ =	shalt  }
0x4b: {  	_ =	shalt  }
0x4c: {  	_ =	shalt  }
0x4d: {  	_ =	shalt  }
0x4e: {  	_ =	shalt  }
0x4f: {  	_ =	shalt  }
0x50: {  	_ =	shalt  }
0x51: {  	_ =	shalt  }
0x52: {  	_ =	shalt  }
0x53: {  	_ =	shalt  }
0x54: {  	_ =	shalt  }
0x55: {  	_ =	shalt  }
0x56: {  	_ =	shalt  }
0x57: {  	_ =	shalt  }
0x58: {  	_ =	shalt  }
0x59: {  	_ =	shalt  }
0x5a: {  	_ =	shalt  }
0x5b: {  	_ =	shalt  }
0x5c: {  	_ =	shalt  }
0x5d: {  	_ =	shalt  }
0x5e: {  	_ =	shalt  }
0x5f: {  	_ =	shalt  }
0x60: {  	_ =	shalt  }
0x61: {  	_ =	shalt  }
0x62: {  	_ =	shalt  }
0x63: {  	_ =	shalt  }
0x64: {  	_ =	shalt  }
0x65: {  	_ =	shalt  }
0x66: {  	_ =	shalt  }
0x67: {  	_ =	shalt  }
0x68: {  	_ =	shalt  }
0x69: {  	_ =	shalt  }
0x6a: {  	_ =	shalt  }
0x6b: {  	_ =	shalt  }
0x6c: {  	_ =	shalt  }
0x6d: {  	_ =	shalt  }
0x6e: {  	_ =	shalt  }
0x6f: {  	_ =	shalt  }
0x70: {  	_ =	shalt  }
0x71: {  	_ =	shalt  }
0x72: {  	_ =	shalt  }
0x73: {  	_ =	shalt  }
0x74: {  	_ =	shalt  }
0x75: {  	_ =	shalt  }
0x76: {  	_ =	shalt  }
0x77: {  	_ =	shalt  }
0x78: {  	_ =	shalt  }
0x79: {  	_ =	shalt  }
0x7a: {  	_ =	shalt  }
0x7b: {  	_ =	shalt  }
0x7c: {  	_ =	shalt  }
0x7d: {  	_ =	shalt  }
0x7e: {  	_ =	shalt  }
0x7f: {  	_ =	shalt  }
0x80: {  	_ =	shalt  }
0x81: {  	_ =	shalt  }
0x82: {  	_ =	shalt  }
0x83: {  	_ =	shalt  }
0x84: {  	_ =	shalt  }
0x85: {  	_ =	shalt  }
0x86: {  	_ =	shalt  }
0x87: {  	_ =	shalt  }
.Lfunc_end0:
.L_simem_size_0:
called_computation_lowered:
.L_overlay_start_0:
0x88: {  	s2 =	sld [smem:$0x3FD9]  }
0x89: {  	s3 =	sld [smem:$0x3FFE];
	_ =	sdelay $0x1  }
0x8a: {  	s1 =	srdreg.scid  }
0x8b: {  	s0 =	sand.u32 $0x1, s1  }
0x8c: {  	s17 =	sshll.u32 s0, $0xA;
	s2 =	sadd.s32 s3, s2  }
0x8d: {  	s2 =	sadd.s32 s2, s17  }
0x8e: {  	[smem:$0x3FC2] =	sst s2  }
0x8f: {  	_ = 	snop  }
0x90: {  	s2 =	sld [smem:$0x3FC9]  }
0x91: {  	s18 =	sld [smem:$0x3FC8]  }
0x92: {  	s4 =	sld [smem:$0x3FC5]  }
0x93: {  	s5 =	sld [smem:$0x3FC4]  }
0x94: {  	s6 =	sld [smem:$0x3FD0];
	(tm) =	ssettm $0x1  }
0x95: {  	s7 =	sld [smem:$0x3FFB];
	_ =	sdelay $0x3  }
0x96: {  	_ =	strace s7  }
0x97: {  	s7 =	sld [smem:$0x3FFC];
	_ =	sdelay $0x3  }
0x98: {  	_ =	strace s7  }
0x99: {  	s7 =	sld [smem:$0x3FFD];
	_ =	sdelay $0x3  }
0x9a: {  	_ =	strace s7  }
0x9b: {  	_ =	strace $0x8FFFFFFF  }
0x9c: {  	s19 =	sld [smem:$0x3FDB];
	_ =	sdelay $0x1  }
0x9d: {  	s8 =	simm.s32 $_scs_section_size  }
0x9e: {  	s9 =	simm.s32 $_size__tile_overlayer_lowered;
	s10 =	simm.s32 $_tile_overlayer_lowered  }
0x9f: {  	s22 =	simm.s32 $0x1BFF;
	s21 =	sshll.u32 s10, $0x1;
	s7 =	sadd.s32 s8, s19  }
0xa0: {  	s11 =	simm.s32 $0x0;
	s20 =	sshll.u32 s9, $0x1;
	s9 =	sadd.s32 s21, s7  }
0xa1: {  	[timem:s11], [sflag:s22] =	dma.local [hbm:s9], s20  }
0xa2: {  	_ =	swait.ge [sflag:s22], s20  }
0xa3: {  	s8 =	ssub.s32 $0x0, s20;
	[sflag:s22] =	ssyncset.done $0x0  }
0xa4: {  	[sflag:s22] =	ssyncadd.s32 s8;
	_ =	sdelay $0x1  }
0xa5: {  	s23 =	simm.s32 $0x1B8B  }
0xa6: {  	_ =	swait.ge [sflag:s23], $0x1  }
0xa7: {  	[sflag:s23] =	ssyncset.done $0x0  }
0xa8: {  	s25 =	simm.s32 $0x1B8E;
	s24 =	sld [smem:$0x3FFE];
	[sflag:s23] =	ssyncadd.s32 $0xFFFFFFFF  }
0xa9: {  	s26 =	simm.s32 $execute0_lowered;
	[smem:$0x3FD2] =	sst s25  }
0xaa: {  	s9 =	sshll.u32 s26, $0x1;
	_ =	strace $0x80000046;
	[dreg:$0x1] =	wrdreg $0xFFFFFFFF  }
0xab: {  	s28 =	simm.s32 $_size_execute0_lowered;
	s7 =	sadd.s32 s7, s9;
	[dreg:$0x0] =	wrdreg $0x0  }
0xac: {  	s9 =	sshll.u32 s28, $0x1;
	[dreg:$0x2] =	wrdreg s7  }
0xad: {  	[dreg:$0x3] =	wrdreg s9  }
0xae: {  	[dreg:$0x4] =	wrdreg $0xC0  }
0xaf: {  	_ =	task [dreg:s11], $0x5FFFF  }
0xb0: {  	[dreg:$0x1] =	wrdreg $0xFFFFFFFF  }
0xb1: {  	[dreg:$0x0] =	wrdreg $0x60  }
0xb2: {  	[dreg:$0x2] =	wrdreg s2  }
0xb3: {  	[dreg:$0x3] =	wrdreg s18  }
0xb4: {  	[dreg:$0x4] =	wrdreg s24  }
0xb5: {  	[dreg:$0x5] =	wrdreg s4  }
0xb6: {  	[dreg:$0x6] =	wrdreg s5  }
0xb7: {  	[dreg:$0x7] =	wrdreg s6  }
0xb8: {  	[dreg:$0x8] =	wrdreg $0x9  }
0xb9: {  	_ =	task.clear_ibuf [dreg:s11], $0x9FFFF;
	_ =	strace $0x90000046  }
0xba: {  	s29 =	simm.s32 $0x9;
	_ =	strace $0x80000048  }
0xbb: {  	_ =	swait.ge [sflag:s29], $0x1  }
0xbc: {  	[sflag:s29] =	ssyncadd.s32 $0xFFFFFFFF  }
0xbd: {  	_ =	strace $0x90000048  }
0xbe: {  	_ =	sfence  }
0xbf: {  	s30 =	sld [smem:$0x0];
	_ =	sdelay $0x2  }
0xc0: {  	s31 =	sshll.u32 s1, $0xD;
	s1 =	sshrl.u32 s1, $0x2  }
0xc1: {  	s3 =	sand.u32 $0x4000, s31;
	s1 =	sadd.s32 s1, s30  }
0xc2: {  	s0 =	sor.u32 s3, s0;
	s1 =	sshll.u32 s1, $0x11  }
0xc3: {  	s0 =	sor.u32 s1, s0  }
0xc4: {  	s0 =	sadd.s32 $0x8F2B, s0  }
0xc5: {  	[sflag:s0] =	ssyncadd.remote.s32 $0x1  }
0xc6: {  	_ =	sfence.sel $0xFFFF  }
0xc7: {  	[dreg:$0x0] =	wrdreg $0xFFFFFFFF;
	(pc) =	sbr.abs _section_cstart, $3  }
0xc8: {  	[dreg:$0x1] =	wrdreg $0xFFFFFFFF  }
0xc9: {  	_ =	task.clear_ibuf [dreg:s11], $0x2FFFF;
	_ =	strace $0x9FFFFFFF  }
0xca: {  	(tm) =	ssettm $0x7FFFFFFF  }
0xcb: {  	_ =	shalt  }
tec
execute0_lowered:
.L_overlay_start_1:
0x0: {  	(tag) =	ssettag $0x1  }
0x1: {  	v0 =	vimm.s32 $0xEFCDAB89;
	v1 =	vimm.s32 $0x67452301  }
0x2: {  	s0 =	rddreg [dreg:$0x0];
	v2 =	vimm.s32 $0xDCFE98BA;
	v3 =	vimm.s32 $0x54761032;
	v4 =	vimm.s32 $0xBA98FEDC  }
0x3: {  	s1 =	rddreg [dreg:$0x1];
	v5 =	vimm.s32 $0x32107654;
	v6 =	vimm.s32 $0xFEDCBA98;
	v7 =	vimm.s32 $0x76543210  }
0x4: {  	s2 =	rddreg [dreg:$0x2];
	vm0 =	vmmov $0x1;
	vm1 =	vmmov $0x3;
	vm2 =	vmmov $0x7  }
0x5: {  	s4 =	rddreg [dreg:$0x5];
	s3 =	simm.s32 $0x0;
	vm3 =	vmmov $0xf;
	vm4 =	vmmov $0x1f;
	vm5 =	vmmov $0x3f  }
0x6: {  	s5 =	srdreg.scid;
	s9 =	stileid.u32;
	s17 =	simm.s32 $0x3;
	v0 =	vunpack.c.l.s4.s8 v0;
	v1 =	vunpack.c.l.s4.s8 v1;
	v2 =	vunpack.c.l.s4.s8 v2  }
0x7: {  	s20 =	simm.s32 $0x180;
	s22 =	simm.s32 $0x280;
	s24 =	simm.s32 $0x380;
	v3 =	vunpack.c.l.s4.s8 v3;
	v4 =	vunpack.c.l.s4.s8 v4;
	v5 =	vunpack.c.l.s4.s8 v5  }
0x8: {  	s25 =	simm.s32 $0x10400;
	s28 =	simm.s32 $0x1;
	s29 =	simm.s32 $0x2;
	v6 =	vunpack.c.l.s4.s8 v6;
	v0 =	vunpack.c.0.s8.s32 v0;
	v1 =	vunpack.c.0.s8.s32 v1  }
0x9: {  	s30 =	simm.s32 $0x10500;
	s31 =	simm.s32 $0x0;
	[smem:$0x7FF] =	sst s3;
	v7 =	vunpack.c.l.s4.s8 v7;
	v2 =	vunpack.c.0.s8.s32 v2;
	v3 =	vunpack.c.0.s8.s32 v3  }
0xa: {  	s6 =	sand.u32 $0x1, s5;
	s5 =	sadd.s32 $0x186E00, s2;
	s9 =	sshll.u32 s9, $0x7;
	v4 =	vunpack.c.0.s8.s32 v4;
	v5 =	vunpack.c.0.s8.s32 v5;
	v0 =	vcombine.low v1, v0  }
0xb: {  	vm6 =	vmmov $0x7f;
	_ =	strace $0x80000047;
	s7 =	ssub.s32 $0x2, s6;
	s10 =	sshll.u32 s6, $0x6;
	v1 =	vunpack.c.0.s8.s32 v6;
	v2 =	vcombine.low v3, v2  }
0xc: {  	s6 =	sadd.s32 $0x400, s2;
	s8 =	sshrl.u32 s7, $0x1;
	s9 =	sor.u32 s10, s9;
	v62 =	vunpack.c.0.s8.s32 v7;
	v3 =	vcombine.low v5, v4;
	v0 =	vand.u32 $0xF, v0  }
0xd: {  	vm7 =	vmmov $0xff;
	s26 =	ssub.s32 s7, s8;
	s7 =	sadd.s32 s0, s9;
	s8 =	sadd.s32 s1, s9;
	v63 =	vand.u32 $0xF, v1;
	v1 =	vand.u32 $0xF, v2;
	[tilespmem:$0x1FFC0] =	vst v0  }
0xe: {  	vm8 =	vmmov $0x1ff;
	s9 =	sadd.s32 s4, s9;
	s10 =	smax.u32 s26, $0x1;
	s11 =	sadd.s32 $0x10, s7;
	v2 =	vand.u32 $0xF, v3;
	v3 =	vcombine.low v63, v62;
	[tilespmem:$0x1FFD0] =	vst v1  }
0xf: {  	vm9 =	vmmov $0x3ff;
	vm10 =	vmmov $0x7ff;
	vm11 =	vmmov $0xfff;
	s12 =	sadd.s32 $0x20, s7;
	s13 =	sadd.s32 $0x30, s7;
	s19 =	sadd.s32 $0x10, s8;
	[tilespmem:$0x1FFE0] =	vst v2  }
0x10: {  	vm12 =	vmmov $0x1fff;
	vm13 =	vmmov $0x3fff;
	vm14 =	vmmov $0x7fff;
	s21 =	sadd.s32 $0x20, s8;
	s23 =	sadd.s32 $0x30, s8;
	s26 =	simm.s32 $0x10480;
	[tilespmem:$0x1FFF0] =	vst v3  }
.LBB2_1:
0x11: {  	[tilespmem:s3], [sflag:$0x3] =	stream.linear.gather [hbm4b:s7+s3], $0x80, $0x38;
	[tilespmem:$0x10700] =	vst v63  }
0x12: {  	s0 =	simm.s32 $0x100  }
0x13: {  	[tilespmem:s0], [sflag:$0x3] =	stream.linear.gather [hbm4b:s11+s3], $0x80, $0x38;
	[tilespmem:$0x10700] =	vst v63  }
0x14: {  	s4 =	simm.s32 $0x200  }
0x15: {  	[tilespmem:s4], [sflag:$0x3] =	stream.linear.gather [hbm4b:s12+s3], $0x80, $0x38;
	[tilespmem:$0x10700] =	vst v63  }
0x16: {  	s14 =	simm.s32 $0x300  }
0x17: {  	[tilespmem:s14], [sflag:$0x3] =	stream.linear.gather [hbm4b:s13+s3], $0x80, $0x38;
	[tilespmem:$0x10700] =	vst v63  }
0x18: {  	_ =	swait.ge [sflag:s17], $0x200  }
0x19: {  	[sflag:s17] =	ssyncset.done $0x0  }
0x1a: {  	s15 =	simm.s32 $0x80;
	[sflag:s17] =	ssyncadd.s32 $0xFFFFFE00  }
0x1b: {  	[tilespmem:s15], [sflag:$0x3] =	stream.linear.gather [hbm4b:s8+s3], $0x80, $0x38;
	[tilespmem:$0x10700] =	vst v63  }
0x1c: {  	_ = 	snop  }
0x1d: {  	[tilespmem:s20], [sflag:$0x3] =	stream.linear.gather [hbm4b:s19+s3], $0x80, $0x38;
	[tilespmem:$0x10700] =	vst v63  }
0x1e: {  	_ = 	snop  }
0x1f: {  	[tilespmem:s22], [sflag:$0x3] =	stream.linear.gather [hbm4b:s21+s3], $0x80, $0x38;
	[tilespmem:$0x10700] =	vst v63  }
0x20: {  	_ = 	snop  }
0x21: {  	[tilespmem:s24], [sflag:$0x3] =	stream.linear.gather [hbm4b:s23+s3], $0x80, $0x38;
	[tilespmem:$0x10700] =	vst v63  }
0x22: {  	_ =	swait.ge [sflag:s17], $0x200  }
0x23: {  	[sflag:s17] =	ssyncset.done $0x0  }
0x24: {  	[sflag:s17] =	ssyncadd.s32 $0xFFFFFE00  }
0x25: {  	s16 =	rddreg [dreg:$0x3]  }
0x26: {  	[tilespmem:s25], [sflag:$0x3] =	stream.linear.gather [hbm4b:s16+s3], $0x80, $0x38;
	[tilespmem:$0x10700] =	vst v63  }
0x27: {  	_ =	swait.ge [sflag:s17], $0x80  }
0x28: {  	[sflag:s17] =	ssyncset.done $0x0  }
0x29: {  	[sflag:s17] =	ssyncadd.s32 $0xFFFFFF80  }
0x2a: {  	s18 =	rddreg [dreg:$0x4]  }
0x2b: {  	[tilespmem:s26], [sflag:$0x3] =	stream.linear.gather [hbm4b:s18+s3], $0x80, $0x38;
	[tilespmem:$0x10700] =	vst v63  }
0x2c: {  	_ =	swait.ge [sflag:s17], $0x80  }
0x2d: {  	[sflag:s17] =	ssyncset.done $0x0  }
0x2e: {  	[sflag:s17] =	ssyncadd.s32 $0xFFFFFF80  }
0x2f: {  	v58 =	vld [tilespmem:$0x10400]  }
0x30: {  	v5 =	vld [tilespmem:$0x10420]  }
0x31: {  	v6 =	vld [tilespmem:$0x10430]  }
0x32: {  	v4 =	vld [tilespmem:$0x10410]  }
0x33: {  	v7 =	vld [tilespmem:$0x10480]  }
0x34: {  	[tilespmem:$0x1FF70] =	vst v58  }
0x35: {  	[tilespmem:$0x1FF80] =	vst v5  }
0x36: {  	[tilespmem:$0x1FF90] =	vst v6  }
0x37: {  	[tilespmem:$0x1FFA0] =	vst v4  }
0x38: {  	p1 =	por $0x1, $0x1;
	s0 =	simm.s32 $0x0;
	[tilespmem:$0x1FFB0] =	vst v7  }
.LBB2_2:
0x39: {  	p0 =	por p1, p1  }
0x3a: {  	s1 =	sshll.u32 s0, $0x1;
	s2 =	simm.s32 $0x0;
	s4 =	simm.s32 $0x0  }
.LBB2_3:
0x3b: {  	s14 =	sand.u32 $0x70, s2;
	s15 =	sand.u32 $0x300, s1  }
0x3c: {  	s14 =	sor.u32 s14, s15  }
0x3d: {  	v10 =	vld [tilespmem:s14+$0x0];
	_ =	sdelay $0x4  }
0x3e: {  	(v2sf) =	vpush v10, $0x0;
	_ =	sdelay $0x9  }
0x3f: {  	v9 =	vld [tilespmem:s14+$0x80];
	_ =	sdelay $0x4  }
0x40: {  	s18 =	spop (v2sf);
	(v2sf) =	vpush v9, $0x0  }
0x41: {  	s16 =	sshra.s32 s18, $0x1F  }
0x42: {  	s15 =	sshrl.u32 s16, $0x1D  }
0x43: {  	s15 =	sadd.s32 s15, s18  }
0x44: {  	s16 =	sand.u32 $0xFFFFFFF8, s15  }
0x45: {  	p1 =	slt.s32 s18, $0x1;
	p2 =	sne.s32 s18, s16  }
0x46: {  	p1 =	por !p1, !p2  }
0x47: {  	s16 =	simm.s32 $0x1;
	p1 =	por !p1, !p1  }
0x48: {  	s14 =	sshll.u32 s18, $0x7;
	s15 =	sshrl.u32 s15, $0x3;
	s16 =	simm.s32 @!p1 $0x0  }
0x49: {  	s14 =	sadd.s32 $0x400, s14;
	s15 =	ssub.s32 s15, s16  }
0x4a: {  	s14 =	sand.u32 $0x380, s14;
	s15 =	sshll.u32 s15, $0xA  }
0x4b: {  	s15 =	sor.u32 s14, s15  }
0x4c: {  	s14 =	sshra.s32 s4, $0x2;
	s15 =	sshrl.u32 s15, $0x3  }
0x4d: {  	s18 =	sadd.s32 $0x400, s14;
	s15 =	sadd.s32 s5, s15  }
0x4e: {  	[tilespmem:s18], [sflag:$0x1] =	stream.linear.gather [hbm4b:s15+s3], $0x80, $0x38;
	[tilespmem:$0x10700] =	vst v63  }
0x4f: {  	s15 =	spop (v2sf);
	(v2sf) =	vpush v10, $0x1  }
0x50: {  	s18 =	sshra.s32 s15, $0x1F  }
0x51: {  	s16 =	sshrl.u32 s18, $0x1D  }
0x52: {  	s16 =	sadd.s32 s16, s15  }
0x53: {  	s18 =	sand.u32 $0xFFFFFFF8, s16  }
0x54: {  	p5 =	slt.s32 s15, $0x1;
	p6 =	sne.s32 s15, s18  }
0x55: {  	p1 =	por !p5, !p6  }
0x56: {  	s18 =	simm.s32 $0x1;
	p1 =	por !p1, !p1  }
0x57: {  	s16 =	sshrl.u32 s16, $0x3;
	s15 =	sshll.u32 s15, $0x7;
	s18 =	simm.s32 @!p1 $0x0  }
0x58: {  	s15 =	sadd.s32 $0x400, s15;
	s16 =	ssub.s32 s16, s18  }
0x59: {  	s15 =	sand.u32 $0x380, s15;
	s16 =	sshll.u32 s16, $0xA  }
0x5a: {  	s15 =	sor.u32 s15, s16  }
0x5b: {  	s15 =	sshrl.u32 s15, $0x3  }
0x5c: {  	s18 =	sadd.s32 $0x8400, s14;
	s15 =	sadd.s32 s6, s15  }
0x5d: {  	[tilespmem:s18], [sflag:$0x2] =	stream.linear.gather [hbm4b:s15+s3], $0x80, $0x38;
	[tilespmem:$0x10700] =	vst v63  }
0x5e: {  	s15 =	spop (v2sf);
	(v2sf) =	vpush v9, $0x1  }
0x5f: {  	s18 =	sshra.s32 s15, $0x1F  }
0x60: {  	s16 =	sshrl.u32 s18, $0x1D  }
0x61: {  	s16 =	sadd.s32 s16, s15  }
0x62: {  	s18 =	sand.u32 $0xFFFFFFF8, s16  }
0x63: {  	p3 =	slt.s32 s15, $0x1;
	p4 =	sne.s32 s15, s18  }
0x64: {  	p1 =	por !p3, !p4  }
0x65: {  	s18 =	simm.s32 $0x1;
	p1 =	por !p1, !p1  }
0x66: {  	s16 =	sshrl.u32 s16, $0x3;
	s15 =	sshll.u32 s15, $0x7;
	s18 =	simm.s32 @!p1 $0x0  }
0x67: {  	s15 =	sadd.s32 $0x400, s15;
	s16 =	ssub.s32 s16, s18  }
0x68: {  	s15 =	sand.u32 $0x380, s15;
	s16 =	sshll.u32 s16, $0xA  }
0x69: {  	s15 =	sor.u32 s15, s16  }
0x6a: {  	s15 =	sshrl.u32 s15, $0x3  }
0x6b: {  	s18 =	sadd.s32 $0x480, s14;
	s15 =	sadd.s32 s5, s15  }
0x6c: {  	[tilespmem:s18], [sflag:$0x1] =	stream.linear.gather [hbm4b:s15+s3], $0x80, $0x38;
	[tilespmem:$0x10700] =	vst v63  }
0x6d: {  	s15 =	spop (v2sf);
	(v2sf) =	vpush v10, $0x2  }
0x6e: {  	s18 =	sshra.s32 s15, $0x1F  }
0x6f: {  	s16 =	sshrl.u32 s18, $0x1D  }
0x70: {  	s16 =	sadd.s32 s16, s15  }
0x71: {  	s18 =	sand.u32 $0xFFFFFFF8, s16  }
0x72: {  	p5 =	slt.s32 s15, $0x1;
	p6 =	sne.s32 s15, s18  }
0x73: {  	p1 =	por !p5, !p6  }
0x74: {  	s18 =	simm.s32 $0x1;
	p1 =	por !p1, !p1  }
0x75: {  	s16 =	sshrl.u32 s16, $0x3;
	s15 =	sshll.u32 s15, $0x7;
	s18 =	simm.s32 @!p1 $0x0  }
0x76: {  	s15 =	sadd.s32 $0x400, s15;
	s16 =	ssub.s32 s16, s18  }
0x77: {  	s15 =	sand.u32 $0x380, s15;
	s16 =	sshll.u32 s16, $0xA  }
0x78: {  	s15 =	sor.u32 s15, s16  }
0x79: {  	s15 =	sshrl.u32 s15, $0x3  }
0x7a: {  	s18 =	sadd.s32 $0x8480, s14;
	s15 =	sadd.s32 s6, s15  }
0x7b: {  	[tilespmem:s18], [sflag:$0x2] =	stream.linear.gather [hbm4b:s15+s3], $0x80, $0x38;
	[tilespmem:$0x10700] =	vst v63  }
0x7c: {  	s15 =	spop (v2sf);
	(v2sf) =	vpush v9, $0x2  }
0x7d: {  	s18 =	sshra.s32 s15, $0x1F  }
0x7e: {  	s16 =	sshrl.u32 s18, $0x1D  }
0x7f: {  	s16 =	sadd.s32 s16, s15  }
0x80: {  	s18 =	sand.u32 $0xFFFFFFF8, s16  }
0x81: {  	p3 =	slt.s32 s15, $0x1;
	p4 =	sne.s32 s15, s18  }
0x82: {  	p1 =	por !p3, !p4  }
0x83: {  	s18 =	simm.s32 $0x1;
	p1 =	por !p1, !p1  }
0x84: {  	s16 =	sshrl.u32 s16, $0x3;
	s15 =	sshll.u32 s15, $0x7;
	s18 =	simm.s32 @!p1 $0x0  }
0x85: {  	s15 =	sadd.s32 $0x400, s15;
	s16 =	ssub.s32 s16, s18  }
0x86: {  	s15 =	sand.u32 $0x380, s15;
	s16 =	sshll.u32 s16, $0xA  }
0x87: {  	s15 =	sor.u32 s15, s16  }
0x88: {  	s15 =	sshrl.u32 s15, $0x3  }
0x89: {  	s18 =	sadd.s32 $0x500, s14;
	s15 =	sadd.s32 s5, s15  }
0x8a: {  	[tilespmem:s18], [sflag:$0x1] =	stream.linear.gather [hbm4b:s15+s3], $0x80, $0x38;
	[tilespmem:$0x10700] =	vst v63  }
0x8b: {  	s15 =	spop (v2sf);
	(v2sf) =	vpush v10, $0x3  }
0x8c: {  	s18 =	sshra.s32 s15, $0x1F  }
0x8d: {  	s16 =	sshrl.u32 s18, $0x1D  }
0x8e: {  	s16 =	sadd.s32 s16, s15  }
0x8f: {  	s18 =	sand.u32 $0xFFFFFFF8, s16  }
0x90: {  	p5 =	slt.s32 s15, $0x1;
	p6 =	sne.s32 s15, s18  }
0x91: {  	p1 =	por !p5, !p6  }
0x92: {  	s18 =	simm.s32 $0x1;
	p1 =	por !p1, !p1  }
0x93: {  	s16 =	sshrl.u32 s16, $0x3;
	s15 =	sshll.u32 s15, $0x7;
	s18 =	simm.s32 @!p1 $0x0  }
0x94: {  	s15 =	sadd.s32 $0x400, s15;
	s16 =	ssub.s32 s16, s18  }
0x95: {  	s15 =	sand.u32 $0x380, s15;
	s16 =	sshll.u32 s16, $0xA  }
0x96: {  	s15 =	sor.u32 s15, s16  }
0x97: {  	s15 =	sshrl.u32 s15, $0x3  }
0x98: {  	s18 =	sadd.s32 $0x8500, s14;
	s15 =	sadd.s32 s6, s15  }
0x99: {  	[tilespmem:s18], [sflag:$0x2] =	stream.linear.gather [hbm4b:s15+s3], $0x80, $0x38;
	[tilespmem:$0x10700] =	vst v63  }
0x9a: {  	s15 =	spop (v2sf);
	(v2sf) =	vpush v9, $0x3  }
0x9b: {  	s18 =	sshra.s32 s15, $0x1F  }
0x9c: {  	s16 =	sshrl.u32 s18, $0x1D  }
0x9d: {  	s16 =	sadd.s32 s16, s15  }
0x9e: {  	s18 =	sand.u32 $0xFFFFFFF8, s16  }
0x9f: {  	p3 =	slt.s32 s15, $0x1;
	p4 =	sne.s32 s15, s18  }
0xa0: {  	p1 =	por !p3, !p4  }
0xa1: {  	s18 =	simm.s32 $0x1;
	p1 =	por !p1, !p1  }
0xa2: {  	s16 =	sshrl.u32 s16, $0x3;
	s15 =	sshll.u32 s15, $0x7;
	s18 =	simm.s32 @!p1 $0x0  }
0xa3: {  	s15 =	sadd.s32 $0x400, s15;
	s16 =	ssub.s32 s16, s18  }
0xa4: {  	s15 =	sand.u32 $0x380, s15;
	s16 =	sshll.u32 s16, $0xA  }
0xa5: {  	s15 =	sor.u32 s15, s16  }
0xa6: {  	s15 =	sshrl.u32 s15, $0x3  }
0xa7: {  	s18 =	sadd.s32 $0x580, s14;
	s15 =	sadd.s32 s5, s15  }
0xa8: {  	[tilespmem:s18], [sflag:$0x1] =	stream.linear.gather [hbm4b:s15+s3], $0x80, $0x38;
	[tilespmem:$0x10700] =	vst v63  }
0xa9: {  	s15 =	spop (v2sf);
	(v2sf) =	vpush v10, $0x4  }
0xaa: {  	s18 =	sshra.s32 s15, $0x1F  }
0xab: {  	s16 =	sshrl.u32 s18, $0x1D  }
0xac: {  	s16 =	sadd.s32 s16, s15  }
0xad: {  	s18 =	sand.u32 $0xFFFFFFF8, s16  }
0xae: {  	p5 =	slt.s32 s15, $0x1;
	p6 =	sne.s32 s15, s18  }
0xaf: {  	p1 =	por !p5, !p6  }
0xb0: {  	s18 =	simm.s32 $0x1;
	p1 =	por !p1, !p1  }
0xb1: {  	s16 =	sshrl.u32 s16, $0x3;
	s15 =	sshll.u32 s15, $0x7;
	s18 =	simm.s32 @!p1 $0x0  }
0xb2: {  	s15 =	sadd.s32 $0x400, s15;
	s16 =	ssub.s32 s16, s18  }
0xb3: {  	s15 =	sand.u32 $0x380, s15;
	s16 =	sshll.u32 s16, $0xA  }
0xb4: {  	s15 =	sor.u32 s15, s16  }
0xb5: {  	s15 =	sshrl.u32 s15, $0x3  }
0xb6: {  	s18 =	sadd.s32 $0x8580, s14;
	s15 =	sadd.s32 s6, s15  }
0xb7: {  	[tilespmem:s18], [sflag:$0x2] =	stream.linear.gather [hbm4b:s15+s3], $0x80, $0x38;
	[tilespmem:$0x10700] =	vst v63  }
0xb8: {  	s15 =	spop (v2sf);
	(v2sf) =	vpush v9, $0x4  }
0xb9: {  	s18 =	sshra.s32 s15, $0x1F  }
0xba: {  	s16 =	sshrl.u32 s18, $0x1D  }
0xbb: {  	s16 =	sadd.s32 s16, s15  }
0xbc: {  	s18 =	sand.u32 $0xFFFFFFF8, s16  }
0xbd: {  	p3 =	slt.s32 s15, $0x1;
	p4 =	sne.s32 s15, s18  }
0xbe: {  	p1 =	por !p3, !p4  }
0xbf: {  	s18 =	simm.s32 $0x1;
	p1 =	por !p1, !p1  }
0xc0: {  	s16 =	sshrl.u32 s16, $0x3;
	s15 =	sshll.u32 s15, $0x7;
	s18 =	simm.s32 @!p1 $0x0  }
0xc1: {  	s15 =	sadd.s32 $0x400, s15;
	s16 =	ssub.s32 s16, s18  }
0xc2: {  	s15 =	sand.u32 $0x380, s15;
	s16 =	sshll.u32 s16, $0xA  }
0xc3: {  	s15 =	sor.u32 s15, s16  }
0xc4: {  	s15 =	sshrl.u32 s15, $0x3  }
0xc5: {  	s18 =	sadd.s32 $0x600, s14;
	s15 =	sadd.s32 s5, s15  }
0xc6: {  	[tilespmem:s18], [sflag:$0x1] =	stream.linear.gather [hbm4b:s15+s3], $0x80, $0x38;
	[tilespmem:$0x10700] =	vst v63  }
0xc7: {  	s15 =	spop (v2sf);
	(v2sf) =	vpush v10, $0x5  }
0xc8: {  	s18 =	sshra.s32 s15, $0x1F  }
0xc9: {  	s16 =	sshrl.u32 s18, $0x1D  }
0xca: {  	s16 =	sadd.s32 s16, s15  }
0xcb: {  	s18 =	sand.u32 $0xFFFFFFF8, s16  }
0xcc: {  	p5 =	slt.s32 s15, $0x1;
	p6 =	sne.s32 s15, s18  }
0xcd: {  	p1 =	por !p5, !p6  }
0xce: {  	s18 =	simm.s32 $0x1;
	p1 =	por !p1, !p1  }
0xcf: {  	s16 =	sshrl.u32 s16, $0x3;
	s15 =	sshll.u32 s15, $0x7;
	s18 =	simm.s32 @!p1 $0x0  }
0xd0: {  	s15 =	sadd.s32 $0x400, s15;
	s16 =	ssub.s32 s16, s18  }
0xd1: {  	s15 =	sand.u32 $0x380, s15;
	s16 =	sshll.u32 s16, $0xA  }
0xd2: {  	s15 =	sor.u32 s15, s16  }
0xd3: {  	s15 =	sshrl.u32 s15, $0x3  }
0xd4: {  	s18 =	sadd.s32 $0x8600, s14;
	s15 =	sadd.s32 s6, s15  }
0xd5: {  	[tilespmem:s18], [sflag:$0x2] =	stream.linear.gather [hbm4b:s15+s3], $0x80, $0x38;
	[tilespmem:$0x10700] =	vst v63  }
0xd6: {  	s15 =	spop (v2sf);
	(v2sf) =	vpush v9, $0x5  }
0xd7: {  	s18 =	sshra.s32 s15, $0x1F  }
0xd8: {  	s16 =	sshrl.u32 s18, $0x1D  }
0xd9: {  	s16 =	sadd.s32 s16, s15  }
0xda: {  	s18 =	sand.u32 $0xFFFFFFF8, s16  }
0xdb: {  	p3 =	slt.s32 s15, $0x1;
	p4 =	sne.s32 s15, s18  }
0xdc: {  	p1 =	por !p3, !p4  }
0xdd: {  	s18 =	simm.s32 $0x1;
	p1 =	por !p1, !p1  }
0xde: {  	s16 =	sshrl.u32 s16, $0x3;
	s15 =	sshll.u32 s15, $0x7;
	s18 =	simm.s32 @!p1 $0x0  }
0xdf: {  	s15 =	sadd.s32 $0x400, s15;
	s16 =	ssub.s32 s16, s18  }
0xe0: {  	s15 =	sand.u32 $0x380, s15;
	s16 =	sshll.u32 s16, $0xA  }
0xe1: {  	s15 =	sor.u32 s15, s16  }
0xe2: {  	s15 =	sshrl.u32 s15, $0x3  }
0xe3: {  	s18 =	sadd.s32 $0x680, s14;
	s15 =	sadd.s32 s5, s15  }
0xe4: {  	[tilespmem:s18], [sflag:$0x1] =	stream.linear.gather [hbm4b:s15+s3], $0x80, $0x38;
	[tilespmem:$0x10700] =	vst v63  }
0xe5: {  	s15 =	spop (v2sf);
	(v2sf) =	vpush v10, $0x6  }
0xe6: {  	s18 =	sshra.s32 s15, $0x1F  }
0xe7: {  	s16 =	sshrl.u32 s18, $0x1D  }
0xe8: {  	s16 =	sadd.s32 s16, s15  }
0xe9: {  	s18 =	sand.u32 $0xFFFFFFF8, s16  }
0xea: {  	p5 =	slt.s32 s15, $0x1;
	p6 =	sne.s32 s15, s18  }
0xeb: {  	p1 =	por !p5, !p6  }
0xec: {  	s18 =	simm.s32 $0x1;
	p1 =	por !p1, !p1  }
0xed: {  	s16 =	sshrl.u32 s16, $0x3;
	s15 =	sshll.u32 s15, $0x7;
	s18 =	simm.s32 @!p1 $0x0  }
0xee: {  	s15 =	sadd.s32 $0x400, s15;
	s16 =	ssub.s32 s16, s18  }
0xef: {  	s15 =	sand.u32 $0x380, s15;
	s16 =	sshll.u32 s16, $0xA  }
0xf0: {  	s15 =	sor.u32 s15, s16  }
0xf1: {  	s15 =	sshrl.u32 s15, $0x3  }
0xf2: {  	s18 =	sadd.s32 $0x8680, s14;
	s15 =	sadd.s32 s6, s15  }
0xf3: {  	[tilespmem:s18], [sflag:$0x2] =	stream.linear.gather [hbm4b:s15+s3], $0x80, $0x38;
	[tilespmem:$0x10700] =	vst v63  }
0xf4: {  	s15 =	spop (v2sf);
	(v2sf) =	vpush v9, $0x6  }
0xf5: {  	s18 =	sshra.s32 s15, $0x1F  }
0xf6: {  	s16 =	sshrl.u32 s18, $0x1D  }
0xf7: {  	s16 =	sadd.s32 s16, s15  }
0xf8: {  	s18 =	sand.u32 $0xFFFFFFF8, s16  }
0xf9: {  	p3 =	slt.s32 s15, $0x1;
	p4 =	sne.s32 s15, s18  }
0xfa: {  	p1 =	por !p3, !p4  }
0xfb: {  	s18 =	simm.s32 $0x1;
	p1 =	por !p1, !p1  }
0xfc: {  	s16 =	sshrl.u32 s16, $0x3;
	s15 =	sshll.u32 s15, $0x7;
	s18 =	simm.s32 @!p1 $0x0  }
0xfd: {  	s15 =	sadd.s32 $0x400, s15;
	s16 =	ssub.s32 s16, s18  }
0xfe: {  	s15 =	sand.u32 $0x380, s15;
	s16 =	sshll.u32 s16, $0xA  }
0xff: {  	s15 =	sor.u32 s15, s16  }
0x100: {  	s15 =	sshrl.u32 s15, $0x3  }
0x101: {  	s18 =	sadd.s32 $0x700, s14;
	s15 =	sadd.s32 s5, s15  }
0x102: {  	[tilespmem:s18], [sflag:$0x1] =	stream.linear.gather [hbm4b:s15+s3], $0x80, $0x38;
	[tilespmem:$0x10700] =	vst v63  }
0x103: {  	s15 =	spop (v2sf);
	(v2sf) =	vpush v10, $0x7  }
0x104: {  	s18 =	sshra.s32 s15, $0x1F  }
0x105: {  	s16 =	sshrl.u32 s18, $0x1D  }
0x106: {  	s16 =	sadd.s32 s16, s15  }
0x107: {  	s18 =	sand.u32 $0xFFFFFFF8, s16  }
0x108: {  	p5 =	slt.s32 s15, $0x1;
	p6 =	sne.s32 s15, s18  }
0x109: {  	p1 =	por !p5, !p6  }
0x10a: {  	s18 =	simm.s32 $0x1;
	p1 =	por !p1, !p1  }
0x10b: {  	s16 =	sshrl.u32 s16, $0x3;
	s15 =	sshll.u32 s15, $0x7;
	s18 =	simm.s32 @!p1 $0x0  }
0x10c: {  	s15 =	sadd.s32 $0x400, s15;
	s16 =	ssub.s32 s16, s18  }
0x10d: {  	s15 =	sand.u32 $0x380, s15;
	s16 =	sshll.u32 s16, $0xA  }
0x10e: {  	s15 =	sor.u32 s15, s16  }
0x10f: {  	s15 =	sshrl.u32 s15, $0x3  }
0x110: {  	s18 =	sadd.s32 $0x8700, s14;
	s15 =	sadd.s32 s6, s15  }
0x111: {  	[tilespmem:s18], [sflag:$0x2] =	stream.linear.gather [hbm4b:s15+s3], $0x80, $0x38;
	[tilespmem:$0x10700] =	vst v63  }
0x112: {  	s15 =	spop (v2sf);
	(v2sf) =	vpush v9, $0x7  }
0x113: {  	s18 =	sshra.s32 s15, $0x1F  }
0x114: {  	s16 =	sshrl.u32 s18, $0x1D  }
0x115: {  	s16 =	sadd.s32 s16, s15  }
0x116: {  	s18 =	sand.u32 $0xFFFFFFF8, s16  }
0x117: {  	p3 =	slt.s32 s15, $0x1;
	p4 =	sne.s32 s15, s18  }
0x118: {  	p1 =	por !p3, !p4  }
0x119: {  	s18 =	simm.s32 $0x1;
	p1 =	por !p1, !p1  }
0x11a: {  	s16 =	sshrl.u32 s16, $0x3;
	s15 =	sshll.u32 s15, $0x7;
	s18 =	simm.s32 @!p1 $0x0  }
0x11b: {  	s15 =	sadd.s32 $0x400, s15;
	s16 =	ssub.s32 s16, s18  }
0x11c: {  	s15 =	sand.u32 $0x380, s15;
	s16 =	sshll.u32 s16, $0xA  }
0x11d: {  	s15 =	sor.u32 s15, s16  }
0x11e: {  	s15 =	sshrl.u32 s15, $0x3  }
0x11f: {  	s18 =	sadd.s32 $0x780, s14;
	s15 =	sadd.s32 s5, s15  }
0x120: {  	[tilespmem:s18], [sflag:$0x1] =	stream.linear.gather [hbm4b:s15+s3], $0x80, $0x38;
	[tilespmem:$0x10700] =	vst v63  }
0x121: {  	s15 =	spop (v2sf);
	(v2sf) =	vpush v10, $0x8  }
0x122: {  	s18 =	sshra.s32 s15, $0x1F  }
0x123: {  	s16 =	sshrl.u32 s18, $0x1D  }
0x124: {  	s16 =	sadd.s32 s16, s15  }
0x125: {  	s18 =	sand.u32 $0xFFFFFFF8, s16  }
0x126: {  	p5 =	slt.s32 s15, $0x1;
	p6 =	sne.s32 s15, s18  }
0x127: {  	p1 =	por !p5, !p6  }
0x128: {  	s18 =	simm.s32 $0x1;
	p1 =	por !p1, !p1  }
0x129: {  	s16 =	sshrl.u32 s16, $0x3;
	s15 =	sshll.u32 s15, $0x7;
	s18 =	simm.s32 @!p1 $0x0  }
0x12a: {  	s15 =	sadd.s32 $0x400, s15;
	s16 =	ssub.s32 s16, s18  }
0x12b: {  	s15 =	sand.u32 $0x380, s15;
	s16 =	sshll.u32 s16, $0xA  }
0x12c: {  	s15 =	sor.u32 s15, s16  }
0x12d: {  	s15 =	sshrl.u32 s15, $0x3  }
0x12e: {  	s18 =	sadd.s32 $0x8780, s14;
	s15 =	sadd.s32 s6, s15  }
0x12f: {  	[tilespmem:s18], [sflag:$0x2] =	stream.linear.gather [hbm4b:s15+s3], $0x80, $0x38;
	[tilespmem:$0x10700] =	vst v63  }
0x130: {  	s15 =	spop (v2sf);
	(v2sf) =	vpush v9, $0x8  }
0x131: {  	s18 =	sshra.s32 s15, $0x1F  }
0x132: {  	s16 =	sshrl.u32 s18, $0x1D  }
0x133: {  	s16 =	sadd.s32 s16, s15  }
0x134: {  	s18 =	sand.u32 $0xFFFFFFF8, s16  }
0x135: {  	p3 =	slt.s32 s15, $0x1;
	p4 =	sne.s32 s15, s18  }
0x136: {  	p1 =	por !p3, !p4  }
0x137: {  	s18 =	simm.s32 $0x1;
	p1 =	por !p1, !p1  }
0x138: {  	s16 =	sshrl.u32 s16, $0x3;
	s15 =	sshll.u32 s15, $0x7;
	s18 =	simm.s32 @!p1 $0x0  }
0x139: {  	s15 =	sadd.s32 $0x400, s15;
	s16 =	ssub.s32 s16, s18  }
0x13a: {  	s15 =	sand.u32 $0x380, s15;
	s16 =	sshll.u32 s16, $0xA  }
0x13b: {  	s15 =	sor.u32 s15, s16  }
0x13c: {  	s15 =	sshrl.u32 s15, $0x3  }
0x13d: {  	s18 =	sadd.s32 $0x800, s14;
	s15 =	sadd.s32 s5, s15  }
0x13e: {  	[tilespmem:s18], [sflag:$0x1] =	stream.linear.gather [hbm4b:s15+s3], $0x80, $0x38;
	[tilespmem:$0x10700] =	vst v63  }
0x13f: {  	s15 =	spop (v2sf);
	(v2sf) =	vpush v10, $0x9  }
0x140: {  	s18 =	sshra.s32 s15, $0x1F  }
0x141: {  	s16 =	sshrl.u32 s18, $0x1D  }
0x142: {  	s16 =	sadd.s32 s16, s15  }
0x143: {  	s18 =	sand.u32 $0xFFFFFFF8, s16  }
0x144: {  	p5 =	slt.s32 s15, $0x1;
	p6 =	sne.s32 s15, s18  }
0x145: {  	p1 =	por !p5, !p6  }
0x146: {  	s18 =	simm.s32 $0x1;
	p1 =	por !p1, !p1  }
0x147: {  	s16 =	sshrl.u32 s16, $0x3;
	s15 =	sshll.u32 s15, $0x7;
	s18 =	simm.s32 @!p1 $0x0  }
0x148: {  	s15 =	sadd.s32 $0x400, s15;
	s16 =	ssub.s32 s16, s18  }
0x149: {  	s15 =	sand.u32 $0x380, s15;
	s16 =	sshll.u32 s16, $0xA  }
0x14a: {  	s15 =	sor.u32 s15, s16  }
0x14b: {  	s15 =	sshrl.u32 s15, $0x3  }
0x14c: {  	s18 =	sadd.s32 $0x8800, s14;
	s15 =	sadd.s32 s6, s15  }
0x14d: {  	[tilespmem:s18], [sflag:$0x2] =	stream.linear.gather [hbm4b:s15+s3], $0x80, $0x38;
	[tilespmem:$0x10700] =	vst v63  }
0x14e: {  	s15 =	spop (v2sf);
	(v2sf) =	vpush v9, $0x9  }
0x14f: {  	s18 =	sshra.s32 s15, $0x1F  }
0x150: {  	s16 =	sshrl.u32 s18, $0x1D  }
0x151: {  	s16 =	sadd.s32 s16, s15  }
0x152: {  	s18 =	sand.u32 $0xFFFFFFF8, s16  }
0x153: {  	p3 =	slt.s32 s15, $0x1;
	p4 =	sne.s32 s15, s18  }
0x154: {  	p1 =	por !p3, !p4  }
0x155: {  	s18 =	simm.s32 $0x1;
	p1 =	por !p1, !p1  }
0x156: {  	s16 =	sshrl.u32 s16, $0x3;
	s15 =	sshll.u32 s15, $0x7;
	s18 =	simm.s32 @!p1 $0x0  }
0x157: {  	s15 =	sadd.s32 $0x400, s15;
	s16 =	ssub.s32 s16, s18  }
0x158: {  	s15 =	sand.u32 $0x380, s15;
	s16 =	sshll.u32 s16, $0xA  }
0x159: {  	s15 =	sor.u32 s15, s16  }
0x15a: {  	s15 =	sshrl.u32 s15, $0x3  }
0x15b: {  	s18 =	sadd.s32 $0x880, s14;
	s15 =	sadd.s32 s5, s15  }
0x15c: {  	[tilespmem:s18], [sflag:$0x1] =	stream.linear.gather [hbm4b:s15+s3], $0x80, $0x38;
	[tilespmem:$0x10700] =	vst v63  }
0x15d: {  	s15 =	spop (v2sf);
	(v2sf) =	vpush v10, $0xA  }
0x15e: {  	s18 =	sshra.s32 s15, $0x1F  }
0x15f: {  	s16 =	sshrl.u32 s18, $0x1D  }
0x160: {  	s16 =	sadd.s32 s16, s15  }
0x161: {  	s18 =	sand.u32 $0xFFFFFFF8, s16  }
0x162: {  	p5 =	slt.s32 s15, $0x1;
	p6 =	sne.s32 s15, s18  }
0x163: {  	p1 =	por !p5, !p6  }
0x164: {  	s18 =	simm.s32 $0x1;
	p1 =	por !p1, !p1  }
0x165: {  	s16 =	sshrl.u32 s16, $0x3;
	s15 =	sshll.u32 s15, $0x7;
	s18 =	simm.s32 @!p1 $0x0  }
0x166: {  	s15 =	sadd.s32 $0x400, s15;
	s16 =	ssub.s32 s16, s18  }
0x167: {  	s15 =	sand.u32 $0x380, s15;
	s16 =	sshll.u32 s16, $0xA  }
0x168: {  	s15 =	sor.u32 s15, s16  }
0x169: {  	s15 =	sshrl.u32 s15, $0x3  }
0x16a: {  	s18 =	sadd.s32 $0x8880, s14;
	s15 =	sadd.s32 s6, s15  }
0x16b: {  	[tilespmem:s18], [sflag:$0x2] =	stream.linear.gather [hbm4b:s15+s3], $0x80, $0x38;
	[tilespmem:$0x10700] =	vst v63  }
0x16c: {  	s15 =	spop (v2sf);
	(v2sf) =	vpush v9, $0xA  }
0x16d: {  	s18 =	sshra.s32 s15, $0x1F  }
0x16e: {  	s16 =	sshrl.u32 s18, $0x1D  }
0x16f: {  	s16 =	sadd.s32 s16, s15  }
0x170: {  	s18 =	sand.u32 $0xFFFFFFF8, s16  }
0x171: {  	p3 =	slt.s32 s15, $0x1;
	p4 =	sne.s32 s15, s18  }
0x172: {  	p1 =	por !p3, !p4  }
0x173: {  	s18 =	simm.s32 $0x1;
	p1 =	por !p1, !p1  }
0x174: {  	s16 =	sshrl.u32 s16, $0x3;
	s15 =	sshll.u32 s15, $0x7;
	s18 =	simm.s32 @!p1 $0x0  }
0x175: {  	s15 =	sadd.s32 $0x400, s15;
	s16 =	ssub.s32 s16, s18  }
0x176: {  	s15 =	sand.u32 $0x380, s15;
	s16 =	sshll.u32 s16, $0xA  }
0x177: {  	s15 =	sor.u32 s15, s16  }
0x178: {  	s15 =	sshrl.u32 s15, $0x3  }
0x179: {  	s18 =	sadd.s32 $0x900, s14;
	s15 =	sadd.s32 s5, s15  }
0x17a: {  	[tilespmem:s18], [sflag:$0x1] =	stream.linear.gather [hbm4b:s15+s3], $0x80, $0x38;
	[tilespmem:$0x10700] =	vst v63  }
0x17b: {  	s15 =	spop (v2sf);
	(v2sf) =	vpush v10, $0xB  }
0x17c: {  	s18 =	sshra.s32 s15, $0x1F  }
0x17d: {  	s16 =	sshrl.u32 s18, $0x1D  }
0x17e: {  	s16 =	sadd.s32 s16, s15  }
0x17f: {  	s18 =	sand.u32 $0xFFFFFFF8, s16  }
0x180: {  	p5 =	slt.s32 s15, $0x1;
	p6 =	sne.s32 s15, s18  }
0x181: {  	p1 =	por !p5, !p6  }
0x182: {  	s18 =	simm.s32 $0x1;
	p1 =	por !p1, !p1  }
0x183: {  	s16 =	sshrl.u32 s16, $0x3;
	s15 =	sshll.u32 s15, $0x7;
	s18 =	simm.s32 @!p1 $0x0  }
0x184: {  	s15 =	sadd.s32 $0x400, s15;
	s16 =	ssub.s32 s16, s18  }
0x185: {  	s15 =	sand.u32 $0x380, s15;
	s16 =	sshll.u32 s16, $0xA  }
0x186: {  	s15 =	sor.u32 s15, s16  }
0x187: {  	s15 =	sshrl.u32 s15, $0x3  }
0x188: {  	s18 =	sadd.s32 $0x8900, s14;
	s15 =	sadd.s32 s6, s15  }
0x189: {  	[tilespmem:s18], [sflag:$0x2] =	stream.linear.gather [hbm4b:s15+s3], $0x80, $0x38;
	[tilespmem:$0x10700] =	vst v63  }
0x18a: {  	s15 =	spop (v2sf);
	(v2sf) =	vpush v9, $0xB  }
0x18b: {  	s18 =	sshra.s32 s15, $0x1F  }
0x18c: {  	s16 =	sshrl.u32 s18, $0x1D  }
0x18d: {  	s16 =	sadd.s32 s16, s15  }
0x18e: {  	s18 =	sand.u32 $0xFFFFFFF8, s16  }
0x18f: {  	p3 =	slt.s32 s15, $0x1;
	p4 =	sne.s32 s15, s18  }
0x190: {  	p1 =	por !p3, !p4  }
0x191: {  	s18 =	simm.s32 $0x1;
	p1 =	por !p1, !p1  }
0x192: {  	s16 =	sshrl.u32 s16, $0x3;
	s15 =	sshll.u32 s15, $0x7;
	s18 =	simm.s32 @!p1 $0x0  }
0x193: {  	s15 =	sadd.s32 $0x400, s15;
	s16 =	ssub.s32 s16, s18  }
0x194: {  	s15 =	sand.u32 $0x380, s15;
	s16 =	sshll.u32 s16, $0xA  }
0x195: {  	s15 =	sor.u32 s15, s16  }
0x196: {  	s15 =	sshrl.u32 s15, $0x3  }
0x197: {  	s18 =	sadd.s32 $0x980, s14;
	s15 =	sadd.s32 s5, s15  }
0x198: {  	[tilespmem:s18], [sflag:$0x1] =	stream.linear.gather [hbm4b:s15+s3], $0x80, $0x38;
	[tilespmem:$0x10700] =	vst v63  }
0x199: {  	s15 =	spop (v2sf);
	(v2sf) =	vpush v10, $0xC  }
0x19a: {  	s18 =	sshra.s32 s15, $0x1F  }
0x19b: {  	s16 =	sshrl.u32 s18, $0x1D  }
0x19c: {  	s16 =	sadd.s32 s16, s15  }
0x19d: {  	s18 =	sand.u32 $0xFFFFFFF8, s16  }
0x19e: {  	p5 =	slt.s32 s15, $0x1;
	p6 =	sne.s32 s15, s18  }
0x19f: {  	p1 =	por !p5, !p6  }
0x1a0: {  	s18 =	simm.s32 $0x1;
	p1 =	por !p1, !p1  }
0x1a1: {  	s16 =	sshrl.u32 s16, $0x3;
	s15 =	sshll.u32 s15, $0x7;
	s18 =	simm.s32 @!p1 $0x0  }
0x1a2: {  	s15 =	sadd.s32 $0x400, s15;
	s16 =	ssub.s32 s16, s18  }
0x1a3: {  	s15 =	sand.u32 $0x380, s15;
	s16 =	sshll.u32 s16, $0xA  }
0x1a4: {  	s15 =	sor.u32 s15, s16  }
0x1a5: {  	s15 =	sshrl.u32 s15, $0x3  }
0x1a6: {  	s18 =	sadd.s32 $0x8980, s14;
	s15 =	sadd.s32 s6, s15  }
0x1a7: {  	[tilespmem:s18], [sflag:$0x2] =	stream.linear.gather [hbm4b:s15+s3], $0x80, $0x38;
	[tilespmem:$0x10700] =	vst v63  }
0x1a8: {  	s15 =	spop (v2sf);
	(v2sf) =	vpush v9, $0xC  }
0x1a9: {  	s18 =	sshra.s32 s15, $0x1F  }
0x1aa: {  	s16 =	sshrl.u32 s18, $0x1D  }
0x1ab: {  	s16 =	sadd.s32 s16, s15  }
0x1ac: {  	s18 =	sand.u32 $0xFFFFFFF8, s16  }
0x1ad: {  	p3 =	slt.s32 s15, $0x1;
	p4 =	sne.s32 s15, s18  }
0x1ae: {  	p1 =	por !p3, !p4  }
0x1af: {  	s18 =	simm.s32 $0x1;
	p1 =	por !p1, !p1  }
0x1b0: {  	s16 =	sshrl.u32 s16, $0x3;
	s15 =	sshll.u32 s15, $0x7;
	s18 =	simm.s32 @!p1 $0x0  }
0x1b1: {  	s15 =	sadd.s32 $0x400, s15;
	s16 =	ssub.s32 s16, s18  }
0x1b2: {  	s15 =	sand.u32 $0x380, s15;
	s16 =	sshll.u32 s16, $0xA  }
0x1b3: {  	s15 =	sor.u32 s15, s16  }
0x1b4: {  	s15 =	sshrl.u32 s15, $0x3  }
0x1b5: {  	s18 =	sadd.s32 $0xA00, s14;
	s15 =	sadd.s32 s5, s15  }
0x1b6: {  	[tilespmem:s18], [sflag:$0x1] =	stream.linear.gather [hbm4b:s15+s3], $0x80, $0x38;
	[tilespmem:$0x10700] =	vst v63  }
0x1b7: {  	s15 =	spop (v2sf);
	(v2sf) =	vpush v10, $0xD  }
0x1b8: {  	s18 =	sshra.s32 s15, $0x1F  }
0x1b9: {  	s16 =	sshrl.u32 s18, $0x1D  }
0x1ba: {  	s16 =	sadd.s32 s16, s15  }
0x1bb: {  	s18 =	sand.u32 $0xFFFFFFF8, s16  }
0x1bc: {  	p5 =	slt.s32 s15, $0x1;
	p6 =	sne.s32 s15, s18  }
0x1bd: {  	p1 =	por !p5, !p6  }
0x1be: {  	s18 =	simm.s32 $0x1;
	p1 =	por !p1, !p1  }
0x1bf: {  	s16 =	sshrl.u32 s16, $0x3;
	s15 =	sshll.u32 s15, $0x7;
	s18 =	simm.s32 @!p1 $0x0  }
0x1c0: {  	s15 =	sadd.s32 $0x400, s15;
	s16 =	ssub.s32 s16, s18  }
0x1c1: {  	s15 =	sand.u32 $0x380, s15;
	s16 =	sshll.u32 s16, $0xA  }
0x1c2: {  	s15 =	sor.u32 s15, s16  }
0x1c3: {  	s15 =	sshrl.u32 s15, $0x3  }
0x1c4: {  	s18 =	sadd.s32 $0x8A00, s14;
	s15 =	sadd.s32 s6, s15  }
0x1c5: {  	[tilespmem:s18], [sflag:$0x2] =	stream.linear.gather [hbm4b:s15+s3], $0x80, $0x38;
	[tilespmem:$0x10700] =	vst v63  }
0x1c6: {  	s15 =	spop (v2sf);
	(v2sf) =	vpush v9, $0xD  }
0x1c7: {  	s18 =	sshra.s32 s15, $0x1F  }
0x1c8: {  	s16 =	sshrl.u32 s18, $0x1D  }
0x1c9: {  	s16 =	sadd.s32 s16, s15  }
0x1ca: {  	s18 =	sand.u32 $0xFFFFFFF8, s16  }
0x1cb: {  	p3 =	slt.s32 s15, $0x1;
	p4 =	sne.s32 s15, s18  }
0x1cc: {  	p1 =	por !p3, !p4  }
0x1cd: {  	s18 =	simm.s32 $0x1;
	p1 =	por !p1, !p1  }
0x1ce: {  	s16 =	sshrl.u32 s16, $0x3;
	s15 =	sshll.u32 s15, $0x7;
	s18 =	simm.s32 @!p1 $0x0  }
0x1cf: {  	s15 =	sadd.s32 $0x400, s15;
	s16 =	ssub.s32 s16, s18  }
0x1d0: {  	s15 =	sand.u32 $0x380, s15;
	s16 =	sshll.u32 s16, $0xA  }
0x1d1: {  	s15 =	sor.u32 s15, s16  }
0x1d2: {  	s15 =	sshrl.u32 s15, $0x3  }
0x1d3: {  	s18 =	sadd.s32 $0xA80, s14;
	s15 =	sadd.s32 s5, s15  }
0x1d4: {  	[tilespmem:s18], [sflag:$0x1] =	stream.linear.gather [hbm4b:s15+s3], $0x80, $0x38;
	[tilespmem:$0x10700] =	vst v63  }
0x1d5: {  	s15 =	spop (v2sf);
	(v2sf) =	vpush v10, $0xE  }
0x1d6: {  	s18 =	sshra.s32 s15, $0x1F  }
0x1d7: {  	s16 =	sshrl.u32 s18, $0x1D  }
0x1d8: {  	s16 =	sadd.s32 s16, s15  }
0x1d9: {  	s18 =	sand.u32 $0xFFFFFFF8, s16  }
0x1da: {  	p5 =	slt.s32 s15, $0x1;
	p6 =	sne.s32 s15, s18  }
0x1db: {  	p1 =	por !p5, !p6  }
0x1dc: {  	s18 =	simm.s32 $0x1;
	p1 =	por !p1, !p1  }
0x1dd: {  	s16 =	sshrl.u32 s16, $0x3;
	s15 =	sshll.u32 s15, $0x7;
	s18 =	simm.s32 @!p1 $0x0  }
0x1de: {  	s15 =	sadd.s32 $0x400, s15;
	s16 =	ssub.s32 s16, s18  }
0x1df: {  	s15 =	sand.u32 $0x380, s15;
	s16 =	sshll.u32 s16, $0xA  }
0x1e0: {  	s15 =	sor.u32 s15, s16  }
0x1e1: {  	s15 =	sshrl.u32 s15, $0x3  }
0x1e2: {  	s18 =	sadd.s32 $0x8A80, s14;
	s15 =	sadd.s32 s6, s15  }
0x1e3: {  	[tilespmem:s18], [sflag:$0x2] =	stream.linear.gather [hbm4b:s15+s3], $0x80, $0x38;
	[tilespmem:$0x10700] =	vst v63  }
0x1e4: {  	s15 =	spop (v2sf);
	(v2sf) =	vpush v9, $0xE  }
0x1e5: {  	s18 =	sshra.s32 s15, $0x1F  }
0x1e6: {  	s16 =	sshrl.u32 s18, $0x1D  }
0x1e7: {  	s16 =	sadd.s32 s16, s15  }
0x1e8: {  	s18 =	sand.u32 $0xFFFFFFF8, s16  }
0x1e9: {  	p3 =	slt.s32 s15, $0x1;
	p4 =	sne.s32 s15, s18  }
0x1ea: {  	p1 =	por !p3, !p4  }
0x1eb: {  	s18 =	simm.s32 $0x1;
	p1 =	por !p1, !p1  }
0x1ec: {  	s16 =	sshrl.u32 s16, $0x3;
	s15 =	sshll.u32 s15, $0x7;
	s18 =	simm.s32 @!p1 $0x0  }
0x1ed: {  	s15 =	sadd.s32 $0x400, s15;
	s16 =	ssub.s32 s16, s18  }
0x1ee: {  	s15 =	sand.u32 $0x380, s15;
	s16 =	sshll.u32 s16, $0xA  }
0x1ef: {  	s15 =	sor.u32 s15, s16  }
0x1f0: {  	s15 =	sshrl.u32 s15, $0x3  }
0x1f1: {  	s18 =	sadd.s32 $0xB00, s14;
	s15 =	sadd.s32 s5, s15  }
0x1f2: {  	[tilespmem:s18], [sflag:$0x1] =	stream.linear.gather [hbm4b:s15+s3], $0x80, $0x38;
	[tilespmem:$0x10700] =	vst v63  }
0x1f3: {  	s15 =	spop (v2sf);
	(v2sf) =	vpush v10, $0xF  }
0x1f4: {  	s18 =	sshra.s32 s15, $0x1F  }
0x1f5: {  	s16 =	sshrl.u32 s18, $0x1D  }
0x1f6: {  	s16 =	sadd.s32 s16, s15  }
0x1f7: {  	s18 =	sand.u32 $0xFFFFFFF8, s16  }
0x1f8: {  	p5 =	slt.s32 s15, $0x1;
	p6 =	sne.s32 s15, s18  }
0x1f9: {  	p1 =	por !p5, !p6  }
0x1fa: {  	s18 =	simm.s32 $0x1;
	p1 =	por !p1, !p1  }
0x1fb: {  	s16 =	sshrl.u32 s16, $0x3;
	s15 =	sshll.u32 s15, $0x7;
	s18 =	simm.s32 @!p1 $0x0  }
0x1fc: {  	s15 =	sadd.s32 $0x400, s15;
	s16 =	ssub.s32 s16, s18  }
0x1fd: {  	s15 =	sand.u32 $0x380, s15;
	s16 =	sshll.u32 s16, $0xA  }
0x1fe: {  	s15 =	sor.u32 s15, s16  }
0x1ff: {  	s15 =	sshrl.u32 s15, $0x3  }
0x200: {  	s18 =	sadd.s32 $0x8B00, s14;
	s15 =	sadd.s32 s6, s15  }
0x201: {  	[tilespmem:s18], [sflag:$0x2] =	stream.linear.gather [hbm4b:s15+s3], $0x80, $0x38;
	[tilespmem:$0x10700] =	vst v63  }
0x202: {  	s15 =	spop (v2sf);
	(v2sf) =	vpush v9, $0xF  }
0x203: {  	s18 =	sshra.s32 s15, $0x1F  }
0x204: {  	s16 =	sshrl.u32 s18, $0x1D  }
0x205: {  	s16 =	sadd.s32 s16, s15  }
0x206: {  	s18 =	sand.u32 $0xFFFFFFF8, s16  }
0x207: {  	p3 =	slt.s32 s15, $0x1;
	p4 =	sne.s32 s15, s18  }
0x208: {  	p1 =	por !p3, !p4  }
0x209: {  	s18 =	simm.s32 $0x1;
	p1 =	por !p1, !p1  }
0x20a: {  	s16 =	sshrl.u32 s16, $0x3;
	s15 =	sshll.u32 s15, $0x7;
	s18 =	simm.s32 @!p1 $0x0  }
0x20b: {  	s15 =	sadd.s32 $0x400, s15;
	s16 =	ssub.s32 s16, s18  }
0x20c: {  	s15 =	sand.u32 $0x380, s15;
	s16 =	sshll.u32 s16, $0xA  }
0x20d: {  	s15 =	sor.u32 s15, s16  }
0x20e: {  	s15 =	sshrl.u32 s15, $0x3  }
0x20f: {  	s18 =	sadd.s32 $0xB80, s14;
	s15 =	sadd.s32 s5, s15  }
0x210: {  	[tilespmem:s18], [sflag:$0x1] =	stream.linear.gather [hbm4b:s15+s3], $0x80, $0x38;
	[tilespmem:$0x10700] =	vst v63  }
0x211: {  	s15 =	spop (v2sf)  }
0x212: {  	s18 =	sshra.s32 s15, $0x1F  }
0x213: {  	s16 =	sshrl.u32 s18, $0x1D  }
0x214: {  	s16 =	sadd.s32 s16, s15  }
0x215: {  	s18 =	sand.u32 $0xFFFFFFF8, s16  }
0x216: {  	p5 =	slt.s32 s15, $0x1;
	p6 =	sne.s32 s15, s18  }
0x217: {  	p1 =	por !p5, !p6  }
0x218: {  	s18 =	simm.s32 $0x1;
	p1 =	por !p1, !p1  }
0x219: {  	s16 =	sshrl.u32 s16, $0x3;
	s15 =	sshll.u32 s15, $0x7;
	s18 =	simm.s32 @!p1 $0x0  }
0x21a: {  	s15 =	sadd.s32 $0x400, s15;
	p1 =	seq.s32 s4, $0x1E000;
	s16 =	ssub.s32 s16, s18  }
.Ltmp0:
0x21b: {  	s15 =	sand.u32 $0x380, s15;
	s16 =	sshll.u32 s16, $0xA;
	(pc) =	sbr.rel @!p1 .LBB2_3-.Ltmp0, $4  }
0x21c: {  	s15 =	sor.u32 s15, s16  }
0x21d: {  	s1 =	sadd.s32 $0x20, s1;
	s2 =	sadd.s32 $0x10, s2;
	s15 =	sshrl.u32 s15, $0x3  }
0x21e: {  	s14 =	sadd.s32 $0x8B80, s14;
	s4 =	sadd.s32 $0x2000, s4;
	s15 =	sadd.s32 s6, s15  }
0x21f: {  	[tilespmem:s14], [sflag:$0x2] =	stream.linear.gather [hbm4b:s15+s3], $0x80, $0x38;
	[tilespmem:$0x10700] =	vst v63  }
0x220: {  	_ =	swait.ge [sflag:s28], $0x80  }
0x221: {  	[sflag:s28] =	ssyncset.done $0x0  }
0x222: {  	[sflag:s28] =	ssyncadd.s32 $0xFFFFFF80  }
0x223: {  	_ =	swait.ge [sflag:s29], $0x80  }
0x224: {  	s1 =	simm.s32 $0xFF;
	[sflag:s29] =	ssyncset.done $0x0  }
.LBB2_5:
0x225: {  	p1 =	seq.s32 s1, $0x1;
	s1 =	sadd.s32 $0xFFFFFFFF, s1;
	[sflag:s29] =	ssyncadd.s32 $0xFFFFFF80  }
.Ltmp1:
0x226: {  	_ =	swait.ge [sflag:s28], $0x80;
	(pc) =	sbr.rel @!p1 .LBB2_5-.Ltmp1, $4  }
0x227: {  	[sflag:s28] =	ssyncset.done $0x0  }
0x228: {  	[sflag:s28] =	ssyncadd.s32 $0xFFFFFF80  }
0x229: {  	_ =	swait.ge [sflag:s29], $0x80  }
0x22a: {  	[sflag:s29] =	ssyncset.done $0x0  }
0x22b: {  	[sflag:s29] =	ssyncadd.s32 $0xFFFFFF80;
	s1 =	sadd.s32 $0x10500, s0;
	s0 =	simm.s32 $0x800  }
0x22c: {  	s2 =	simm.s32 $0x8800;
	v9 =	vld [tilespmem:s0+$0x3B0]  }
0x22d: {  	v10 =	vld [tilespmem:s2+$0x3B0]  }
0x22e: {  	v11 =	vld [tilespmem:s0+$0x330]  }
0x22f: {  	v12 =	vld [tilespmem:s2+$0x330]  }
0x230: {  	v13 =	vld [tilespmem:s0+$0x3A0]  }
0x231: {  	v14 =	vld [tilespmem:s2+$0x3A0]  }
0x232: {  	v15 =	vld [tilespmem:s0+$0x2B0]  }
0x233: {  	v16 =	vld [tilespmem:s2+$0x2B0]  }
0x234: {  	v17 =	vld [tilespmem:s0+$0x320]  }
0x235: {  	v18 =	vld [tilespmem:s2+$0x320]  }
0x236: {  	v19 =	vld [tilespmem:s0+$0x380]  }
0x237: {  	v20 =	vld [tilespmem:s2+$0x380]  }
0x238: {  	v21 =	vld [tilespmem:s0+$0x390]  }
0x239: {  	v22 =	vld [tilespmem:s2+$0x390]  }
0x23a: {  	v28 =	vld [tilespmem:s0+$0x2A0]  }
0x23b: {  	v40 =	vld [tilespmem:s0+$0x290]  }
0x23c: {  	v41 =	vld [tilespmem:s2+$0x290]  }
0x23d: {  	v46 =	vld [tilespmem:s0+$0x200]  }
0x23e: {  	v47 =	vld [tilespmem:s2+$0x200]  }
0x23f: {  	v48 =	vld [tilespmem:s0+$0x210]  }
0x240: {  	v49 =	vld [tilespmem:s2+$0x210]  }
0x241: {  	v63 =	vld [tilespmem:s2+$0xFFFFFFB0]  }
0x242: {  	v29 =	vld [tilespmem:s2+$0x2A0]  }
0x243: {  	v30 =	vld [tilespmem:s0+$0x300];
	v11 =	vmul.f32 v12, v11  }
0x244: {  	v31 =	vld [tilespmem:s2+$0x300];
	v10 =	vmul.f32 v10, v9;
	v13 =	vmul.f32 v14, v13  }
0x245: {  	v32 =	vld [tilespmem:s0+$0x310];
	v40 =	vmul.f32 v41, v40;
	v47 =	vmul.f32 v47, v46  }
0x246: {  	v33 =	vld [tilespmem:s2+$0x310];
	[tilespmem:$0x1FEB0] =	vst v63;
	v49 =	vmul.f32 v49, v48;
	v63 =	vmul.f32 v11, v6  }
0x247: {  	v38 =	vld [tilespmem:s0+$0x280];
	v10 =	vmul.f32 v10, v6;
	v11 =	vmul.f32 v16, v15  }
0x248: {  	v39 =	vld [tilespmem:s2+$0x280];
	v13 =	vmul.f32 v13, v5;
	v15 =	vmul.f32 v20, v19  }
0x249: {  	v16 =	vmul.f32 v22, v21;
	v20 =	vmul.f32 v11, v6  }
0x24a: {  	v25 =	vld [tilespmem:s0+$0x230];
	v11 =	vmul.f32 v18, v17;
	v15 =	vmul.f32 v15, v58  }
0x24b: {  	v36 =	vld [tilespmem:s0+$0x220];
	v16 =	vmul.f32 v16, v4;
	v17 =	vmul.f32 v29, v28  }
0x24c: {  	v37 =	vld [tilespmem:s2+$0x220];
	v29 =	vmul.f32 v31, v30;
	v30 =	vmul.f32 v33, v32  }
0x24d: {  	v27 =	vld [tilespmem:s2+$0x230];
	v51 =	vmul.f32 v49, v4;
	v15 =	vadd.f32 v16, v15;
	v16 =	vmul.f32 v39, v38  }
0x24e: {  	v29 =	vmul.f32 v29, v58;
	v30 =	vmul.f32 v30, v4  }
0x24f: {  	v22 =	vmul.f32 v11, v5;
	v17 =	vmul.f32 v17, v5;
	v13 =	vadd.f32 v13, v15  }
0x250: {  	v15 =	vmul.f32 v16, v58;
	v16 =	vmul.f32 v40, v4;
	v29 =	vadd.f32 v30, v29  }
0x251: {  	v61 =	vld [tilespmem:s0+$0xFFFFFFB0];
	v30 =	vmul.f32 v47, v58;
	v10 =	vadd.f32 v10, v13;
	v13 =	vmul.f32 v37, v36  }
0x252: {  	v15 =	vadd.f32 v16, v15;
	v16 =	vmul.f32 v27, v25;
	v22 =	vadd.f32 v22, v29  }
0x253: {  	v55 =	vld [tilespmem:s0+$0x190];
	v29 =	vadd.f32 v51, v30;
	v25 =	vperm.xlane v10, v0;
	v13 =	vmul.f32 v13, v5  }
0x254: {  	v56 =	vld [tilespmem:s2+$0x190];
	v17 =	vadd.f32 v17, v15;
	v22 =	vadd.f32 v63, v22  }
0x255: {  	v7 =	vld [tilespmem:s0+$0xA0];
	v37 =	vadd.f32 v10, v25;
	v10 =	vadd.f32 v13, v29;
	v13 =	vmul.f32 v16, v6  }
0x256: {  	[tilespmem:$0x1FEA0] =	vst v61;
	v61 =	vld [tilespmem:s0+$0xFFFFFEB0];
	v16 =	vadd.f32 v20, v17;
	v20 =	vperm.xlane v22, v0  }
0x257: {  	v10 =	vadd.f32 v13, v10  }
0x258: {  	v53 =	vld [tilespmem:s0+$0x180];
	v17 =	vperm.xlane v37, v1;
	v13 =	vperm.xlane v16, v0;
	v20 =	vadd.f32 v22, v20  }
0x259: {  	v54 =	vld [tilespmem:s2+$0x180];
	v63 =	vperm.xlane v10, v0  }
0x25a: {  	[tilespmem:$0x1FE80] =	vst v7;
	v13 =	vadd.f32 v16, v13;
	v16 =	vperm.xlane v20, v1;
	v51 =	vadd.f32 v37, v17  }
0x25b: {  	[tilespmem:$0x1FEE0] =	vst v61;
	v29 =	vmul.f32 v56, v55;
	v61 =	vadd.f32 v10, v63  }
0x25c: {  	v7 =	vmovc v0;
	v63 =	vperm.xlane v13, v1;
	v55 =	vadd.f32 v20, v16;
	v0 =	vperm.xlane v51, v2;
	_ =	sdelay $0x1  }
0x25d: {  	v25 =	vmul.f32 v54, v53;
	v54 =	vadd.f32 v13, v63;
	[tilespmem:$0x1FF40] =	vst v0;
	v0 =	vperm.xlane v55, v2;
	_ =	sdelay $0x1  }
0x25e: {  	[tilespmem:$0x1FF50] =	vst v0;
	v0 =	vperm.xlane v54, v2  }
0x25f: {  	v34 =	vld [tilespmem:s0+$0x1B0]  }
0x260: {  	[tilespmem:$0x1FF60] =	vst v0;
	v0 =	vld [tilespmem:s0+$0xFFFFFDB0]  }
0x261: {  	v35 =	vld [tilespmem:s2+$0x1B0]  }
0x262: {  	v42 =	vld [tilespmem:s0+$0x130]  }
0x263: {  	v60 =	vld [tilespmem:s2+$0xA0]  }
0x264: {  	v43 =	vld [tilespmem:s2+$0x130]  }
0x265: {  	[tilespmem:$0x1FF20] =	vst v0;
	v0 =	vld [tilespmem:s2+$0xFFFFFDB0]  }
0x266: {  	v59 =	vld [tilespmem:s0+$0x100]  }
0x267: {  	v8 =	vld [tilespmem:s0+$0x110]  }
0x268: {  	[tilespmem:$0x1FE90] =	vst v60;
	v60 =	vld [tilespmem:s2+$0x100]  }
0x269: {  	v62 =	vld [tilespmem:s2+$0x110]  }
0x26a: {  	[tilespmem:$0x1FF30] =	vst v0;
	v0 =	vld [tilespmem:$0x1FF70]  }
0x26b: {  	v44 =	vld [tilespmem:s0+$0x1A0]  }
0x26c: {  	v45 =	vld [tilespmem:s2+$0x1A0];
	v34 =	vmul.f32 v35, v34  }
0x26d: {  	v26 =	vld [tilespmem:s0+$0xB0];
	v59 =	vmul.f32 v60, v59  }
0x26e: {  	v50 =	vld [tilespmem:s2+$0xB0];
	v20 =	vmul.f32 v34, v6  }
0x26f: {  	v34 =	vmul.f32 v62, v8;
	v62 =	vmul.f32 v59, v0;
	v0 =	vld [tilespmem:s0+$0xFFFFFE20]  }
0x270: {  	v24 =	vld [tilespmem:s0+$0x120]  }
0x271: {  	v52 =	vld [tilespmem:s2+$0x120]  }
0x272: {  	v57 =	vld [tilespmem:s0+$0x30]  }
0x273: {  	v23 =	vld [tilespmem:s2+$0x30]  }
0x274: {  	[tilespmem:$0x1FF00] =	vst v0;
	v0 =	vld [tilespmem:s0+$0xFFFFFE80]  }
0x275: {  	v9 =	vld [tilespmem:s0+$0x20]  }
0x276: {  	v14 =	vld [tilespmem:s2+$0x20]  }
0x277: {  	v12 =	vld [tilespmem:s0+$0x90]  }
0x278: {  	v8 =	vld [tilespmem:$0x1FE90]  }
0x279: {  	[tilespmem:$0x1FF10] =	vst v0;
	v0 =	vld [tilespmem:$0x1FE80]  }
0x27a: {  	v41 =	vld [tilespmem:s2+$0xFFFFFF30]  }
0x27b: {  	v19 =	vld [tilespmem:s0+$0x80]  }
0x27c: {  	v18 =	vld [tilespmem:s2+$0x80]  }
0x27d: {  	v48 =	vld [tilespmem:s2+$0xFFFFFF80]  }
0x27e: {  	v57 =	vmul.f32 v23, v57;
	v23 =	vmul.f32 v8, v0;
	v0 =	vld [tilespmem:$0x1FF70]  }
0x27f: {  	v49 =	vld [tilespmem:s0+$0xFFFFFF90]  }
0x280: {  	v40 =	vld [tilespmem:s0+$0x0]  }
0x281: {  	v18 =	vmul.f32 v18, v19;
	v36 =	vld [tilespmem:s2+$0x0]  }
0x282: {  	v11 =	vld [tilespmem:s2+$0x90]  }
0x283: {  	v18 =	vmul.f32 v18, v0;
	v0 =	vld [tilespmem:$0x1FF70]  }
0x284: {  	v33 =	vld [tilespmem:s0+$0xFFFFFF30]  }
0x285: {  	v44 =	vmul.f32 v45, v44;
	v32 =	vld [tilespmem:s2+$0xFFFFFFA0];
	v9 =	vmul.f32 v14, v9  }
0x286: {  	v47 =	vld [tilespmem:s0+$0xFFFFFF80];
	v14 =	vmul.f32 v23, v5;
	v23 =	vmul.f32 v36, v40  }
0x287: {  	v38 =	vld [tilespmem:s0+$0x10];
	v11 =	vmul.f32 v11, v12;
	v22 =	vmul.f32 v25, v58  }
0x288: {  	v29 =	vmul.f32 v29, v4;
	v23 =	vmul.f32 v23, v0;
	v0 =	vld [tilespmem:$0x1FF70]  }
0x289: {  	v26 =	vmul.f32 v50, v26;
	v27 =	vld [tilespmem:s2+$0x10];
	v11 =	vmul.f32 v11, v4  }
0x28a: {  	v46 =	vmul.f32 v52, v24;
	[tilespmem:$0x1FEC0] =	vst v33;
	v33 =	vld [tilespmem:s0+$0xFFFFFFA0];
	v58 =	vmul.f32 v44, v5;
	v22 =	vadd.f32 v29, v22  }
0x28b: {  	v53 =	vld [tilespmem:s2+$0xFFFFFF90];
	v63 =	vmul.f32 v34, v4;
	v11 =	vadd.f32 v11, v18;
	v18 =	vmul.f32 v48, v47  }
0x28c: {  	v50 =	vmul.f32 v46, v5;
	v16 =	vadd.f32 v58, v22;
	v58 =	vmul.f32 v43, v42;
	v8 =	vld [tilespmem:$0x1FEB0]  }
0x28d: {  	v52 =	vadd.f32 v63, v62;
	v11 =	vadd.f32 v14, v11;
	v14 =	vmul.f32 v18, v0;
	v0 =	vld [tilespmem:$0x1FEA0]  }
0x28e: {  	v56 =	vld [tilespmem:s0+$0xFFFFFE30];
	v24 =	vmul.f32 v27, v38  }
0x28f: {  	v37 =	vld [tilespmem:s0+$0xFFFFFF00];
	v35 =	vmul.f32 v58, v6;
	v19 =	vadd.f32 v50, v52  }
0x290: {  	v24 =	vmul.f32 v24, v4;
	v43 =	vld [tilespmem:s2+$0xFFFFFF00]  }
0x291: {  	v44 =	vld [tilespmem:s0+$0xFFFFFF10];
	v19 =	vadd.f32 v35, v19  }
0x292: {  	v23 =	vadd.f32 v24, v23;
	v24 =	vmul.f32 v8, v0;
	v0 =	vld [tilespmem:$0x1FF70]  }
0x293: {  	v26 =	vmul.f32 v26, v6;
	[tilespmem:$0x1FEF0] =	vst v56;
	v56 =	vld [tilespmem:s2+$0xFFFFFF10];
	v27 =	vperm.xlane v19, v7  }
0x294: {  	v57 =	vmul.f32 v57, v6;
	[tilespmem:$0x1FED0] =	vst v41;
	v41 =	vld [tilespmem:s2+$0xFFFFFF20];
	v38 =	vmul.f32 v53, v49  }
0x295: {  	v39 =	vld [tilespmem:s0+$0xFFFFFF20];
	v9 =	vmul.f32 v9, v5;
	v19 =	vadd.f32 v19, v27;
	v27 =	vmul.f32 v43, v37  }
0x296: {  	v32 =	vmul.f32 v32, v33;
	v18 =	vmul.f32 v38, v4;
	v8 =	vld [tilespmem:$0x1FED0]  }
0x297: {  	v11 =	vadd.f32 v26, v11;
	v9 =	vadd.f32 v9, v23;
	v27 =	vmul.f32 v27, v0;
	v0 =	vld [tilespmem:$0x1FEC0]  }
0x298: {  	v40 =	vmul.f32 v56, v44;
	v14 =	vadd.f32 v18, v14;
	v18 =	vmul.f32 v32, v5  }
0x299: {  	v46 =	vld [tilespmem:s2+$0xFFFFFE00];
	v26 =	vperm.xlane v11, v7;
	v9 =	vadd.f32 v57, v9  }
0x29a: {  	v21 =	vld [tilespmem:s2+$0xFFFFFE10];
	v32 =	vmul.f32 v40, v4;
	v14 =	vadd.f32 v18, v14;
	v24 =	vmul.f32 v24, v6  }
0x29b: {  	v28 =	vld [tilespmem:s2+$0xFFFFFEB0];
	v18 =	vmul.f32 v41, v39;
	v41 =	vperm.xlane v9, v7  }
0x29c: {  	v11 =	vadd.f32 v11, v26;
	v14 =	vadd.f32 v24, v14;
	v24 =	vmul.f32 v8, v0;
	v0 =	vld [tilespmem:$0x1FEE0]  }
0x29d: {  	v31 =	vld [tilespmem:s2+$0xFFFFFD30];
	v9 =	vadd.f32 v9, v41;
	v18 =	vmul.f32 v18, v5;
	v26 =	vadd.f32 v32, v27  }
0x29e: {  	v60 =	vld [tilespmem:s0+$0xFFFFFD20]  }
0x29f: {  	v30 =	vld [tilespmem:s2+$0xFFFFFE30];
	v43 =	vperm.xlane v9, v1;
	v18 =	vadd.f32 v18, v26;
	v48 =	vmul.f32 v24, v6  }
0x2a0: {  	v12 =	vld [tilespmem:s2+$0xFFFFFD90];
	v27 =	vperm.xlane v14, v7  }
0x2a1: {  	v24 =	vadd.f32 v9, v43;
	v9 =	vadd.f32 v48, v18;
	v18 =	vmul.f32 v28, v0;
	v0 =	vld [tilespmem:$0x1FEF0]  }
0x2a2: {  	v15 =	vld [tilespmem:s2+$0xFFFFFEA0];
	v44 =	vperm.xlane v11, v1;
	v14 =	vadd.f32 v14, v27  }
0x2a3: {  	v25 =	vld [tilespmem:s2+$0xFFFFFE90]  }
0x2a4: {  	v29 =	vld [tilespmem:s0+$0xFFFFFEA0];
	v26 =	vadd.f32 v11, v44;
	v11 =	vperm.xlane v14, v1  }
0x2a5: {  	v34 =	vld [tilespmem:s2+$0xFFFFFE20]  }
0x2a6: {  	v28 =	vadd.f32 v14, v11;
	v11 =	vmul.f32 v30, v0;
	v0 =	vld [tilespmem:$0x1FF00]  }
0x2a7: {  	v17 =	vld [tilespmem:s2+$0xFFFFFD80]  }
0x2a8: {  	v53 =	vld [tilespmem:s0+$0xFFFFFCB0];
	v42 =	vadd.f32 v20, v16  }
0x2a9: {  	v10 =	vld [tilespmem:s0+$0xFFFFFC30];
	v49 =	vperm.xlane v9, v7  }
0x2aa: {  	v22 =	vperm.xlane v61, v1;
	v45 =	vperm.xlane v42, v7;
	v62 =	vld [tilespmem:s2+$0xFFFFFE80]  }
0x2ab: {  	v30 =	vmul.f32 v15, v29;
	v29 =	vadd.f32 v9, v49;
	v9 =	vmul.f32 v34, v0;
	v0 =	vld [tilespmem:$0x1FF10]  }
0x2ac: {  	v20 =	vld [tilespmem:s0+$0xFFFFFD80];
	v42 =	vadd.f32 v42, v45  }
0x2ad: {  	v61 =	vadd.f32 v61, v22;
	v22 =	vld [tilespmem:s2+$0xFFFFFCB0]  }
0x2ae: {  	v45 =	vld [tilespmem:s0+$0xFFFFFE90];
	v59 =	vperm.xlane v42, v1  }
0x2af: {  	v23 =	vperm.xlane v19, v1;
	v34 =	vperm.xlane v29, v1;
	v1 =	vld [tilespmem:$0x1FF30]  }
0x2b0: {  	v15 =	vmul.f32 v11, v6;
	v11 =	vmul.f32 v62, v0;
	v0 =	vld [tilespmem:$0x1FF20]  }
0x2b1: {  	v16 =	vld [tilespmem:s0+$0xFFFFFC20]  }
0x2b2: {  	v13 =	vld [tilespmem:s2+$0xFFFFFC20]  }
0x2b3: {  	v22 =	vmul.f32 v22, v53;
	v53 =	vld [tilespmem:s0+$0xFFFFFC90]  }
0x2b4: {  	v63 =	vld [tilespmem:s0+$0xFFFFFDA0]  }
0x2b5: {  	v62 =	vmul.f32 v25, v45;
	v25 =	vmul.f32 v1, v0;
	v0 =	vld [tilespmem:$0x1FF70]  }
0x2b6: {  	v52 =	vld [tilespmem:s0+$0xFFFFFD30]  }
0x2b7: {  	v59 =	vadd.f32 v42, v59;
	v42 =	vld [tilespmem:s0+$0xFFFFFD10]  }
0x2b8: {  	v50 =	vld [tilespmem:s2+$0xFFFFFDA0]  }
0x2b9: {  	v36 =	vld [tilespmem:s0+$0xFFFFFE10]  }
0x2ba: {  	v38 =	vmul.f32 v11, v0;
	v0 =	vld [tilespmem:$0x1FF40]  }
0x2bb: {  	v31 =	vmul.f32 v31, v52;
	v52 =	vld [tilespmem:s2+$0xFFFFFC80]  }
0x2bc: {  	v37 =	vld [tilespmem:s0+$0xFFFFFCA0];
	v14 =	vmul.f32 v18, v6  }
0x2bd: {  	v47 =	vld [tilespmem:s0+$0xFFFFFE00];
	v18 =	vmul.f32 v9, v5;
	v9 =	vmul.f32 v50, v63  }
0x2be: {  	v57 =	vld [tilespmem:s2+$0xFFFFFC30]  }
0x2bf: {  	v21 =	vmul.f32 v21, v36;
	v36 =	vmul.f32 v9, v5;
	v9 =	vadd.f32 v51, v0;
	v0 =	vld [tilespmem:$0x1FF70]  }
0x2c0: {  	v23 =	vadd.f32 v19, v23;
	v19 =	vld [tilespmem:s0+$0xFFFFFD90]  }
0x2c1: {  	v40 =	vld [tilespmem:s0+$0xFFFFFD00]  }
0x2c2: {  	v39 =	vld [tilespmem:s2+$0xFFFFFCA0];
	v11 =	vmul.f32 v46, v47  }
0x2c3: {  	v41 =	vld [tilespmem:s2+$0xFFFFFD00]  }
0x2c4: {  	v46 =	vmul.f32 v11, v0;
	v0 =	vld [tilespmem:$0x1FF50]  }
0x2c5: {  	v8 =	vld [tilespmem:s2+$0xFFFFFD20]  }
0x2c6: {  	v44 =	vld [tilespmem:s2+$0xFFFFFD10]  }
0x2c7: {  	v58 =	vperm.xlane v61, v2;
	v56 =	vperm.xlane v59, v2;
	v48 =	vld [tilespmem:s0+$0xFFFFFC00]  }
0x2c8: {  	v33 =	vperm.xlane v23, v2;
	v35 =	vperm.xlane v26, v2;
	v49 =	vld [tilespmem:s0+$0xFFFFFC10]  }
0x2c9: {  	v27 =	vperm.xlane v24, v2;
	v32 =	vperm.xlane v28, v2;
	v2 =	vadd.f32 v55, v0;
	v0 =	vld [tilespmem:$0x1FF60]  }
0x2ca: {  	v17 =	vmul.f32 v17, v20;
	v20 =	vmul.f32 v8, v60;
	v50 =	vld [tilespmem:s2+$0xFFFFFC10]  }
0x2cb: {  	v30 =	vmul.f32 v30, v5;
	v63 =	vmul.f32 v57, v10;
	v45 =	vld [tilespmem:s2+$0xFFFFFC00]  }
0x2cc: {  	v43 =	vmul.f32 v62, v4;
	v47 =	vmul.f32 v21, v4;
	v51 =	vld [tilespmem:s0+$0xFFFFFC80]  }
0x2cd: {  	v21 =	vmul.f32 v63, v6;
	v55 =	vmul.f32 v12, v19;
	v12 =	vadd.f32 v61, v58;
	v58 =	vld [tilespmem:$0x1FF70]  }
0x2ce: {  	s4 =	simm.s32 $0x0;
	s14 =	simm.s32 $0x10;
	v19 =	vmul.f32 v13, v16;
	v13 =	vadd.f32 v59, v56;
	v11 =	vadd.f32 v54, v0;
	v54 =	vld [tilespmem:s2+$0xFFFFFC90]  }
.LBB2_7:
0x2cf: {  	v60 =	vld [tilespmem:$0x1FFA0]  }
0x2d0: {  	v5 =	vld [tilespmem:$0x1FF80]  }
0x2d1: {  	v16 =	vadd.f32 v23, v33  }
0x2d2: {  	v28 =	vadd.f32 v28, v32;
	v56 =	vmul.f32 v17, v58;
	v7 =	vmul.f32 v39, v37  }
0x2d3: {  	v17 =	vadd.f32 v26, v35;
	v26 =	vmul.f32 v41, v40;
	v41 =	vmul.f32 v44, v42  }
0x2d4: {  	v47 =	vadd.f32 v47, v46;
	v42 =	vmul.f32 v52, v51;
	v44 =	vmul.f32 v54, v53  }
0x2d5: {  	v38 =	vadd.f32 v43, v38;
	v55 =	vmul.f32 v55, v60;
	v23 =	vmul.f32 v19, v5  }
0x2d6: {  	v19 =	vadd.f32 v24, v27;
	v24 =	vmul.f32 v45, v48;
	v27 =	vmul.f32 v50, v49  }
0x2d7: {  	v63 =	vld [tilespmem:$0x1FF90];
	v29 =	vadd.f32 v29, v34;
	v32 =	vmul.f32 v42, v58;
	v45 =	vmul.f32 v44, v60  }
0x2d8: {  	v18 =	vadd.f32 v18, v47;
	v24 =	vmul.f32 v24, v58;
	v27 =	vmul.f32 v27, v60  }
0x2d9: {  	v30 =	vadd.f32 v30, v38;
	v26 =	vmul.f32 v26, v58;
	v35 =	vmul.f32 v41, v60  }
0x2da: {  	v48 =	vmul.f32 v7, v5;
	v24 =	vadd.f32 v27, v24;
	v27 =	vadd.f32 v45, v32  }
0x2db: {  	v61 =	vld [tilespmem:$0x1FFC0];
	v20 =	vmul.f32 v20, v5;
	v49 =	vadd.f32 v55, v56;
	v26 =	vadd.f32 v35, v26  }
0x2dc: {  	v62 =	vld [tilespmem:$0x1FFE0];
	v22 =	vmul.f32 v22, v63;
	v23 =	vadd.f32 v23, v24;
	v24 =	vadd.f32 v48, v27  }
0x2dd: {  	v20 =	vadd.f32 v20, v26;
	v26 =	vmul.f32 v31, v63;
	v27 =	vadd.f32 v36, v49  }
0x2de: {  	v21 =	vadd.f32 v21, v23;
	v22 =	vadd.f32 v22, v24;
	v23 =	vmul.f32 v25, v63  }
0x2df: {  	v59 =	vld [tilespmem:$0x1FFD0];
	v15 =	vadd.f32 v15, v18;
	v20 =	vadd.f32 v26, v20  }
0x2e0: {  	v25 =	vperm.xlane v21, v61;
	v26 =	vperm.xlane v22, v61;
	v23 =	vadd.f32 v23, v27  }
0x2e1: {  	v14 =	vadd.f32 v14, v30;
	v24 =	vperm.xlane v29, v62;
	v27 =	vperm.xlane v20, v61  }
0x2e2: {  	v18 =	vadd.f32 v21, v25;
	v21 =	vadd.f32 v22, v26;
	v22 =	vperm.xlane v23, v61  }
0x2e3: {  	v20 =	vadd.f32 v20, v27;
	v25 =	vperm.xlane v15, v61;
	v26 =	vperm.xlane v14, v61  }
0x2e4: {  	v27 =	vperm.xlane v18, v59;
	v30 =	vperm.xlane v21, v59;
	v22 =	vadd.f32 v23, v22  }
0x2e5: {  	v23 =	vperm.xlane v20, v59;
	v15 =	vadd.f32 v15, v25;
	v14 =	vadd.f32 v14, v26  }
0x2e6: {  	v18 =	vadd.f32 v18, v27;
	v21 =	vadd.f32 v21, v30;
	v25 =	vperm.xlane v22, v59  }
0x2e7: {  	v0 =	vld [tilespmem:$0x1FFF0];
	v20 =	vadd.f32 v20, v23;
	v23 =	vperm.xlane v15, v59;
	v26 =	vperm.xlane v14, v59  }
0x2e8: {  	v27 =	vperm.xlane v18, v62;
	v30 =	vperm.xlane v21, v62;
	v22 =	vadd.f32 v22, v25  }
0x2e9: {  	v25 =	vperm.xlane v20, v62;
	v15 =	vadd.f32 v15, v23;
	v14 =	vadd.f32 v14, v26  }
0x2ea: {  	v18 =	vadd.f32 v18, v27;
	v21 =	vadd.f32 v21, v30;
	v23 =	vperm.xlane v22, v62  }
0x2eb: {  	v20 =	vadd.f32 v20, v25;
	v25 =	vperm.xlane v15, v62;
	v26 =	vperm.xlane v14, v62  }
0x2ec: {  	v27 =	vperm.xlane v18, v0;
	v30 =	vperm.xlane v21, v0;
	v22 =	vadd.f32 v22, v23  }
0x2ed: {  	v23 =	vperm.xlane v20, v0;
	v15 =	vadd.f32 v15, v25;
	v14 =	vadd.f32 v14, v26  }
0x2ee: {  	v18 =	vadd.f32 v18, v27;
	v21 =	vadd.f32 v21, v30;
	v25 =	vperm.xlane v22, v0  }
0x2ef: {  	v24 =	vadd.f32 v29, v24;
	v20 =	vadd.f32 v20, v23;
	v23 =	vperm.xlane v15, v0  }
0x2f0: {  	v18 =	vsel vm0, v18, v21;
	v21 =	vadd.f32 v22, v25;
	v22 =	vperm.xlane v14, v0  }
0x2f1: {  	v15 =	vadd.f32 v15, v23;
	v18 =	vsel vm1, v18, v20;
	v20 =	vperm.xlane v24, v0  }
0x2f2: {  	v18 =	vsel vm2, v18, v21;
	v14 =	vadd.f32 v14, v22;
	v21 =	vperm.xlane v28, v0  }
0x2f3: {  	v15 =	vsel vm3, v18, v15;
	v18 =	vadd.f32 v24, v20;
	v20 =	vperm.xlane v19, v0  }
0x2f4: {  	v14 =	vsel vm4, v15, v14;
	v15 =	vadd.f32 v28, v21;
	v21 =	vperm.xlane v17, v0  }
0x2f5: {  	v14 =	vsel vm5, v14, v18;
	v18 =	vadd.f32 v19, v20;
	v19 =	vperm.xlane v16, v0  }
0x2f6: {  	v14 =	vsel vm6, v14, v15;
	v15 =	vadd.f32 v17, v21;
	v17 =	vperm.xlane v13, v0  }
0x2f7: {  	v14 =	vsel vm7, v14, v18;
	v16 =	vadd.f32 v16, v19;
	v18 =	vperm.xlane v12, v0  }
0x2f8: {  	v14 =	vsel vm8, v14, v15;
	v13 =	vadd.f32 v13, v17;
	v15 =	vperm.xlane v11, v0  }
0x2f9: {  	v14 =	vsel vm9, v14, v16;
	v12 =	vadd.f32 v12, v18;
	v16 =	vperm.xlane v2, v0  }
0x2fa: {  	v13 =	vsel vm10, v14, v13;
	v11 =	vadd.f32 v11, v15;
	v14 =	vperm.xlane v9, v0;
	v0 =	vld [tilespmem:$0x1FFB0]  }
0x2fb: {  	v12 =	vsel vm11, v13, v12;
	v10 =	vadd.f32 v2, v16  }
0x2fc: {  	v11 =	vsel vm12, v12, v11;
	v9 =	vadd.f32 v9, v14  }
0x2fd: {  	v10 =	vsel vm13, v11, v10  }
0x2fe: {  	s15 =	sand.u32 $0x80, s4;
	v9 =	vsel vm14, v10, v9  }
0x2ff: {  	s16 =	sand.u32 $0x70, s4;
	s15 =	sadd.s32 s15, s1;
	v9 =	vadd.f32 v9, v0  }
0x300: {  	s15 =	sadd.s32 s16, s15  }
0x301: {  	s0 =	sadd.s32 $0x800, s0;
	v4 =	vld [tilespmem:$0x1FF70];
	[tilespmem:s15+$0x0] =	vst v9  }
0x302: {  	s2 =	sadd.s32 $0x800, s2;
	v9 =	vld [tilespmem:s0+$0x3B0]  }
0x303: {  	v11 =	vld [tilespmem:s2+$0x3B0]  }
0x304: {  	v12 =	vld [tilespmem:s0+$0x330]  }
0x305: {  	v15 =	vld [tilespmem:s2+$0x330]  }
0x306: {  	v21 =	vld [tilespmem:s0+$0x3A0]  }
0x307: {  	v22 =	vld [tilespmem:s2+$0x3A0]  }
0x308: {  	v29 =	vld [tilespmem:s0+$0x2B0]  }
0x309: {  	v32 =	vld [tilespmem:s2+$0x2B0]  }
0x30a: {  	v34 =	vld [tilespmem:s0+$0x320]  }
0x30b: {  	v36 =	vld [tilespmem:s2+$0x320]  }
0x30c: {  	v37 =	vld [tilespmem:s0+$0x380]  }
0x30d: {  	v39 =	vld [tilespmem:s2+$0x380]  }
0x30e: {  	v40 =	vld [tilespmem:s0+$0x390]  }
0x30f: {  	v41 =	vld [tilespmem:s2+$0x390]  }
0x310: {  	v14 =	vld [tilespmem:s0+$0x230]  }
0x311: {  	v18 =	vld [tilespmem:s2+$0x230]  }
0x312: {  	v45 =	vld [tilespmem:s0+$0x2A0]  }
0x313: {  	v48 =	vld [tilespmem:s2+$0x2A0]  }
0x314: {  	v49 =	vld [tilespmem:s0+$0x300]  }
0x315: {  	v50 =	vld [tilespmem:s2+$0x300]  }
0x316: {  	v51 =	vld [tilespmem:s0+$0x310]  }
0x317: {  	v52 =	vld [tilespmem:s2+$0x310]  }
0x318: {  	v16 =	vld [tilespmem:s0+$0x1B0]  }
0x319: {  	v17 =	vld [tilespmem:s2+$0x1B0]  }
0x31a: {  	v53 =	vld [tilespmem:s0+$0x220]  }
0x31b: {  	v54 =	vld [tilespmem:s2+$0x220]  }
0x31c: {  	v55 =	vld [tilespmem:s0+$0x280]  }
0x31d: {  	v56 =	vld [tilespmem:s2+$0x280]  }
0x31e: {  	v57 =	vld [tilespmem:s0+$0x290]  }
0x31f: {  	v58 =	vld [tilespmem:s2+$0x290]  }
0x320: {  	v24 =	vld [tilespmem:s0+$0x130]  }
0x321: {  	v23 =	vld [tilespmem:s2+$0x130]  }
0x322: {  	v19 =	vld [tilespmem:s0+$0x1A0]  }
0x323: {  	v20 =	vld [tilespmem:s2+$0x1A0]  }
0x324: {  	v1 =	vld [tilespmem:s0+$0x200]  }
0x325: {  	v2 =	vld [tilespmem:s0+$0xB0]  }
0x326: {  	v6 =	vld [tilespmem:s2+$0x200]  }
0x327: {  	v7 =	vld [tilespmem:s0+$0x210]  }
0x328: {  	v0 =	vld [tilespmem:s2+$0x210]  }
0x329: {  	v25 =	vld [tilespmem:s2+$0xB0]  }
0x32a: {  	[tilespmem:$0x1FE10] =	vst v2;
	v2 =	vld [tilespmem:s0+$0xA0]  }
0x32b: {  	v27 =	vld [tilespmem:s0+$0x120]  }
0x32c: {  	v28 =	vld [tilespmem:s2+$0x120];
	v15 =	vmul.f32 v15, v12  }
0x32d: {  	v13 =	vld [tilespmem:s0+$0x180];
	v11 =	vmul.f32 v11, v9  }
0x32e: {  	v8 =	vld [tilespmem:s2+$0x180];
	v21 =	vmul.f32 v22, v21;
	v22 =	vmul.f32 v15, v63  }
0x32f: {  	v10 =	vld [tilespmem:s0+$0x190];
	v15 =	vmul.f32 v39, v37;
	[tilespmem:$0x1FE20] =	vst v2;
	v2 =	vmul.f32 v11, v63  }
0x330: {  	v3 =	vld [tilespmem:s2+$0x190];
	v11 =	vmul.f32 v32, v29;
	v29 =	vmul.f32 v41, v40  }
0x331: {  	v30 =	vld [tilespmem:s0+$0x30]  }
0x332: {  	v31 =	vld [tilespmem:s2+$0x30];
	v15 =	vmul.f32 v15, v4;
	v29 =	vmul.f32 v29, v60  }
0x333: {  	v26 =	vld [tilespmem:s2+$0xA0]  }
0x334: {  	v38 =	vld [tilespmem:s0+$0x100];
	v21 =	vmul.f32 v21, v5;
	v29 =	vadd.f32 v29, v15  }
0x335: {  	v56 =	vmul.f32 v56, v55;
	v55 =	vld [tilespmem:$0x1FF70]  }
0x336: {  	v42 =	vld [tilespmem:s2+$0x100];
	v21 =	vadd.f32 v21, v29  }
0x337: {  	v50 =	vmul.f32 v50, v49;
	v39 =	vmul.f32 v52, v51;
	v52 =	vld [tilespmem:$0x1FF70]  }
0x338: {  	v58 =	vmul.f32 v58, v57;
	v2 =	vadd.f32 v2, v21;
	v21 =	vmul.f32 v54, v53;
	v54 =	vld [tilespmem:$0x1FF70]  }
0x339: {  	v44 =	vld [tilespmem:s0+$0x110];
	v57 =	vmul.f32 v6, v1;
	v32 =	vmul.f32 v11, v63  }
0x33a: {  	v46 =	vld [tilespmem:s2+$0x110];
	v11 =	vmul.f32 v36, v34;
	v29 =	vmul.f32 v56, v55  }
0x33b: {  	v33 =	vld [tilespmem:s0+$0x20];
	v56 =	vmul.f32 v58, v60;
	v58 =	vmul.f32 v0, v7  }
0x33c: {  	v35 =	vld [tilespmem:s2+$0x20];
	v34 =	vmul.f32 v48, v45;
	v50 =	vmul.f32 v50, v52  }
0x33d: {  	v43 =	vld [tilespmem:s2+$0x80];
	v52 =	vmul.f32 v58, v60;
	v45 =	vmul.f32 v57, v54  }
0x33e: {  	v47 =	vld [tilespmem:s0+$0x90];
	v34 =	vmul.f32 v34, v5;
	v29 =	vadd.f32 v56, v29  }
0x33f: {  	v9 =	vld [tilespmem:s0+$0xFFFFFFB0];
	v55 =	vmul.f32 v18, v14;
	v21 =	vmul.f32 v21, v5;
	v45 =	vadd.f32 v52, v45  }
0x340: {  	v8 =	vmul.f32 v8, v13;
	v0 =	vmul.f32 v3, v10;
	v3 =	vld [tilespmem:$0x1FF70];
	v29 =	vadd.f32 v34, v29  }
0x341: {  	v12 =	vld [tilespmem:s2+$0xFFFFFFB0];
	v19 =	vmul.f32 v20, v19;
	v57 =	vmul.f32 v55, v63;
	v21 =	vadd.f32 v21, v45  }
0x342: {  	v49 =	vld [tilespmem:s0+$0x0];
	v42 =	vmul.f32 v42, v38;
	v51 =	vmul.f32 v39, v60;
	v29 =	vadd.f32 v32, v29  }
0x343: {  	v1 =	vld [tilespmem:s2+$0xFFFFFF80];
	v30 =	vmul.f32 v31, v30;
	v36 =	vmul.f32 v11, v5;
	v21 =	vadd.f32 v57, v21  }
0x344: {  	v38 =	vld [tilespmem:s0+$0xFFFFFDB0];
	v50 =	vadd.f32 v51, v50;
	v0 =	vmul.f32 v0, v60;
	v32 =	vperm.xlane v29, v61  }
0x345: {  	v31 =	vld [tilespmem:s2+$0xFFFFFE20];
	v8 =	vmul.f32 v8, v3;
	v20 =	vperm.xlane v21, v61  }
0x346: {  	v13 =	vld [tilespmem:s2+$0xFFFFFD20];
	v18 =	vadd.f32 v36, v50;
	v4 =	vadd.f32 v29, v32  }
0x347: {  	v37 =	vld [tilespmem:s0+$0xFFFFFFA0];
	v0 =	vadd.f32 v0, v8;
	v8 =	vmul.f32 v19, v5;
	v19 =	vadd.f32 v21, v20  }
0x348: {  	v39 =	vld [tilespmem:s2+$0xFFFFFFA0];
	v20 =	vperm.xlane v4, v59  }
0x349: {  	v40 =	vld [tilespmem:s0+$0x80];
	v22 =	vadd.f32 v22, v18;
	v0 =	vadd.f32 v8, v0;
	v8 =	vperm.xlane v19, v59  }
0x34a: {  	v41 =	vld [tilespmem:s0+$0xFFFFFF20];
	v56 =	vperm.xlane v2, v61;
	v4 =	vadd.f32 v4, v20  }
0x34b: {  	v48 =	vld [tilespmem:s2+$0x90];
	v58 =	vperm.xlane v22, v61;
	v3 =	vadd.f32 v19, v8  }
0x34c: {  	v11 =	vld [tilespmem:s0+$0xFFFFFF30];
	v2 =	vadd.f32 v2, v56;
	[tilespmem:$0x1FE50] =	vst v4  }
0x34d: {  	v22 =	vadd.f32 v22, v58;
	v58 =	vperm.xlane v4, v62;
	[tilespmem:$0x1FE70] =	vst v3;
	v4 =	vperm.xlane v3, v62;
	v3 =	vld [tilespmem:$0x1FE10]  }
0x34e: {  	v15 =	vld [tilespmem:s2+$0xFFFFFF30]  }
0x34f: {  	v51 =	vld [tilespmem:s2+$0x0];
	v56 =	vmul.f32 v17, v16;
	v36 =	vperm.xlane v2, v59  }
0x350: {  	v37 =	vmul.f32 v39, v37;
	v39 =	vld [tilespmem:s2+$0xFFFFFCA0]  }
0x351: {  	v50 =	vld [tilespmem:s2+$0x10];
	v17 =	vadd.f32 v2, v36;
	v2 =	vmul.f32 v56, v63  }
0x352: {  	v56 =	vmul.f32 v23, v24;
	v23 =	vmul.f32 v25, v3;
	v3 =	vld [tilespmem:$0x1FF70]  }
0x353: {  	v14 =	vld [tilespmem:s0+$0xFFFFFEB0]  }
0x354: {  	v7 =	vmul.f32 v48, v47;
	v48 =	vld [tilespmem:s2+$0xFFFFFE90]  }
0x355: {  	v53 =	vld [tilespmem:s0+$0x10]  }
0x356: {  	v18 =	vld [tilespmem:s2+$0xFFFFFEB0]  }
0x357: {  	v27 =	vmul.f32 v28, v27;
	v28 =	vmul.f32 v42, v3;
	v3 =	vld [tilespmem:$0x1FE20]  }
0x358: {  	v34 =	vld [tilespmem:s0+$0xFFFFFEA0]  }
0x359: {  	v16 =	vld [tilespmem:s0+$0xFFFFFC30]  }
0x35a: {  	v54 =	vld [tilespmem:s0+$0xFFFFFF90]  }
0x35b: {  	v55 =	vld [tilespmem:s2+$0xFFFFFF90]  }
0x35c: {  	v44 =	vmul.f32 v46, v44;
	v24 =	vmul.f32 v26, v3;
	v3 =	vld [tilespmem:$0x1FF70]  }
0x35d: {  	v6 =	vmul.f32 v50, v53;
	v50 =	vld [tilespmem:s0+$0xFFFFFDA0]  }
0x35e: {  	v44 =	vmul.f32 v44, v60;
	v53 =	vld [tilespmem:s2+$0xFFFFFE00]  }
0x35f: {  	v52 =	vld [tilespmem:s0+$0xFFFFFF80];
	v26 =	vmul.f32 v43, v40  }
0x360: {  	v27 =	vmul.f32 v27, v5;
	v29 =	vld [tilespmem:s0+$0xFFFFFE30];
	v28 =	vadd.f32 v44, v28  }
0x361: {  	v26 =	vmul.f32 v26, v3;
	v3 =	vld [tilespmem:$0x1FF70]  }
0x362: {  	v32 =	vld [tilespmem:s2+$0xFFFFFE30];
	v8 =	vmul.f32 v56, v63;
	v27 =	vadd.f32 v27, v28  }
0x363: {  	v9 =	vmul.f32 v12, v9;
	v36 =	vld [tilespmem:s2+$0xFFFFFEA0]  }
0x364: {  	v10 =	vperm.xlane v22, v59;
	v45 =	vld [tilespmem:s2+$0xFFFFFF20];
	v8 =	vadd.f32 v8, v27;
	v27 =	vmul.f32 v51, v49  }
0x365: {  	v30 =	vmul.f32 v30, v63;
	v57 =	vld [tilespmem:s0+$0xFFFFFF00]  }
0x366: {  	v9 =	vmul.f32 v9, v63;
	v21 =	vadd.f32 v22, v10;
	v27 =	vmul.f32 v27, v3;
	v3 =	vld [tilespmem:$0x1FF70]  }
0x367: {  	v47 =	vmul.f32 v7, v60;
	v1 =	vmul.f32 v1, v52;
	v52 =	vld [tilespmem:s0+$0xFFFFFE00]  }
0x368: {  	v0 =	vadd.f32 v2, v0;
	v2 =	vperm.xlane v21, v62;
	v56 =	vld [tilespmem:s0+$0xFFFFFF10];
	v23 =	vmul.f32 v23, v63  }
0x369: {  	[tilespmem:$0x1FE60] =	vst v4;
	v4 =	vld [tilespmem:s2+$0xFFFFFF10];
	v24 =	vmul.f32 v24, v5;
	v26 =	vadd.f32 v47, v26;
	v47 =	vmul.f32 v55, v54  }
0x36a: {  	[tilespmem:$0x1FE30] =	vst v2;
	v2 =	vld [tilespmem:s2+$0xFFFFFF00];
	v28 =	vmul.f32 v35, v33;
	v35 =	vmul.f32 v6, v60  }
0x36b: {  	v10 =	vld [tilespmem:s0+$0xFFFFFD80];
	v24 =	vadd.f32 v24, v26;
	v26 =	vmul.f32 v47, v60;
	v1 =	vmul.f32 v1, v3  }
0x36c: {  	[tilespmem:$0x1FE40] =	vst v58;
	v58 =	vperm.xlane v0, v61;
	v28 =	vmul.f32 v28, v5;
	v27 =	vadd.f32 v35, v27;
	v3 =	vld [tilespmem:$0x1FF70]  }
0x36d: {  	v20 =	vld [tilespmem:s0+$0xFFFFFD20];
	v23 =	vadd.f32 v23, v24;
	v24 =	vmul.f32 v37, v5;
	v1 =	vadd.f32 v26, v1  }
0x36e: {  	v19 =	vld [tilespmem:s0+$0xFFFFFD30];
	v0 =	vadd.f32 v0, v58;
	v12 =	vadd.f32 v28, v27;
	v28 =	vmul.f32 v4, v56  }
0x36f: {  	v58 =	vld [tilespmem:s2+$0xFFFFFE80];
	v2 =	vmul.f32 v2, v57;
	v7 =	vperm.xlane v8, v61;
	v1 =	vadd.f32 v24, v1  }
0x370: {  	v57 =	vld [tilespmem:s2+$0xFFFFFCB0];
	v27 =	vperm.xlane v23, v61;
	v12 =	vadd.f32 v30, v12;
	v28 =	vmul.f32 v28, v60  }
0x371: {  	v25 =	vld [tilespmem:s2+$0xFFFFFDB0];
	v24 =	vmul.f32 v45, v41;
	v2 =	vmul.f32 v2, v3;
	v1 =	vadd.f32 v9, v1  }
0x372: {  	v42 =	vld [tilespmem:s0+$0xFFFFFE20];
	v8 =	vadd.f32 v8, v7;
	v30 =	vperm.xlane v12, v61;
	v9 =	vmul.f32 v15, v11  }
0x373: {  	v44 =	vld [tilespmem:s0+$0xFFFFFE80];
	v15 =	vmul.f32 v24, v5;
	v2 =	vadd.f32 v28, v2;
	v24 =	vperm.xlane v1, v61  }
0x374: {  	v6 =	vld [tilespmem:s0+$0xFFFFFC20];
	v11 =	vadd.f32 v12, v30;
	v12 =	vadd.f32 v23, v27  }
0x375: {  	v43 =	vld [tilespmem:s0+$0xFFFFFE90];
	v9 =	vmul.f32 v9, v63;
	v2 =	vadd.f32 v15, v2;
	v1 =	vadd.f32 v1, v24  }
0x376: {  	v40 =	vld [tilespmem:s0+$0xFFFFFD00];
	v26 =	vperm.xlane v8, v59;
	v28 =	vperm.xlane v12, v59  }
0x377: {  	v49 =	vld [tilespmem:s2+$0xFFFFFD30];
	v2 =	vadd.f32 v9, v2;
	v9 =	vperm.xlane v1, v59  }
0x378: {  	v51 =	vld [tilespmem:s2+$0xFFFFFDA0];
	v23 =	vadd.f32 v8, v26;
	v26 =	vadd.f32 v12, v28  }
0x379: {  	v7 =	vld [tilespmem:s2+$0xFFFFFC20];
	v15 =	vperm.xlane v2, v61;
	v28 =	vadd.f32 v1, v9;
	v1 =	vmul.f32 v32, v29  }
0x37a: {  	v54 =	vld [tilespmem:s0+$0xFFFFFE10];
	v27 =	vperm.xlane v11, v59  }
0x37b: {  	v55 =	vld [tilespmem:s2+$0xFFFFFE10];
	v29 =	vadd.f32 v2, v15;
	v15 =	vmul.f32 v1, v63;
	v1 =	vmul.f32 v31, v42  }
0x37c: {  	v47 =	vld [tilespmem:s2+$0xFFFFFC30]  }
0x37d: {  	v24 =	vadd.f32 v11, v27;
	v11 =	vmul.f32 v18, v14;
	v18 =	vmul.f32 v1, v5;
	v1 =	vld [tilespmem:$0x1FF70]  }
0x37e: {  	v37 =	vld [tilespmem:s0+$0xFFFFFCA0]  }
0x37f: {  	v56 =	vld [tilespmem:s0+$0xFFFFFCB0]  }
0x380: {  	v4 =	vld [tilespmem:s0+$0xFFFFFD90];
	v2 =	vmul.f32 v58, v44  }
0x381: {  	v46 =	vperm.xlane v0, v59;
	v25 =	vmul.f32 v25, v38;
	v41 =	vld [tilespmem:s2+$0xFFFFFD00]  }
0x382: {  	v45 =	vld [tilespmem:s2+$0xFFFFFC00];
	v38 =	vmul.f32 v2, v1;
	v1 =	vmul.f32 v51, v50  }
0x383: {  	v22 =	vperm.xlane v17, v62;
	v0 =	vadd.f32 v0, v46;
	v58 =	vld [tilespmem:$0x1FF70]  }
0x384: {  	v9 =	vmul.f32 v36, v34;
	v36 =	vmul.f32 v1, v5;
	v1 =	vld [tilespmem:$0x1FE30]  }
0x385: {  	v3 =	vperm.xlane v0, v62;
	v8 =	vld [tilespmem:s2+$0xFFFFFD80];
	v33 =	vperm.xlane v23, v62  }
0x386: {  	v12 =	vld [tilespmem:s2+$0xFFFFFD90];
	v27 =	vperm.xlane v24, v62;
	v14 =	vmul.f32 v11, v63  }
0x387: {  	v11 =	vmul.f32 v55, v54;
	v54 =	vld [tilespmem:s2+$0xFFFFFC90];
	v2 =	vmul.f32 v53, v52  }
0x388: {  	v35 =	vperm.xlane v26, v62;
	v32 =	vperm.xlane v28, v62;
	v62 =	vld [tilespmem:$0x1FE50]  }
0x389: {  	v46 =	vmul.f32 v2, v58;
	v2 =	vadd.f32 v21, v1;
	v1 =	vld [tilespmem:$0x1FE40]  }
0x38a: {  	v44 =	vld [tilespmem:s2+$0xFFFFFD10]  }
0x38b: {  	v61 =	vmul.f32 v47, v16;
	v42 =	vld [tilespmem:s0+$0xFFFFFD10]  }
0x38c: {  	v30 =	vmul.f32 v9, v5;
	v9 =	vmul.f32 v48, v43;
	v48 =	vld [tilespmem:s0+$0xFFFFFC00]  }
0x38d: {  	v21 =	vmul.f32 v61, v63;
	v63 =	vld [tilespmem:$0x1FE70]  }
0x38e: {  	p1 =	sne.s32 s14, $0xF0;
	v47 =	vmul.f32 v11, v60;
	v11 =	vadd.f32 v62, v1;
	v1 =	vld [tilespmem:$0x1FE60]  }
.Ltmp2:
0x38f: {  	v31 =	vmul.f32 v49, v19;
	v49 =	vld [tilespmem:s0+$0xFFFFFC10];
	(pc) =	sbr.rel @p1 .LBB2_7-.Ltmp2, $4  }
0x390: {  	v20 =	vmul.f32 v13, v20;
	v50 =	vld [tilespmem:s2+$0xFFFFFC10]  }
0x391: {  	v13 =	vadd.f32 v0, v3;
	v55 =	vmul.f32 v12, v4;
	v19 =	vmul.f32 v7, v6;
	v51 =	vld [tilespmem:s0+$0xFFFFFC80]  }
0x392: {  	v34 =	vperm.xlane v29, v59;
	v43 =	vmul.f32 v9, v60;
	v9 =	vadd.f32 v17, v22;
	v52 =	vld [tilespmem:s2+$0xFFFFFC80]  }
0x393: {  	s4 =	smov.u32 s14;
	s14 =	sadd.s32 $0x10, s14;
	v22 =	vmul.f32 v57, v56;
	v17 =	vmul.f32 v8, v10;
	v53 =	vld [tilespmem:s0+$0xFFFFFC90];
	v12 =	vadd.f32 v63, v1  }
0x394: {  	v33 =	vadd.f32 v23, v33;
	v10 =	vld [tilespmem:$0x1FF80]  }
0x395: {  	v56 =	vld [tilespmem:$0x1FFA0];
	v4 =	vmul.f32 v39, v37;
	v5 =	vadd.f32 v26, v35;
	v6 =	vmul.f32 v41, v40  }
0x396: {  	v7 =	vmul.f32 v44, v42;
	v8 =	vadd.f32 v24, v27;
	v16 =	vmul.f32 v45, v48  }
0x397: {  	v37 =	vadd.f32 v43, v38;
	v0 =	vmul.f32 v17, v58;
	v63 =	vmul.f32 v50, v49  }
0x398: {  	v38 =	vadd.f32 v29, v34;
	v16 =	vmul.f32 v16, v58;
	v35 =	vmul.f32 v54, v53  }
0x399: {  	v3 =	vmul.f32 v19, v10;
	v19 =	vadd.f32 v28, v32;
	v32 =	vmul.f32 v52, v51  }
0x39a: {  	v41 =	vld [tilespmem:$0x1FF90];
	v26 =	vadd.f32 v30, v37;
	v6 =	vmul.f32 v6, v58;
	v17 =	vmul.f32 v63, v56  }
0x39b: {  	v39 =	vadd.f32 v47, v46;
	v24 =	vmul.f32 v35, v56;
	v23 =	vmul.f32 v32, v58  }
0x39c: {  	v14 =	vadd.f32 v14, v26;
	v1 =	vmul.f32 v55, v56;
	v7 =	vmul.f32 v7, v56  }
0x39d: {  	v4 =	vmul.f32 v4, v10;
	v16 =	vadd.f32 v17, v16;
	v40 =	vadd.f32 v24, v23  }
0x39e: {  	v44 =	vld [tilespmem:$0x1FFC0];
	v6 =	vadd.f32 v7, v6;
	v7 =	vmul.f32 v20, v10;
	v0 =	vadd.f32 v1, v0  }
0x39f: {  	v42 =	vld [tilespmem:$0x1FFE0];
	v1 =	vadd.f32 v3, v16;
	v3 =	vadd.f32 v4, v40;
	v4 =	vmul.f32 v22, v41  }
0x3a0: {  	v6 =	vadd.f32 v7, v6;
	v7 =	vmul.f32 v31, v41;
	v0 =	vadd.f32 v36, v0  }
0x3a1: {  	v1 =	vadd.f32 v21, v1;
	v3 =	vadd.f32 v4, v3;
	v4 =	vmul.f32 v25, v41  }
0x3a2: {  	v49 =	vld [tilespmem:$0x1FFD0];
	v6 =	vadd.f32 v7, v6;
	v7 =	vadd.f32 v18, v39  }
0x3a3: {  	v45 =	vperm.xlane v1, v44;
	v46 =	vperm.xlane v3, v44;
	v0 =	vadd.f32 v4, v0  }
0x3a4: {  	v43 =	vperm.xlane v38, v42;
	v7 =	vadd.f32 v15, v7;
	v4 =	vperm.xlane v6, v44  }
0x3a5: {  	v1 =	vadd.f32 v1, v45;
	v3 =	vadd.f32 v3, v46;
	v47 =	vperm.xlane v0, v44  }
0x3a6: {  	v48 =	vperm.xlane v14, v44;
	v4 =	vadd.f32 v6, v4;
	v6 =	vperm.xlane v7, v44  }
0x3a7: {  	v50 =	vperm.xlane v1, v49;
	v51 =	vperm.xlane v3, v49;
	v0 =	vadd.f32 v0, v47  }
0x3a8: {  	v52 =	vperm.xlane v4, v49;
	v6 =	vadd.f32 v7, v6;
	v7 =	vadd.f32 v14, v48  }
0x3a9: {  	v1 =	vadd.f32 v1, v50;
	v3 =	vadd.f32 v3, v51;
	v53 =	vperm.xlane v0, v49  }
0x3aa: {  	v60 =	vld [tilespmem:$0x1FFF0];
	v4 =	vadd.f32 v4, v52;
	v54 =	vperm.xlane v6, v49;
	v17 =	vperm.xlane v7, v49  }
0x3ab: {  	v18 =	vperm.xlane v1, v42;
	v20 =	vperm.xlane v3, v42;
	v0 =	vadd.f32 v0, v53  }
0x3ac: {  	v55 =	vperm.xlane v4, v42;
	v6 =	vadd.f32 v6, v54;
	v7 =	vadd.f32 v7, v17  }
0x3ad: {  	v1 =	vadd.f32 v1, v18;
	v3 =	vadd.f32 v3, v20;
	v57 =	vperm.xlane v0, v42  }
0x3ae: {  	v4 =	vadd.f32 v4, v55;
	v59 =	vperm.xlane v6, v42;
	v17 =	vperm.xlane v7, v42  }
0x3af: {  	v18 =	vperm.xlane v1, v60;
	v20 =	vperm.xlane v3, v60;
	v0 =	vadd.f32 v0, v57  }
0x3b0: {  	v61 =	vperm.xlane v4, v60;
	v6 =	vadd.f32 v6, v59;
	v7 =	vadd.f32 v7, v17  }
0x3b1: {  	v1 =	vadd.f32 v1, v18;
	v3 =	vadd.f32 v3, v20;
	v62 =	vperm.xlane v0, v60  }
0x3b2: {  	v16 =	vadd.f32 v38, v43;
	v4 =	vadd.f32 v4, v61;
	v63 =	vperm.xlane v6, v60  }
0x3b3: {  	v1 =	vsel vm0, v1, v3;
	v0 =	vadd.f32 v0, v62;
	v3 =	vperm.xlane v7, v60  }
0x3b4: {  	v1 =	vsel vm1, v1, v4;
	v4 =	vadd.f32 v6, v63;
	v6 =	vperm.xlane v16, v60  }
0x3b5: {  	v0 =	vsel vm2, v1, v0;
	v1 =	vadd.f32 v7, v3;
	v3 =	vperm.xlane v19, v60  }
0x3b6: {  	v0 =	vsel vm3, v0, v4;
	v4 =	vadd.f32 v16, v6;
	v6 =	vperm.xlane v8, v60  }
0x3b7: {  	v0 =	vsel vm4, v0, v1;
	v1 =	vadd.f32 v19, v3;
	v3 =	vperm.xlane v5, v60  }
0x3b8: {  	v0 =	vsel vm5, v0, v4;
	v4 =	vadd.f32 v8, v6;
	v6 =	vperm.xlane v33, v60  }
0x3b9: {  	v0 =	vsel vm6, v0, v1;
	v1 =	vadd.f32 v5, v3;
	v3 =	vperm.xlane v13, v60  }
0x3ba: {  	v0 =	vsel vm7, v0, v4;
	v5 =	vadd.f32 v33, v6;
	v4 =	vperm.xlane v12, v60  }
0x3bb: {  	v0 =	vsel vm8, v0, v1;
	v1 =	vadd.f32 v13, v3;
	v3 =	vperm.xlane v11, v60  }
0x3bc: {  	v0 =	vsel vm9, v0, v5;
	v5 =	vadd.f32 v12, v4;
	v4 =	vperm.xlane v2, v60  }
0x3bd: {  	v7 =	vld [tilespmem:$0x1FFB0];
	v0 =	vsel vm10, v0, v1;
	v1 =	vadd.f32 v11, v3;
	v3 =	vperm.xlane v9, v60  }
0x3be: {  	v0 =	vsel vm11, v0, v5;
	v2 =	vadd.f32 v2, v4  }
0x3bf: {  	v0 =	vsel vm12, v0, v1;
	v1 =	vadd.f32 v9, v3  }
0x3c0: {  	v0 =	vsel vm13, v0, v2  }
0x3c1: {  	v0 =	vsel vm14, v0, v1  }
.Ltmp3:
0x3c2: {  	v0 =	vadd.f32 v0, v7;
	(pc) =	sbr.rel @p0 .LBB2_2-.Ltmp3, $4  }
0x3c3: {  	s0 =	sand.u32 $0x80, s4  }
0x3c4: {  	s2 =	sand.u32 $0x70, s4;
	s0 =	sadd.s32 s0, s1  }
0x3c5: {  	s0 =	sadd.s32 s2, s0;
	v6 =	vmov v41  }
0x3c6: {  	p1 =	por $0x0, $0x0;
	v4 =	vmovc v56;
	v5 =	vmovc v10;
	v2 =	vmov v42;
	v1 =	vmov v49;
	[tilespmem:s0+$0x0] =	vst v0;
	s0 =	simm.s32 $0x100;
	v0 =	vmov v44  }
0x3c7: {  	s31 =	sadd.s32 $0x1, s31  }
0x3c8: {  	p0 =	sne.s32 s31, s10  }
.Ltmp4:
0x3c9: {  	_ = 	snop;
	(pc) =	sbr.rel @p0 .LBB2_1-.Ltmp4, $4  }
0x3ca: {  	[hbm4b:s9+s3] =	stream.linear.scatter [tilespmem:s30], [sflag:$0x3], $0x200, $0x38;
	[tilespmem:$0x10700] =	vst v63  }
0x3cb: {  	_ =	swait.ge [sflag:s17], $0x200  }
0x3cc: {  	[sflag:s17] =	ssyncset.done $0x0  }
0x3cd: {  	[sflag:s17] =	ssyncadd.s32 $0xFFFFFE00  }
0x3ce: {  	_ =	sfence.sel $0x180000  }
0x3cf: {  	[bflag:$0x0] =	sbarrier.arrive $0xFFFF  }
0x3d0: {  	_ =	strace $0x90000047  }
0x3d1: {  	s0 =	stileid.u32;
	[bflag:$0x2] =	sbarrier.arrive $0xFFFF  }
0x3d2: {  	p0 =	sne.s32 s0, $0x0;
	s0 =	rddreg [dreg:$0x6]  }
0x3d3: {  	s0 =	sadd.s32 @!p0 $0x100000, s0  }
0x3d4: {  	[sflag:s0] =	ssyncadd.tile.s32 @!p0 $0x1;
	_ =	shalt  }
.Lfunc_end2:
_tile_overlayer_lowered:
.L_overlay_start_2:
0x3d5: {  	(tag) =	ssettag $0x2  }
0x3d6: {  	s0 =	rddreg [dreg:$0x0];
	s2 =	stileid.u32  }
0x3d7: {  	s1 =	rddreg [dreg:$0x1];
	p0 =	sne.s32 s2, $0x0  }
0x3d8: {  	s3 =	rddreg [dreg:$0x2];
	[bflag:$0x3] =	sbarrier.arrive $0xFFFF;
	s2 =	simm.s32 @!p0 $0x1C03  }
0x3d9: {  	[timem:s3], [sflag:s2] =	dma.local @!p0 [hbm:s0], s1  }
0x3da: {  	s0 =	simm.s32 @!p0 $0x3  }
0x3db: {  	_ =	swait.ge @!p0 [sflag:s0], s1  }
0x3dc: {  	s1 =	ssub.s32 @!p0 $0x0, s1;
	[sflag:s0] =	ssyncset.done @!p0 $0x0  }
0x3dd: {  	[sflag:s0] =	ssyncadd.s32 @!p0 s1  }
0x3de: {  	[bflag:$0x3] =	sbarrier.arrive $0xFFFF  }
0x3df: {  	_ =	shalt  }

</sc_bundles>
